<compile_context>
chip_gen: v7x
topology: tpu7x:2x2x1
jax: 0.10.2.dev20260603
libtpu: 0.0.44.dev20260713+nightly
codegen_flags: <defaults>
</compile_context>

<pallas_src>
import functools

import jax
import jax.numpy as jnp
from jax import lax
from jax.experimental import pallas as pl
from jax.experimental.pallas import tpu as pltpu
from jax.experimental.pallas import tpu_sc as plsc

N = 10000
E = 320000
D = 128
R = 8

NC = 2
NS = 16
NW = NC * NS
LANES = 16

CHUNK = 128
CPT0 = 85
CPT1 = 72
CPT_SUM = CPT0 + CPT1
NCHUNKS = CPT_SUM * NS
E_PAD = NCHUNKS * CHUNK

N_PAD = 10240
ROWS_PER_TILE = N_PAD // NS
ZCHUNK = 32


def _bcast_lane(v, i):
    idx = jnp.full((LANES,), i, jnp.int32)
    return lax.gather(
        v, idx[:, None],
        lax.GatherDimensionNumbers(
            offset_dims=(), collapsed_slice_dims=(0,), start_index_map=(0,)),
        (1,), mode=lax.GatherScatterMode.PROMISE_IN_BOUNDS)


def _z_body(x_ref, w1_ref, w2_ref, b1_ref, z_ref):
    x = x_ref[...]
    b1 = b1_ref[...]
    for r in range(R):
        h = jnp.maximum(
            jnp.dot(x, w1_ref[r], preferred_element_type=jnp.float32) + b1, 0.0)
        z_ref[r] = jnp.dot(h, w2_ref[r], preferred_element_type=jnp.float32)


def _final_body(p_ref, b2_ref, o_ref):
    o_ref[...] = jnp.maximum(p_ref[0] + p_ref[1] + b2_ref[...], 0.0)


def _sc_body(z_hbm, edata_hbm, norm_hbm, out_hbm,
             ebuf, nrmv, gidx, rowsv, zbuf, acc, sem):
    cid = lax.axis_index("c")
    sid = lax.axis_index("s")
    cbase = sid * CPT_SUM + cid * CPT0
    count = jnp.where(cid == 0, CPT0, CPT1)

    def zrow(i, _):
        for q in range(D // LANES):
            zbuf[i, pl.ds(q * LANES, LANES)] = jnp.zeros((LANES,), jnp.float32)
        return _
    lax.fori_loop(0, ZCHUNK, zrow, None)
    arow = sid * ROWS_PER_TILE
    for t in range(ROWS_PER_TILE // ZCHUNK):
        pltpu.sync_copy(zbuf, acc.at[pl.ds(arow + t * ZCHUNK, ZCHUNK)])
    plsc.subcore_barrier()

    def chunk_body(c, _):
        ci = cbase + c
        pltpu.sync_copy(edata_hbm.at[ci], ebuf)
        pltpu.sync_copy(norm_hbm.at[ci], nrmv)
        for j in range(CHUNK // LANES):
            sl = pl.ds(j * LANES, LANES)
            gidx[sl] = ebuf[1, sl] * N + ebuf[0, sl]
        pltpu.async_copy(z_hbm.at[gidx], rowsv, sem).wait()

        def scale16(j, _):
            nv = nrmv[pl.ds(j * LANES, LANES)]
            for i in range(LANES):
                k = j * LANES + i
                nb = _bcast_lane(nv, i)
                for q in range(D // LANES):
                    sl = pl.ds(q * LANES, LANES)
                    rowsv[k, sl] = rowsv[k, sl] * nb
            return _
        lax.fori_loop(0, CHUNK // LANES, scale16, None)
        pltpu.sync_copy(rowsv, acc.at[ebuf.at[2]], add=True)
        return _
    lax.fori_loop(0, count, chunk_body, None)

    plsc.subcore_barrier()
    pltpu.sync_copy(acc.at[pl.ds(arow, ROWS_PER_TILE)],
                    out_hbm.at[cid, pl.ds(arow, ROWS_PER_TILE)])


@jax.jit
def kernel(inputs, edge_index, rel_type, norm, weight1, weight2, bias1, bias2):
    bn = 2000
    z = pl.pallas_call(
        _z_body,
        grid=(N // bn,),
        in_specs=[
            pl.BlockSpec((bn, D), lambda i: (i, 0)),
            pl.BlockSpec((R, D, D), lambda i: (0, 0, 0)),
            pl.BlockSpec((R, D, D), lambda i: (0, 0, 0)),
            pl.BlockSpec((1, D), lambda i: (0, 0)),
        ],
        out_specs=pl.BlockSpec((R, bn, D), lambda i: (0, i, 0)),
        out_shape=jax.ShapeDtypeStruct((R, N, D), jnp.float32),
    )(inputs, weight1, weight2, bias1.reshape(1, D))
    z = z.reshape(R * N, D)

    pad = E_PAD - E
    zi = jnp.zeros((pad,), jnp.int32)
    src = jnp.concatenate([edge_index[0], zi]).reshape(NCHUNKS, CHUNK)
    rel = jnp.concatenate([rel_type, zi]).reshape(NCHUNKS, CHUNK)
    dst = jnp.concatenate([edge_index[1], zi]).reshape(NCHUNKS, CHUNK)
    nrm = jnp.concatenate(
        [norm[:, 0], jnp.zeros((pad,), jnp.float32)]).reshape(NCHUNKS, CHUNK)
    edata = jnp.stack([src, rel, dst], axis=1)

    sc_edges = pl.kernel(
        _sc_body,
        out_type=jax.ShapeDtypeStruct((NC, N_PAD, D), jnp.float32),
        mesh=plsc.VectorSubcoreMesh(core_axis_name="c", subcore_axis_name="s"),
        scratch_types=[
            pltpu.VMEM((3, CHUNK), jnp.int32),
            pltpu.VMEM((CHUNK,), jnp.float32),
            pltpu.VMEM((CHUNK,), jnp.int32),
            pltpu.VMEM((CHUNK, D), jnp.float32),
            pltpu.VMEM((ZCHUNK, D), jnp.float32),
            pltpu.VMEM_SHARED((N_PAD, D), jnp.float32),
            pltpu.SemaphoreType.DMA,
        ],
    )
    partial = sc_edges(z, edata, nrm)

    bm = 2000
    h = pl.pallas_call(
        _final_body,
        grid=(N // bm,),
        in_specs=[
            pl.BlockSpec((NC, bm, D), lambda i: (0, i, 0)),
            pl.BlockSpec((1, D), lambda i: (0, 0)),
        ],
        out_specs=pl.BlockSpec((bm, D), lambda i: (i, 0)),
        out_shape=jax.ShapeDtypeStruct((N, D), jnp.float32),
    )(partial, bias2.reshape(1, D))
    return h

# --- scband reference (transcript-rebuilt; emitter-appended) ---
"""Pipeline reference for scband-rgcnlayer-53094385713806 (READ-ONLY COPY).

The authoritative reference and input builder live on the scoring server;
editing this copy changes nothing except your own understanding.
"""

import jax, jax.numpy as jnp
import numpy as np

N = 10000
E = 320000
D = 128
R = 8


def setup_inputs(seed: int = 0) -> dict:
    key = jax.random.key(seed)
    ks = jax.random.split(key, 8)
    inputs = jax.random.normal(ks[0], (N, D), dtype=jnp.float32)
    edge_index = jax.random.randint(ks[1], (2, E), 0, N, dtype=jnp.int32)
    rel_type = jax.random.randint(ks[2], (E,), 0, R, dtype=jnp.int32)
    norm = jax.random.uniform(ks[3], (E, 1), dtype=jnp.float32)
    # xavier_uniform-like init for relation weight banks
    gain = np.sqrt(2.0)  # relu gain
    bound1 = gain * np.sqrt(6.0 / (D + D))
    weight1 = jax.random.uniform(ks[4], (R, D, D), minval=-bound1, maxval=bound1, dtype=jnp.float32)
    weight2 = jax.random.uniform(ks[5], (R, D, D), minval=-bound1, maxval=bound1, dtype=jnp.float32)
    bias1 = jax.random.uniform(ks[6], (D,), minval=-0.1, maxval=0.1, dtype=jnp.float32)
    bias2 = jax.random.uniform(ks[7], (D,), minval=-0.1, maxval=0.1, dtype=jnp.float32)
    return {
        'inputs': inputs,
        'edge_index': edge_index,
        'rel_type': rel_type,
        'norm': norm,
        'weight1': weight1,
        'weight2': weight2,
        'bias1': bias1,
        'bias2': bias2,
    }


def reference(inputs, edge_index, rel_type, norm, weight1, weight2, bias1, bias2):
    src = edge_index[0]
    dst = edge_index[1]
    # gather source node features per edge
    h_src = jnp.take(inputs, src, axis=0)  # [E, D]
    # per-edge relation-typed transform: msg_e = h_src_e @ W1[rel_e]
    # (computed as masked per-relation matmuls to avoid materializing [E, D, D])
    msg = jnp.zeros((E, D), dtype=inputs.dtype)
    for r in range(R):
        mask = (rel_type == r)[:, None].astype(inputs.dtype)
        msg = msg + mask * (h_src @ weight1[r])
    msg = msg + bias1
    msg = jax.nn.relu(msg)
    msg2 = jnp.zeros((E, D), dtype=inputs.dtype)
    for r in range(R):
        mask = (rel_type == r)[:, None].astype(inputs.dtype)
        msg2 = msg2 + mask * (msg @ weight2[r])
    msg2 = msg2 * norm
    # scatter-add messages to destination nodes
    h = jax.ops.segment_sum(msg2, dst, num_segments=N)
    h = h + bias2
    h = jax.nn.relu(h)
    return h

if __name__ == "__main__":
    import jax
    _d = setup_inputs()
    print(jax.jit(kernel)(*tuple(_d.values())))

</pallas_src>

<mosaic_0001>
#map = affine_map<(d0, d1) -> (0, 0)>
#map1 = affine_map<(d0, d1) -> (0, 0, 0)>
module attributes {stable_mosaic.version = 14 : i64} {
  func.func @_sc_body(%arg0: i32, %arg1: i32, %arg2: memref<80000x128xf32, #tpu.memory_space<hbm>>, %arg3: memref<2512x3x128xi32, #tpu.memory_space<hbm>>, %arg4: memref<2512x128xf32, #tpu.memory_space<hbm>>, %arg5: memref<2x10240x128xf32, #tpu.memory_space<hbm>>, %arg6: memref<3x128xi32, #tpu.memory_space<vmem>>, %arg7: memref<128xf32, #tpu.memory_space<vmem>>, %arg8: memref<128xi32, #tpu.memory_space<vmem>>, %arg9: memref<128x128xf32, #tpu.memory_space<vmem>>, %arg10: memref<32x128xf32, #tpu.memory_space<vmem>>, %arg11: memref<10240x128xf32, #tpu.memory_space<vmem_shared>>, %arg12: memref<!tpu.dma_semaphore, #tpu.memory_space<semaphore_mem>>) attributes {dimension_semantics = [#tpu.dimension_semantics<core_parallel>, #tpu.dimension_semantics<subcore_parallel>], iteration_bounds = array<i64: 2, 16>, scalar_prefetch = 0 : i64, scratch_operands = 7 : i64, tpu.core_type = #tpu.core_type<sc_vector_subcore>, window_params = [{transform_indices = #map}, {transform_indices = #map1}, {transform_indices = #map}, {transform_indices = #map1}]} {
    %mul3A = arith.constant 157 : i32
    %mul3A_0 = arith.muli %arg1, %mul3A : i32
    %mul3A_1 = arith.constant 85 : i32
    %mul3A_2 = arith.muli %arg0, %mul3A_1 : i32
    %add3A = arith.addi %mul3A_0, %mul3A_2 : i32
    %eq3A = arith.constant 0 : i32
    %eq3A_3 = arith.cmpi eq, %arg0, %eq3A : i32
    %jit3A = arith.constant 85 : i32
    %jit3A_4 = arith.constant 72 : i32
    %select_n3A = arith.select %eq3A_3, %jit3A, %jit3A_4 : i32
    %scan3A = arith.constant 0 : i32
    %scan3A_5 = arith.constant 32 : i32
    %scan3A_6 = arith.addi %scan3A, %scan3A_5 : i32
    %scan3A_7 = arith.constant 1 : i32
    scf.for %scan3A_60 = %scan3A to %scan3A_6 step %scan3A_7  : i32 {
      %broadcast_in_dim3A = arith.constant 0.000000e+00 : f32
      %broadcast_in_dim3A_61 = vector.broadcast %broadcast_in_dim3A : f32 to vector<16xf32>
      %swap3A = arith.index_cast %scan3A_60 : i32 to index
      %swap3A_62 = arith.constant 0 : index
      %swap3A_63 = tpu.vector_load %arg10[%swap3A, %swap3A_62] {strides = array<i32>} : memref<32x128xf32, #tpu.memory_space<vmem>>, vector<1x16xf32>,
      %swap3A_64 = vector.shape_cast %swap3A_63 : vector<1x16xf32> to vector<16xf32>
      %swap3A_65 = vector.shape_cast %broadcast_in_dim3A_61 : vector<16xf32> to vector<1x16xf32>
      tpu.vector_store %arg10[%swap3A, %swap3A_62], %swap3A_65 {strides = array<i32>} : memref<32x128xf32, #tpu.memory_space<vmem>>, vector<1x16xf32>,
      %broadcast_in_dim3A_66 = arith.constant 0.000000e+00 : f32
      %broadcast_in_dim3A_67 = vector.broadcast %broadcast_in_dim3A_66 : f32 to vector<16xf32>
      %swap3A_68 = arith.index_cast %scan3A_60 : i32 to index
      %swap3A_69 = arith.constant 16 : index
      %swap3A_70 = tpu.vector_load %arg10[%swap3A_68, %swap3A_69] {strides = array<i32>} : memref<32x128xf32, #tpu.memory_space<vmem>>, vector<1x16xf32>,
      %swap3A_71 = vector.shape_cast %swap3A_70 : vector<1x16xf32> to vector<16xf32>
      %swap3A_72 = vector.shape_cast %broadcast_in_dim3A_67 : vector<16xf32> to vector<1x16xf32>
      tpu.vector_store %arg10[%swap3A_68, %swap3A_69], %swap3A_72 {strides = array<i32>} : memref<32x128xf32, #tpu.memory_space<vmem>>, vector<1x16xf32>,
      %broadcast_in_dim3A_73 = arith.constant 0.000000e+00 : f32
      %broadcast_in_dim3A_74 = vector.broadcast %broadcast_in_dim3A_73 : f32 to vector<16xf32>
      %swap3A_75 = arith.index_cast %scan3A_60 : i32 to index
      %swap3A_76 = arith.constant 32 : index
      %swap3A_77 = tpu.vector_load %arg10[%swap3A_75, %swap3A_76] {strides = array<i32>} : memref<32x128xf32, #tpu.memory_space<vmem>>, vector<1x16xf32>,
      %swap3A_78 = vector.shape_cast %swap3A_77 : vector<1x16xf32> to vector<16xf32>
      %swap3A_79 = vector.shape_cast %broadcast_in_dim3A_74 : vector<16xf32> to vector<1x16xf32>
      tpu.vector_store %arg10[%swap3A_75, %swap3A_76], %swap3A_79 {strides = array<i32>} : memref<32x128xf32, #tpu.memory_space<vmem>>, vector<1x16xf32>,
      %broadcast_in_dim3A_80 = arith.constant 0.000000e+00 : f32
      %broadcast_in_dim3A_81 = vector.broadcast %broadcast_in_dim3A_80 : f32 to vector<16xf32>
      %swap3A_82 = arith.index_cast %scan3A_60 : i32 to index
      %swap3A_83 = arith.constant 48 : index
      %swap3A_84 = tpu.vector_load %arg10[%swap3A_82, %swap3A_83] {strides = array<i32>} : memref<32x128xf32, #tpu.memory_space<vmem>>, vector<1x16xf32>,
      %swap3A_85 = vector.shape_cast %swap3A_84 : vector<1x16xf32> to vector<16xf32>
      %swap3A_86 = vector.shape_cast %broadcast_in_dim3A_81 : vector<16xf32> to vector<1x16xf32>
      tpu.vector_store %arg10[%swap3A_82, %swap3A_83], %swap3A_86 {strides = array<i32>} : memref<32x128xf32, #tpu.memory_space<vmem>>, vector<1x16xf32>,
      %broadcast_in_dim3A_87 = arith.constant 0.000000e+00 : f32
      %broadcast_in_dim3A_88 = vector.broadcast %broadcast_in_dim3A_87 : f32 to vector<16xf32>
      %swap3A_89 = arith.index_cast %scan3A_60 : i32 to index
      %swap3A_90 = arith.constant 64 : index
      %swap3A_91 = tpu.vector_load %arg10[%swap3A_89, %swap3A_90] {strides = array<i32>} : memref<32x128xf32, #tpu.memory_space<vmem>>, vector<1x16xf32>,
      %swap3A_92 = vector.shape_cast %swap3A_91 : vector<1x16xf32> to vector<16xf32>
      %swap3A_93 = vector.shape_cast %broadcast_in_dim3A_88 : vector<16xf32> to vector<1x16xf32>
      tpu.vector_store %arg10[%swap3A_89, %swap3A_90], %swap3A_93 {strides = array<i32>} : memref<32x128xf32, #tpu.memory_space<vmem>>, vector<1x16xf32>,
      %broadcast_in_dim3A_94 = arith.constant 0.000000e+00 : f32
      %broadcast_in_dim3A_95 = vector.broadcast %broadcast_in_dim3A_94 : f32 to vector<16xf32>
      %swap3A_96 = arith.index_cast %scan3A_60 : i32 to index
      %swap3A_97 = arith.constant 80 : index
      %swap3A_98 = tpu.vector_load %arg10[%swap3A_96, %swap3A_97] {strides = array<i32>} : memref<32x128xf32, #tpu.memory_space<vmem>>, vector<1x16xf32>,
      %swap3A_99 = vector.shape_cast %swap3A_98 : vector<1x16xf32> to vector<16xf32>
      %swap3A_100 = vector.shape_cast %broadcast_in_dim3A_95 : vector<16xf32> to vector<1x16xf32>
      tpu.vector_store %arg10[%swap3A_96, %swap3A_97], %swap3A_100 {strides = array<i32>} : memref<32x128xf32, #tpu.memory_space<vmem>>, vector<1x16xf32>,
      %broadcast_in_dim3A_101 = arith.constant 0.000000e+00 : f32
      %broadcast_in_dim3A_102 = vector.broadcast %broadcast_in_dim3A_101 : f32 to vector<16xf32>
      %swap3A_103 = arith.index_cast %scan3A_60 : i32 to index
      %swap3A_104 = arith.constant 96 : index
      %swap3A_105 = tpu.vector_load %arg10[%swap3A_103, %swap3A_104] {strides = array<i32>} : memref<32x128xf32, #tpu.memory_space<vmem>>, vector<1x16xf32>,
      %swap3A_106 = vector.shape_cast %swap3A_105 : vector<1x16xf32> to vector<16xf32>
      %swap3A_107 = vector.shape_cast %broadcast_in_dim3A_102 : vector<16xf32> to vector<1x16xf32>
      tpu.vector_store %arg10[%swap3A_103, %swap3A_104], %swap3A_107 {strides = array<i32>} : memref<32x128xf32, #tpu.memory_space<vmem>>, vector<1x16xf32>,
      %broadcast_in_dim3A_108 = arith.constant 0.000000e+00 : f32
      %broadcast_in_dim3A_109 = vector.broadcast %broadcast_in_dim3A_108 : f32 to vector<16xf32>
      %swap3A_110 = arith.index_cast %scan3A_60 : i32 to index
      %swap3A_111 = arith.constant 112 : index
      %swap3A_112 = tpu.vector_load %arg10[%swap3A_110, %swap3A_111] {strides = array<i32>} : memref<32x128xf32, #tpu.memory_space<vmem>>, vector<1x16xf32>,
      %swap3A_113 = vector.shape_cast %swap3A_112 : vector<1x16xf32> to vector<16xf32>
      %swap3A_114 = vector.shape_cast %broadcast_in_dim3A_109 : vector<16xf32> to vector<1x16xf32>
      tpu.vector_store %arg10[%swap3A_110, %swap3A_111], %swap3A_114 {strides = array<i32>} : memref<32x128xf32, #tpu.memory_space<vmem>>, vector<1x16xf32>,
    }
    %scan3A_8 = arith.constant 32 : i32
    %mul3A_9 = arith.constant 640 : i32
    %mul3A_10 = arith.muli %arg1, %mul3A_9 : i32
    %add3A_11 = arith.constant 0 : i32
    %add3A_12 = arith.addi %mul3A_10, %add3A_11 : i32
    "tpu.region"() ({
      %run_scoped3A = tpu.sem_alloc : memref<!tpu.dma_semaphore, #tpu.memory_space<semaphore_mem>>
      %dma_start3A = arith.constant 0 : i32
      %dma_start3A_60 = tpu.memref_slice %arg11[%add3A_12, %dma_start3A] : memref<10240x128xf32, #tpu.memory_space<vmem_shared>> -> memref<32x128xf32, #tpu.memory_space<vmem_shared>>
      %dma_start3A_61 = arith.constant 0 : i32
      %dma_start3A_62 = tpu.memref_slice %arg11[%add3A_12, %dma_start3A_61] : memref<10240x128xf32, #tpu.memory_space<vmem_shared>> -> memref<32x128xf32, #tpu.memory_space<vmem_shared>>
      tpu.enqueue_dma source(%arg10 : memref<32x128xf32, #tpu.memory_space<vmem>>) target(%dma_start3A_62 : memref<32x128xf32, #tpu.memory_space<vmem_shared>>) target_semaphore(%run_scoped3A : memref<!tpu.dma_semaphore, #tpu.memory_space<semaphore_mem>>)
      %dma_wait3A = arith.constant 0 : i32
      %dma_wait3A_63 = tpu.memref_slice %arg11[%add3A_12, %dma_wait3A] : memref<10240x128xf32, #tpu.memory_space<vmem_shared>> -> memref<32x128xf32, #tpu.memory_space<vmem_shared>>
      %dma_wait3A_64 = arith.constant 0 : i32
      %dma_wait3A_65 = tpu.memref_slice %arg11[%add3A_12, %dma_wait3A_64] : memref<10240x128xf32, #tpu.memory_space<vmem_shared>> -> memref<32x128xf32, #tpu.memory_space<vmem_shared>>
      tpu.wait_dma2 semaphore(%run_scoped3A : memref<!tpu.dma_semaphore, #tpu.memory_space<semaphore_mem>>) src(%arg10 : memref<32x128xf32, #tpu.memory_space<vmem>>) dst(%dma_wait3A_65 : memref<32x128xf32, #tpu.memory_space<vmem_shared>>)
      tpu.yield
    }) : () -> ()
    %add3A_13 = arith.constant 32 : i32
    %add3A_14 = arith.addi %mul3A_10, %add3A_13 : i32
    "tpu.region"() ({
      %run_scoped3A = tpu.sem_alloc : memref<!tpu.dma_semaphore, #tpu.memory_space<semaphore_mem>>
      %dma_start3A = arith.constant 0 : i32
      %dma_start3A_60 = tpu.memref_slice %arg11[%add3A_14, %dma_start3A] : memref<10240x128xf32, #tpu.memory_space<vmem_shared>> -> memref<32x128xf32, #tpu.memory_space<vmem_shared>>
      %dma_start3A_61 = arith.constant 0 : i32
      %dma_start3A_62 = tpu.memref_slice %arg11[%add3A_14, %dma_start3A_61] : memref<10240x128xf32, #tpu.memory_space<vmem_shared>> -> memref<32x128xf32, #tpu.memory_space<vmem_shared>>
      tpu.enqueue_dma source(%arg10 : memref<32x128xf32, #tpu.memory_space<vmem>>) target(%dma_start3A_62 : memref<32x128xf32, #tpu.memory_space<vmem_shared>>) target_semaphore(%run_scoped3A : memref<!tpu.dma_semaphore, #tpu.memory_space<semaphore_mem>>)
      %dma_wait3A = arith.constant 0 : i32
      %dma_wait3A_63 = tpu.memref_slice %arg11[%add3A_14, %dma_wait3A] : memref<10240x128xf32, #tpu.memory_space<vmem_shared>> -> memref<32x128xf32, #tpu.memory_space<vmem_shared>>
      %dma_wait3A_64 = arith.constant 0 : i32
      %dma_wait3A_65 = tpu.memref_slice %arg11[%add3A_14, %dma_wait3A_64] : memref<10240x128xf32, #tpu.memory_space<vmem_shared>> -> memref<32x128xf32, #tpu.memory_space<vmem_shared>>
      tpu.wait_dma2 semaphore(%run_scoped3A : memref<!tpu.dma_semaphore, #tpu.memory_space<semaphore_mem>>) src(%arg10 : memref<32x128xf32, #tpu.memory_space<vmem>>) dst(%dma_wait3A_65 : memref<32x128xf32, #tpu.memory_space<vmem_shared>>)
      tpu.yield
    }) : () -> ()
    %add3A_15 = arith.constant 64 : i32
    %add3A_16 = arith.addi %mul3A_10, %add3A_15 : i32
    "tpu.region"() ({
      %run_scoped3A = tpu.sem_alloc : memref<!tpu.dma_semaphore, #tpu.memory_space<semaphore_mem>>
      %dma_start3A = arith.constant 0 : i32
      %dma_start3A_60 = tpu.memref_slice %arg11[%add3A_16, %dma_start3A] : memref<10240x128xf32, #tpu.memory_space<vmem_shared>> -> memref<32x128xf32, #tpu.memory_space<vmem_shared>>
      %dma_start3A_61 = arith.constant 0 : i32
      %dma_start3A_62 = tpu.memref_slice %arg11[%add3A_16, %dma_start3A_61] : memref<10240x128xf32, #tpu.memory_space<vmem_shared>> -> memref<32x128xf32, #tpu.memory_space<vmem_shared>>
      tpu.enqueue_dma source(%arg10 : memref<32x128xf32, #tpu.memory_space<vmem>>) target(%dma_start3A_62 : memref<32x128xf32, #tpu.memory_space<vmem_shared>>) target_semaphore(%run_scoped3A : memref<!tpu.dma_semaphore, #tpu.memory_space<semaphore_mem>>)
      %dma_wait3A = arith.constant 0 : i32
      %dma_wait3A_63 = tpu.memref_slice %arg11[%add3A_16, %dma_wait3A] : memref<10240x128xf32, #tpu.memory_space<vmem_shared>> -> memref<32x128xf32, #tpu.memory_space<vmem_shared>>
      %dma_wait3A_64 = arith.constant 0 : i32
      %dma_wait3A_65 = tpu.memref_slice %arg11[%add3A_16, %dma_wait3A_64] : memref<10240x128xf32, #tpu.memory_space<vmem_shared>> -> memref<32x128xf32, #tpu.memory_space<vmem_shared>>
      tpu.wait_dma2 semaphore(%run_scoped3A : memref<!tpu.dma_semaphore, #tpu.memory_space<semaphore_mem>>) src(%arg10 : memref<32x128xf32, #tpu.memory_space<vmem>>) dst(%dma_wait3A_65 : memref<32x128xf32, #tpu.memory_space<vmem_shared>>)
      tpu.yield
    }) : () -> ()
    %add3A_17 = arith.constant 96 : i32
    %add3A_18 = arith.addi %mul3A_10, %add3A_17 : i32
    "tpu.region"() ({
      %run_scoped3A = tpu.sem_alloc : memref<!tpu.dma_semaphore, #tpu.memory_space<semaphore_mem>>
      %dma_start3A = arith.constant 0 : i32
      %dma_start3A_60 = tpu.memref_slice %arg11[%add3A_18, %dma_start3A] : memref<10240x128xf32, #tpu.memory_space<vmem_shared>> -> memref<32x128xf32, #tpu.memory_space<vmem_shared>>
      %dma_start3A_61 = arith.constant 0 : i32
      %dma_start3A_62 = tpu.memref_slice %arg11[%add3A_18, %dma_start3A_61] : memref<10240x128xf32, #tpu.memory_space<vmem_shared>> -> memref<32x128xf32, #tpu.memory_space<vmem_shared>>
      tpu.enqueue_dma source(%arg10 : memref<32x128xf32, #tpu.memory_space<vmem>>) target(%dma_start3A_62 : memref<32x128xf32, #tpu.memory_space<vmem_shared>>) target_semaphore(%run_scoped3A : memref<!tpu.dma_semaphore, #tpu.memory_space<semaphore_mem>>)
      %dma_wait3A = arith.constant 0 : i32
      %dma_wait3A_63 = tpu.memref_slice %arg11[%add3A_18, %dma_wait3A] : memref<10240x128xf32, #tpu.memory_space<vmem_shared>> -> memref<32x128xf32, #tpu.memory_space<vmem_shared>>
      %dma_wait3A_64 = arith.constant 0 : i32
      %dma_wait3A_65 = tpu.memref_slice %arg11[%add3A_18, %dma_wait3A_64] : memref<10240x128xf32, #tpu.memory_space<vmem_shared>> -> memref<32x128xf32, #tpu.memory_space<vmem_shared>>
      tpu.wait_dma2 semaphore(%run_scoped3A : memref<!tpu.dma_semaphore, #tpu.memory_space<semaphore_mem>>) src(%arg10 : memref<32x128xf32, #tpu.memory_space<vmem>>) dst(%dma_wait3A_65 : memref<32x128xf32, #tpu.memory_space<vmem_shared>>)
      tpu.yield
    }) : () -> ()
    %add3A_19 = arith.constant 128 : i32
    %add3A_20 = arith.addi %mul3A_10, %add3A_19 : i32
    "tpu.region"() ({
      %run_scoped3A = tpu.sem_alloc : memref<!tpu.dma_semaphore, #tpu.memory_space<semaphore_mem>>
      %dma_start3A = arith.constant 0 : i32
      %dma_start3A_60 = tpu.memref_slice %arg11[%add3A_20, %dma_start3A] : memref<10240x128xf32, #tpu.memory_space<vmem_shared>> -> memref<32x128xf32, #tpu.memory_space<vmem_shared>>
      %dma_start3A_61 = arith.constant 0 : i32
      %dma_start3A_62 = tpu.memref_slice %arg11[%add3A_20, %dma_start3A_61] : memref<10240x128xf32, #tpu.memory_space<vmem_shared>> -> memref<32x128xf32, #tpu.memory_space<vmem_shared>>
      tpu.enqueue_dma source(%arg10 : memref<32x128xf32, #tpu.memory_space<vmem>>) target(%dma_start3A_62 : memref<32x128xf32, #tpu.memory_space<vmem_shared>>) target_semaphore(%run_scoped3A : memref<!tpu.dma_semaphore, #tpu.memory_space<semaphore_mem>>)
      %dma_wait3A = arith.constant 0 : i32
      %dma_wait3A_63 = tpu.memref_slice %arg11[%add3A_20, %dma_wait3A] : memref<10240x128xf32, #tpu.memory_space<vmem_shared>> -> memref<32x128xf32, #tpu.memory_space<vmem_shared>>
      %dma_wait3A_64 = arith.constant 0 : i32
      %dma_wait3A_65 = tpu.memref_slice %arg11[%add3A_20, %dma_wait3A_64] : memref<10240x128xf32, #tpu.memory_space<vmem_shared>> -> memref<32x128xf32, #tpu.memory_space<vmem_shared>>
      tpu.wait_dma2 semaphore(%run_scoped3A : memref<!tpu.dma_semaphore, #tpu.memory_space<semaphore_mem>>) src(%arg10 : memref<32x128xf32, #tpu.memory_space<vmem>>) dst(%dma_wait3A_65 : memref<32x128xf32, #tpu.memory_space<vmem_shared>>)
      tpu.yield
    }) : () -> ()
    %add3A_21 = arith.constant 160 : i32
    %add3A_22 = arith.addi %mul3A_10, %add3A_21 : i32
    "tpu.region"() ({
      %run_scoped3A = tpu.sem_alloc : memref<!tpu.dma_semaphore, #tpu.memory_space<semaphore_mem>>
      %dma_start3A = arith.constant 0 : i32
      %dma_start3A_60 = tpu.memref_slice %arg11[%add3A_22, %dma_start3A] : memref<10240x128xf32, #tpu.memory_space<vmem_shared>> -> memref<32x128xf32, #tpu.memory_space<vmem_shared>>
      %dma_start3A_61 = arith.constant 0 : i32
      %dma_start3A_62 = tpu.memref_slice %arg11[%add3A_22, %dma_start3A_61] : memref<10240x128xf32, #tpu.memory_space<vmem_shared>> -> memref<32x128xf32, #tpu.memory_space<vmem_shared>>
      tpu.enqueue_dma source(%arg10 : memref<32x128xf32, #tpu.memory_space<vmem>>) target(%dma_start3A_62 : memref<32x128xf32, #tpu.memory_space<vmem_shared>>) target_semaphore(%run_scoped3A : memref<!tpu.dma_semaphore, #tpu.memory_space<semaphore_mem>>)
      %dma_wait3A = arith.constant 0 : i32
      %dma_wait3A_63 = tpu.memref_slice %arg11[%add3A_22, %dma_wait3A] : memref<10240x128xf32, #tpu.memory_space<vmem_shared>> -> memref<32x128xf32, #tpu.memory_space<vmem_shared>>
      %dma_wait3A_64 = arith.constant 0 : i32
      %dma_wait3A_65 = tpu.memref_slice %arg11[%add3A_22, %dma_wait3A_64] : memref<10240x128xf32, #tpu.memory_space<vmem_shared>> -> memref<32x128xf32, #tpu.memory_space<vmem_shared>>
      tpu.wait_dma2 semaphore(%run_scoped3A : memref<!tpu.dma_semaphore, #tpu.memory_space<semaphore_mem>>) src(%arg10 : memref<32x128xf32, #tpu.memory_space<vmem>>) dst(%dma_wait3A_65 : memref<32x128xf32, #tpu.memory_space<vmem_shared>>)
      tpu.yield
    }) : () -> ()
    %add3A_23 = arith.constant 192 : i32
    %add3A_24 = arith.addi %mul3A_10, %add3A_23 : i32
    "tpu.region"() ({
      %run_scoped3A = tpu.sem_alloc : memref<!tpu.dma_semaphore, #tpu.memory_space<semaphore_mem>>
      %dma_start3A = arith.constant 0 : i32
      %dma_start3A_60 = tpu.memref_slice %arg11[%add3A_24, %dma_start3A] : memref<10240x128xf32, #tpu.memory_space<vmem_shared>> -> memref<32x128xf32, #tpu.memory_space<vmem_shared>>
      %dma_start3A_61 = arith.constant 0 : i32
      %dma_start3A_62 = tpu.memref_slice %arg11[%add3A_24, %dma_start3A_61] : memref<10240x128xf32, #tpu.memory_space<vmem_shared>> -> memref<32x128xf32, #tpu.memory_space<vmem_shared>>
      tpu.enqueue_dma source(%arg10 : memref<32x128xf32, #tpu.memory_space<vmem>>) target(%dma_start3A_62 : memref<32x128xf32, #tpu.memory_space<vmem_shared>>) target_semaphore(%run_scoped3A : memref<!tpu.dma_semaphore, #tpu.memory_space<semaphore_mem>>)
      %dma_wait3A = arith.constant 0 : i32
      %dma_wait3A_63 = tpu.memref_slice %arg11[%add3A_24, %dma_wait3A] : memref<10240x128xf32, #tpu.memory_space<vmem_shared>> -> memref<32x128xf32, #tpu.memory_space<vmem_shared>>
      %dma_wait3A_64 = arith.constant 0 : i32
      %dma_wait3A_65 = tpu.memref_slice %arg11[%add3A_24, %dma_wait3A_64] : memref<10240x128xf32, #tpu.memory_space<vmem_shared>> -> memref<32x128xf32, #tpu.memory_space<vmem_shared>>
      tpu.wait_dma2 semaphore(%run_scoped3A : memref<!tpu.dma_semaphore, #tpu.memory_space<semaphore_mem>>) src(%arg10 : memref<32x128xf32, #tpu.memory_space<vmem>>) dst(%dma_wait3A_65 : memref<32x128xf32, #tpu.memory_space<vmem_shared>>)
      tpu.yield
    }) : () -> ()
    %add3A_25 = arith.constant 224 : i32
    %add3A_26 = arith.addi %mul3A_10, %add3A_25 : i32
    "tpu.region"() ({
      %run_scoped3A = tpu.sem_alloc : memref<!tpu.dma_semaphore, #tpu.memory_space<semaphore_mem>>
      %dma_start3A = arith.constant 0 : i32
      %dma_start3A_60 = tpu.memref_slice %arg11[%add3A_26, %dma_start3A] : memref<10240x128xf32, #tpu.memory_space<vmem_shared>> -> memref<32x128xf32, #tpu.memory_space<vmem_shared>>
      %dma_start3A_61 = arith.constant 0 : i32
      %dma_start3A_62 = tpu.memref_slice %arg11[%add3A_26, %dma_start3A_61] : memref<10240x128xf32, #tpu.memory_space<vmem_shared>> -> memref<32x128xf32, #tpu.memory_space<vmem_shared>>
      tpu.enqueue_dma source(%arg10 : memref<32x128xf32, #tpu.memory_space<vmem>>) target(%dma_start3A_62 : memref<32x128xf32, #tpu.memory_space<vmem_shared>>) target_semaphore(%run_scoped3A : memref<!tpu.dma_semaphore, #tpu.memory_space<semaphore_mem>>)
      %dma_wait3A = arith.constant 0 : i32
      %dma_wait3A_63 = tpu.memref_slice %arg11[%add3A_26, %dma_wait3A] : memref<10240x128xf32, #tpu.memory_space<vmem_shared>> -> memref<32x128xf32, #tpu.memory_space<vmem_shared>>
      %dma_wait3A_64 = arith.constant 0 : i32
      %dma_wait3A_65 = tpu.memref_slice %arg11[%add3A_26, %dma_wait3A_64] : memref<10240x128xf32, #tpu.memory_space<vmem_shared>> -> memref<32x128xf32, #tpu.memory_space<vmem_shared>>
      tpu.wait_dma2 semaphore(%run_scoped3A : memref<!tpu.dma_semaphore, #tpu.memory_space<semaphore_mem>>) src(%arg10 : memref<32x128xf32, #tpu.memory_space<vmem>>) dst(%dma_wait3A_65 : memref<32x128xf32, #tpu.memory_space<vmem_shared>>)
      tpu.yield
    }) : () -> ()
    %add3A_27 = arith.constant 256 : i32
    %add3A_28 = arith.addi %mul3A_10, %add3A_27 : i32
    "tpu.region"() ({
      %run_scoped3A = tpu.sem_alloc : memref<!tpu.dma_semaphore, #tpu.memory_space<semaphore_mem>>
      %dma_start3A = arith.constant 0 : i32
      %dma_start3A_60 = tpu.memref_slice %arg11[%add3A_28, %dma_start3A] : memref<10240x128xf32, #tpu.memory_space<vmem_shared>> -> memref<32x128xf32, #tpu.memory_space<vmem_shared>>
      %dma_start3A_61 = arith.constant 0 : i32
      %dma_start3A_62 = tpu.memref_slice %arg11[%add3A_28, %dma_start3A_61] : memref<10240x128xf32, #tpu.memory_space<vmem_shared>> -> memref<32x128xf32, #tpu.memory_space<vmem_shared>>
      tpu.enqueue_dma source(%arg10 : memref<32x128xf32, #tpu.memory_space<vmem>>) target(%dma_start3A_62 : memref<32x128xf32, #tpu.memory_space<vmem_shared>>) target_semaphore(%run_scoped3A : memref<!tpu.dma_semaphore, #tpu.memory_space<semaphore_mem>>)
      %dma_wait3A = arith.constant 0 : i32
      %dma_wait3A_63 = tpu.memref_slice %arg11[%add3A_28, %dma_wait3A] : memref<10240x128xf32, #tpu.memory_space<vmem_shared>> -> memref<32x128xf32, #tpu.memory_space<vmem_shared>>
      %dma_wait3A_64 = arith.constant 0 : i32
      %dma_wait3A_65 = tpu.memref_slice %arg11[%add3A_28, %dma_wait3A_64] : memref<10240x128xf32, #tpu.memory_space<vmem_shared>> -> memref<32x128xf32, #tpu.memory_space<vmem_shared>>
      tpu.wait_dma2 semaphore(%run_scoped3A : memref<!tpu.dma_semaphore, #tpu.memory_space<semaphore_mem>>) src(%arg10 : memref<32x128xf32, #tpu.memory_space<vmem>>) dst(%dma_wait3A_65 : memref<32x128xf32, #tpu.memory_space<vmem_shared>>)
      tpu.yield
    }) : () -> ()
    %add3A_29 = arith.constant 288 : i32
    %add3A_30 = arith.addi %mul3A_10, %add3A_29 : i32
    "tpu.region"() ({
      %run_scoped3A = tpu.sem_alloc : memref<!tpu.dma_semaphore, #tpu.memory_space<semaphore_mem>>
      %dma_start3A = arith.constant 0 : i32
      %dma_start3A_60 = tpu.memref_slice %arg11[%add3A_30, %dma_start3A] : memref<10240x128xf32, #tpu.memory_space<vmem_shared>> -> memref<32x128xf32, #tpu.memory_space<vmem_shared>>
      %dma_start3A_61 = arith.constant 0 : i32
      %dma_start3A_62 = tpu.memref_slice %arg11[%add3A_30, %dma_start3A_61] : memref<10240x128xf32, #tpu.memory_space<vmem_shared>> -> memref<32x128xf32, #tpu.memory_space<vmem_shared>>
      tpu.enqueue_dma source(%arg10 : memref<32x128xf32, #tpu.memory_space<vmem>>) target(%dma_start3A_62 : memref<32x128xf32, #tpu.memory_space<vmem_shared>>) target_semaphore(%run_scoped3A : memref<!tpu.dma_semaphore, #tpu.memory_space<semaphore_mem>>)
      %dma_wait3A = arith.constant 0 : i32
      %dma_wait3A_63 = tpu.memref_slice %arg11[%add3A_30, %dma_wait3A] : memref<10240x128xf32, #tpu.memory_space<vmem_shared>> -> memref<32x128xf32, #tpu.memory_space<vmem_shared>>
      %dma_wait3A_64 = arith.constant 0 : i32
      %dma_wait3A_65 = tpu.memref_slice %arg11[%add3A_30, %dma_wait3A_64] : memref<10240x128xf32, #tpu.memory_space<vmem_shared>> -> memref<32x128xf32, #tpu.memory_space<vmem_shared>>
      tpu.wait_dma2 semaphore(%run_scoped3A : memref<!tpu.dma_semaphore, #tpu.memory_space<semaphore_mem>>) src(%arg10 : memref<32x128xf32, #tpu.memory_space<vmem>>) dst(%dma_wait3A_65 : memref<32x128xf32, #tpu.memory_space<vmem_shared>>)
      tpu.yield
    }) : () -> ()
    %add3A_31 = arith.constant 320 : i32
    %add3A_32 = arith.addi %mul3A_10, %add3A_31 : i32
    "tpu.region"() ({
      %run_scoped3A = tpu.sem_alloc : memref<!tpu.dma_semaphore, #tpu.memory_space<semaphore_mem>>
      %dma_start3A = arith.constant 0 : i32
      %dma_start3A_60 = tpu.memref_slice %arg11[%add3A_32, %dma_start3A] : memref<10240x128xf32, #tpu.memory_space<vmem_shared>> -> memref<32x128xf32, #tpu.memory_space<vmem_shared>>
      %dma_start3A_61 = arith.constant 0 : i32
      %dma_start3A_62 = tpu.memref_slice %arg11[%add3A_32, %dma_start3A_61] : memref<10240x128xf32, #tpu.memory_space<vmem_shared>> -> memref<32x128xf32, #tpu.memory_space<vmem_shared>>
      tpu.enqueue_dma source(%arg10 : memref<32x128xf32, #tpu.memory_space<vmem>>) target(%dma_start3A_62 : memref<32x128xf32, #tpu.memory_space<vmem_shared>>) target_semaphore(%run_scoped3A : memref<!tpu.dma_semaphore, #tpu.memory_space<semaphore_mem>>)
      %dma_wait3A = arith.constant 0 : i32
      %dma_wait3A_63 = tpu.memref_slice %arg11[%add3A_32, %dma_wait3A] : memref<10240x128xf32, #tpu.memory_space<vmem_shared>> -> memref<32x128xf32, #tpu.memory_space<vmem_shared>>
      %dma_wait3A_64 = arith.constant 0 : i32
      %dma_wait3A_65 = tpu.memref_slice %arg11[%add3A_32, %dma_wait3A_64] : memref<10240x128xf32, #tpu.memory_space<vmem_shared>> -> memref<32x128xf32, #tpu.memory_space<vmem_shared>>
      tpu.wait_dma2 semaphore(%run_scoped3A : memref<!tpu.dma_semaphore, #tpu.memory_space<semaphore_mem>>) src(%arg10 : memref<32x128xf32, #tpu.memory_space<vmem>>) dst(%dma_wait3A_65 : memref<32x128xf32, #tpu.memory_space<vmem_shared>>)
      tpu.yield
    }) : () -> ()
    %add3A_33 = arith.constant 352 : i32
    %add3A_34 = arith.addi %mul3A_10, %add3A_33 : i32
    "tpu.region"() ({
      %run_scoped3A = tpu.sem_alloc : memref<!tpu.dma_semaphore, #tpu.memory_space<semaphore_mem>>
      %dma_start3A = arith.constant 0 : i32
      %dma_start3A_60 = tpu.memref_slice %arg11[%add3A_34, %dma_start3A] : memref<10240x128xf32, #tpu.memory_space<vmem_shared>> -> memref<32x128xf32, #tpu.memory_space<vmem_shared>>
      %dma_start3A_61 = arith.constant 0 : i32
      %dma_start3A_62 = tpu.memref_slice %arg11[%add3A_34, %dma_start3A_61] : memref<10240x128xf32, #tpu.memory_space<vmem_shared>> -> memref<32x128xf32, #tpu.memory_space<vmem_shared>>
      tpu.enqueue_dma source(%arg10 : memref<32x128xf32, #tpu.memory_space<vmem>>) target(%dma_start3A_62 : memref<32x128xf32, #tpu.memory_space<vmem_shared>>) target_semaphore(%run_scoped3A : memref<!tpu.dma_semaphore, #tpu.memory_space<semaphore_mem>>)
      %dma_wait3A = arith.constant 0 : i32
      %dma_wait3A_63 = tpu.memref_slice %arg11[%add3A_34, %dma_wait3A] : memref<10240x128xf32, #tpu.memory_space<vmem_shared>> -> memref<32x128xf32, #tpu.memory_space<vmem_shared>>
      %dma_wait3A_64 = arith.constant 0 : i32
      %dma_wait3A_65 = tpu.memref_slice %arg11[%add3A_34, %dma_wait3A_64] : memref<10240x128xf32, #tpu.memory_space<vmem_shared>> -> memref<32x128xf32, #tpu.memory_space<vmem_shared>>
      tpu.wait_dma2 semaphore(%run_scoped3A : memref<!tpu.dma_semaphore, #tpu.memory_space<semaphore_mem>>) src(%arg10 : memref<32x128xf32, #tpu.memory_space<vmem>>) dst(%dma_wait3A_65 : memref<32x128xf32, #tpu.memory_space<vmem_shared>>)
      tpu.yield
    }) : () -> ()
    %add3A_35 = arith.constant 384 : i32
    %add3A_36 = arith.addi %mul3A_10, %add3A_35 : i32
    "tpu.region"() ({
      %run_scoped3A = tpu.sem_alloc : memref<!tpu.dma_semaphore, #tpu.memory_space<semaphore_mem>>
      %dma_start3A = arith.constant 0 : i32
      %dma_start3A_60 = tpu.memref_slice %arg11[%add3A_36, %dma_start3A] : memref<10240x128xf32, #tpu.memory_space<vmem_shared>> -> memref<32x128xf32, #tpu.memory_space<vmem_shared>>
      %dma_start3A_61 = arith.constant 0 : i32
      %dma_start3A_62 = tpu.memref_slice %arg11[%add3A_36, %dma_start3A_61] : memref<10240x128xf32, #tpu.memory_space<vmem_shared>> -> memref<32x128xf32, #tpu.memory_space<vmem_shared>>
      tpu.enqueue_dma source(%arg10 : memref<32x128xf32, #tpu.memory_space<vmem>>) target(%dma_start3A_62 : memref<32x128xf32, #tpu.memory_space<vmem_shared>>) target_semaphore(%run_scoped3A : memref<!tpu.dma_semaphore, #tpu.memory_space<semaphore_mem>>)
      %dma_wait3A = arith.constant 0 : i32
      %dma_wait3A_63 = tpu.memref_slice %arg11[%add3A_36, %dma_wait3A] : memref<10240x128xf32, #tpu.memory_space<vmem_shared>> -> memref<32x128xf32, #tpu.memory_space<vmem_shared>>
      %dma_wait3A_64 = arith.constant 0 : i32
      %dma_wait3A_65 = tpu.memref_slice %arg11[%add3A_36, %dma_wait3A_64] : memref<10240x128xf32, #tpu.memory_space<vmem_shared>> -> memref<32x128xf32, #tpu.memory_space<vmem_shared>>
      tpu.wait_dma2 semaphore(%run_scoped3A : memref<!tpu.dma_semaphore, #tpu.memory_space<semaphore_mem>>) src(%arg10 : memref<32x128xf32, #tpu.memory_space<vmem>>) dst(%dma_wait3A_65 : memref<32x128xf32, #tpu.memory_space<vmem_shared>>)
      tpu.yield
    }) : () -> ()
    %add3A_37 = arith.constant 416 : i32
    %add3A_38 = arith.addi %mul3A_10, %add3A_37 : i32
    "tpu.region"() ({
      %run_scoped3A = tpu.sem_alloc : memref<!tpu.dma_semaphore, #tpu.memory_space<semaphore_mem>>
      %dma_start3A = arith.constant 0 : i32
      %dma_start3A_60 = tpu.memref_slice %arg11[%add3A_38, %dma_start3A] : memref<10240x128xf32, #tpu.memory_space<vmem_shared>> -> memref<32x128xf32, #tpu.memory_space<vmem_shared>>
      %dma_start3A_61 = arith.constant 0 : i32
      %dma_start3A_62 = tpu.memref_slice %arg11[%add3A_38, %dma_start3A_61] : memref<10240x128xf32, #tpu.memory_space<vmem_shared>> -> memref<32x128xf32, #tpu.memory_space<vmem_shared>>
      tpu.enqueue_dma source(%arg10 : memref<32x128xf32, #tpu.memory_space<vmem>>) target(%dma_start3A_62 : memref<32x128xf32, #tpu.memory_space<vmem_shared>>) target_semaphore(%run_scoped3A : memref<!tpu.dma_semaphore, #tpu.memory_space<semaphore_mem>>)
      %dma_wait3A = arith.constant 0 : i32
      %dma_wait3A_63 = tpu.memref_slice %arg11[%add3A_38, %dma_wait3A] : memref<10240x128xf32, #tpu.memory_space<vmem_shared>> -> memref<32x128xf32, #tpu.memory_space<vmem_shared>>
      %dma_wait3A_64 = arith.constant 0 : i32
      %dma_wait3A_65 = tpu.memref_slice %arg11[%add3A_38, %dma_wait3A_64] : memref<10240x128xf32, #tpu.memory_space<vmem_shared>> -> memref<32x128xf32, #tpu.memory_space<vmem_shared>>
      tpu.wait_dma2 semaphore(%run_scoped3A : memref<!tpu.dma_semaphore, #tpu.memory_space<semaphore_mem>>) src(%arg10 : memref<32x128xf32, #tpu.memory_space<vmem>>) dst(%dma_wait3A_65 : memref<32x128xf32, #tpu.memory_space<vmem_shared>>)
      tpu.yield
    }) : () -> ()
    %add3A_39 = arith.constant 448 : i32
    %add3A_40 = arith.addi %mul3A_10, %add3A_39 : i32
    "tpu.region"() ({
      %run_scoped3A = tpu.sem_alloc : memref<!tpu.dma_semaphore, #tpu.memory_space<semaphore_mem>>
      %dma_start3A = arith.constant 0 : i32
      %dma_start3A_60 = tpu.memref_slice %arg11[%add3A_40, %dma_start3A] : memref<10240x128xf32, #tpu.memory_space<vmem_shared>> -> memref<32x128xf32, #tpu.memory_space<vmem_shared>>
      %dma_start3A_61 = arith.constant 0 : i32
      %dma_start3A_62 = tpu.memref_slice %arg11[%add3A_40, %dma_start3A_61] : memref<10240x128xf32, #tpu.memory_space<vmem_shared>> -> memref<32x128xf32, #tpu.memory_space<vmem_shared>>
      tpu.enqueue_dma source(%arg10 : memref<32x128xf32, #tpu.memory_space<vmem>>) target(%dma_start3A_62 : memref<32x128xf32, #tpu.memory_space<vmem_shared>>) target_semaphore(%run_scoped3A : memref<!tpu.dma_semaphore, #tpu.memory_space<semaphore_mem>>)
      %dma_wait3A = arith.constant 0 : i32
      %dma_wait3A_63 = tpu.memref_slice %arg11[%add3A_40, %dma_wait3A] : memref<10240x128xf32, #tpu.memory_space<vmem_shared>> -> memref<32x128xf32, #tpu.memory_space<vmem_shared>>
      %dma_wait3A_64 = arith.constant 0 : i32
      %dma_wait3A_65 = tpu.memref_slice %arg11[%add3A_40, %dma_wait3A_64] : memref<10240x128xf32, #tpu.memory_space<vmem_shared>> -> memref<32x128xf32, #tpu.memory_space<vmem_shared>>
      tpu.wait_dma2 semaphore(%run_scoped3A : memref<!tpu.dma_semaphore, #tpu.memory_space<semaphore_mem>>) src(%arg10 : memref<32x128xf32, #tpu.memory_space<vmem>>) dst(%dma_wait3A_65 : memref<32x128xf32, #tpu.memory_space<vmem_shared>>)
      tpu.yield
    }) : () -> ()
    %add3A_41 = arith.constant 480 : i32
    %add3A_42 = arith.addi %mul3A_10, %add3A_41 : i32
    "tpu.region"() ({
      %run_scoped3A = tpu.sem_alloc : memref<!tpu.dma_semaphore, #tpu.memory_space<semaphore_mem>>
      %dma_start3A = arith.constant 0 : i32
      %dma_start3A_60 = tpu.memref_slice %arg11[%add3A_42, %dma_start3A] : memref<10240x128xf32, #tpu.memory_space<vmem_shared>> -> memref<32x128xf32, #tpu.memory_space<vmem_shared>>
      %dma_start3A_61 = arith.constant 0 : i32
      %dma_start3A_62 = tpu.memref_slice %arg11[%add3A_42, %dma_start3A_61] : memref<10240x128xf32, #tpu.memory_space<vmem_shared>> -> memref<32x128xf32, #tpu.memory_space<vmem_shared>>
      tpu.enqueue_dma source(%arg10 : memref<32x128xf32, #tpu.memory_space<vmem>>) target(%dma_start3A_62 : memref<32x128xf32, #tpu.memory_space<vmem_shared>>) target_semaphore(%run_scoped3A : memref<!tpu.dma_semaphore, #tpu.memory_space<semaphore_mem>>)
      %dma_wait3A = arith.constant 0 : i32
      %dma_wait3A_63 = tpu.memref_slice %arg11[%add3A_42, %dma_wait3A] : memref<10240x128xf32, #tpu.memory_space<vmem_shared>> -> memref<32x128xf32, #tpu.memory_space<vmem_shared>>
      %dma_wait3A_64 = arith.constant 0 : i32
      %dma_wait3A_65 = tpu.memref_slice %arg11[%add3A_42, %dma_wait3A_64] : memref<10240x128xf32, #tpu.memory_space<vmem_shared>> -> memref<32x128xf32, #tpu.memory_space<vmem_shared>>
      tpu.wait_dma2 semaphore(%run_scoped3A : memref<!tpu.dma_semaphore, #tpu.memory_space<semaphore_mem>>) src(%arg10 : memref<32x128xf32, #tpu.memory_space<vmem>>) dst(%dma_wait3A_65 : memref<32x128xf32, #tpu.memory_space<vmem_shared>>)
      tpu.yield
    }) : () -> ()
    %add3A_43 = arith.constant 512 : i32
    %add3A_44 = arith.addi %mul3A_10, %add3A_43 : i32
    "tpu.region"() ({
      %run_scoped3A = tpu.sem_alloc : memref<!tpu.dma_semaphore, #tpu.memory_space<semaphore_mem>>
      %dma_start3A = arith.constant 0 : i32
      %dma_start3A_60 = tpu.memref_slice %arg11[%add3A_44, %dma_start3A] : memref<10240x128xf32, #tpu.memory_space<vmem_shared>> -> memref<32x128xf32, #tpu.memory_space<vmem_shared>>
      %dma_start3A_61 = arith.constant 0 : i32
      %dma_start3A_62 = tpu.memref_slice %arg11[%add3A_44, %dma_start3A_61] : memref<10240x128xf32, #tpu.memory_space<vmem_shared>> -> memref<32x128xf32, #tpu.memory_space<vmem_shared>>
      tpu.enqueue_dma source(%arg10 : memref<32x128xf32, #tpu.memory_space<vmem>>) target(%dma_start3A_62 : memref<32x128xf32, #tpu.memory_space<vmem_shared>>) target_semaphore(%run_scoped3A : memref<!tpu.dma_semaphore, #tpu.memory_space<semaphore_mem>>)
      %dma_wait3A = arith.constant 0 : i32
      %dma_wait3A_63 = tpu.memref_slice %arg11[%add3A_44, %dma_wait3A] : memref<10240x128xf32, #tpu.memory_space<vmem_shared>> -> memref<32x128xf32, #tpu.memory_space<vmem_shared>>
      %dma_wait3A_64 = arith.constant 0 : i32
      %dma_wait3A_65 = tpu.memref_slice %arg11[%add3A_44, %dma_wait3A_64] : memref<10240x128xf32, #tpu.memory_space<vmem_shared>> -> memref<32x128xf32, #tpu.memory_space<vmem_shared>>
      tpu.wait_dma2 semaphore(%run_scoped3A : memref<!tpu.dma_semaphore, #tpu.memory_space<semaphore_mem>>) src(%arg10 : memref<32x128xf32, #tpu.memory_space<vmem>>) dst(%dma_wait3A_65 : memref<32x128xf32, #tpu.memory_space<vmem_shared>>)
      tpu.yield
    }) : () -> ()
    %add3A_45 = arith.constant 544 : i32
    %add3A_46 = arith.addi %mul3A_10, %add3A_45 : i32
    "tpu.region"() ({
      %run_scoped3A = tpu.sem_alloc : memref<!tpu.dma_semaphore, #tpu.memory_space<semaphore_mem>>
      %dma_start3A = arith.constant 0 : i32
      %dma_start3A_60 = tpu.memref_slice %arg11[%add3A_46, %dma_start3A] : memref<10240x128xf32, #tpu.memory_space<vmem_shared>> -> memref<32x128xf32, #tpu.memory_space<vmem_shared>>
      %dma_start3A_61 = arith.constant 0 : i32
      %dma_start3A_62 = tpu.memref_slice %arg11[%add3A_46, %dma_start3A_61] : memref<10240x128xf32, #tpu.memory_space<vmem_shared>> -> memref<32x128xf32, #tpu.memory_space<vmem_shared>>
      tpu.enqueue_dma source(%arg10 : memref<32x128xf32, #tpu.memory_space<vmem>>) target(%dma_start3A_62 : memref<32x128xf32, #tpu.memory_space<vmem_shared>>) target_semaphore(%run_scoped3A : memref<!tpu.dma_semaphore, #tpu.memory_space<semaphore_mem>>)
      %dma_wait3A = arith.constant 0 : i32
      %dma_wait3A_63 = tpu.memref_slice %arg11[%add3A_46, %dma_wait3A] : memref<10240x128xf32, #tpu.memory_space<vmem_shared>> -> memref<32x128xf32, #tpu.memory_space<vmem_shared>>
      %dma_wait3A_64 = arith.constant 0 : i32
      %dma_wait3A_65 = tpu.memref_slice %arg11[%add3A_46, %dma_wait3A_64] : memref<10240x128xf32, #tpu.memory_space<vmem_shared>> -> memref<32x128xf32, #tpu.memory_space<vmem_shared>>
      tpu.wait_dma2 semaphore(%run_scoped3A : memref<!tpu.dma_semaphore, #tpu.memory_space<semaphore_mem>>) src(%arg10 : memref<32x128xf32, #tpu.memory_space<vmem>>) dst(%dma_wait3A_65 : memref<32x128xf32, #tpu.memory_space<vmem_shared>>)
      tpu.yield
    }) : () -> ()
    %add3A_47 = arith.constant 576 : i32
    %add3A_48 = arith.addi %mul3A_10, %add3A_47 : i32
    "tpu.region"() ({
      %run_scoped3A = tpu.sem_alloc : memref<!tpu.dma_semaphore, #tpu.memory_space<semaphore_mem>>
      %dma_start3A = arith.constant 0 : i32
      %dma_start3A_60 = tpu.memref_slice %arg11[%add3A_48, %dma_start3A] : memref<10240x128xf32, #tpu.memory_space<vmem_shared>> -> memref<32x128xf32, #tpu.memory_space<vmem_shared>>
      %dma_start3A_61 = arith.constant 0 : i32
      %dma_start3A_62 = tpu.memref_slice %arg11[%add3A_48, %dma_start3A_61] : memref<10240x128xf32, #tpu.memory_space<vmem_shared>> -> memref<32x128xf32, #tpu.memory_space<vmem_shared>>
      tpu.enqueue_dma source(%arg10 : memref<32x128xf32, #tpu.memory_space<vmem>>) target(%dma_start3A_62 : memref<32x128xf32, #tpu.memory_space<vmem_shared>>) target_semaphore(%run_scoped3A : memref<!tpu.dma_semaphore, #tpu.memory_space<semaphore_mem>>)
      %dma_wait3A = arith.constant 0 : i32
      %dma_wait3A_63 = tpu.memref_slice %arg11[%add3A_48, %dma_wait3A] : memref<10240x128xf32, #tpu.memory_space<vmem_shared>> -> memref<32x128xf32, #tpu.memory_space<vmem_shared>>
      %dma_wait3A_64 = arith.constant 0 : i32
      %dma_wait3A_65 = tpu.memref_slice %arg11[%add3A_48, %dma_wait3A_64] : memref<10240x128xf32, #tpu.memory_space<vmem_shared>> -> memref<32x128xf32, #tpu.memory_space<vmem_shared>>
      tpu.wait_dma2 semaphore(%run_scoped3A : memref<!tpu.dma_semaphore, #tpu.memory_space<semaphore_mem>>) src(%arg10 : memref<32x128xf32, #tpu.memory_space<vmem>>) dst(%dma_wait3A_65 : memref<32x128xf32, #tpu.memory_space<vmem_shared>>)
      tpu.yield
    }) : () -> ()
    %add3A_49 = arith.constant 608 : i32
    %add3A_50 = arith.addi %mul3A_10, %add3A_49 : i32
    "tpu.region"() ({
      %run_scoped3A = tpu.sem_alloc : memref<!tpu.dma_semaphore, #tpu.memory_space<semaphore_mem>>
      %dma_start3A = arith.constant 0 : i32
      %dma_start3A_60 = tpu.memref_slice %arg11[%add3A_50, %dma_start3A] : memref<10240x128xf32, #tpu.memory_space<vmem_shared>> -> memref<32x128xf32, #tpu.memory_space<vmem_shared>>
      %dma_start3A_61 = arith.constant 0 : i32
      %dma_start3A_62 = tpu.memref_slice %arg11[%add3A_50, %dma_start3A_61] : memref<10240x128xf32, #tpu.memory_space<vmem_shared>> -> memref<32x128xf32, #tpu.memory_space<vmem_shared>>
      tpu.enqueue_dma source(%arg10 : memref<32x128xf32, #tpu.memory_space<vmem>>) target(%dma_start3A_62 : memref<32x128xf32, #tpu.memory_space<vmem_shared>>) target_semaphore(%run_scoped3A : memref<!tpu.dma_semaphore, #tpu.memory_space<semaphore_mem>>)
      %dma_wait3A = arith.constant 0 : i32
      %dma_wait3A_63 = tpu.memref_slice %arg11[%add3A_50, %dma_wait3A] : memref<10240x128xf32, #tpu.memory_space<vmem_shared>> -> memref<32x128xf32, #tpu.memory_space<vmem_shared>>
      %dma_wait3A_64 = arith.constant 0 : i32
      %dma_wait3A_65 = tpu.memref_slice %arg11[%add3A_50, %dma_wait3A_64] : memref<10240x128xf32, #tpu.memory_space<vmem_shared>> -> memref<32x128xf32, #tpu.memory_space<vmem_shared>>
      tpu.wait_dma2 semaphore(%run_scoped3A : memref<!tpu.dma_semaphore, #tpu.memory_space<semaphore_mem>>) src(%arg10 : memref<32x128xf32, #tpu.memory_space<vmem>>) dst(%dma_wait3A_65 : memref<32x128xf32, #tpu.memory_space<vmem_shared>>)
      tpu.yield
    }) : () -> ()
    %barrier3A = arith.constant 0 : index
    tpu.barrier barrier_id(%barrier3A)
    %while3A = arith.constant 0 : i32
    %while3A_51 = arith.subi %select_n3A, %while3A : i32
    %while3A_52 = arith.addi %while3A, %while3A_51 : i32
    %while3A_53 = arith.constant 1 : i32
    %while3A_54 = arith.divsi %while3A_51, %while3A_53 : i32
    %while3A_55 = arith.muli %while3A_54, %while3A_53 : i32
    %while3A_56 = arith.addi %while3A, %while3A_55 : i32
    %while3A_57 = arith.constant 1 : i32
    scf.for %while3A_60 = %while3A to %while3A_56 step %while3A_57  : i32 {
      %add3A_61 = arith.addi %add3A, %while3A_60 : i32
      "tpu.region"() ({
        %run_scoped3A_213 = tpu.sem_alloc : memref<!tpu.dma_semaphore, #tpu.memory_space<semaphore_mem>>
        %dma_start3A_214 = arith.constant 0 : i32
        %dma_start3A_215 = arith.constant 0 : i32
        %dma_start3A_216 = tpu.memref_slice %arg3[%add3A_61, %dma_start3A_214, %dma_start3A_215] : memref<2512x3x128xi32, #tpu.memory_space<hbm>> -> memref<1x3x128xi32, #tpu.memory_space<hbm>>
        %dma_start3A_217 = tpu.memref_squeeze %dma_start3A_216 : memref<1x3x128xi32, #tpu.memory_space<hbm>> -> memref<3x128xi32, #tpu.memory_space<hbm>>
        %dma_start3A_218 = arith.constant 0 : i32
        %dma_start3A_219 = arith.constant 0 : i32
        %dma_start3A_220 = tpu.memref_slice %arg3[%add3A_61, %dma_start3A_218, %dma_start3A_219] : memref<2512x3x128xi32, #tpu.memory_space<hbm>> -> memref<1x3x128xi32, #tpu.memory_space<hbm>>
        %dma_start3A_221 = tpu.memref_squeeze %dma_start3A_220 : memref<1x3x128xi32, #tpu.memory_space<hbm>> -> memref<3x128xi32, #tpu.memory_space<hbm>>
        tpu.enqueue_dma source(%dma_start3A_221 : memref<3x128xi32, #tpu.memory_space<hbm>>) target(%arg6 : memref<3x128xi32, #tpu.memory_space<vmem>>) target_semaphore(%run_scoped3A_213 : memref<!tpu.dma_semaphore, #tpu.memory_space<semaphore_mem>>)
        %dma_wait3A_222 = arith.constant 0 : i32
        %dma_wait3A_223 = arith.constant 0 : i32
        %dma_wait3A_224 = tpu.memref_slice %arg3[%add3A_61, %dma_wait3A_222, %dma_wait3A_223] : memref<2512x3x128xi32, #tpu.memory_space<hbm>> -> memref<1x3x128xi32, #tpu.memory_space<hbm>>
        %dma_wait3A_225 = tpu.memref_squeeze %dma_wait3A_224 : memref<1x3x128xi32, #tpu.memory_space<hbm>> -> memref<3x128xi32, #tpu.memory_space<hbm>>
        %dma_wait3A_226 = arith.constant 0 : i32
        %dma_wait3A_227 = arith.constant 0 : i32
        %dma_wait3A_228 = tpu.memref_slice %arg3[%add3A_61, %dma_wait3A_226, %dma_wait3A_227] : memref<2512x3x128xi32, #tpu.memory_space<hbm>> -> memref<1x3x128xi32, #tpu.memory_space<hbm>>
        %dma_wait3A_229 = tpu.memref_squeeze %dma_wait3A_228 : memref<1x3x128xi32, #tpu.memory_space<hbm>> -> memref<3x128xi32, #tpu.memory_space<hbm>>
        tpu.wait_dma2 semaphore(%run_scoped3A_213 : memref<!tpu.dma_semaphore, #tpu.memory_space<semaphore_mem>>) src(%dma_wait3A_229 : memref<3x128xi32, #tpu.memory_space<hbm>>) dst(%arg6 : memref<3x128xi32, #tpu.memory_space<vmem>>)
        tpu.yield
      }) : () -> ()
      "tpu.region"() ({
        %run_scoped3A_213 = tpu.sem_alloc : memref<!tpu.dma_semaphore, #tpu.memory_space<semaphore_mem>>
        %dma_start3A_214 = arith.constant 0 : i32
        %dma_start3A_215 = tpu.memref_slice %arg4[%add3A_61, %dma_start3A_214] : memref<2512x128xf32, #tpu.memory_space<hbm>> -> memref<1x128xf32, #tpu.memory_space<hbm>>
        %dma_start3A_216 = tpu.memref_squeeze %dma_start3A_215 : memref<1x128xf32, #tpu.memory_space<hbm>> -> memref<128xf32, #tpu.memory_space<hbm>>
        %dma_start3A_217 = arith.constant 0 : i32
        %dma_start3A_218 = tpu.memref_slice %arg4[%add3A_61, %dma_start3A_217] : memref<2512x128xf32, #tpu.memory_space<hbm>> -> memref<1x128xf32, #tpu.memory_space<hbm>>
        %dma_start3A_219 = tpu.memref_squeeze %dma_start3A_218 : memref<1x128xf32, #tpu.memory_space<hbm>> -> memref<128xf32, #tpu.memory_space<hbm>>
        tpu.enqueue_dma source(%dma_start3A_219 : memref<128xf32, #tpu.memory_space<hbm>>) target(%arg7 : memref<128xf32, #tpu.memory_space<vmem>>) target_semaphore(%run_scoped3A_213 : memref<!tpu.dma_semaphore, #tpu.memory_space<semaphore_mem>>)
        %dma_wait3A_220 = arith.constant 0 : i32
        %dma_wait3A_221 = tpu.memref_slice %arg4[%add3A_61, %dma_wait3A_220] : memref<2512x128xf32, #tpu.memory_space<hbm>> -> memref<1x128xf32, #tpu.memory_space<hbm>>
        %dma_wait3A_222 = tpu.memref_squeeze %dma_wait3A_221 : memref<1x128xf32, #tpu.memory_space<hbm>> -> memref<128xf32, #tpu.memory_space<hbm>>
        %dma_wait3A_223 = arith.constant 0 : i32
        %dma_wait3A_224 = tpu.memref_slice %arg4[%add3A_61, %dma_wait3A_223] : memref<2512x128xf32, #tpu.memory_space<hbm>> -> memref<1x128xf32, #tpu.memory_space<hbm>>
        %dma_wait3A_225 = tpu.memref_squeeze %dma_wait3A_224 : memref<1x128xf32, #tpu.memory_space<hbm>> -> memref<128xf32, #tpu.memory_space<hbm>>
        tpu.wait_dma2 semaphore(%run_scoped3A_213 : memref<!tpu.dma_semaphore, #tpu.memory_space<semaphore_mem>>) src(%dma_wait3A_225 : memref<128xf32, #tpu.memory_space<hbm>>) dst(%arg7 : memref<128xf32, #tpu.memory_space<vmem>>)
        tpu.yield
      }) : () -> ()
      %get3A = arith.constant 1 : i32
      %get3A_62 = arith.index_cast %get3A : i32 to index
      %get3A_63 = arith.constant 0 : index
      %get3A_64 = tpu.vector_load %arg6[%get3A_62, %get3A_63] {strides = array<i32>} : memref<3x128xi32, #tpu.memory_space<vmem>>, vector<1x16xi32>,
      %get3A_65 = vector.shape_cast %get3A_64 : vector<1x16xi32> to vector<16xi32>
      %mul3A_66 = arith.constant 10000 : i32
      %mul3A_67 = vector.broadcast %mul3A_66 : i32 to vector<16xi32>
      %mul3A_68 = arith.muli %get3A_65, %mul3A_67 : vector<16xi32>
      %get3A_69 = arith.constant 0 : i32
      %get3A_70 = arith.index_cast %get3A_69 : i32 to index
      %get3A_71 = arith.constant 0 : index
      %get3A_72 = tpu.vector_load %arg6[%get3A_70, %get3A_71] {strides = array<i32>} : memref<3x128xi32, #tpu.memory_space<vmem>>, vector<1x16xi32>,
      %get3A_73 = vector.shape_cast %get3A_72 : vector<1x16xi32> to vector<16xi32>
      %add3A_74 = arith.addi %mul3A_68, %get3A_73 : vector<16xi32>
      %swap3A = arith.constant 0 : index
      %swap3A_75 = tpu.vector_load %arg8[%swap3A] {strides = array<i32>} : memref<128xi32, #tpu.memory_space<vmem>>, vector<16xi32>,
      %swap3A_76 = vector.shape_cast %swap3A_75 : vector<16xi32> to vector<16xi32>
      %swap3A_77 = vector.shape_cast %add3A_74 : vector<16xi32> to vector<16xi32>
      tpu.vector_store %arg8[%swap3A], %swap3A_77 {strides = array<i32>} : memref<128xi32, #tpu.memory_space<vmem>>, vector<16xi32>,
      %get3A_78 = arith.constant 1 : i32
      %get3A_79 = arith.index_cast %get3A_78 : i32 to index
      %get3A_80 = arith.constant 16 : index
      %get3A_81 = tpu.vector_load %arg6[%get3A_79, %get3A_80] {strides = array<i32>} : memref<3x128xi32, #tpu.memory_space<vmem>>, vector<1x16xi32>,
      %get3A_82 = vector.shape_cast %get3A_81 : vector<1x16xi32> to vector<16xi32>
      %mul3A_83 = arith.constant 10000 : i32
      %mul3A_84 = vector.broadcast %mul3A_83 : i32 to vector<16xi32>
      %mul3A_85 = arith.muli %get3A_82, %mul3A_84 : vector<16xi32>
      %get3A_86 = arith.constant 0 : i32
      %get3A_87 = arith.index_cast %get3A_86 : i32 to index
      %get3A_88 = arith.constant 16 : index
      %get3A_89 = tpu.vector_load %arg6[%get3A_87, %get3A_88] {strides = array<i32>} : memref<3x128xi32, #tpu.memory_space<vmem>>, vector<1x16xi32>,
      %get3A_90 = vector.shape_cast %get3A_89 : vector<1x16xi32> to vector<16xi32>
      %add3A_91 = arith.addi %mul3A_85, %get3A_90 : vector<16xi32>
      %swap3A_92 = arith.constant 16 : index
      %swap3A_93 = tpu.vector_load %arg8[%swap3A_92] {strides = array<i32>} : memref<128xi32, #tpu.memory_space<vmem>>, vector<16xi32>,
      %swap3A_94 = vector.shape_cast %swap3A_93 : vector<16xi32> to vector<16xi32>
      %swap3A_95 = vector.shape_cast %add3A_91 : vector<16xi32> to vector<16xi32>
      tpu.vector_store %arg8[%swap3A_92], %swap3A_95 {strides = array<i32>} : memref<128xi32, #tpu.memory_space<vmem>>, vector<16xi32>,
      %get3A_96 = arith.constant 1 : i32
      %get3A_97 = arith.index_cast %get3A_96 : i32 to index
      %get3A_98 = arith.constant 32 : index
      %get3A_99 = tpu.vector_load %arg6[%get3A_97, %get3A_98] {strides = array<i32>} : memref<3x128xi32, #tpu.memory_space<vmem>>, vector<1x16xi32>,
      %get3A_100 = vector.shape_cast %get3A_99 : vector<1x16xi32> to vector<16xi32>
      %mul3A_101 = arith.constant 10000 : i32
      %mul3A_102 = vector.broadcast %mul3A_101 : i32 to vector<16xi32>
      %mul3A_103 = arith.muli %get3A_100, %mul3A_102 : vector<16xi32>
      %get3A_104 = arith.constant 0 : i32
      %get3A_105 = arith.index_cast %get3A_104 : i32 to index
      %get3A_106 = arith.constant 32 : index
      %get3A_107 = tpu.vector_load %arg6[%get3A_105, %get3A_106] {strides = array<i32>} : memref<3x128xi32, #tpu.memory_space<vmem>>, vector<1x16xi32>,
      %get3A_108 = vector.shape_cast %get3A_107 : vector<1x16xi32> to vector<16xi32>
      %add3A_109 = arith.addi %mul3A_103, %get3A_108 : vector<16xi32>
      %swap3A_110 = arith.constant 32 : index
      %swap3A_111 = tpu.vector_load %arg8[%swap3A_110] {strides = array<i32>} : memref<128xi32, #tpu.memory_space<vmem>>, vector<16xi32>,
      %swap3A_112 = vector.shape_cast %swap3A_111 : vector<16xi32> to vector<16xi32>
      %swap3A_113 = vector.shape_cast %add3A_109 : vector<16xi32> to vector<16xi32>
      tpu.vector_store %arg8[%swap3A_110], %swap3A_113 {strides = array<i32>} : memref<128xi32, #tpu.memory_space<vmem>>, vector<16xi32>,
      %get3A_114 = arith.constant 1 : i32
      %get3A_115 = arith.index_cast %get3A_114 : i32 to index
      %get3A_116 = arith.constant 48 : index
      %get3A_117 = tpu.vector_load %arg6[%get3A_115, %get3A_116] {strides = array<i32>} : memref<3x128xi32, #tpu.memory_space<vmem>>, vector<1x16xi32>,
      %get3A_118 = vector.shape_cast %get3A_117 : vector<1x16xi32> to vector<16xi32>
      %mul3A_119 = arith.constant 10000 : i32
      %mul3A_120 = vector.broadcast %mul3A_119 : i32 to vector<16xi32>
      %mul3A_121 = arith.muli %get3A_118, %mul3A_120 : vector<16xi32>
      %get3A_122 = arith.constant 0 : i32
      %get3A_123 = arith.index_cast %get3A_122 : i32 to index
      %get3A_124 = arith.constant 48 : index
      %get3A_125 = tpu.vector_load %arg6[%get3A_123, %get3A_124] {strides = array<i32>} : memref<3x128xi32, #tpu.memory_space<vmem>>, vector<1x16xi32>,
      %get3A_126 = vector.shape_cast %get3A_125 : vector<1x16xi32> to vector<16xi32>
      %add3A_127 = arith.addi %mul3A_121, %get3A_126 : vector<16xi32>
      %swap3A_128 = arith.constant 48 : index
      %swap3A_129 = tpu.vector_load %arg8[%swap3A_128] {strides = array<i32>} : memref<128xi32, #tpu.memory_space<vmem>>, vector<16xi32>,
      %swap3A_130 = vector.shape_cast %swap3A_129 : vector<16xi32> to vector<16xi32>
      %swap3A_131 = vector.shape_cast %add3A_127 : vector<16xi32> to vector<16xi32>
      tpu.vector_store %arg8[%swap3A_128], %swap3A_131 {strides = array<i32>} : memref<128xi32, #tpu.memory_space<vmem>>, vector<16xi32>,
      %get3A_132 = arith.constant 1 : i32
      %get3A_133 = arith.index_cast %get3A_132 : i32 to index
      %get3A_134 = arith.constant 64 : index
      %get3A_135 = tpu.vector_load %arg6[%get3A_133, %get3A_134] {strides = array<i32>} : memref<3x128xi32, #tpu.memory_space<vmem>>, vector<1x16xi32>,
      %get3A_136 = vector.shape_cast %get3A_135 : vector<1x16xi32> to vector<16xi32>
      %mul3A_137 = arith.constant 10000 : i32
      %mul3A_138 = vector.broadcast %mul3A_137 : i32 to vector<16xi32>
      %mul3A_139 = arith.muli %get3A_136, %mul3A_138 : vector<16xi32>
      %get3A_140 = arith.constant 0 : i32
      %get3A_141 = arith.index_cast %get3A_140 : i32 to index
      %get3A_142 = arith.constant 64 : index
      %get3A_143 = tpu.vector_load %arg6[%get3A_141, %get3A_142] {strides = array<i32>} : memref<3x128xi32, #tpu.memory_space<vmem>>, vector<1x16xi32>,
      %get3A_144 = vector.shape_cast %get3A_143 : vector<1x16xi32> to vector<16xi32>
      %add3A_145 = arith.addi %mul3A_139, %get3A_144 : vector<16xi32>
      %swap3A_146 = arith.constant 64 : index
      %swap3A_147 = tpu.vector_load %arg8[%swap3A_146] {strides = array<i32>} : memref<128xi32, #tpu.memory_space<vmem>>, vector<16xi32>,
      %swap3A_148 = vector.shape_cast %swap3A_147 : vector<16xi32> to vector<16xi32>
      %swap3A_149 = vector.shape_cast %add3A_145 : vector<16xi32> to vector<16xi32>
      tpu.vector_store %arg8[%swap3A_146], %swap3A_149 {strides = array<i32>} : memref<128xi32, #tpu.memory_space<vmem>>, vector<16xi32>,
      %get3A_150 = arith.constant 1 : i32
      %get3A_151 = arith.index_cast %get3A_150 : i32 to index
      %get3A_152 = arith.constant 80 : index
      %get3A_153 = tpu.vector_load %arg6[%get3A_151, %get3A_152] {strides = array<i32>} : memref<3x128xi32, #tpu.memory_space<vmem>>, vector<1x16xi32>,
      %get3A_154 = vector.shape_cast %get3A_153 : vector<1x16xi32> to vector<16xi32>
      %mul3A_155 = arith.constant 10000 : i32
      %mul3A_156 = vector.broadcast %mul3A_155 : i32 to vector<16xi32>
      %mul3A_157 = arith.muli %get3A_154, %mul3A_156 : vector<16xi32>
      %get3A_158 = arith.constant 0 : i32
      %get3A_159 = arith.index_cast %get3A_158 : i32 to index
      %get3A_160 = arith.constant 80 : index
      %get3A_161 = tpu.vector_load %arg6[%get3A_159, %get3A_160] {strides = array<i32>} : memref<3x128xi32, #tpu.memory_space<vmem>>, vector<1x16xi32>,
      %get3A_162 = vector.shape_cast %get3A_161 : vector<1x16xi32> to vector<16xi32>
      %add3A_163 = arith.addi %mul3A_157, %get3A_162 : vector<16xi32>
      %swap3A_164 = arith.constant 80 : index
      %swap3A_165 = tpu.vector_load %arg8[%swap3A_164] {strides = array<i32>} : memref<128xi32, #tpu.memory_space<vmem>>, vector<16xi32>,
      %swap3A_166 = vector.shape_cast %swap3A_165 : vector<16xi32> to vector<16xi32>
      %swap3A_167 = vector.shape_cast %add3A_163 : vector<16xi32> to vector<16xi32>
      tpu.vector_store %arg8[%swap3A_164], %swap3A_167 {strides = array<i32>} : memref<128xi32, #tpu.memory_space<vmem>>, vector<16xi32>,
      %get3A_168 = arith.constant 1 : i32
      %get3A_169 = arith.index_cast %get3A_168 : i32 to index
      %get3A_170 = arith.constant 96 : index
      %get3A_171 = tpu.vector_load %arg6[%get3A_169, %get3A_170] {strides = array<i32>} : memref<3x128xi32, #tpu.memory_space<vmem>>, vector<1x16xi32>,
      %get3A_172 = vector.shape_cast %get3A_171 : vector<1x16xi32> to vector<16xi32>
      %mul3A_173 = arith.constant 10000 : i32
      %mul3A_174 = vector.broadcast %mul3A_173 : i32 to vector<16xi32>
      %mul3A_175 = arith.muli %get3A_172, %mul3A_174 : vector<16xi32>
      %get3A_176 = arith.constant 0 : i32
      %get3A_177 = arith.index_cast %get3A_176 : i32 to index
      %get3A_178 = arith.constant 96 : index
      %get3A_179 = tpu.vector_load %arg6[%get3A_177, %get3A_178] {strides = array<i32>} : memref<3x128xi32, #tpu.memory_space<vmem>>, vector<1x16xi32>,
      %get3A_180 = vector.shape_cast %get3A_179 : vector<1x16xi32> to vector<16xi32>
      %add3A_181 = arith.addi %mul3A_175, %get3A_180 : vector<16xi32>
      %swap3A_182 = arith.constant 96 : index
      %swap3A_183 = tpu.vector_load %arg8[%swap3A_182] {strides = array<i32>} : memref<128xi32, #tpu.memory_space<vmem>>, vector<16xi32>,
      %swap3A_184 = vector.shape_cast %swap3A_183 : vector<16xi32> to vector<16xi32>
      %swap3A_185 = vector.shape_cast %add3A_181 : vector<16xi32> to vector<16xi32>
      tpu.vector_store %arg8[%swap3A_182], %swap3A_185 {strides = array<i32>} : memref<128xi32, #tpu.memory_space<vmem>>, vector<16xi32>,
      %get3A_186 = arith.constant 1 : i32
      %get3A_187 = arith.index_cast %get3A_186 : i32 to index
      %get3A_188 = arith.constant 112 : index
      %get3A_189 = tpu.vector_load %arg6[%get3A_187, %get3A_188] {strides = array<i32>} : memref<3x128xi32, #tpu.memory_space<vmem>>, vector<1x16xi32>,
      %get3A_190 = vector.shape_cast %get3A_189 : vector<1x16xi32> to vector<16xi32>
      %mul3A_191 = arith.constant 10000 : i32
      %mul3A_192 = vector.broadcast %mul3A_191 : i32 to vector<16xi32>
      %mul3A_193 = arith.muli %get3A_190, %mul3A_192 : vector<16xi32>
      %get3A_194 = arith.constant 0 : i32
      %get3A_195 = arith.index_cast %get3A_194 : i32 to index
      %get3A_196 = arith.constant 112 : index
      %get3A_197 = tpu.vector_load %arg6[%get3A_195, %get3A_196] {strides = array<i32>} : memref<3x128xi32, #tpu.memory_space<vmem>>, vector<1x16xi32>,
      %get3A_198 = vector.shape_cast %get3A_197 : vector<1x16xi32> to vector<16xi32>
      %add3A_199 = arith.addi %mul3A_193, %get3A_198 : vector<16xi32>
      %swap3A_200 = arith.constant 112 : index
      %swap3A_201 = tpu.vector_load %arg8[%swap3A_200] {strides = array<i32>} : memref<128xi32, #tpu.memory_space<vmem>>, vector<16xi32>,
      %swap3A_202 = vector.shape_cast %swap3A_201 : vector<16xi32> to vector<16xi32>
      %swap3A_203 = vector.shape_cast %add3A_199 : vector<16xi32> to vector<16xi32>
      tpu.vector_store %arg8[%swap3A_200], %swap3A_203 {strides = array<i32>} : memref<128xi32, #tpu.memory_space<vmem>>, vector<16xi32>,
      %dma_start3A = arith.constant 0 : i32
      %dma_start3A_204 = arith.constant 0 : i32
      %dma_start3A_205 = tpu.memref_slice %arg2[%dma_start3A, %dma_start3A_204] : memref<80000x128xf32, #tpu.memory_space<hbm>> -> memref<80000x128xf32, #tpu.memory_space<hbm>>
      tpu.enqueue_indirect_dma source(%dma_start3A_205 : memref<80000x128xf32, #tpu.memory_space<hbm>>) target(%arg9 : memref<128x128xf32, #tpu.memory_space<vmem>>) offsets(%arg8 : memref<128xi32, #tpu.memory_space<vmem>>) semaphore(%arg12 : memref<!tpu.dma_semaphore, #tpu.memory_space<semaphore_mem>>)
      %dma_wait3A = arith.constant 0 : i32
      %dma_wait3A_206 = arith.constant 0 : i32
      %dma_wait3A_207 = tpu.memref_slice %arg2[%dma_wait3A, %dma_wait3A_206] : memref<80000x128xf32, #tpu.memory_space<hbm>> -> memref<80000x128xf32, #tpu.memory_space<hbm>>
      tpu.wait_indirect_dma semaphore(%arg12 : memref<!tpu.dma_semaphore, #tpu.memory_space<semaphore_mem>>) src(%dma_wait3A_207 : memref<80000x128xf32, #tpu.memory_space<hbm>>) dst(%arg9 : memref<128x128xf32, #tpu.memory_space<vmem>>)
      %scan3A_208 = arith.constant 0 : i32
      %scan3A_209 = arith.constant 8 : i32
      %scan3A_210 = arith.addi %scan3A_208, %scan3A_209 : i32
      %scan3A_211 = arith.constant 1 : i32
      scf.for %scan3A_213 = %scan3A_208 to %scan3A_210 step %scan3A_211  : i32 {
        %mul3A_214 = arith.constant 16 : i32
        %mul3A_215 = arith.muli %scan3A_213, %mul3A_214 : i32
        %get3A_216 = arith.index_cast %mul3A_215 : i32 to index
        %get3A_217 = tpu.vector_load %arg7[%get3A_216] {strides = array<i32>} : memref<128xf32, #tpu.memory_space<vmem>>, vector<16xf32>,
        %get3A_218 = vector.shape_cast %get3A_217 : vector<16xf32> to vector<16xf32>
        %mul3A_219 = arith.constant 16 : i32
        %mul3A_220 = arith.muli %scan3A_213, %mul3A_219 : i32
        %add3A_221 = arith.constant 0 : i32
        %add3A_222 = arith.addi %mul3A_220, %add3A_221 : i32
        %broadcast_in_dim3A = arith.constant 0 : i32
        %broadcast_in_dim3A_223 = vector.broadcast %broadcast_in_dim3A : i32 to vector<16xi32>
        %broadcast_in_dim3A_224 = vector.shape_cast %broadcast_in_dim3A_223 : vector<16xi32> to vector<16x1xi32>
        %gather3A = vector.shape_cast %broadcast_in_dim3A_224 : vector<16x1xi32> to vector<16xi32>
        %gather3A_225 = tpu.dynamic_gather %get3A_218[%gather3A] in [0] : vector<16xf32>, vector<16xi32> -> vector<16xf32>
        %get3A_226 = arith.index_cast %add3A_222 : i32 to index
        %get3A_227 = arith.constant 0 : index
        %get3A_228 = tpu.vector_load %arg9[%get3A_226, %get3A_227] {strides = array<i32>} : memref<128x128xf32, #tpu.memory_space<vmem>>, vector<1x16xf32>,
        %get3A_229 = vector.shape_cast %get3A_228 : vector<1x16xf32> to vector<16xf32>
        %mul3A_230 = arith.mulf %get3A_229, %gather3A_225 : vector<16xf32>
        %swap3A_231 = arith.index_cast %add3A_222 : i32 to index
        %swap3A_232 = arith.constant 0 : index
        %swap3A_233 = tpu.vector_load %arg9[%swap3A_231, %swap3A_232] {strides = array<i32>} : memref<128x128xf32, #tpu.memory_space<vmem>>, vector<1x16xf32>,
        %swap3A_234 = vector.shape_cast %swap3A_233 : vector<1x16xf32> to vector<16xf32>
        %swap3A_235 = vector.shape_cast %mul3A_230 : vector<16xf32> to vector<1x16xf32>
        tpu.vector_store %arg9[%swap3A_231, %swap3A_232], %swap3A_235 {strides = array<i32>} : memref<128x128xf32, #tpu.memory_space<vmem>>, vector<1x16xf32>,
        %get3A_236 = arith.index_cast %add3A_222 : i32 to index
        %get3A_237 = arith.constant 16 : index
        %get3A_238 = tpu.vector_load %arg9[%get3A_236, %get3A_237] {strides = array<i32>} : memref<128x128xf32, #tpu.memory_space<vmem>>, vector<1x16xf32>,
        %get3A_239 = vector.shape_cast %get3A_238 : vector<1x16xf32> to vector<16xf32>
        %mul3A_240 = arith.mulf %get3A_239, %gather3A_225 : vector<16xf32>
        %swap3A_241 = arith.index_cast %add3A_222 : i32 to index
        %swap3A_242 = arith.constant 16 : index
        %swap3A_243 = tpu.vector_load %arg9[%swap3A_241, %swap3A_242] {strides = array<i32>} : memref<128x128xf32, #tpu.memory_space<vmem>>, vector<1x16xf32>,
        %swap3A_244 = vector.shape_cast %swap3A_243 : vector<1x16xf32> to vector<16xf32>
        %swap3A_245 = vector.shape_cast %mul3A_240 : vector<16xf32> to vector<1x16xf32>
        tpu.vector_store %arg9[%swap3A_241, %swap3A_242], %swap3A_245 {strides = array<i32>} : memref<128x128xf32, #tpu.memory_space<vmem>>, vector<1x16xf32>,
        %get3A_246 = arith.index_cast %add3A_222 : i32 to index
        %get3A_247 = arith.constant 32 : index
        %get3A_248 = tpu.vector_load %arg9[%get3A_246, %get3A_247] {strides = array<i32>} : memref<128x128xf32, #tpu.memory_space<vmem>>, vector<1x16xf32>,
        %get3A_249 = vector.shape_cast %get3A_248 : vector<1x16xf32> to vector<16xf32>
        %mul3A_250 = arith.mulf %get3A_249, %gather3A_225 : vector<16xf32>
        %swap3A_251 = arith.index_cast %add3A_222 : i32 to index
        %swap3A_252 = arith.constant 32 : index
        %swap3A_253 = tpu.vector_load %arg9[%swap3A_251, %swap3A_252] {strides = array<i32>} : memref<128x128xf32, #tpu.memory_space<vmem>>, vector<1x16xf32>,
        %swap3A_254 = vector.shape_cast %swap3A_253 : vector<1x16xf32> to vector<16xf32>
        %swap3A_255 = vector.shape_cast %mul3A_250 : vector<16xf32> to vector<1x16xf32>
        tpu.vector_store %arg9[%swap3A_251, %swap3A_252], %swap3A_255 {strides = array<i32>} : memref<128x128xf32, #tpu.memory_space<vmem>>, vector<1x16xf32>,
        %get3A_256 = arith.index_cast %add3A_222 : i32 to index
        %get3A_257 = arith.constant 48 : index
        %get3A_258 = tpu.vector_load %arg9[%get3A_256, %get3A_257] {strides = array<i32>} : memref<128x128xf32, #tpu.memory_space<vmem>>, vector<1x16xf32>,
        %get3A_259 = vector.shape_cast %get3A_258 : vector<1x16xf32> to vector<16xf32>
        %mul3A_260 = arith.mulf %get3A_259, %gather3A_225 : vector<16xf32>
        %swap3A_261 = arith.index_cast %add3A_222 : i32 to index
        %swap3A_262 = arith.constant 48 : index
        %swap3A_263 = tpu.vector_load %arg9[%swap3A_261, %swap3A_262] {strides = array<i32>} : memref<128x128xf32, #tpu.memory_space<vmem>>, vector<1x16xf32>,
        %swap3A_264 = vector.shape_cast %swap3A_263 : vector<1x16xf32> to vector<16xf32>
        %swap3A_265 = vector.shape_cast %mul3A_260 : vector<16xf32> to vector<1x16xf32>
        tpu.vector_store %arg9[%swap3A_261, %swap3A_262], %swap3A_265 {strides = array<i32>} : memref<128x128xf32, #tpu.memory_space<vmem>>, vector<1x16xf32>,
        %get3A_266 = arith.index_cast %add3A_222 : i32 to index
        %get3A_267 = arith.constant 64 : index
        %get3A_268 = tpu.vector_load %arg9[%get3A_266, %get3A_267] {strides = array<i32>} : memref<128x128xf32, #tpu.memory_space<vmem>>, vector<1x16xf32>,
        %get3A_269 = vector.shape_cast %get3A_268 : vector<1x16xf32> to vector<16xf32>
        %mul3A_270 = arith.mulf %get3A_269, %gather3A_225 : vector<16xf32>
        %swap3A_271 = arith.index_cast %add3A_222 : i32 to index
        %swap3A_272 = arith.constant 64 : index
        %swap3A_273 = tpu.vector_load %arg9[%swap3A_271, %swap3A_272] {strides = array<i32>} : memref<128x128xf32, #tpu.memory_space<vmem>>, vector<1x16xf32>,
        %swap3A_274 = vector.shape_cast %swap3A_273 : vector<1x16xf32> to vector<16xf32>
        %swap3A_275 = vector.shape_cast %mul3A_270 : vector<16xf32> to vector<1x16xf32>
        tpu.vector_store %arg9[%swap3A_271, %swap3A_272], %swap3A_275 {strides = array<i32>} : memref<128x128xf32, #tpu.memory_space<vmem>>, vector<1x16xf32>,
        %get3A_276 = arith.index_cast %add3A_222 : i32 to index
        %get3A_277 = arith.constant 80 : index
        %get3A_278 = tpu.vector_load %arg9[%get3A_276, %get3A_277] {strides = array<i32>} : memref<128x128xf32, #tpu.memory_space<vmem>>, vector<1x16xf32>,
        %get3A_279 = vector.shape_cast %get3A_278 : vector<1x16xf32> to vector<16xf32>
        %mul3A_280 = arith.mulf %get3A_279, %gather3A_225 : vector<16xf32>
        %swap3A_281 = arith.index_cast %add3A_222 : i32 to index
        %swap3A_282 = arith.constant 80 : index
        %swap3A_283 = tpu.vector_load %arg9[%swap3A_281, %swap3A_282] {strides = array<i32>} : memref<128x128xf32, #tpu.memory_space<vmem>>, vector<1x16xf32>,
        %swap3A_284 = vector.shape_cast %swap3A_283 : vector<1x16xf32> to vector<16xf32>
        %swap3A_285 = vector.shape_cast %mul3A_280 : vector<16xf32> to vector<1x16xf32>
        tpu.vector_store %arg9[%swap3A_281, %swap3A_282], %swap3A_285 {strides = array<i32>} : memref<128x128xf32, #tpu.memory_space<vmem>>, vector<1x16xf32>,
        %get3A_286 = arith.index_cast %add3A_222 : i32 to index
        %get3A_287 = arith.constant 96 : index
        %get3A_288 = tpu.vector_load %arg9[%get3A_286, %get3A_287] {strides = array<i32>} : memref<128x128xf32, #tpu.memory_space<vmem>>, vector<1x16xf32>,
        %get3A_289 = vector.shape_cast %get3A_288 : vector<1x16xf32> to vector<16xf32>
        %mul3A_290 = arith.mulf %get3A_289, %gather3A_225 : vector<16xf32>
        %swap3A_291 = arith.index_cast %add3A_222 : i32 to index
        %swap3A_292 = arith.constant 96 : index
        %swap3A_293 = tpu.vector_load %arg9[%swap3A_291, %swap3A_292] {strides = array<i32>} : memref<128x128xf32, #tpu.memory_space<vmem>>, vector<1x16xf32>,
        %swap3A_294 = vector.shape_cast %swap3A_293 : vector<1x16xf32> to vector<16xf32>
        %swap3A_295 = vector.shape_cast %mul3A_290 : vector<16xf32> to vector<1x16xf32>
        tpu.vector_store %arg9[%swap3A_291, %swap3A_292], %swap3A_295 {strides = array<i32>} : memref<128x128xf32, #tpu.memory_space<vmem>>, vector<1x16xf32>,
        %get3A_296 = arith.index_cast %add3A_222 : i32 to index
        %get3A_297 = arith.constant 112 : index
        %get3A_298 = tpu.vector_load %arg9[%get3A_296, %get3A_297] {strides = array<i32>} : memref<128x128xf32, #tpu.memory_space<vmem>>, vector<1x16xf32>,
        %get3A_299 = vector.shape_cast %get3A_298 : vector<1x16xf32> to vector<16xf32>
        %mul3A_300 = arith.mulf %get3A_299, %gather3A_225 : vector<16xf32>
        %swap3A_301 = arith.index_cast %add3A_222 : i32 to index
        %swap3A_302 = arith.constant 112 : index
        %swap3A_303 = tpu.vector_load %arg9[%swap3A_301, %swap3A_302] {strides = array<i32>} : memref<128x128xf32, #tpu.memory_space<vmem>>, vector<1x16xf32>,
        %swap3A_304 = vector.shape_cast %swap3A_303 : vector<1x16xf32> to vector<16xf32>
        %swap3A_305 = vector.shape_cast %mul3A_300 : vector<16xf32> to vector<1x16xf32>
        tpu.vector_store %arg9[%swap3A_301, %swap3A_302], %swap3A_305 {strides = array<i32>} : memref<128x128xf32, #tpu.memory_space<vmem>>, vector<1x16xf32>,
        %mul3A_306 = arith.constant 16 : i32
        %mul3A_307 = arith.muli %scan3A_213, %mul3A_306 : i32
        %add3A_308 = arith.constant 1 : i32
        %add3A_309 = arith.addi %mul3A_307, %add3A_308 : i32
        %broadcast_in_dim3A_310 = arith.constant 1 : i32
        %broadcast_in_dim3A_311 = vector.broadcast %broadcast_in_dim3A_310 : i32 to vector<16xi32>
        %broadcast_in_dim3A_312 = vector.shape_cast %broadcast_in_dim3A_311 : vector<16xi32> to vector<16x1xi32>
        %gather3A_313 = vector.shape_cast %broadcast_in_dim3A_312 : vector<16x1xi32> to vector<16xi32>
        %gather3A_314 = tpu.dynamic_gather %get3A_218[%gather3A_313] in [0] : vector<16xf32>, vector<16xi32> -> vector<16xf32>
        %get3A_315 = arith.index_cast %add3A_309 : i32 to index
        %get3A_316 = arith.constant 0 : index
        %get3A_317 = tpu.vector_load %arg9[%get3A_315, %get3A_316] {strides = array<i32>} : memref<128x128xf32, #tpu.memory_space<vmem>>, vector<1x16xf32>,
        %get3A_318 = vector.shape_cast %get3A_317 : vector<1x16xf32> to vector<16xf32>
        %mul3A_319 = arith.mulf %get3A_318, %gather3A_314 : vector<16xf32>
        %swap3A_320 = arith.index_cast %add3A_309 : i32 to index
        %swap3A_321 = arith.constant 0 : index
        %swap3A_322 = tpu.vector_load %arg9[%swap3A_320, %swap3A_321] {strides = array<i32>} : memref<128x128xf32, #tpu.memory_space<vmem>>, vector<1x16xf32>,
        %swap3A_323 = vector.shape_cast %swap3A_322 : vector<1x16xf32> to vector<16xf32>
        %swap3A_324 = vector.shape_cast %mul3A_319 : vector<16xf32> to vector<1x16xf32>
        tpu.vector_store %arg9[%swap3A_320, %swap3A_321], %swap3A_324 {strides = array<i32>} : memref<128x128xf32, #tpu.memory_space<vmem>>, vector<1x16xf32>,
        %get3A_325 = arith.index_cast %add3A_309 : i32 to index
        %get3A_326 = arith.constant 16 : index
        %get3A_327 = tpu.vector_load %arg9[%get3A_325, %get3A_326] {strides = array<i32>} : memref<128x128xf32, #tpu.memory_space<vmem>>, vector<1x16xf32>,
        %get3A_328 = vector.shape_cast %get3A_327 : vector<1x16xf32> to vector<16xf32>
        %mul3A_329 = arith.mulf %get3A_328, %gather3A_314 : vector<16xf32>
        %swap3A_330 = arith.index_cast %add3A_309 : i32 to index
        %swap3A_331 = arith.constant 16 : index
        %swap3A_332 = tpu.vector_load %arg9[%swap3A_330, %swap3A_331] {strides = array<i32>} : memref<128x128xf32, #tpu.memory_space<vmem>>, vector<1x16xf32>,
        %swap3A_333 = vector.shape_cast %swap3A_332 : vector<1x16xf32> to vector<16xf32>
        %swap3A_334 = vector.shape_cast %mul3A_329 : vector<16xf32> to vector<1x16xf32>
        tpu.vector_store %arg9[%swap3A_330, %swap3A_331], %swap3A_334 {strides = array<i32>} : memref<128x128xf32, #tpu.memory_space<vmem>>, vector<1x16xf32>,
        %get3A_335 = arith.index_cast %add3A_309 : i32 to index
        %get3A_336 = arith.constant 32 : index
        %get3A_337 = tpu.vector_load %arg9[%get3A_335, %get3A_336] {strides = array<i32>} : memref<128x128xf32, #tpu.memory_space<vmem>>, vector<1x16xf32>,
        %get3A_338 = vector.shape_cast %get3A_337 : vector<1x16xf32> to vector<16xf32>
        %mul3A_339 = arith.mulf %get3A_338, %gather3A_314 : vector<16xf32>
        %swap3A_340 = arith.index_cast %add3A_309 : i32 to index
        %swap3A_341 = arith.constant 32 : index
        %swap3A_342 = tpu.vector_load %arg9[%swap3A_340, %swap3A_341] {strides = array<i32>} : memref<128x128xf32, #tpu.memory_space<vmem>>, vector<1x16xf32>,
        %swap3A_343 = vector.shape_cast %swap3A_342 : vector<1x16xf32> to vector<16xf32>
        %swap3A_344 = vector.shape_cast %mul3A_339 : vector<16xf32> to vector<1x16xf32>
        tpu.vector_store %arg9[%swap3A_340, %swap3A_341], %swap3A_344 {strides = array<i32>} : memref<128x128xf32, #tpu.memory_space<vmem>>, vector<1x16xf32>,
        %get3A_345 = arith.index_cast %add3A_309 : i32 to index
        %get3A_346 = arith.constant 48 : index
        %get3A_347 = tpu.vector_load %arg9[%get3A_345, %get3A_346] {strides = array<i32>} : memref<128x128xf32, #tpu.memory_space<vmem>>, vector<1x16xf32>,
        %get3A_348 = vector.shape_cast %get3A_347 : vector<1x16xf32> to vector<16xf32>
        %mul3A_349 = arith.mulf %get3A_348, %gather3A_314 : vector<16xf32>
        %swap3A_350 = arith.index_cast %add3A_309 : i32 to index
        %swap3A_351 = arith.constant 48 : index
        %swap3A_352 = tpu.vector_load %arg9[%swap3A_350, %swap3A_351] {strides = array<i32>} : memref<128x128xf32, #tpu.memory_space<vmem>>, vector<1x16xf32>,
        %swap3A_353 = vector.shape_cast %swap3A_352 : vector<1x16xf32> to vector<16xf32>
        %swap3A_354 = vector.shape_cast %mul3A_349 : vector<16xf32> to vector<1x16xf32>
        tpu.vector_store %arg9[%swap3A_350, %swap3A_351], %swap3A_354 {strides = array<i32>} : memref<128x128xf32, #tpu.memory_space<vmem>>, vector<1x16xf32>,
        %get3A_355 = arith.index_cast %add3A_309 : i32 to index
        %get3A_356 = arith.constant 64 : index
        %get3A_357 = tpu.vector_load %arg9[%get3A_355, %get3A_356] {strides = array<i32>} : memref<128x128xf32, #tpu.memory_space<vmem>>, vector<1x16xf32>,
        %get3A_358 = vector.shape_cast %get3A_357 : vector<1x16xf32> to vector<16xf32>
        %mul3A_359 = arith.mulf %get3A_358, %gather3A_314 : vector<16xf32>
        %swap3A_360 = arith.index_cast %add3A_309 : i32 to index
        %swap3A_361 = arith.constant 64 : index
        %swap3A_362 = tpu.vector_load %arg9[%swap3A_360, %swap3A_361] {strides = array<i32>} : memref<128x128xf32, #tpu.memory_space<vmem>>, vector<1x16xf32>,
        %swap3A_363 = vector.shape_cast %swap3A_362 : vector<1x16xf32> to vector<16xf32>
        %swap3A_364 = vector.shape_cast %mul3A_359 : vector<16xf32> to vector<1x16xf32>
        tpu.vector_store %arg9[%swap3A_360, %swap3A_361], %swap3A_364 {strides = array<i32>} : memref<128x128xf32, #tpu.memory_space<vmem>>, vector<1x16xf32>,
        %get3A_365 = arith.index_cast %add3A_309 : i32 to index
        %get3A_366 = arith.constant 80 : index
        %get3A_367 = tpu.vector_load %arg9[%get3A_365, %get3A_366] {strides = array<i32>} : memref<128x128xf32, #tpu.memory_space<vmem>>, vector<1x16xf32>,
        %get3A_368 = vector.shape_cast %get3A_367 : vector<1x16xf32> to vector<16xf32>
        %mul3A_369 = arith.mulf %get3A_368, %gather3A_314 : vector<16xf32>
        %swap3A_370 = arith.index_cast %add3A_309 : i32 to index
        %swap3A_371 = arith.constant 80 : index
        %swap3A_372 = tpu.vector_load %arg9[%swap3A_370, %swap3A_371] {strides = array<i32>} : memref<128x128xf32, #tpu.memory_space<vmem>>, vector<1x16xf32>,
        %swap3A_373 = vector.shape_cast %swap3A_372 : vector<1x16xf32> to vector<16xf32>
        %swap3A_374 = vector.shape_cast %mul3A_369 : vector<16xf32> to vector<1x16xf32>
        tpu.vector_store %arg9[%swap3A_370, %swap3A_371], %swap3A_374 {strides = array<i32>} : memref<128x128xf32, #tpu.memory_space<vmem>>, vector<1x16xf32>,
        %get3A_375 = arith.index_cast %add3A_309 : i32 to index
        %get3A_376 = arith.constant 96 : index
        %get3A_377 = tpu.vector_load %arg9[%get3A_375, %get3A_376] {strides = array<i32>} : memref<128x128xf32, #tpu.memory_space<vmem>>, vector<1x16xf32>,
        %get3A_378 = vector.shape_cast %get3A_377 : vector<1x16xf32> to vector<16xf32>
        %mul3A_379 = arith.mulf %get3A_378, %gather3A_314 : vector<16xf32>
        %swap3A_380 = arith.index_cast %add3A_309 : i32 to index
        %swap3A_381 = arith.constant 96 : index
        %swap3A_382 = tpu.vector_load %arg9[%swap3A_380, %swap3A_381] {strides = array<i32>} : memref<128x128xf32, #tpu.memory_space<vmem>>, vector<1x16xf32>,
        %swap3A_383 = vector.shape_cast %swap3A_382 : vector<1x16xf32> to vector<16xf32>
        %swap3A_384 = vector.shape_cast %mul3A_379 : vector<16xf32> to vector<1x16xf32>
        tpu.vector_store %arg9[%swap3A_380, %swap3A_381], %swap3A_384 {strides = array<i32>} : memref<128x128xf32, #tpu.memory_space<vmem>>, vector<1x16xf32>,
        %get3A_385 = arith.index_cast %add3A_309 : i32 to index
        %get3A_386 = arith.constant 112 : index
        %get3A_387 = tpu.vector_load %arg9[%get3A_385, %get3A_386] {strides = array<i32>} : memref<128x128xf32, #tpu.memory_space<vmem>>, vector<1x16xf32>,
        %get3A_388 = vector.shape_cast %get3A_387 : vector<1x16xf32> to vector<16xf32>
        %mul3A_389 = arith.mulf %get3A_388, %gather3A_314 : vector<16xf32>
        %swap3A_390 = arith.index_cast %add3A_309 : i32 to index
        %swap3A_391 = arith.constant 112 : index
        %swap3A_392 = tpu.vector_load %arg9[%swap3A_390, %swap3A_391] {strides = array<i32>} : memref<128x128xf32, #tpu.memory_space<vmem>>, vector<1x16xf32>,
        %swap3A_393 = vector.shape_cast %swap3A_392 : vector<1x16xf32> to vector<16xf32>
        %swap3A_394 = vector.shape_cast %mul3A_389 : vector<16xf32> to vector<1x16xf32>
        tpu.vector_store %arg9[%swap3A_390, %swap3A_391], %swap3A_394 {strides = array<i32>} : memref<128x128xf32, #tpu.memory_space<vmem>>, vector<1x16xf32>,
        %mul3A_395 = arith.constant 16 : i32
        %mul3A_396 = arith.muli %scan3A_213, %mul3A_395 : i32
        %add3A_397 = arith.constant 2 : i32
        %add3A_398 = arith.addi %mul3A_396, %add3A_397 : i32
        %broadcast_in_dim3A_399 = arith.constant 2 : i32
        %broadcast_in_dim3A_400 = vector.broadcast %broadcast_in_dim3A_399 : i32 to vector<16xi32>
        %broadcast_in_dim3A_401 = vector.shape_cast %broadcast_in_dim3A_400 : vector<16xi32> to vector<16x1xi32>
        %gather3A_402 = vector.shape_cast %broadcast_in_dim3A_401 : vector<16x1xi32> to vector<16xi32>
        %gather3A_403 = tpu.dynamic_gather %get3A_218[%gather3A_402] in [0] : vector<16xf32>, vector<16xi32> -> vector<16xf32>
        %get3A_404 = arith.index_cast %add3A_398 : i32 to index
        %get3A_405 = arith.constant 0 : index
        %get3A_406 = tpu.vector_load %arg9[%get3A_404, %get3A_405] {strides = array<i32>} : memref<128x128xf32, #tpu.memory_space<vmem>>, vector<1x16xf32>,
        %get3A_407 = vector.shape_cast %get3A_406 : vector<1x16xf32> to vector<16xf32>
        %mul3A_408 = arith.mulf %get3A_407, %gather3A_403 : vector<16xf32>
        %swap3A_409 = arith.index_cast %add3A_398 : i32 to index
        %swap3A_410 = arith.constant 0 : index
        %swap3A_411 = tpu.vector_load %arg9[%swap3A_409, %swap3A_410] {strides = array<i32>} : memref<128x128xf32, #tpu.memory_space<vmem>>, vector<1x16xf32>,
        %swap3A_412 = vector.shape_cast %swap3A_411 : vector<1x16xf32> to vector<16xf32>
        %swap3A_413 = vector.shape_cast %mul3A_408 : vector<16xf32> to vector<1x16xf32>
        tpu.vector_store %arg9[%swap3A_409, %swap3A_410], %swap3A_413 {strides = array<i32>} : memref<128x128xf32, #tpu.memory_space<vmem>>, vector<1x16xf32>,
        %get3A_414 = arith.index_cast %add3A_398 : i32 to index
        %get3A_415 = arith.constant 16 : index
        %get3A_416 = tpu.vector_load %arg9[%get3A_414, %get3A_415] {strides = array<i32>} : memref<128x128xf32, #tpu.memory_space<vmem>>, vector<1x16xf32>,
        %get3A_417 = vector.shape_cast %get3A_416 : vector<1x16xf32> to vector<16xf32>
        %mul3A_418 = arith.mulf %get3A_417, %gather3A_403 : vector<16xf32>
        %swap3A_419 = arith.index_cast %add3A_398 : i32 to index
        %swap3A_420 = arith.constant 16 : index
        %swap3A_421 = tpu.vector_load %arg9[%swap3A_419, %swap3A_420] {strides = array<i32>} : memref<128x128xf32, #tpu.memory_space<vmem>>, vector<1x16xf32>,
        %swap3A_422 = vector.shape_cast %swap3A_421 : vector<1x16xf32> to vector<16xf32>
        %swap3A_423 = vector.shape_cast %mul3A_418 : vector<16xf32> to vector<1x16xf32>
        tpu.vector_store %arg9[%swap3A_419, %swap3A_420], %swap3A_423 {strides = array<i32>} : memref<128x128xf32, #tpu.memory_space<vmem>>, vector<1x16xf32>,
        %get3A_424 = arith.index_cast %add3A_398 : i32 to index
        %get3A_425 = arith.constant 32 : index
        %get3A_426 = tpu.vector_load %arg9[%get3A_424, %get3A_425] {strides = array<i32>} : memref<128x128xf32, #tpu.memory_space<vmem>>, vector<1x16xf32>,
        %get3A_427 = vector.shape_cast %get3A_426 : vector<1x16xf32> to vector<16xf32>
        %mul3A_428 = arith.mulf %get3A_427, %gather3A_403 : vector<16xf32>
        %swap3A_429 = arith.index_cast %add3A_398 : i32 to index
        %swap3A_430 = arith.constant 32 : index
        %swap3A_431 = tpu.vector_load %arg9[%swap3A_429, %swap3A_430] {strides = array<i32>} : memref<128x128xf32, #tpu.memory_space<vmem>>, vector<1x16xf32>,
        %swap3A_432 = vector.shape_cast %swap3A_431 : vector<1x16xf32> to vector<16xf32>
        %swap3A_433 = vector.shape_cast %mul3A_428 : vector<16xf32> to vector<1x16xf32>
        tpu.vector_store %arg9[%swap3A_429, %swap3A_430], %swap3A_433 {strides = array<i32>} : memref<128x128xf32, #tpu.memory_space<vmem>>, vector<1x16xf32>,
        %get3A_434 = arith.index_cast %add3A_398 : i32 to index
        %get3A_435 = arith.constant 48 : index
        %get3A_436 = tpu.vector_load %arg9[%get3A_434, %get3A_435] {strides = array<i32>} : memref<128x128xf32, #tpu.memory_space<vmem>>, vector<1x16xf32>,
        %get3A_437 = vector.shape_cast %get3A_436 : vector<1x16xf32> to vector<16xf32>
        %mul3A_438 = arith.mulf %get3A_437, %gather3A_403 : vector<16xf32>
        %swap3A_439 = arith.index_cast %add3A_398 : i32 to index
        %swap3A_440 = arith.constant 48 : index
        %swap3A_441 = tpu.vector_load %arg9[%swap3A_439, %swap3A_440] {strides = array<i32>} : memref<128x128xf32, #tpu.memory_space<vmem>>, vector<1x16xf32>,
        %swap3A_442 = vector.shape_cast %swap3A_441 : vector<1x16xf32> to vector<16xf32>
        %swap3A_443 = vector.shape_cast %mul3A_438 : vector<16xf32> to vector<1x16xf32>
        tpu.vector_store %arg9[%swap3A_439, %swap3A_440], %swap3A_443 {strides = array<i32>} : memref<128x128xf32, #tpu.memory_space<vmem>>, vector<1x16xf32>,
        %get3A_444 = arith.index_cast %add3A_398 : i32 to index
        %get3A_445 = arith.constant 64 : index
        %get3A_446 = tpu.vector_load %arg9[%get3A_444, %get3A_445] {strides = array<i32>} : memref<128x128xf32, #tpu.memory_space<vmem>>, vector<1x16xf32>,
        %get3A_447 = vector.shape_cast %get3A_446 : vector<1x16xf32> to vector<16xf32>
        %mul3A_448 = arith.mulf %get3A_447, %gather3A_403 : vector<16xf32>
        %swap3A_449 = arith.index_cast %add3A_398 : i32 to index
        %swap3A_450 = arith.constant 64 : index
        %swap3A_451 = tpu.vector_load %arg9[%swap3A_449, %swap3A_450] {strides = array<i32>} : memref<128x128xf32, #tpu.memory_space<vmem>>, vector<1x16xf32>,
        %swap3A_452 = vector.shape_cast %swap3A_451 : vector<1x16xf32> to vector<16xf32>
        %swap3A_453 = vector.shape_cast %mul3A_448 : vector<16xf32> to vector<1x16xf32>
        tpu.vector_store %arg9[%swap3A_449, %swap3A_450], %swap3A_453 {strides = array<i32>} : memref<128x128xf32, #tpu.memory_space<vmem>>, vector<1x16xf32>,
        %get3A_454 = arith.index_cast %add3A_398 : i32 to index
        %get3A_455 = arith.constant 80 : index
        %get3A_456 = tpu.vector_load %arg9[%get3A_454, %get3A_455] {strides = array<i32>} : memref<128x128xf32, #tpu.memory_space<vmem>>, vector<1x16xf32>,
        %get3A_457 = vector.shape_cast %get3A_456 : vector<1x16xf32> to vector<16xf32>
        %mul3A_458 = arith.mulf %get3A_457, %gather3A_403 : vector<16xf32>
        %swap3A_459 = arith.index_cast %add3A_398 : i32 to index
        %swap3A_460 = arith.constant 80 : index
        %swap3A_461 = tpu.vector_load %arg9[%swap3A_459, %swap3A_460] {strides = array<i32>} : memref<128x128xf32, #tpu.memory_space<vmem>>, vector<1x16xf32>,
        %swap3A_462 = vector.shape_cast %swap3A_461 : vector<1x16xf32> to vector<16xf32>
        %swap3A_463 = vector.shape_cast %mul3A_458 : vector<16xf32> to vector<1x16xf32>
        tpu.vector_store %arg9[%swap3A_459, %swap3A_460], %swap3A_463 {strides = array<i32>} : memref<128x128xf32, #tpu.memory_space<vmem>>, vector<1x16xf32>,
        %get3A_464 = arith.index_cast %add3A_398 : i32 to index
        %get3A_465 = arith.constant 96 : index
        %get3A_466 = tpu.vector_load %arg9[%get3A_464, %get3A_465] {strides = array<i32>} : memref<128x128xf32, #tpu.memory_space<vmem>>, vector<1x16xf32>,
        %get3A_467 = vector.shape_cast %get3A_466 : vector<1x16xf32> to vector<16xf32>
        %mul3A_468 = arith.mulf %get3A_467, %gather3A_403 : vector<16xf32>
        %swap3A_469 = arith.index_cast %add3A_398 : i32 to index
        %swap3A_470 = arith.constant 96 : index
        %swap3A_471 = tpu.vector_load %arg9[%swap3A_469, %swap3A_470] {strides = array<i32>} : memref<128x128xf32, #tpu.memory_space<vmem>>, vector<1x16xf32>,
        %swap3A_472 = vector.shape_cast %swap3A_471 : vector<1x16xf32> to vector<16xf32>
        %swap3A_473 = vector.shape_cast %mul3A_468 : vector<16xf32> to vector<1x16xf32>
        tpu.vector_store %arg9[%swap3A_469, %swap3A_470], %swap3A_473 {strides = array<i32>} : memref<128x128xf32, #tpu.memory_space<vmem>>, vector<1x16xf32>,
        %get3A_474 = arith.index_cast %add3A_398 : i32 to index
        %get3A_475 = arith.constant 112 : index
        %get3A_476 = tpu.vector_load %arg9[%get3A_474, %get3A_475] {strides = array<i32>} : memref<128x128xf32, #tpu.memory_space<vmem>>, vector<1x16xf32>,
        %get3A_477 = vector.shape_cast %get3A_476 : vector<1x16xf32> to vector<16xf32>
        %mul3A_478 = arith.mulf %get3A_477, %gather3A_403 : vector<16xf32>
        %swap3A_479 = arith.index_cast %add3A_398 : i32 to index
        %swap3A_480 = arith.constant 112 : index
        %swap3A_481 = tpu.vector_load %arg9[%swap3A_479, %swap3A_480] {strides = array<i32>} : memref<128x128xf32, #tpu.memory_space<vmem>>, vector<1x16xf32>,
        %swap3A_482 = vector.shape_cast %swap3A_481 : vector<1x16xf32> to vector<16xf32>
        %swap3A_483 = vector.shape_cast %mul3A_478 : vector<16xf32> to vector<1x16xf32>
        tpu.vector_store %arg9[%swap3A_479, %swap3A_480], %swap3A_483 {strides = array<i32>} : memref<128x128xf32, #tpu.memory_space<vmem>>, vector<1x16xf32>,
        %mul3A_484 = arith.constant 16 : i32
        %mul3A_485 = arith.muli %scan3A_213, %mul3A_484 : i32
        %add3A_486 = arith.constant 3 : i32
        %add3A_487 = arith.addi %mul3A_485, %add3A_486 : i32
        %broadcast_in_dim3A_488 = arith.constant 3 : i32
        %broadcast_in_dim3A_489 = vector.broadcast %broadcast_in_dim3A_488 : i32 to vector<16xi32>
        %broadcast_in_dim3A_490 = vector.shape_cast %broadcast_in_dim3A_489 : vector<16xi32> to vector<16x1xi32>
        %gather3A_491 = vector.shape_cast %broadcast_in_dim3A_490 : vector<16x1xi32> to vector<16xi32>
        %gather3A_492 = tpu.dynamic_gather %get3A_218[%gather3A_491] in [0] : vector<16xf32>, vector<16xi32> -> vector<16xf32>
        %get3A_493 = arith.index_cast %add3A_487 : i32 to index
        %get3A_494 = arith.constant 0 : index
        %get3A_495 = tpu.vector_load %arg9[%get3A_493, %get3A_494] {strides = array<i32>} : memref<128x128xf32, #tpu.memory_space<vmem>>, vector<1x16xf32>,
        %get3A_496 = vector.shape_cast %get3A_495 : vector<1x16xf32> to vector<16xf32>
        %mul3A_497 = arith.mulf %get3A_496, %gather3A_492 : vector<16xf32>
        %swap3A_498 = arith.index_cast %add3A_487 : i32 to index
        %swap3A_499 = arith.constant 0 : index
        %swap3A_500 = tpu.vector_load %arg9[%swap3A_498, %swap3A_499] {strides = array<i32>} : memref<128x128xf32, #tpu.memory_space<vmem>>, vector<1x16xf32>,
        %swap3A_501 = vector.shape_cast %swap3A_500 : vector<1x16xf32> to vector<16xf32>
        %swap3A_502 = vector.shape_cast %mul3A_497 : vector<16xf32> to vector<1x16xf32>
        tpu.vector_store %arg9[%swap3A_498, %swap3A_499], %swap3A_502 {strides = array<i32>} : memref<128x128xf32, #tpu.memory_space<vmem>>, vector<1x16xf32>,
        %get3A_503 = arith.index_cast %add3A_487 : i32 to index
        %get3A_504 = arith.constant 16 : index
        %get3A_505 = tpu.vector_load %arg9[%get3A_503, %get3A_504] {strides = array<i32>} : memref<128x128xf32, #tpu.memory_space<vmem>>, vector<1x16xf32>,
        %get3A_506 = vector.shape_cast %get3A_505 : vector<1x16xf32> to vector<16xf32>
        %mul3A_507 = arith.mulf %get3A_506, %gather3A_492 : vector<16xf32>
        %swap3A_508 = arith.index_cast %add3A_487 : i32 to index
        %swap3A_509 = arith.constant 16 : index
        %swap3A_510 = tpu.vector_load %arg9[%swap3A_508, %swap3A_509] {strides = array<i32>} : memref<128x128xf32, #tpu.memory_space<vmem>>, vector<1x16xf32>,
        %swap3A_511 = vector.shape_cast %swap3A_510 : vector<1x16xf32> to vector<16xf32>
        %swap3A_512 = vector.shape_cast %mul3A_507 : vector<16xf32> to vector<1x16xf32>
        tpu.vector_store %arg9[%swap3A_508, %swap3A_509], %swap3A_512 {strides = array<i32>} : memref<128x128xf32, #tpu.memory_space<vmem>>, vector<1x16xf32>,
        %get3A_513 = arith.index_cast %add3A_487 : i32 to index
        %get3A_514 = arith.constant 32 : index
        %get3A_515 = tpu.vector_load %arg9[%get3A_513, %get3A_514] {strides = array<i32>} : memref<128x128xf32, #tpu.memory_space<vmem>>, vector<1x16xf32>,
        %get3A_516 = vector.shape_cast %get3A_515 : vector<1x16xf32> to vector<16xf32>
        %mul3A_517 = arith.mulf %get3A_516, %gather3A_492 : vector<16xf32>
        %swap3A_518 = arith.index_cast %add3A_487 : i32 to index
        %swap3A_519 = arith.constant 32 : index
        %swap3A_520 = tpu.vector_load %arg9[%swap3A_518, %swap3A_519] {strides = array<i32>} : memref<128x128xf32, #tpu.memory_space<vmem>>, vector<1x16xf32>,
        %swap3A_521 = vector.shape_cast %swap3A_520 : vector<1x16xf32> to vector<16xf32>
        %swap3A_522 = vector.shape_cast %mul3A_517 : vector<16xf32> to vector<1x16xf32>
        tpu.vector_store %arg9[%swap3A_518, %swap3A_519], %swap3A_522 {strides = array<i32>} : memref<128x128xf32, #tpu.memory_space<vmem>>, vector<1x16xf32>,
        %get3A_523 = arith.index_cast %add3A_487 : i32 to index
        %get3A_524 = arith.constant 48 : index
        %get3A_525 = tpu.vector_load %arg9[%get3A_523, %get3A_524] {strides = array<i32>} : memref<128x128xf32, #tpu.memory_space<vmem>>, vector<1x16xf32>,
        %get3A_526 = vector.shape_cast %get3A_525 : vector<1x16xf32> to vector<16xf32>
        %mul3A_527 = arith.mulf %get3A_526, %gather3A_492 : vector<16xf32>
        %swap3A_528 = arith.index_cast %add3A_487 : i32 to index
        %swap3A_529 = arith.constant 48 : index
        %swap3A_530 = tpu.vector_load %arg9[%swap3A_528, %swap3A_529] {strides = array<i32>} : memref<128x128xf32, #tpu.memory_space<vmem>>, vector<1x16xf32>,
        %swap3A_531 = vector.shape_cast %swap3A_530 : vector<1x16xf32> to vector<16xf32>
        %swap3A_532 = vector.shape_cast %mul3A_527 : vector<16xf32> to vector<1x16xf32>
        tpu.vector_store %arg9[%swap3A_528, %swap3A_529], %swap3A_532 {strides = array<i32>} : memref<128x128xf32, #tpu.memory_space<vmem>>, vector<1x16xf32>,
        %get3A_533 = arith.index_cast %add3A_487 : i32 to index
        %get3A_534 = arith.constant 64 : index
        %get3A_535 = tpu.vector_load %arg9[%get3A_533, %get3A_534] {strides = array<i32>} : memref<128x128xf32, #tpu.memory_space<vmem>>, vector<1x16xf32>,
        %get3A_536 = vector.shape_cast %get3A_535 : vector<1x16xf32> to vector<16xf32>
        %mul3A_537 = arith.mulf %get3A_536, %gather3A_492 : vector<16xf32>
        %swap3A_538 = arith.index_cast %add3A_487 : i32 to index
        %swap3A_539 = arith.constant 64 : index
        %swap3A_540 = tpu.vector_load %arg9[%swap3A_538, %swap3A_539] {strides = array<i32>} : memref<128x128xf32, #tpu.memory_space<vmem>>, vector<1x16xf32>,
        %swap3A_541 = vector.shape_cast %swap3A_540 : vector<1x16xf32> to vector<16xf32>
        %swap3A_542 = vector.shape_cast %mul3A_537 : vector<16xf32> to vector<1x16xf32>
        tpu.vector_store %arg9[%swap3A_538, %swap3A_539], %swap3A_542 {strides = array<i32>} : memref<128x128xf32, #tpu.memory_space<vmem>>, vector<1x16xf32>,
        %get3A_543 = arith.index_cast %add3A_487 : i32 to index
        %get3A_544 = arith.constant 80 : index
        %get3A_545 = tpu.vector_load %arg9[%get3A_543, %get3A_544] {strides = array<i32>} : memref<128x128xf32, #tpu.memory_space<vmem>>, vector<1x16xf32>,
        %get3A_546 = vector.shape_cast %get3A_545 : vector<1x16xf32> to vector<16xf32>
        %mul3A_547 = arith.mulf %get3A_546, %gather3A_492 : vector<16xf32>
        %swap3A_548 = arith.index_cast %add3A_487 : i32 to index
        %swap3A_549 = arith.constant 80 : index
        %swap3A_550 = tpu.vector_load %arg9[%swap3A_548, %swap3A_549] {strides = array<i32>} : memref<128x128xf32, #tpu.memory_space<vmem>>, vector<1x16xf32>,
        %swap3A_551 = vector.shape_cast %swap3A_550 : vector<1x16xf32> to vector<16xf32>
        %swap3A_552 = vector.shape_cast %mul3A_547 : vector<16xf32> to vector<1x16xf32>
        tpu.vector_store %arg9[%swap3A_548, %swap3A_549], %swap3A_552 {strides = array<i32>} : memref<128x128xf32, #tpu.memory_space<vmem>>, vector<1x16xf32>,
        %get3A_553 = arith.index_cast %add3A_487 : i32 to index
        %get3A_554 = arith.constant 96 : index
        %get3A_555 = tpu.vector_load %arg9[%get3A_553, %get3A_554] {strides = array<i32>} : memref<128x128xf32, #tpu.memory_space<vmem>>, vector<1x16xf32>,
        %get3A_556 = vector.shape_cast %get3A_555 : vector<1x16xf32> to vector<16xf32>
        %mul3A_557 = arith.mulf %get3A_556, %gather3A_492 : vector<16xf32>
        %swap3A_558 = arith.index_cast %add3A_487 : i32 to index
        %swap3A_559 = arith.constant 96 : index
        %swap3A_560 = tpu.vector_load %arg9[%swap3A_558, %swap3A_559] {strides = array<i32>} : memref<128x128xf32, #tpu.memory_space<vmem>>, vector<1x16xf32>,
        %swap3A_561 = vector.shape_cast %swap3A_560 : vector<1x16xf32> to vector<16xf32>
        %swap3A_562 = vector.shape_cast %mul3A_557 : vector<16xf32> to vector<1x16xf32>
        tpu.vector_store %arg9[%swap3A_558, %swap3A_559], %swap3A_562 {strides = array<i32>} : memref<128x128xf32, #tpu.memory_space<vmem>>, vector<1x16xf32>,
        %get3A_563 = arith.index_cast %add3A_487 : i32 to index
        %get3A_564 = arith.constant 112 : index
        %get3A_565 = tpu.vector_load %arg9[%get3A_563, %get3A_564] {strides = array<i32>} : memref<128x128xf32, #tpu.memory_space<vmem>>, vector<1x16xf32>,
        %get3A_566 = vector.shape_cast %get3A_565 : vector<1x16xf32> to vector<16xf32>
        %mul3A_567 = arith.mulf %get3A_566, %gather3A_492 : vector<16xf32>
        %swap3A_568 = arith.index_cast %add3A_487 : i32 to index
        %swap3A_569 = arith.constant 112 : index
        %swap3A_570 = tpu.vector_load %arg9[%swap3A_568, %swap3A_569] {strides = array<i32>} : memref<128x128xf32, #tpu.memory_space<vmem>>, vector<1x16xf32>,
        %swap3A_571 = vector.shape_cast %swap3A_570 : vector<1x16xf32> to vector<16xf32>
        %swap3A_572 = vector.shape_cast %mul3A_567 : vector<16xf32> to vector<1x16xf32>
        tpu.vector_store %arg9[%swap3A_568, %swap3A_569], %swap3A_572 {strides = array<i32>} : memref<128x128xf32, #tpu.memory_space<vmem>>, vector<1x16xf32>,
        %mul3A_573 = arith.constant 16 : i32
        %mul3A_574 = arith.muli %scan3A_213, %mul3A_573 : i32
        %add3A_575 = arith.constant 4 : i32
        %add3A_576 = arith.addi %mul3A_574, %add3A_575 : i32
        %broadcast_in_dim3A_577 = arith.constant 4 : i32
        %broadcast_in_dim3A_578 = vector.broadcast %broadcast_in_dim3A_577 : i32 to vector<16xi32>
        %broadcast_in_dim3A_579 = vector.shape_cast %broadcast_in_dim3A_578 : vector<16xi32> to vector<16x1xi32>
        %gather3A_580 = vector.shape_cast %broadcast_in_dim3A_579 : vector<16x1xi32> to vector<16xi32>
        %gather3A_581 = tpu.dynamic_gather %get3A_218[%gather3A_580] in [0] : vector<16xf32>, vector<16xi32> -> vector<16xf32>
        %get3A_582 = arith.index_cast %add3A_576 : i32 to index
        %get3A_583 = arith.constant 0 : index
        %get3A_584 = tpu.vector_load %arg9[%get3A_582, %get3A_583] {strides = array<i32>} : memref<128x128xf32, #tpu.memory_space<vmem>>, vector<1x16xf32>,
        %get3A_585 = vector.shape_cast %get3A_584 : vector<1x16xf32> to vector<16xf32>
        %mul3A_586 = arith.mulf %get3A_585, %gather3A_581 : vector<16xf32>
        %swap3A_587 = arith.index_cast %add3A_576 : i32 to index
        %swap3A_588 = arith.constant 0 : index
        %swap3A_589 = tpu.vector_load %arg9[%swap3A_587, %swap3A_588] {strides = array<i32>} : memref<128x128xf32, #tpu.memory_space<vmem>>, vector<1x16xf32>,
        %swap3A_590 = vector.shape_cast %swap3A_589 : vector<1x16xf32> to vector<16xf32>
        %swap3A_591 = vector.shape_cast %mul3A_586 : vector<16xf32> to vector<1x16xf32>
        tpu.vector_store %arg9[%swap3A_587, %swap3A_588], %swap3A_591 {strides = array<i32>} : memref<128x128xf32, #tpu.memory_space<vmem>>, vector<1x16xf32>,
        %get3A_592 = arith.index_cast %add3A_576 : i32 to index
        %get3A_593 = arith.constant 16 : index
        %get3A_594 = tpu.vector_load %arg9[%get3A_592, %get3A_593] {strides = array<i32>} : memref<128x128xf32, #tpu.memory_space<vmem>>, vector<1x16xf32>,
        %get3A_595 = vector.shape_cast %get3A_594 : vector<1x16xf32> to vector<16xf32>
        %mul3A_596 = arith.mulf %get3A_595, %gather3A_581 : vector<16xf32>
        %swap3A_597 = arith.index_cast %add3A_576 : i32 to index
        %swap3A_598 = arith.constant 16 : index
        %swap3A_599 = tpu.vector_load %arg9[%swap3A_597, %swap3A_598] {strides = array<i32>} : memref<128x128xf32, #tpu.memory_space<vmem>>, vector<1x16xf32>,
        %swap3A_600 = vector.shape_cast %swap3A_599 : vector<1x16xf32> to vector<16xf32>
        %swap3A_601 = vector.shape_cast %mul3A_596 : vector<16xf32> to vector<1x16xf32>
        tpu.vector_store %arg9[%swap3A_597, %swap3A_598], %swap3A_601 {strides = array<i32>} : memref<128x128xf32, #tpu.memory_space<vmem>>, vector<1x16xf32>,
        %get3A_602 = arith.index_cast %add3A_576 : i32 to index
        %get3A_603 = arith.constant 32 : index
        %get3A_604 = tpu.vector_load %arg9[%get3A_602, %get3A_603] {strides = array<i32>} : memref<128x128xf32, #tpu.memory_space<vmem>>, vector<1x16xf32>,
        %get3A_605 = vector.shape_cast %get3A_604 : vector<1x16xf32> to vector<16xf32>
        %mul3A_606 = arith.mulf %get3A_605, %gather3A_581 : vector<16xf32>
        %swap3A_607 = arith.index_cast %add3A_576 : i32 to index
        %swap3A_608 = arith.constant 32 : index
        %swap3A_609 = tpu.vector_load %arg9[%swap3A_607, %swap3A_608] {strides = array<i32>} : memref<128x128xf32, #tpu.memory_space<vmem>>, vector<1x16xf32>,
        %swap3A_610 = vector.shape_cast %swap3A_609 : vector<1x16xf32> to vector<16xf32>
        %swap3A_611 = vector.shape_cast %mul3A_606 : vector<16xf32> to vector<1x16xf32>
        tpu.vector_store %arg9[%swap3A_607, %swap3A_608], %swap3A_611 {strides = array<i32>} : memref<128x128xf32, #tpu.memory_space<vmem>>, vector<1x16xf32>,
        %get3A_612 = arith.index_cast %add3A_576 : i32 to index
        %get3A_613 = arith.constant 48 : index
        %get3A_614 = tpu.vector_load %arg9[%get3A_612, %get3A_613] {strides = array<i32>} : memref<128x128xf32, #tpu.memory_space<vmem>>, vector<1x16xf32>,
        %get3A_615 = vector.shape_cast %get3A_614 : vector<1x16xf32> to vector<16xf32>
        %mul3A_616 = arith.mulf %get3A_615, %gather3A_581 : vector<16xf32>
        %swap3A_617 = arith.index_cast %add3A_576 : i32 to index
        %swap3A_618 = arith.constant 48 : index
        %swap3A_619 = tpu.vector_load %arg9[%swap3A_617, %swap3A_618] {strides = array<i32>} : memref<128x128xf32, #tpu.memory_space<vmem>>, vector<1x16xf32>,
        %swap3A_620 = vector.shape_cast %swap3A_619 : vector<1x16xf32> to vector<16xf32>
        %swap3A_621 = vector.shape_cast %mul3A_616 : vector<16xf32> to vector<1x16xf32>
        tpu.vector_store %arg9[%swap3A_617, %swap3A_618], %swap3A_621 {strides = array<i32>} : memref<128x128xf32, #tpu.memory_space<vmem>>, vector<1x16xf32>,
        %get3A_622 = arith.index_cast %add3A_576 : i32 to index
        %get3A_623 = arith.constant 64 : index
        %get3A_624 = tpu.vector_load %arg9[%get3A_622, %get3A_623] {strides = array<i32>} : memref<128x128xf32, #tpu.memory_space<vmem>>, vector<1x16xf32>,
        %get3A_625 = vector.shape_cast %get3A_624 : vector<1x16xf32> to vector<16xf32>
        %mul3A_626 = arith.mulf %get3A_625, %gather3A_581 : vector<16xf32>
        %swap3A_627 = arith.index_cast %add3A_576 : i32 to index
        %swap3A_628 = arith.constant 64 : index
        %swap3A_629 = tpu.vector_load %arg9[%swap3A_627, %swap3A_628] {strides = array<i32>} : memref<128x128xf32, #tpu.memory_space<vmem>>, vector<1x16xf32>,
        %swap3A_630 = vector.shape_cast %swap3A_629 : vector<1x16xf32> to vector<16xf32>
        %swap3A_631 = vector.shape_cast %mul3A_626 : vector<16xf32> to vector<1x16xf32>
        tpu.vector_store %arg9[%swap3A_627, %swap3A_628], %swap3A_631 {strides = array<i32>} : memref<128x128xf32, #tpu.memory_space<vmem>>, vector<1x16xf32>,
        %get3A_632 = arith.index_cast %add3A_576 : i32 to index
        %get3A_633 = arith.constant 80 : index
        %get3A_634 = tpu.vector_load %arg9[%get3A_632, %get3A_633] {strides = array<i32>} : memref<128x128xf32, #tpu.memory_space<vmem>>, vector<1x16xf32>,
        %get3A_635 = vector.shape_cast %get3A_634 : vector<1x16xf32> to vector<16xf32>
        %mul3A_636 = arith.mulf %get3A_635, %gather3A_581 : vector<16xf32>
        %swap3A_637 = arith.index_cast %add3A_576 : i32 to index
        %swap3A_638 = arith.constant 80 : index
        %swap3A_639 = tpu.vector_load %arg9[%swap3A_637, %swap3A_638] {strides = array<i32>} : memref<128x128xf32, #tpu.memory_space<vmem>>, vector<1x16xf32>,
        %swap3A_640 = vector.shape_cast %swap3A_639 : vector<1x16xf32> to vector<16xf32>
        %swap3A_641 = vector.shape_cast %mul3A_636 : vector<16xf32> to vector<1x16xf32>
        tpu.vector_store %arg9[%swap3A_637, %swap3A_638], %swap3A_641 {strides = array<i32>} : memref<128x128xf32, #tpu.memory_space<vmem>>, vector<1x16xf32>,
        %get3A_642 = arith.index_cast %add3A_576 : i32 to index
        %get3A_643 = arith.constant 96 : index
        %get3A_644 = tpu.vector_load %arg9[%get3A_642, %get3A_643] {strides = array<i32>} : memref<128x128xf32, #tpu.memory_space<vmem>>, vector<1x16xf32>,
        %get3A_645 = vector.shape_cast %get3A_644 : vector<1x16xf32> to vector<16xf32>
        %mul3A_646 = arith.mulf %get3A_645, %gather3A_581 : vector<16xf32>
        %swap3A_647 = arith.index_cast %add3A_576 : i32 to index
        %swap3A_648 = arith.constant 96 : index
        %swap3A_649 = tpu.vector_load %arg9[%swap3A_647, %swap3A_648] {strides = array<i32>} : memref<128x128xf32, #tpu.memory_space<vmem>>, vector<1x16xf32>,
        %swap3A_650 = vector.shape_cast %swap3A_649 : vector<1x16xf32> to vector<16xf32>
        %swap3A_651 = vector.shape_cast %mul3A_646 : vector<16xf32> to vector<1x16xf32>
        tpu.vector_store %arg9[%swap3A_647, %swap3A_648], %swap3A_651 {strides = array<i32>} : memref<128x128xf32, #tpu.memory_space<vmem>>, vector<1x16xf32>,
        %get3A_652 = arith.index_cast %add3A_576 : i32 to index
        %get3A_653 = arith.constant 112 : index
        %get3A_654 = tpu.vector_load %arg9[%get3A_652, %get3A_653] {strides = array<i32>} : memref<128x128xf32, #tpu.memory_space<vmem>>, vector<1x16xf32>,
        %get3A_655 = vector.shape_cast %get3A_654 : vector<1x16xf32> to vector<16xf32>
        %mul3A_656 = arith.mulf %get3A_655, %gather3A_581 : vector<16xf32>
        %swap3A_657 = arith.index_cast %add3A_576 : i32 to index
        %swap3A_658 = arith.constant 112 : index
        %swap3A_659 = tpu.vector_load %arg9[%swap3A_657, %swap3A_658] {strides = array<i32>} : memref<128x128xf32, #tpu.memory_space<vmem>>, vector<1x16xf32>,
        %swap3A_660 = vector.shape_cast %swap3A_659 : vector<1x16xf32> to vector<16xf32>
        %swap3A_661 = vector.shape_cast %mul3A_656 : vector<16xf32> to vector<1x16xf32>
        tpu.vector_store %arg9[%swap3A_657, %swap3A_658], %swap3A_661 {strides = array<i32>} : memref<128x128xf32, #tpu.memory_space<vmem>>, vector<1x16xf32>,
        %mul3A_662 = arith.constant 16 : i32
        %mul3A_663 = arith.muli %scan3A_213, %mul3A_662 : i32
        %add3A_664 = arith.constant 5 : i32
        %add3A_665 = arith.addi %mul3A_663, %add3A_664 : i32
        %broadcast_in_dim3A_666 = arith.constant 5 : i32
        %broadcast_in_dim3A_667 = vector.broadcast %broadcast_in_dim3A_666 : i32 to vector<16xi32>
        %broadcast_in_dim3A_668 = vector.shape_cast %broadcast_in_dim3A_667 : vector<16xi32> to vector<16x1xi32>
        %gather3A_669 = vector.shape_cast %broadcast_in_dim3A_668 : vector<16x1xi32> to vector<16xi32>
        %gather3A_670 = tpu.dynamic_gather %get3A_218[%gather3A_669] in [0] : vector<16xf32>, vector<16xi32> -> vector<16xf32>
        %get3A_671 = arith.index_cast %add3A_665 : i32 to index
        %get3A_672 = arith.constant 0 : index
        %get3A_673 = tpu.vector_load %arg9[%get3A_671, %get3A_672] {strides = array<i32>} : memref<128x128xf32, #tpu.memory_space<vmem>>, vector<1x16xf32>,
        %get3A_674 = vector.shape_cast %get3A_673 : vector<1x16xf32> to vector<16xf32>
        %mul3A_675 = arith.mulf %get3A_674, %gather3A_670 : vector<16xf32>
        %swap3A_676 = arith.index_cast %add3A_665 : i32 to index
        %swap3A_677 = arith.constant 0 : index
        %swap3A_678 = tpu.vector_load %arg9[%swap3A_676, %swap3A_677] {strides = array<i32>} : memref<128x128xf32, #tpu.memory_space<vmem>>, vector<1x16xf32>,
        %swap3A_679 = vector.shape_cast %swap3A_678 : vector<1x16xf32> to vector<16xf32>
        %swap3A_680 = vector.shape_cast %mul3A_675 : vector<16xf32> to vector<1x16xf32>
        tpu.vector_store %arg9[%swap3A_676, %swap3A_677], %swap3A_680 {strides = array<i32>} : memref<128x128xf32, #tpu.memory_space<vmem>>, vector<1x16xf32>,
        %get3A_681 = arith.index_cast %add3A_665 : i32 to index
        %get3A_682 = arith.constant 16 : index
        %get3A_683 = tpu.vector_load %arg9[%get3A_681, %get3A_682] {strides = array<i32>} : memref<128x128xf32, #tpu.memory_space<vmem>>, vector<1x16xf32>,
        %get3A_684 = vector.shape_cast %get3A_683 : vector<1x16xf32> to vector<16xf32>
        %mul3A_685 = arith.mulf %get3A_684, %gather3A_670 : vector<16xf32>
        %swap3A_686 = arith.index_cast %add3A_665 : i32 to index
        %swap3A_687 = arith.constant 16 : index
        %swap3A_688 = tpu.vector_load %arg9[%swap3A_686, %swap3A_687] {strides = array<i32>} : memref<128x128xf32, #tpu.memory_space<vmem>>, vector<1x16xf32>,
        %swap3A_689 = vector.shape_cast %swap3A_688 : vector<1x16xf32> to vector<16xf32>
        %swap3A_690 = vector.shape_cast %mul3A_685 : vector<16xf32> to vector<1x16xf32>
        tpu.vector_store %arg9[%swap3A_686, %swap3A_687], %swap3A_690 {strides = array<i32>} : memref<128x128xf32, #tpu.memory_space<vmem>>, vector<1x16xf32>,
        %get3A_691 = arith.index_cast %add3A_665 : i32 to index
        %get3A_692 = arith.constant 32 : index
        %get3A_693 = tpu.vector_load %arg9[%get3A_691, %get3A_692] {strides = array<i32>} : memref<128x128xf32, #tpu.memory_space<vmem>>, vector<1x16xf32>,
        %get3A_694 = vector.shape_cast %get3A_693 : vector<1x16xf32> to vector<16xf32>
        %mul3A_695 = arith.mulf %get3A_694, %gather3A_670 : vector<16xf32>
        %swap3A_696 = arith.index_cast %add3A_665 : i32 to index
        %swap3A_697 = arith.constant 32 : index
        %swap3A_698 = tpu.vector_load %arg9[%swap3A_696, %swap3A_697] {strides = array<i32>} : memref<128x128xf32, #tpu.memory_space<vmem>>, vector<1x16xf32>,
        %swap3A_699 = vector.shape_cast %swap3A_698 : vector<1x16xf32> to vector<16xf32>
        %swap3A_700 = vector.shape_cast %mul3A_695 : vector<16xf32> to vector<1x16xf32>
        tpu.vector_store %arg9[%swap3A_696, %swap3A_697], %swap3A_700 {strides = array<i32>} : memref<128x128xf32, #tpu.memory_space<vmem>>, vector<1x16xf32>,
        %get3A_701 = arith.index_cast %add3A_665 : i32 to index
        %get3A_702 = arith.constant 48 : index
        %get3A_703 = tpu.vector_load %arg9[%get3A_701, %get3A_702] {strides = array<i32>} : memref<128x128xf32, #tpu.memory_space<vmem>>, vector<1x16xf32>,
        %get3A_704 = vector.shape_cast %get3A_703 : vector<1x16xf32> to vector<16xf32>
        %mul3A_705 = arith.mulf %get3A_704, %gather3A_670 : vector<16xf32>
        %swap3A_706 = arith.index_cast %add3A_665 : i32 to index
        %swap3A_707 = arith.constant 48 : index
        %swap3A_708 = tpu.vector_load %arg9[%swap3A_706, %swap3A_707] {strides = array<i32>} : memref<128x128xf32, #tpu.memory_space<vmem>>, vector<1x16xf32>,
        %swap3A_709 = vector.shape_cast %swap3A_708 : vector<1x16xf32> to vector<16xf32>
        %swap3A_710 = vector.shape_cast %mul3A_705 : vector<16xf32> to vector<1x16xf32>
        tpu.vector_store %arg9[%swap3A_706, %swap3A_707], %swap3A_710 {strides = array<i32>} : memref<128x128xf32, #tpu.memory_space<vmem>>, vector<1x16xf32>,
        %get3A_711 = arith.index_cast %add3A_665 : i32 to index
        %get3A_712 = arith.constant 64 : index
        %get3A_713 = tpu.vector_load %arg9[%get3A_711, %get3A_712] {strides = array<i32>} : memref<128x128xf32, #tpu.memory_space<vmem>>, vector<1x16xf32>,
        %get3A_714 = vector.shape_cast %get3A_713 : vector<1x16xf32> to vector<16xf32>
        %mul3A_715 = arith.mulf %get3A_714, %gather3A_670 : vector<16xf32>
        %swap3A_716 = arith.index_cast %add3A_665 : i32 to index
        %swap3A_717 = arith.constant 64 : index
        %swap3A_718 = tpu.vector_load %arg9[%swap3A_716, %swap3A_717] {strides = array<i32>} : memref<128x128xf32, #tpu.memory_space<vmem>>, vector<1x16xf32>,
        %swap3A_719 = vector.shape_cast %swap3A_718 : vector<1x16xf32> to vector<16xf32>
        %swap3A_720 = vector.shape_cast %mul3A_715 : vector<16xf32> to vector<1x16xf32>
        tpu.vector_store %arg9[%swap3A_716, %swap3A_717], %swap3A_720 {strides = array<i32>} : memref<128x128xf32, #tpu.memory_space<vmem>>, vector<1x16xf32>,
        %get3A_721 = arith.index_cast %add3A_665 : i32 to index
        %get3A_722 = arith.constant 80 : index
        %get3A_723 = tpu.vector_load %arg9[%get3A_721, %get3A_722] {strides = array<i32>} : memref<128x128xf32, #tpu.memory_space<vmem>>, vector<1x16xf32>,
        %get3A_724 = vector.shape_cast %get3A_723 : vector<1x16xf32> to vector<16xf32>
        %mul3A_725 = arith.mulf %get3A_724, %gather3A_670 : vector<16xf32>
        %swap3A_726 = arith.index_cast %add3A_665 : i32 to index
        %swap3A_727 = arith.constant 80 : index
        %swap3A_728 = tpu.vector_load %arg9[%swap3A_726, %swap3A_727] {strides = array<i32>} : memref<128x128xf32, #tpu.memory_space<vmem>>, vector<1x16xf32>,
        %swap3A_729 = vector.shape_cast %swap3A_728 : vector<1x16xf32> to vector<16xf32>
        %swap3A_730 = vector.shape_cast %mul3A_725 : vector<16xf32> to vector<1x16xf32>
        tpu.vector_store %arg9[%swap3A_726, %swap3A_727], %swap3A_730 {strides = array<i32>} : memref<128x128xf32, #tpu.memory_space<vmem>>, vector<1x16xf32>,
        %get3A_731 = arith.index_cast %add3A_665 : i32 to index
        %get3A_732 = arith.constant 96 : index
        %get3A_733 = tpu.vector_load %arg9[%get3A_731, %get3A_732] {strides = array<i32>} : memref<128x128xf32, #tpu.memory_space<vmem>>, vector<1x16xf32>,
        %get3A_734 = vector.shape_cast %get3A_733 : vector<1x16xf32> to vector<16xf32>
        %mul3A_735 = arith.mulf %get3A_734, %gather3A_670 : vector<16xf32>
        %swap3A_736 = arith.index_cast %add3A_665 : i32 to index
        %swap3A_737 = arith.constant 96 : index
        %swap3A_738 = tpu.vector_load %arg9[%swap3A_736, %swap3A_737] {strides = array<i32>} : memref<128x128xf32, #tpu.memory_space<vmem>>, vector<1x16xf32>,
        %swap3A_739 = vector.shape_cast %swap3A_738 : vector<1x16xf32> to vector<16xf32>
        %swap3A_740 = vector.shape_cast %mul3A_735 : vector<16xf32> to vector<1x16xf32>
        tpu.vector_store %arg9[%swap3A_736, %swap3A_737], %swap3A_740 {strides = array<i32>} : memref<128x128xf32, #tpu.memory_space<vmem>>, vector<1x16xf32>,
        %get3A_741 = arith.index_cast %add3A_665 : i32 to index
        %get3A_742 = arith.constant 112 : index
        %get3A_743 = tpu.vector_load %arg9[%get3A_741, %get3A_742] {strides = array<i32>} : memref<128x128xf32, #tpu.memory_space<vmem>>, vector<1x16xf32>,
        %get3A_744 = vector.shape_cast %get3A_743 : vector<1x16xf32> to vector<16xf32>
        %mul3A_745 = arith.mulf %get3A_744, %gather3A_670 : vector<16xf32>
        %swap3A_746 = arith.index_cast %add3A_665 : i32 to index
        %swap3A_747 = arith.constant 112 : index
        %swap3A_748 = tpu.vector_load %arg9[%swap3A_746, %swap3A_747] {strides = array<i32>} : memref<128x128xf32, #tpu.memory_space<vmem>>, vector<1x16xf32>,
        %swap3A_749 = vector.shape_cast %swap3A_748 : vector<1x16xf32> to vector<16xf32>
        %swap3A_750 = vector.shape_cast %mul3A_745 : vector<16xf32> to vector<1x16xf32>
        tpu.vector_store %arg9[%swap3A_746, %swap3A_747], %swap3A_750 {strides = array<i32>} : memref<128x128xf32, #tpu.memory_space<vmem>>, vector<1x16xf32>,
        %mul3A_751 = arith.constant 16 : i32
        %mul3A_752 = arith.muli %scan3A_213, %mul3A_751 : i32
        %add3A_753 = arith.constant 6 : i32
        %add3A_754 = arith.addi %mul3A_752, %add3A_753 : i32
        %broadcast_in_dim3A_755 = arith.constant 6 : i32
        %broadcast_in_dim3A_756 = vector.broadcast %broadcast_in_dim3A_755 : i32 to vector<16xi32>
        %broadcast_in_dim3A_757 = vector.shape_cast %broadcast_in_dim3A_756 : vector<16xi32> to vector<16x1xi32>
        %gather3A_758 = vector.shape_cast %broadcast_in_dim3A_757 : vector<16x1xi32> to vector<16xi32>
        %gather3A_759 = tpu.dynamic_gather %get3A_218[%gather3A_758] in [0] : vector<16xf32>, vector<16xi32> -> vector<16xf32>
        %get3A_760 = arith.index_cast %add3A_754 : i32 to index
        %get3A_761 = arith.constant 0 : index
        %get3A_762 = tpu.vector_load %arg9[%get3A_760, %get3A_761] {strides = array<i32>} : memref<128x128xf32, #tpu.memory_space<vmem>>, vector<1x16xf32>,
        %get3A_763 = vector.shape_cast %get3A_762 : vector<1x16xf32> to vector<16xf32>
        %mul3A_764 = arith.mulf %get3A_763, %gather3A_759 : vector<16xf32>
        %swap3A_765 = arith.index_cast %add3A_754 : i32 to index
        %swap3A_766 = arith.constant 0 : index
        %swap3A_767 = tpu.vector_load %arg9[%swap3A_765, %swap3A_766] {strides = array<i32>} : memref<128x128xf32, #tpu.memory_space<vmem>>, vector<1x16xf32>,
        %swap3A_768 = vector.shape_cast %swap3A_767 : vector<1x16xf32> to vector<16xf32>
        %swap3A_769 = vector.shape_cast %mul3A_764 : vector<16xf32> to vector<1x16xf32>
        tpu.vector_store %arg9[%swap3A_765, %swap3A_766], %swap3A_769 {strides = array<i32>} : memref<128x128xf32, #tpu.memory_space<vmem>>, vector<1x16xf32>,
        %get3A_770 = arith.index_cast %add3A_754 : i32 to index
        %get3A_771 = arith.constant 16 : index
        %get3A_772 = tpu.vector_load %arg9[%get3A_770, %get3A_771] {strides = array<i32>} : memref<128x128xf32, #tpu.memory_space<vmem>>, vector<1x16xf32>,
        %get3A_773 = vector.shape_cast %get3A_772 : vector<1x16xf32> to vector<16xf32>
        %mul3A_774 = arith.mulf %get3A_773, %gather3A_759 : vector<16xf32>
        %swap3A_775 = arith.index_cast %add3A_754 : i32 to index
        %swap3A_776 = arith.constant 16 : index
        %swap3A_777 = tpu.vector_load %arg9[%swap3A_775, %swap3A_776] {strides = array<i32>} : memref<128x128xf32, #tpu.memory_space<vmem>>, vector<1x16xf32>,
        %swap3A_778 = vector.shape_cast %swap3A_777 : vector<1x16xf32> to vector<16xf32>
        %swap3A_779 = vector.shape_cast %mul3A_774 : vector<16xf32> to vector<1x16xf32>
        tpu.vector_store %arg9[%swap3A_775, %swap3A_776], %swap3A_779 {strides = array<i32>} : memref<128x128xf32, #tpu.memory_space<vmem>>, vector<1x16xf32>,
        %get3A_780 = arith.index_cast %add3A_754 : i32 to index
        %get3A_781 = arith.constant 32 : index
        %get3A_782 = tpu.vector_load %arg9[%get3A_780, %get3A_781] {strides = array<i32>} : memref<128x128xf32, #tpu.memory_space<vmem>>, vector<1x16xf32>,
        %get3A_783 = vector.shape_cast %get3A_782 : vector<1x16xf32> to vector<16xf32>
        %mul3A_784 = arith.mulf %get3A_783, %gather3A_759 : vector<16xf32>
        %swap3A_785 = arith.index_cast %add3A_754 : i32 to index
        %swap3A_786 = arith.constant 32 : index
        %swap3A_787 = tpu.vector_load %arg9[%swap3A_785, %swap3A_786] {strides = array<i32>} : memref<128x128xf32, #tpu.memory_space<vmem>>, vector<1x16xf32>,
        %swap3A_788 = vector.shape_cast %swap3A_787 : vector<1x16xf32> to vector<16xf32>
        %swap3A_789 = vector.shape_cast %mul3A_784 : vector<16xf32> to vector<1x16xf32>
        tpu.vector_store %arg9[%swap3A_785, %swap3A_786], %swap3A_789 {strides = array<i32>} : memref<128x128xf32, #tpu.memory_space<vmem>>, vector<1x16xf32>,
        %get3A_790 = arith.index_cast %add3A_754 : i32 to index
        %get3A_791 = arith.constant 48 : index
        %get3A_792 = tpu.vector_load %arg9[%get3A_790, %get3A_791] {strides = array<i32>} : memref<128x128xf32, #tpu.memory_space<vmem>>, vector<1x16xf32>,
        %get3A_793 = vector.shape_cast %get3A_792 : vector<1x16xf32> to vector<16xf32>
        %mul3A_794 = arith.mulf %get3A_793, %gather3A_759 : vector<16xf32>
        %swap3A_795 = arith.index_cast %add3A_754 : i32 to index
        %swap3A_796 = arith.constant 48 : index
        %swap3A_797 = tpu.vector_load %arg9[%swap3A_795, %swap3A_796] {strides = array<i32>} : memref<128x128xf32, #tpu.memory_space<vmem>>, vector<1x16xf32>,
        %swap3A_798 = vector.shape_cast %swap3A_797 : vector<1x16xf32> to vector<16xf32>
        %swap3A_799 = vector.shape_cast %mul3A_794 : vector<16xf32> to vector<1x16xf32>
        tpu.vector_store %arg9[%swap3A_795, %swap3A_796], %swap3A_799 {strides = array<i32>} : memref<128x128xf32, #tpu.memory_space<vmem>>, vector<1x16xf32>,
        %get3A_800 = arith.index_cast %add3A_754 : i32 to index
        %get3A_801 = arith.constant 64 : index
        %get3A_802 = tpu.vector_load %arg9[%get3A_800, %get3A_801] {strides = array<i32>} : memref<128x128xf32, #tpu.memory_space<vmem>>, vector<1x16xf32>,
        %get3A_803 = vector.shape_cast %get3A_802 : vector<1x16xf32> to vector<16xf32>
        %mul3A_804 = arith.mulf %get3A_803, %gather3A_759 : vector<16xf32>
        %swap3A_805 = arith.index_cast %add3A_754 : i32 to index
        %swap3A_806 = arith.constant 64 : index
        %swap3A_807 = tpu.vector_load %arg9[%swap3A_805, %swap3A_806] {strides = array<i32>} : memref<128x128xf32, #tpu.memory_space<vmem>>, vector<1x16xf32>,
        %swap3A_808 = vector.shape_cast %swap3A_807 : vector<1x16xf32> to vector<16xf32>
        %swap3A_809 = vector.shape_cast %mul3A_804 : vector<16xf32> to vector<1x16xf32>
        tpu.vector_store %arg9[%swap3A_805, %swap3A_806], %swap3A_809 {strides = array<i32>} : memref<128x128xf32, #tpu.memory_space<vmem>>, vector<1x16xf32>,
        %get3A_810 = arith.index_cast %add3A_754 : i32 to index
        %get3A_811 = arith.constant 80 : index
        %get3A_812 = tpu.vector_load %arg9[%get3A_810, %get3A_811] {strides = array<i32>} : memref<128x128xf32, #tpu.memory_space<vmem>>, vector<1x16xf32>,
        %get3A_813 = vector.shape_cast %get3A_812 : vector<1x16xf32> to vector<16xf32>
        %mul3A_814 = arith.mulf %get3A_813, %gather3A_759 : vector<16xf32>
        %swap3A_815 = arith.index_cast %add3A_754 : i32 to index
        %swap3A_816 = arith.constant 80 : index
        %swap3A_817 = tpu.vector_load %arg9[%swap3A_815, %swap3A_816] {strides = array<i32>} : memref<128x128xf32, #tpu.memory_space<vmem>>, vector<1x16xf32>,
        %swap3A_818 = vector.shape_cast %swap3A_817 : vector<1x16xf32> to vector<16xf32>
        %swap3A_819 = vector.shape_cast %mul3A_814 : vector<16xf32> to vector<1x16xf32>
        tpu.vector_store %arg9[%swap3A_815, %swap3A_816], %swap3A_819 {strides = array<i32>} : memref<128x128xf32, #tpu.memory_space<vmem>>, vector<1x16xf32>,
        %get3A_820 = arith.index_cast %add3A_754 : i32 to index
        %get3A_821 = arith.constant 96 : index
        %get3A_822 = tpu.vector_load %arg9[%get3A_820, %get3A_821] {strides = array<i32>} : memref<128x128xf32, #tpu.memory_space<vmem>>, vector<1x16xf32>,
        %get3A_823 = vector.shape_cast %get3A_822 : vector<1x16xf32> to vector<16xf32>
        %mul3A_824 = arith.mulf %get3A_823, %gather3A_759 : vector<16xf32>
        %swap3A_825 = arith.index_cast %add3A_754 : i32 to index
        %swap3A_826 = arith.constant 96 : index
        %swap3A_827 = tpu.vector_load %arg9[%swap3A_825, %swap3A_826] {strides = array<i32>} : memref<128x128xf32, #tpu.memory_space<vmem>>, vector<1x16xf32>,
        %swap3A_828 = vector.shape_cast %swap3A_827 : vector<1x16xf32> to vector<16xf32>
        %swap3A_829 = vector.shape_cast %mul3A_824 : vector<16xf32> to vector<1x16xf32>
        tpu.vector_store %arg9[%swap3A_825, %swap3A_826], %swap3A_829 {strides = array<i32>} : memref<128x128xf32, #tpu.memory_space<vmem>>, vector<1x16xf32>,
        %get3A_830 = arith.index_cast %add3A_754 : i32 to index
        %get3A_831 = arith.constant 112 : index
        %get3A_832 = tpu.vector_load %arg9[%get3A_830, %get3A_831] {strides = array<i32>} : memref<128x128xf32, #tpu.memory_space<vmem>>, vector<1x16xf32>,
        %get3A_833 = vector.shape_cast %get3A_832 : vector<1x16xf32> to vector<16xf32>
        %mul3A_834 = arith.mulf %get3A_833, %gather3A_759 : vector<16xf32>
        %swap3A_835 = arith.index_cast %add3A_754 : i32 to index
        %swap3A_836 = arith.constant 112 : index
        %swap3A_837 = tpu.vector_load %arg9[%swap3A_835, %swap3A_836] {strides = array<i32>} : memref<128x128xf32, #tpu.memory_space<vmem>>, vector<1x16xf32>,
        %swap3A_838 = vector.shape_cast %swap3A_837 : vector<1x16xf32> to vector<16xf32>
        %swap3A_839 = vector.shape_cast %mul3A_834 : vector<16xf32> to vector<1x16xf32>
        tpu.vector_store %arg9[%swap3A_835, %swap3A_836], %swap3A_839 {strides = array<i32>} : memref<128x128xf32, #tpu.memory_space<vmem>>, vector<1x16xf32>,
        %mul3A_840 = arith.constant 16 : i32
        %mul3A_841 = arith.muli %scan3A_213, %mul3A_840 : i32
        %add3A_842 = arith.constant 7 : i32
        %add3A_843 = arith.addi %mul3A_841, %add3A_842 : i32
        %broadcast_in_dim3A_844 = arith.constant 7 : i32
        %broadcast_in_dim3A_845 = vector.broadcast %broadcast_in_dim3A_844 : i32 to vector<16xi32>
        %broadcast_in_dim3A_846 = vector.shape_cast %broadcast_in_dim3A_845 : vector<16xi32> to vector<16x1xi32>
        %gather3A_847 = vector.shape_cast %broadcast_in_dim3A_846 : vector<16x1xi32> to vector<16xi32>
        %gather3A_848 = tpu.dynamic_gather %get3A_218[%gather3A_847] in [0] : vector<16xf32>, vector<16xi32> -> vector<16xf32>
        %get3A_849 = arith.index_cast %add3A_843 : i32 to index
        %get3A_850 = arith.constant 0 : index
        %get3A_851 = tpu.vector_load %arg9[%get3A_849, %get3A_850] {strides = array<i32>} : memref<128x128xf32, #tpu.memory_space<vmem>>, vector<1x16xf32>,
        %get3A_852 = vector.shape_cast %get3A_851 : vector<1x16xf32> to vector<16xf32>
        %mul3A_853 = arith.mulf %get3A_852, %gather3A_848 : vector<16xf32>
        %swap3A_854 = arith.index_cast %add3A_843 : i32 to index
        %swap3A_855 = arith.constant 0 : index
        %swap3A_856 = tpu.vector_load %arg9[%swap3A_854, %swap3A_855] {strides = array<i32>} : memref<128x128xf32, #tpu.memory_space<vmem>>, vector<1x16xf32>,
        %swap3A_857 = vector.shape_cast %swap3A_856 : vector<1x16xf32> to vector<16xf32>
        %swap3A_858 = vector.shape_cast %mul3A_853 : vector<16xf32> to vector<1x16xf32>
        tpu.vector_store %arg9[%swap3A_854, %swap3A_855], %swap3A_858 {strides = array<i32>} : memref<128x128xf32, #tpu.memory_space<vmem>>, vector<1x16xf32>,
        %get3A_859 = arith.index_cast %add3A_843 : i32 to index
        %get3A_860 = arith.constant 16 : index
        %get3A_861 = tpu.vector_load %arg9[%get3A_859, %get3A_860] {strides = array<i32>} : memref<128x128xf32, #tpu.memory_space<vmem>>, vector<1x16xf32>,
        %get3A_862 = vector.shape_cast %get3A_861 : vector<1x16xf32> to vector<16xf32>
        %mul3A_863 = arith.mulf %get3A_862, %gather3A_848 : vector<16xf32>
        %swap3A_864 = arith.index_cast %add3A_843 : i32 to index
        %swap3A_865 = arith.constant 16 : index
        %swap3A_866 = tpu.vector_load %arg9[%swap3A_864, %swap3A_865] {strides = array<i32>} : memref<128x128xf32, #tpu.memory_space<vmem>>, vector<1x16xf32>,
        %swap3A_867 = vector.shape_cast %swap3A_866 : vector<1x16xf32> to vector<16xf32>
        %swap3A_868 = vector.shape_cast %mul3A_863 : vector<16xf32> to vector<1x16xf32>
        tpu.vector_store %arg9[%swap3A_864, %swap3A_865], %swap3A_868 {strides = array<i32>} : memref<128x128xf32, #tpu.memory_space<vmem>>, vector<1x16xf32>,
        %get3A_869 = arith.index_cast %add3A_843 : i32 to index
        %get3A_870 = arith.constant 32 : index
        %get3A_871 = tpu.vector_load %arg9[%get3A_869, %get3A_870] {strides = array<i32>} : memref<128x128xf32, #tpu.memory_space<vmem>>, vector<1x16xf32>,
        %get3A_872 = vector.shape_cast %get3A_871 : vector<1x16xf32> to vector<16xf32>
        %mul3A_873 = arith.mulf %get3A_872, %gather3A_848 : vector<16xf32>
        %swap3A_874 = arith.index_cast %add3A_843 : i32 to index
        %swap3A_875 = arith.constant 32 : index
        %swap3A_876 = tpu.vector_load %arg9[%swap3A_874, %swap3A_875] {strides = array<i32>} : memref<128x128xf32, #tpu.memory_space<vmem>>, vector<1x16xf32>,
        %swap3A_877 = vector.shape_cast %swap3A_876 : vector<1x16xf32> to vector<16xf32>
        %swap3A_878 = vector.shape_cast %mul3A_873 : vector<16xf32> to vector<1x16xf32>
        tpu.vector_store %arg9[%swap3A_874, %swap3A_875], %swap3A_878 {strides = array<i32>} : memref<128x128xf32, #tpu.memory_space<vmem>>, vector<1x16xf32>,
        %get3A_879 = arith.index_cast %add3A_843 : i32 to index
        %get3A_880 = arith.constant 48 : index
        %get3A_881 = tpu.vector_load %arg9[%get3A_879, %get3A_880] {strides = array<i32>} : memref<128x128xf32, #tpu.memory_space<vmem>>, vector<1x16xf32>,
        %get3A_882 = vector.shape_cast %get3A_881 : vector<1x16xf32> to vector<16xf32>
        %mul3A_883 = arith.mulf %get3A_882, %gather3A_848 : vector<16xf32>
        %swap3A_884 = arith.index_cast %add3A_843 : i32 to index
        %swap3A_885 = arith.constant 48 : index
        %swap3A_886 = tpu.vector_load %arg9[%swap3A_884, %swap3A_885] {strides = array<i32>} : memref<128x128xf32, #tpu.memory_space<vmem>>, vector<1x16xf32>,
        %swap3A_887 = vector.shape_cast %swap3A_886 : vector<1x16xf32> to vector<16xf32>
        %swap3A_888 = vector.shape_cast %mul3A_883 : vector<16xf32> to vector<1x16xf32>
        tpu.vector_store %arg9[%swap3A_884, %swap3A_885], %swap3A_888 {strides = array<i32>} : memref<128x128xf32, #tpu.memory_space<vmem>>, vector<1x16xf32>,
        %get3A_889 = arith.index_cast %add3A_843 : i32 to index
        %get3A_890 = arith.constant 64 : index
        %get3A_891 = tpu.vector_load %arg9[%get3A_889, %get3A_890] {strides = array<i32>} : memref<128x128xf32, #tpu.memory_space<vmem>>, vector<1x16xf32>,
        %get3A_892 = vector.shape_cast %get3A_891 : vector<1x16xf32> to vector<16xf32>
        %mul3A_893 = arith.mulf %get3A_892, %gather3A_848 : vector<16xf32>
        %swap3A_894 = arith.index_cast %add3A_843 : i32 to index
        %swap3A_895 = arith.constant 64 : index
        %swap3A_896 = tpu.vector_load %arg9[%swap3A_894, %swap3A_895] {strides = array<i32>} : memref<128x128xf32, #tpu.memory_space<vmem>>, vector<1x16xf32>,
        %swap3A_897 = vector.shape_cast %swap3A_896 : vector<1x16xf32> to vector<16xf32>
        %swap3A_898 = vector.shape_cast %mul3A_893 : vector<16xf32> to vector<1x16xf32>
        tpu.vector_store %arg9[%swap3A_894, %swap3A_895], %swap3A_898 {strides = array<i32>} : memref<128x128xf32, #tpu.memory_space<vmem>>, vector<1x16xf32>,
        %get3A_899 = arith.index_cast %add3A_843 : i32 to index
        %get3A_900 = arith.constant 80 : index
        %get3A_901 = tpu.vector_load %arg9[%get3A_899, %get3A_900] {strides = array<i32>} : memref<128x128xf32, #tpu.memory_space<vmem>>, vector<1x16xf32>,
        %get3A_902 = vector.shape_cast %get3A_901 : vector<1x16xf32> to vector<16xf32>
        %mul3A_903 = arith.mulf %get3A_902, %gather3A_848 : vector<16xf32>
        %swap3A_904 = arith.index_cast %add3A_843 : i32 to index
        %swap3A_905 = arith.constant 80 : index
        %swap3A_906 = tpu.vector_load %arg9[%swap3A_904, %swap3A_905] {strides = array<i32>} : memref<128x128xf32, #tpu.memory_space<vmem>>, vector<1x16xf32>,
        %swap3A_907 = vector.shape_cast %swap3A_906 : vector<1x16xf32> to vector<16xf32>
        %swap3A_908 = vector.shape_cast %mul3A_903 : vector<16xf32> to vector<1x16xf32>
        tpu.vector_store %arg9[%swap3A_904, %swap3A_905], %swap3A_908 {strides = array<i32>} : memref<128x128xf32, #tpu.memory_space<vmem>>, vector<1x16xf32>,
        %get3A_909 = arith.index_cast %add3A_843 : i32 to index
        %get3A_910 = arith.constant 96 : index
        %get3A_911 = tpu.vector_load %arg9[%get3A_909, %get3A_910] {strides = array<i32>} : memref<128x128xf32, #tpu.memory_space<vmem>>, vector<1x16xf32>,
        %get3A_912 = vector.shape_cast %get3A_911 : vector<1x16xf32> to vector<16xf32>
        %mul3A_913 = arith.mulf %get3A_912, %gather3A_848 : vector<16xf32>
        %swap3A_914 = arith.index_cast %add3A_843 : i32 to index
        %swap3A_915 = arith.constant 96 : index
        %swap3A_916 = tpu.vector_load %arg9[%swap3A_914, %swap3A_915] {strides = array<i32>} : memref<128x128xf32, #tpu.memory_space<vmem>>, vector<1x16xf32>,
        %swap3A_917 = vector.shape_cast %swap3A_916 : vector<1x16xf32> to vector<16xf32>
        %swap3A_918 = vector.shape_cast %mul3A_913 : vector<16xf32> to vector<1x16xf32>
        tpu.vector_store %arg9[%swap3A_914, %swap3A_915], %swap3A_918 {strides = array<i32>} : memref<128x128xf32, #tpu.memory_space<vmem>>, vector<1x16xf32>,
        %get3A_919 = arith.index_cast %add3A_843 : i32 to index
        %get3A_920 = arith.constant 112 : index
        %get3A_921 = tpu.vector_load %arg9[%get3A_919, %get3A_920] {strides = array<i32>} : memref<128x128xf32, #tpu.memory_space<vmem>>, vector<1x16xf32>,
        %get3A_922 = vector.shape_cast %get3A_921 : vector<1x16xf32> to vector<16xf32>
        %mul3A_923 = arith.mulf %get3A_922, %gather3A_848 : vector<16xf32>
        %swap3A_924 = arith.index_cast %add3A_843 : i32 to index
        %swap3A_925 = arith.constant 112 : index
        %swap3A_926 = tpu.vector_load %arg9[%swap3A_924, %swap3A_925] {strides = array<i32>} : memref<128x128xf32, #tpu.memory_space<vmem>>, vector<1x16xf32>,
        %swap3A_927 = vector.shape_cast %swap3A_926 : vector<1x16xf32> to vector<16xf32>
        %swap3A_928 = vector.shape_cast %mul3A_923 : vector<16xf32> to vector<1x16xf32>
        tpu.vector_store %arg9[%swap3A_924, %swap3A_925], %swap3A_928 {strides = array<i32>} : memref<128x128xf32, #tpu.memory_space<vmem>>, vector<1x16xf32>,
        %mul3A_929 = arith.constant 16 : i32
        %mul3A_930 = arith.muli %scan3A_213, %mul3A_929 : i32
        %add3A_931 = arith.constant 8 : i32
        %add3A_932 = arith.addi %mul3A_930, %add3A_931 : i32
        %broadcast_in_dim3A_933 = arith.constant 8 : i32
        %broadcast_in_dim3A_934 = vector.broadcast %broadcast_in_dim3A_933 : i32 to vector<16xi32>
        %broadcast_in_dim3A_935 = vector.shape_cast %broadcast_in_dim3A_934 : vector<16xi32> to vector<16x1xi32>
        %gather3A_936 = vector.shape_cast %broadcast_in_dim3A_935 : vector<16x1xi32> to vector<16xi32>
        %gather3A_937 = tpu.dynamic_gather %get3A_218[%gather3A_936] in [0] : vector<16xf32>, vector<16xi32> -> vector<16xf32>
        %get3A_938 = arith.index_cast %add3A_932 : i32 to index
        %get3A_939 = arith.constant 0 : index
        %get3A_940 = tpu.vector_load %arg9[%get3A_938, %get3A_939] {strides = array<i32>} : memref<128x128xf32, #tpu.memory_space<vmem>>, vector<1x16xf32>,
        %get3A_941 = vector.shape_cast %get3A_940 : vector<1x16xf32> to vector<16xf32>
        %mul3A_942 = arith.mulf %get3A_941, %gather3A_937 : vector<16xf32>
        %swap3A_943 = arith.index_cast %add3A_932 : i32 to index
        %swap3A_944 = arith.constant 0 : index
        %swap3A_945 = tpu.vector_load %arg9[%swap3A_943, %swap3A_944] {strides = array<i32>} : memref<128x128xf32, #tpu.memory_space<vmem>>, vector<1x16xf32>,
        %swap3A_946 = vector.shape_cast %swap3A_945 : vector<1x16xf32> to vector<16xf32>
        %swap3A_947 = vector.shape_cast %mul3A_942 : vector<16xf32> to vector<1x16xf32>
        tpu.vector_store %arg9[%swap3A_943, %swap3A_944], %swap3A_947 {strides = array<i32>} : memref<128x128xf32, #tpu.memory_space<vmem>>, vector<1x16xf32>,
        %get3A_948 = arith.index_cast %add3A_932 : i32 to index
        %get3A_949 = arith.constant 16 : index
        %get3A_950 = tpu.vector_load %arg9[%get3A_948, %get3A_949] {strides = array<i32>} : memref<128x128xf32, #tpu.memory_space<vmem>>, vector<1x16xf32>,
        %get3A_951 = vector.shape_cast %get3A_950 : vector<1x16xf32> to vector<16xf32>
        %mul3A_952 = arith.mulf %get3A_951, %gather3A_937 : vector<16xf32>
        %swap3A_953 = arith.index_cast %add3A_932 : i32 to index
        %swap3A_954 = arith.constant 16 : index
        %swap3A_955 = tpu.vector_load %arg9[%swap3A_953, %swap3A_954] {strides = array<i32>} : memref<128x128xf32, #tpu.memory_space<vmem>>, vector<1x16xf32>,
        %swap3A_956 = vector.shape_cast %swap3A_955 : vector<1x16xf32> to vector<16xf32>
        %swap3A_957 = vector.shape_cast %mul3A_952 : vector<16xf32> to vector<1x16xf32>
        tpu.vector_store %arg9[%swap3A_953, %swap3A_954], %swap3A_957 {strides = array<i32>} : memref<128x128xf32, #tpu.memory_space<vmem>>, vector<1x16xf32>,
        %get3A_958 = arith.index_cast %add3A_932 : i32 to index
        %get3A_959 = arith.constant 32 : index
        %get3A_960 = tpu.vector_load %arg9[%get3A_958, %get3A_959] {strides = array<i32>} : memref<128x128xf32, #tpu.memory_space<vmem>>, vector<1x16xf32>,
        %get3A_961 = vector.shape_cast %get3A_960 : vector<1x16xf32> to vector<16xf32>
        %mul3A_962 = arith.mulf %get3A_961, %gather3A_937 : vector<16xf32>
        %swap3A_963 = arith.index_cast %add3A_932 : i32 to index
        %swap3A_964 = arith.constant 32 : index
        %swap3A_965 = tpu.vector_load %arg9[%swap3A_963, %swap3A_964] {strides = array<i32>} : memref<128x128xf32, #tpu.memory_space<vmem>>, vector<1x16xf32>,
        %swap3A_966 = vector.shape_cast %swap3A_965 : vector<1x16xf32> to vector<16xf32>
        %swap3A_967 = vector.shape_cast %mul3A_962 : vector<16xf32> to vector<1x16xf32>
        tpu.vector_store %arg9[%swap3A_963, %swap3A_964], %swap3A_967 {strides = array<i32>} : memref<128x128xf32, #tpu.memory_space<vmem>>, vector<1x16xf32>,
        %get3A_968 = arith.index_cast %add3A_932 : i32 to index
        %get3A_969 = arith.constant 48 : index
        %get3A_970 = tpu.vector_load %arg9[%get3A_968, %get3A_969] {strides = array<i32>} : memref<128x128xf32, #tpu.memory_space<vmem>>, vector<1x16xf32>,
        %get3A_971 = vector.shape_cast %get3A_970 : vector<1x16xf32> to vector<16xf32>
        %mul3A_972 = arith.mulf %get3A_971, %gather3A_937 : vector<16xf32>
        %swap3A_973 = arith.index_cast %add3A_932 : i32 to index
        %swap3A_974 = arith.constant 48 : index
        %swap3A_975 = tpu.vector_load %arg9[%swap3A_973, %swap3A_974] {strides = array<i32>} : memref<128x128xf32, #tpu.memory_space<vmem>>, vector<1x16xf32>,
        %swap3A_976 = vector.shape_cast %swap3A_975 : vector<1x16xf32> to vector<16xf32>
        %swap3A_977 = vector.shape_cast %mul3A_972 : vector<16xf32> to vector<1x16xf32>
        tpu.vector_store %arg9[%swap3A_973, %swap3A_974], %swap3A_977 {strides = array<i32>} : memref<128x128xf32, #tpu.memory_space<vmem>>, vector<1x16xf32>,
        %get3A_978 = arith.index_cast %add3A_932 : i32 to index
        %get3A_979 = arith.constant 64 : index
        %get3A_980 = tpu.vector_load %arg9[%get3A_978, %get3A_979] {strides = array<i32>} : memref<128x128xf32, #tpu.memory_space<vmem>>, vector<1x16xf32>,
        %get3A_981 = vector.shape_cast %get3A_980 : vector<1x16xf32> to vector<16xf32>
        %mul3A_982 = arith.mulf %get3A_981, %gather3A_937 : vector<16xf32>
        %swap3A_983 = arith.index_cast %add3A_932 : i32 to index
        %swap3A_984 = arith.constant 64 : index
        %swap3A_985 = tpu.vector_load %arg9[%swap3A_983, %swap3A_984] {strides = array<i32>} : memref<128x128xf32, #tpu.memory_space<vmem>>, vector<1x16xf32>,
        %swap3A_986 = vector.shape_cast %swap3A_985 : vector<1x16xf32> to vector<16xf32>
        %swap3A_987 = vector.shape_cast %mul3A_982 : vector<16xf32> to vector<1x16xf32>
        tpu.vector_store %arg9[%swap3A_983, %swap3A_984], %swap3A_987 {strides = array<i32>} : memref<128x128xf32, #tpu.memory_space<vmem>>, vector<1x16xf32>,
        %get3A_988 = arith.index_cast %add3A_932 : i32 to index
        %get3A_989 = arith.constant 80 : index
        %get3A_990 = tpu.vector_load %arg9[%get3A_988, %get3A_989] {strides = array<i32>} : memref<128x128xf32, #tpu.memory_space<vmem>>, vector<1x16xf32>,
        %get3A_991 = vector.shape_cast %get3A_990 : vector<1x16xf32> to vector<16xf32>
        %mul3A_992 = arith.mulf %get3A_991, %gather3A_937 : vector<16xf32>
        %swap3A_993 = arith.index_cast %add3A_932 : i32 to index
        %swap3A_994 = arith.constant 80 : index
        %swap3A_995 = tpu.vector_load %arg9[%swap3A_993, %swap3A_994] {strides = array<i32>} : memref<128x128xf32, #tpu.memory_space<vmem>>, vector<1x16xf32>,
        %swap3A_996 = vector.shape_cast %swap3A_995 : vector<1x16xf32> to vector<16xf32>
        %swap3A_997 = vector.shape_cast %mul3A_992 : vector<16xf32> to vector<1x16xf32>
        tpu.vector_store %arg9[%swap3A_993, %swap3A_994], %swap3A_997 {strides = array<i32>} : memref<128x128xf32, #tpu.memory_space<vmem>>, vector<1x16xf32>,
        %get3A_998 = arith.index_cast %add3A_932 : i32 to index
        %get3A_999 = arith.constant 96 : index
        %get3A_1000 = tpu.vector_load %arg9[%get3A_998, %get3A_999] {strides = array<i32>} : memref<128x128xf32, #tpu.memory_space<vmem>>, vector<1x16xf32>,
        %get3A_1001 = vector.shape_cast %get3A_1000 : vector<1x16xf32> to vector<16xf32>
        %mul3A_1002 = arith.mulf %get3A_1001, %gather3A_937 : vector<16xf32>
        %swap3A_1003 = arith.index_cast %add3A_932 : i32 to index
        %swap3A_1004 = arith.constant 96 : index
        %swap3A_1005 = tpu.vector_load %arg9[%swap3A_1003, %swap3A_1004] {strides = array<i32>} : memref<128x128xf32, #tpu.memory_space<vmem>>, vector<1x16xf32>,
        %swap3A_1006 = vector.shape_cast %swap3A_1005 : vector<1x16xf32> to vector<16xf32>
        %swap3A_1007 = vector.shape_cast %mul3A_1002 : vector<16xf32> to vector<1x16xf32>
        tpu.vector_store %arg9[%swap3A_1003, %swap3A_1004], %swap3A_1007 {strides = array<i32>} : memref<128x128xf32, #tpu.memory_space<vmem>>, vector<1x16xf32>,
        %get3A_1008 = arith.index_cast %add3A_932 : i32 to index
        %get3A_1009 = arith.constant 112 : index
        %get3A_1010 = tpu.vector_load %arg9[%get3A_1008, %get3A_1009] {strides = array<i32>} : memref<128x128xf32, #tpu.memory_space<vmem>>, vector<1x16xf32>,
        %get3A_1011 = vector.shape_cast %get3A_1010 : vector<1x16xf32> to vector<16xf32>
        %mul3A_1012 = arith.mulf %get3A_1011, %gather3A_937 : vector<16xf32>
        %swap3A_1013 = arith.index_cast %add3A_932 : i32 to index
        %swap3A_1014 = arith.constant 112 : index
        %swap3A_1015 = tpu.vector_load %arg9[%swap3A_1013, %swap3A_1014] {strides = array<i32>} : memref<128x128xf32, #tpu.memory_space<vmem>>, vector<1x16xf32>,
        %swap3A_1016 = vector.shape_cast %swap3A_1015 : vector<1x16xf32> to vector<16xf32>
        %swap3A_1017 = vector.shape_cast %mul3A_1012 : vector<16xf32> to vector<1x16xf32>
        tpu.vector_store %arg9[%swap3A_1013, %swap3A_1014], %swap3A_1017 {strides = array<i32>} : memref<128x128xf32, #tpu.memory_space<vmem>>, vector<1x16xf32>,
        %mul3A_1018 = arith.constant 16 : i32
        %mul3A_1019 = arith.muli %scan3A_213, %mul3A_1018 : i32
        %add3A_1020 = arith.constant 9 : i32
        %add3A_1021 = arith.addi %mul3A_1019, %add3A_1020 : i32
        %broadcast_in_dim3A_1022 = arith.constant 9 : i32
        %broadcast_in_dim3A_1023 = vector.broadcast %broadcast_in_dim3A_1022 : i32 to vector<16xi32>
        %broadcast_in_dim3A_1024 = vector.shape_cast %broadcast_in_dim3A_1023 : vector<16xi32> to vector<16x1xi32>
        %gather3A_1025 = vector.shape_cast %broadcast_in_dim3A_1024 : vector<16x1xi32> to vector<16xi32>
        %gather3A_1026 = tpu.dynamic_gather %get3A_218[%gather3A_1025] in [0] : vector<16xf32>, vector<16xi32> -> vector<16xf32>
        %get3A_1027 = arith.index_cast %add3A_1021 : i32 to index
        %get3A_1028 = arith.constant 0 : index
        %get3A_1029 = tpu.vector_load %arg9[%get3A_1027, %get3A_1028] {strides = array<i32>} : memref<128x128xf32, #tpu.memory_space<vmem>>, vector<1x16xf32>,
        %get3A_1030 = vector.shape_cast %get3A_1029 : vector<1x16xf32> to vector<16xf32>
        %mul3A_1031 = arith.mulf %get3A_1030, %gather3A_1026 : vector<16xf32>
        %swap3A_1032 = arith.index_cast %add3A_1021 : i32 to index
        %swap3A_1033 = arith.constant 0 : index
        %swap3A_1034 = tpu.vector_load %arg9[%swap3A_1032, %swap3A_1033] {strides = array<i32>} : memref<128x128xf32, #tpu.memory_space<vmem>>, vector<1x16xf32>,
        %swap3A_1035 = vector.shape_cast %swap3A_1034 : vector<1x16xf32> to vector<16xf32>
        %swap3A_1036 = vector.shape_cast %mul3A_1031 : vector<16xf32> to vector<1x16xf32>
        tpu.vector_store %arg9[%swap3A_1032, %swap3A_1033], %swap3A_1036 {strides = array<i32>} : memref<128x128xf32, #tpu.memory_space<vmem>>, vector<1x16xf32>,
        %get3A_1037 = arith.index_cast %add3A_1021 : i32 to index
        %get3A_1038 = arith.constant 16 : index
        %get3A_1039 = tpu.vector_load %arg9[%get3A_1037, %get3A_1038] {strides = array<i32>} : memref<128x128xf32, #tpu.memory_space<vmem>>, vector<1x16xf32>,
        %get3A_1040 = vector.shape_cast %get3A_1039 : vector<1x16xf32> to vector<16xf32>
        %mul3A_1041 = arith.mulf %get3A_1040, %gather3A_1026 : vector<16xf32>
        %swap3A_1042 = arith.index_cast %add3A_1021 : i32 to index
        %swap3A_1043 = arith.constant 16 : index
        %swap3A_1044 = tpu.vector_load %arg9[%swap3A_1042, %swap3A_1043] {strides = array<i32>} : memref<128x128xf32, #tpu.memory_space<vmem>>, vector<1x16xf32>,
        %swap3A_1045 = vector.shape_cast %swap3A_1044 : vector<1x16xf32> to vector<16xf32>
        %swap3A_1046 = vector.shape_cast %mul3A_1041 : vector<16xf32> to vector<1x16xf32>
        tpu.vector_store %arg9[%swap3A_1042, %swap3A_1043], %swap3A_1046 {strides = array<i32>} : memref<128x128xf32, #tpu.memory_space<vmem>>, vector<1x16xf32>,
        %get3A_1047 = arith.index_cast %add3A_1021 : i32 to index
        %get3A_1048 = arith.constant 32 : index
        %get3A_1049 = tpu.vector_load %arg9[%get3A_1047, %get3A_1048] {strides = array<i32>} : memref<128x128xf32, #tpu.memory_space<vmem>>, vector<1x16xf32>,
        %get3A_1050 = vector.shape_cast %get3A_1049 : vector<1x16xf32> to vector<16xf32>
        %mul3A_1051 = arith.mulf %get3A_1050, %gather3A_1026 : vector<16xf32>
        %swap3A_1052 = arith.index_cast %add3A_1021 : i32 to index
        %swap3A_1053 = arith.constant 32 : index
        %swap3A_1054 = tpu.vector_load %arg9[%swap3A_1052, %swap3A_1053] {strides = array<i32>} : memref<128x128xf32, #tpu.memory_space<vmem>>, vector<1x16xf32>,
        %swap3A_1055 = vector.shape_cast %swap3A_1054 : vector<1x16xf32> to vector<16xf32>
        %swap3A_1056 = vector.shape_cast %mul3A_1051 : vector<16xf32> to vector<1x16xf32>
        tpu.vector_store %arg9[%swap3A_1052, %swap3A_1053], %swap3A_1056 {strides = array<i32>} : memref<128x128xf32, #tpu.memory_space<vmem>>, vector<1x16xf32>,
        %get3A_1057 = arith.index_cast %add3A_1021 : i32 to index
        %get3A_1058 = arith.constant 48 : index
        %get3A_1059 = tpu.vector_load %arg9[%get3A_1057, %get3A_1058] {strides = array<i32>} : memref<128x128xf32, #tpu.memory_space<vmem>>, vector<1x16xf32>,
        %get3A_1060 = vector.shape_cast %get3A_1059 : vector<1x16xf32> to vector<16xf32>
        %mul3A_1061 = arith.mulf %get3A_1060, %gather3A_1026 : vector<16xf32>
        %swap3A_1062 = arith.index_cast %add3A_1021 : i32 to index
        %swap3A_1063 = arith.constant 48 : index
        %swap3A_1064 = tpu.vector_load %arg9[%swap3A_1062, %swap3A_1063] {strides = array<i32>} : memref<128x128xf32, #tpu.memory_space<vmem>>, vector<1x16xf32>,
        %swap3A_1065 = vector.shape_cast %swap3A_1064 : vector<1x16xf32> to vector<16xf32>
        %swap3A_1066 = vector.shape_cast %mul3A_1061 : vector<16xf32> to vector<1x16xf32>
        tpu.vector_store %arg9[%swap3A_1062, %swap3A_1063], %swap3A_1066 {strides = array<i32>} : memref<128x128xf32, #tpu.memory_space<vmem>>, vector<1x16xf32>,
        %get3A_1067 = arith.index_cast %add3A_1021 : i32 to index
        %get3A_1068 = arith.constant 64 : index
        %get3A_1069 = tpu.vector_load %arg9[%get3A_1067, %get3A_1068] {strides = array<i32>} : memref<128x128xf32, #tpu.memory_space<vmem>>, vector<1x16xf32>,
        %get3A_1070 = vector.shape_cast %get3A_1069 : vector<1x16xf32> to vector<16xf32>
        %mul3A_1071 = arith.mulf %get3A_1070, %gather3A_1026 : vector<16xf32>
        %swap3A_1072 = arith.index_cast %add3A_1021 : i32 to index
        %swap3A_1073 = arith.constant 64 : index
        %swap3A_1074 = tpu.vector_load %arg9[%swap3A_1072, %swap3A_1073] {strides = array<i32>} : memref<128x128xf32, #tpu.memory_space<vmem>>, vector<1x16xf32>,
        %swap3A_1075 = vector.shape_cast %swap3A_1074 : vector<1x16xf32> to vector<16xf32>
        %swap3A_1076 = vector.shape_cast %mul3A_1071 : vector<16xf32> to vector<1x16xf32>
        tpu.vector_store %arg9[%swap3A_1072, %swap3A_1073], %swap3A_1076 {strides = array<i32>} : memref<128x128xf32, #tpu.memory_space<vmem>>, vector<1x16xf32>,
        %get3A_1077 = arith.index_cast %add3A_1021 : i32 to index
        %get3A_1078 = arith.constant 80 : index
        %get3A_1079 = tpu.vector_load %arg9[%get3A_1077, %get3A_1078] {strides = array<i32>} : memref<128x128xf32, #tpu.memory_space<vmem>>, vector<1x16xf32>,
        %get3A_1080 = vector.shape_cast %get3A_1079 : vector<1x16xf32> to vector<16xf32>
        %mul3A_1081 = arith.mulf %get3A_1080, %gather3A_1026 : vector<16xf32>
        %swap3A_1082 = arith.index_cast %add3A_1021 : i32 to index
        %swap3A_1083 = arith.constant 80 : index
        %swap3A_1084 = tpu.vector_load %arg9[%swap3A_1082, %swap3A_1083] {strides = array<i32>} : memref<128x128xf32, #tpu.memory_space<vmem>>, vector<1x16xf32>,
        %swap3A_1085 = vector.shape_cast %swap3A_1084 : vector<1x16xf32> to vector<16xf32>
        %swap3A_1086 = vector.shape_cast %mul3A_1081 : vector<16xf32> to vector<1x16xf32>
        tpu.vector_store %arg9[%swap3A_1082, %swap3A_1083], %swap3A_1086 {strides = array<i32>} : memref<128x128xf32, #tpu.memory_space<vmem>>, vector<1x16xf32>,
        %get3A_1087 = arith.index_cast %add3A_1021 : i32 to index
        %get3A_1088 = arith.constant 96 : index
        %get3A_1089 = tpu.vector_load %arg9[%get3A_1087, %get3A_1088] {strides = array<i32>} : memref<128x128xf32, #tpu.memory_space<vmem>>, vector<1x16xf32>,
        %get3A_1090 = vector.shape_cast %get3A_1089 : vector<1x16xf32> to vector<16xf32>
        %mul3A_1091 = arith.mulf %get3A_1090, %gather3A_1026 : vector<16xf32>
        %swap3A_1092 = arith.index_cast %add3A_1021 : i32 to index
        %swap3A_1093 = arith.constant 96 : index
        %swap3A_1094 = tpu.vector_load %arg9[%swap3A_1092, %swap3A_1093] {strides = array<i32>} : memref<128x128xf32, #tpu.memory_space<vmem>>, vector<1x16xf32>,
        %swap3A_1095 = vector.shape_cast %swap3A_1094 : vector<1x16xf32> to vector<16xf32>
        %swap3A_1096 = vector.shape_cast %mul3A_1091 : vector<16xf32> to vector<1x16xf32>
        tpu.vector_store %arg9[%swap3A_1092, %swap3A_1093], %swap3A_1096 {strides = array<i32>} : memref<128x128xf32, #tpu.memory_space<vmem>>, vector<1x16xf32>,
        %get3A_1097 = arith.index_cast %add3A_1021 : i32 to index
        %get3A_1098 = arith.constant 112 : index
        %get3A_1099 = tpu.vector_load %arg9[%get3A_1097, %get3A_1098] {strides = array<i32>} : memref<128x128xf32, #tpu.memory_space<vmem>>, vector<1x16xf32>,
        %get3A_1100 = vector.shape_cast %get3A_1099 : vector<1x16xf32> to vector<16xf32>
        %mul3A_1101 = arith.mulf %get3A_1100, %gather3A_1026 : vector<16xf32>
        %swap3A_1102 = arith.index_cast %add3A_1021 : i32 to index
        %swap3A_1103 = arith.constant 112 : index
        %swap3A_1104 = tpu.vector_load %arg9[%swap3A_1102, %swap3A_1103] {strides = array<i32>} : memref<128x128xf32, #tpu.memory_space<vmem>>, vector<1x16xf32>,
        %swap3A_1105 = vector.shape_cast %swap3A_1104 : vector<1x16xf32> to vector<16xf32>
        %swap3A_1106 = vector.shape_cast %mul3A_1101 : vector<16xf32> to vector<1x16xf32>
        tpu.vector_store %arg9[%swap3A_1102, %swap3A_1103], %swap3A_1106 {strides = array<i32>} : memref<128x128xf32, #tpu.memory_space<vmem>>, vector<1x16xf32>,
        %mul3A_1107 = arith.constant 16 : i32
        %mul3A_1108 = arith.muli %scan3A_213, %mul3A_1107 : i32
        %add3A_1109 = arith.constant 10 : i32
        %add3A_1110 = arith.addi %mul3A_1108, %add3A_1109 : i32
        %broadcast_in_dim3A_1111 = arith.constant 10 : i32
        %broadcast_in_dim3A_1112 = vector.broadcast %broadcast_in_dim3A_1111 : i32 to vector<16xi32>
        %broadcast_in_dim3A_1113 = vector.shape_cast %broadcast_in_dim3A_1112 : vector<16xi32> to vector<16x1xi32>
        %gather3A_1114 = vector.shape_cast %broadcast_in_dim3A_1113 : vector<16x1xi32> to vector<16xi32>
        %gather3A_1115 = tpu.dynamic_gather %get3A_218[%gather3A_1114] in [0] : vector<16xf32>, vector<16xi32> -> vector<16xf32>
        %get3A_1116 = arith.index_cast %add3A_1110 : i32 to index
        %get3A_1117 = arith.constant 0 : index
        %get3A_1118 = tpu.vector_load %arg9[%get3A_1116, %get3A_1117] {strides = array<i32>} : memref<128x128xf32, #tpu.memory_space<vmem>>, vector<1x16xf32>,
        %get3A_1119 = vector.shape_cast %get3A_1118 : vector<1x16xf32> to vector<16xf32>
        %mul3A_1120 = arith.mulf %get3A_1119, %gather3A_1115 : vector<16xf32>
        %swap3A_1121 = arith.index_cast %add3A_1110 : i32 to index
        %swap3A_1122 = arith.constant 0 : index
        %swap3A_1123 = tpu.vector_load %arg9[%swap3A_1121, %swap3A_1122] {strides = array<i32>} : memref<128x128xf32, #tpu.memory_space<vmem>>, vector<1x16xf32>,
        %swap3A_1124 = vector.shape_cast %swap3A_1123 : vector<1x16xf32> to vector<16xf32>
        %swap3A_1125 = vector.shape_cast %mul3A_1120 : vector<16xf32> to vector<1x16xf32>
        tpu.vector_store %arg9[%swap3A_1121, %swap3A_1122], %swap3A_1125 {strides = array<i32>} : memref<128x128xf32, #tpu.memory_space<vmem>>, vector<1x16xf32>,
        %get3A_1126 = arith.index_cast %add3A_1110 : i32 to index
        %get3A_1127 = arith.constant 16 : index
        %get3A_1128 = tpu.vector_load %arg9[%get3A_1126, %get3A_1127] {strides = array<i32>} : memref<128x128xf32, #tpu.memory_space<vmem>>, vector<1x16xf32>,
        %get3A_1129 = vector.shape_cast %get3A_1128 : vector<1x16xf32> to vector<16xf32>
        %mul3A_1130 = arith.mulf %get3A_1129, %gather3A_1115 : vector<16xf32>
        %swap3A_1131 = arith.index_cast %add3A_1110 : i32 to index
        %swap3A_1132 = arith.constant 16 : index
        %swap3A_1133 = tpu.vector_load %arg9[%swap3A_1131, %swap3A_1132] {strides = array<i32>} : memref<128x128xf32, #tpu.memory_space<vmem>>, vector<1x16xf32>,
        %swap3A_1134 = vector.shape_cast %swap3A_1133 : vector<1x16xf32> to vector<16xf32>
        %swap3A_1135 = vector.shape_cast %mul3A_1130 : vector<16xf32> to vector<1x16xf32>
        tpu.vector_store %arg9[%swap3A_1131, %swap3A_1132], %swap3A_1135 {strides = array<i32>} : memref<128x128xf32, #tpu.memory_space<vmem>>, vector<1x16xf32>,
        %get3A_1136 = arith.index_cast %add3A_1110 : i32 to index
        %get3A_1137 = arith.constant 32 : index
        %get3A_1138 = tpu.vector_load %arg9[%get3A_1136, %get3A_1137] {strides = array<i32>} : memref<128x128xf32, #tpu.memory_space<vmem>>, vector<1x16xf32>,
        %get3A_1139 = vector.shape_cast %get3A_1138 : vector<1x16xf32> to vector<16xf32>
        %mul3A_1140 = arith.mulf %get3A_1139, %gather3A_1115 : vector<16xf32>
        %swap3A_1141 = arith.index_cast %add3A_1110 : i32 to index
        %swap3A_1142 = arith.constant 32 : index
        %swap3A_1143 = tpu.vector_load %arg9[%swap3A_1141, %swap3A_1142] {strides = array<i32>} : memref<128x128xf32, #tpu.memory_space<vmem>>, vector<1x16xf32>,
        %swap3A_1144 = vector.shape_cast %swap3A_1143 : vector<1x16xf32> to vector<16xf32>
        %swap3A_1145 = vector.shape_cast %mul3A_1140 : vector<16xf32> to vector<1x16xf32>
        tpu.vector_store %arg9[%swap3A_1141, %swap3A_1142], %swap3A_1145 {strides = array<i32>} : memref<128x128xf32, #tpu.memory_space<vmem>>, vector<1x16xf32>,
        %get3A_1146 = arith.index_cast %add3A_1110 : i32 to index
        %get3A_1147 = arith.constant 48 : index
        %get3A_1148 = tpu.vector_load %arg9[%get3A_1146, %get3A_1147] {strides = array<i32>} : memref<128x128xf32, #tpu.memory_space<vmem>>, vector<1x16xf32>,
        %get3A_1149 = vector.shape_cast %get3A_1148 : vector<1x16xf32> to vector<16xf32>
        %mul3A_1150 = arith.mulf %get3A_1149, %gather3A_1115 : vector<16xf32>
        %swap3A_1151 = arith.index_cast %add3A_1110 : i32 to index
        %swap3A_1152 = arith.constant 48 : index
        %swap3A_1153 = tpu.vector_load %arg9[%swap3A_1151, %swap3A_1152] {strides = array<i32>} : memref<128x128xf32, #tpu.memory_space<vmem>>, vector<1x16xf32>,
        %swap3A_1154 = vector.shape_cast %swap3A_1153 : vector<1x16xf32> to vector<16xf32>
        %swap3A_1155 = vector.shape_cast %mul3A_1150 : vector<16xf32> to vector<1x16xf32>
        tpu.vector_store %arg9[%swap3A_1151, %swap3A_1152], %swap3A_1155 {strides = array<i32>} : memref<128x128xf32, #tpu.memory_space<vmem>>, vector<1x16xf32>,
        %get3A_1156 = arith.index_cast %add3A_1110 : i32 to index
        %get3A_1157 = arith.constant 64 : index
        %get3A_1158 = tpu.vector_load %arg9[%get3A_1156, %get3A_1157] {strides = array<i32>} : memref<128x128xf32, #tpu.memory_space<vmem>>, vector<1x16xf32>,
        %get3A_1159 = vector.shape_cast %get3A_1158 : vector<1x16xf32> to vector<16xf32>
        %mul3A_1160 = arith.mulf %get3A_1159, %gather3A_1115 : vector<16xf32>
        %swap3A_1161 = arith.index_cast %add3A_1110 : i32 to index
        %swap3A_1162 = arith.constant 64 : index
        %swap3A_1163 = tpu.vector_load %arg9[%swap3A_1161, %swap3A_1162] {strides = array<i32>} : memref<128x128xf32, #tpu.memory_space<vmem>>, vector<1x16xf32>,
        %swap3A_1164 = vector.shape_cast %swap3A_1163 : vector<1x16xf32> to vector<16xf32>
        %swap3A_1165 = vector.shape_cast %mul3A_1160 : vector<16xf32> to vector<1x16xf32>
        tpu.vector_store %arg9[%swap3A_1161, %swap3A_1162], %swap3A_1165 {strides = array<i32>} : memref<128x128xf32, #tpu.memory_space<vmem>>, vector<1x16xf32>,
        %get3A_1166 = arith.index_cast %add3A_1110 : i32 to index
        %get3A_1167 = arith.constant 80 : index
        %get3A_1168 = tpu.vector_load %arg9[%get3A_1166, %get3A_1167] {strides = array<i32>} : memref<128x128xf32, #tpu.memory_space<vmem>>, vector<1x16xf32>,
        %get3A_1169 = vector.shape_cast %get3A_1168 : vector<1x16xf32> to vector<16xf32>
        %mul3A_1170 = arith.mulf %get3A_1169, %gather3A_1115 : vector<16xf32>
        %swap3A_1171 = arith.index_cast %add3A_1110 : i32 to index
        %swap3A_1172 = arith.constant 80 : index
        %swap3A_1173 = tpu.vector_load %arg9[%swap3A_1171, %swap3A_1172] {strides = array<i32>} : memref<128x128xf32, #tpu.memory_space<vmem>>, vector<1x16xf32>,
        %swap3A_1174 = vector.shape_cast %swap3A_1173 : vector<1x16xf32> to vector<16xf32>
        %swap3A_1175 = vector.shape_cast %mul3A_1170 : vector<16xf32> to vector<1x16xf32>
        tpu.vector_store %arg9[%swap3A_1171, %swap3A_1172], %swap3A_1175 {strides = array<i32>} : memref<128x128xf32, #tpu.memory_space<vmem>>, vector<1x16xf32>,
        %get3A_1176 = arith.index_cast %add3A_1110 : i32 to index
        %get3A_1177 = arith.constant 96 : index
        %get3A_1178 = tpu.vector_load %arg9[%get3A_1176, %get3A_1177] {strides = array<i32>} : memref<128x128xf32, #tpu.memory_space<vmem>>, vector<1x16xf32>,
        %get3A_1179 = vector.shape_cast %get3A_1178 : vector<1x16xf32> to vector<16xf32>
        %mul3A_1180 = arith.mulf %get3A_1179, %gather3A_1115 : vector<16xf32>
        %swap3A_1181 = arith.index_cast %add3A_1110 : i32 to index
        %swap3A_1182 = arith.constant 96 : index
        %swap3A_1183 = tpu.vector_load %arg9[%swap3A_1181, %swap3A_1182] {strides = array<i32>} : memref<128x128xf32, #tpu.memory_space<vmem>>, vector<1x16xf32>,
        %swap3A_1184 = vector.shape_cast %swap3A_1183 : vector<1x16xf32> to vector<16xf32>
        %swap3A_1185 = vector.shape_cast %mul3A_1180 : vector<16xf32> to vector<1x16xf32>
        tpu.vector_store %arg9[%swap3A_1181, %swap3A_1182], %swap3A_1185 {strides = array<i32>} : memref<128x128xf32, #tpu.memory_space<vmem>>, vector<1x16xf32>,
        %get3A_1186 = arith.index_cast %add3A_1110 : i32 to index
        %get3A_1187 = arith.constant 112 : index
        %get3A_1188 = tpu.vector_load %arg9[%get3A_1186, %get3A_1187] {strides = array<i32>} : memref<128x128xf32, #tpu.memory_space<vmem>>, vector<1x16xf32>,
        %get3A_1189 = vector.shape_cast %get3A_1188 : vector<1x16xf32> to vector<16xf32>
        %mul3A_1190 = arith.mulf %get3A_1189, %gather3A_1115 : vector<16xf32>
        %swap3A_1191 = arith.index_cast %add3A_1110 : i32 to index
        %swap3A_1192 = arith.constant 112 : index
        %swap3A_1193 = tpu.vector_load %arg9[%swap3A_1191, %swap3A_1192] {strides = array<i32>} : memref<128x128xf32, #tpu.memory_space<vmem>>, vector<1x16xf32>,
        %swap3A_1194 = vector.shape_cast %swap3A_1193 : vector<1x16xf32> to vector<16xf32>
        %swap3A_1195 = vector.shape_cast %mul3A_1190 : vector<16xf32> to vector<1x16xf32>
        tpu.vector_store %arg9[%swap3A_1191, %swap3A_1192], %swap3A_1195 {strides = array<i32>} : memref<128x128xf32, #tpu.memory_space<vmem>>, vector<1x16xf32>,
        %mul3A_1196 = arith.constant 16 : i32
        %mul3A_1197 = arith.muli %scan3A_213, %mul3A_1196 : i32
        %add3A_1198 = arith.constant 11 : i32
        %add3A_1199 = arith.addi %mul3A_1197, %add3A_1198 : i32
        %broadcast_in_dim3A_1200 = arith.constant 11 : i32
        %broadcast_in_dim3A_1201 = vector.broadcast %broadcast_in_dim3A_1200 : i32 to vector<16xi32>
        %broadcast_in_dim3A_1202 = vector.shape_cast %broadcast_in_dim3A_1201 : vector<16xi32> to vector<16x1xi32>
        %gather3A_1203 = vector.shape_cast %broadcast_in_dim3A_1202 : vector<16x1xi32> to vector<16xi32>
        %gather3A_1204 = tpu.dynamic_gather %get3A_218[%gather3A_1203] in [0] : vector<16xf32>, vector<16xi32> -> vector<16xf32>
        %get3A_1205 = arith.index_cast %add3A_1199 : i32 to index
        %get3A_1206 = arith.constant 0 : index
        %get3A_1207 = tpu.vector_load %arg9[%get3A_1205, %get3A_1206] {strides = array<i32>} : memref<128x128xf32, #tpu.memory_space<vmem>>, vector<1x16xf32>,
        %get3A_1208 = vector.shape_cast %get3A_1207 : vector<1x16xf32> to vector<16xf32>
        %mul3A_1209 = arith.mulf %get3A_1208, %gather3A_1204 : vector<16xf32>
        %swap3A_1210 = arith.index_cast %add3A_1199 : i32 to index
        %swap3A_1211 = arith.constant 0 : index
        %swap3A_1212 = tpu.vector_load %arg9[%swap3A_1210, %swap3A_1211] {strides = array<i32>} : memref<128x128xf32, #tpu.memory_space<vmem>>, vector<1x16xf32>,
        %swap3A_1213 = vector.shape_cast %swap3A_1212 : vector<1x16xf32> to vector<16xf32>
        %swap3A_1214 = vector.shape_cast %mul3A_1209 : vector<16xf32> to vector<1x16xf32>
        tpu.vector_store %arg9[%swap3A_1210, %swap3A_1211], %swap3A_1214 {strides = array<i32>} : memref<128x128xf32, #tpu.memory_space<vmem>>, vector<1x16xf32>,
        %get3A_1215 = arith.index_cast %add3A_1199 : i32 to index
        %get3A_1216 = arith.constant 16 : index
        %get3A_1217 = tpu.vector_load %arg9[%get3A_1215, %get3A_1216] {strides = array<i32>} : memref<128x128xf32, #tpu.memory_space<vmem>>, vector<1x16xf32>,
        %get3A_1218 = vector.shape_cast %get3A_1217 : vector<1x16xf32> to vector<16xf32>
        %mul3A_1219 = arith.mulf %get3A_1218, %gather3A_1204 : vector<16xf32>
        %swap3A_1220 = arith.index_cast %add3A_1199 : i32 to index
        %swap3A_1221 = arith.constant 16 : index
        %swap3A_1222 = tpu.vector_load %arg9[%swap3A_1220, %swap3A_1221] {strides = array<i32>} : memref<128x128xf32, #tpu.memory_space<vmem>>, vector<1x16xf32>,
        %swap3A_1223 = vector.shape_cast %swap3A_1222 : vector<1x16xf32> to vector<16xf32>
        %swap3A_1224 = vector.shape_cast %mul3A_1219 : vector<16xf32> to vector<1x16xf32>
        tpu.vector_store %arg9[%swap3A_1220, %swap3A_1221], %swap3A_1224 {strides = array<i32>} : memref<128x128xf32, #tpu.memory_space<vmem>>, vector<1x16xf32>,
        %get3A_1225 = arith.index_cast %add3A_1199 : i32 to index
        %get3A_1226 = arith.constant 32 : index
        %get3A_1227 = tpu.vector_load %arg9[%get3A_1225, %get3A_1226] {strides = array<i32>} : memref<128x128xf32, #tpu.memory_space<vmem>>, vector<1x16xf32>,
        %get3A_1228 = vector.shape_cast %get3A_1227 : vector<1x16xf32> to vector<16xf32>
        %mul3A_1229 = arith.mulf %get3A_1228, %gather3A_1204 : vector<16xf32>
        %swap3A_1230 = arith.index_cast %add3A_1199 : i32 to index
        %swap3A_1231 = arith.constant 32 : index
        %swap3A_1232 = tpu.vector_load %arg9[%swap3A_1230, %swap3A_1231] {strides = array<i32>} : memref<128x128xf32, #tpu.memory_space<vmem>>, vector<1x16xf32>,
        %swap3A_1233 = vector.shape_cast %swap3A_1232 : vector<1x16xf32> to vector<16xf32>
        %swap3A_1234 = vector.shape_cast %mul3A_1229 : vector<16xf32> to vector<1x16xf32>
        tpu.vector_store %arg9[%swap3A_1230, %swap3A_1231], %swap3A_1234 {strides = array<i32>} : memref<128x128xf32, #tpu.memory_space<vmem>>, vector<1x16xf32>,
        %get3A_1235 = arith.index_cast %add3A_1199 : i32 to index
        %get3A_1236 = arith.constant 48 : index
        %get3A_1237 = tpu.vector_load %arg9[%get3A_1235, %get3A_1236] {strides = array<i32>} : memref<128x128xf32, #tpu.memory_space<vmem>>, vector<1x16xf32>,
        %get3A_1238 = vector.shape_cast %get3A_1237 : vector<1x16xf32> to vector<16xf32>
        %mul3A_1239 = arith.mulf %get3A_1238, %gather3A_1204 : vector<16xf32>
        %swap3A_1240 = arith.index_cast %add3A_1199 : i32 to index
        %swap3A_1241 = arith.constant 48 : index
        %swap3A_1242 = tpu.vector_load %arg9[%swap3A_1240, %swap3A_1241] {strides = array<i32>} : memref<128x128xf32, #tpu.memory_space<vmem>>, vector<1x16xf32>,
        %swap3A_1243 = vector.shape_cast %swap3A_1242 : vector<1x16xf32> to vector<16xf32>
        %swap3A_1244 = vector.shape_cast %mul3A_1239 : vector<16xf32> to vector<1x16xf32>
        tpu.vector_store %arg9[%swap3A_1240, %swap3A_1241], %swap3A_1244 {strides = array<i32>} : memref<128x128xf32, #tpu.memory_space<vmem>>, vector<1x16xf32>,
        %get3A_1245 = arith.index_cast %add3A_1199 : i32 to index
        %get3A_1246 = arith.constant 64 : index
        %get3A_1247 = tpu.vector_load %arg9[%get3A_1245, %get3A_1246] {strides = array<i32>} : memref<128x128xf32, #tpu.memory_space<vmem>>, vector<1x16xf32>,
        %get3A_1248 = vector.shape_cast %get3A_1247 : vector<1x16xf32> to vector<16xf32>
        %mul3A_1249 = arith.mulf %get3A_1248, %gather3A_1204 : vector<16xf32>
        %swap3A_1250 = arith.index_cast %add3A_1199 : i32 to index
        %swap3A_1251 = arith.constant 64 : index
        %swap3A_1252 = tpu.vector_load %arg9[%swap3A_1250, %swap3A_1251] {strides = array<i32>} : memref<128x128xf32, #tpu.memory_space<vmem>>, vector<1x16xf32>,
        %swap3A_1253 = vector.shape_cast %swap3A_1252 : vector<1x16xf32> to vector<16xf32>
        %swap3A_1254 = vector.shape_cast %mul3A_1249 : vector<16xf32> to vector<1x16xf32>
        tpu.vector_store %arg9[%swap3A_1250, %swap3A_1251], %swap3A_1254 {strides = array<i32>} : memref<128x128xf32, #tpu.memory_space<vmem>>, vector<1x16xf32>,
        %get3A_1255 = arith.index_cast %add3A_1199 : i32 to index
        %get3A_1256 = arith.constant 80 : index
        %get3A_1257 = tpu.vector_load %arg9[%get3A_1255, %get3A_1256] {strides = array<i32>} : memref<128x128xf32, #tpu.memory_space<vmem>>, vector<1x16xf32>,
        %get3A_1258 = vector.shape_cast %get3A_1257 : vector<1x16xf32> to vector<16xf32>
        %mul3A_1259 = arith.mulf %get3A_1258, %gather3A_1204 : vector<16xf32>
        %swap3A_1260 = arith.index_cast %add3A_1199 : i32 to index
        %swap3A_1261 = arith.constant 80 : index
        %swap3A_1262 = tpu.vector_load %arg9[%swap3A_1260, %swap3A_1261] {strides = array<i32>} : memref<128x128xf32, #tpu.memory_space<vmem>>, vector<1x16xf32>,
        %swap3A_1263 = vector.shape_cast %swap3A_1262 : vector<1x16xf32> to vector<16xf32>
        %swap3A_1264 = vector.shape_cast %mul3A_1259 : vector<16xf32> to vector<1x16xf32>
        tpu.vector_store %arg9[%swap3A_1260, %swap3A_1261], %swap3A_1264 {strides = array<i32>} : memref<128x128xf32, #tpu.memory_space<vmem>>, vector<1x16xf32>,
        %get3A_1265 = arith.index_cast %add3A_1199 : i32 to index
        %get3A_1266 = arith.constant 96 : index
        %get3A_1267 = tpu.vector_load %arg9[%get3A_1265, %get3A_1266] {strides = array<i32>} : memref<128x128xf32, #tpu.memory_space<vmem>>, vector<1x16xf32>,
        %get3A_1268 = vector.shape_cast %get3A_1267 : vector<1x16xf32> to vector<16xf32>
        %mul3A_1269 = arith.mulf %get3A_1268, %gather3A_1204 : vector<16xf32>
        %swap3A_1270 = arith.index_cast %add3A_1199 : i32 to index
        %swap3A_1271 = arith.constant 96 : index
        %swap3A_1272 = tpu.vector_load %arg9[%swap3A_1270, %swap3A_1271] {strides = array<i32>} : memref<128x128xf32, #tpu.memory_space<vmem>>, vector<1x16xf32>,
        %swap3A_1273 = vector.shape_cast %swap3A_1272 : vector<1x16xf32> to vector<16xf32>
        %swap3A_1274 = vector.shape_cast %mul3A_1269 : vector<16xf32> to vector<1x16xf32>
        tpu.vector_store %arg9[%swap3A_1270, %swap3A_1271], %swap3A_1274 {strides = array<i32>} : memref<128x128xf32, #tpu.memory_space<vmem>>, vector<1x16xf32>,
        %get3A_1275 = arith.index_cast %add3A_1199 : i32 to index
        %get3A_1276 = arith.constant 112 : index
        %get3A_1277 = tpu.vector_load %arg9[%get3A_1275, %get3A_1276] {strides = array<i32>} : memref<128x128xf32, #tpu.memory_space<vmem>>, vector<1x16xf32>,
        %get3A_1278 = vector.shape_cast %get3A_1277 : vector<1x16xf32> to vector<16xf32>
        %mul3A_1279 = arith.mulf %get3A_1278, %gather3A_1204 : vector<16xf32>
        %swap3A_1280 = arith.index_cast %add3A_1199 : i32 to index
        %swap3A_1281 = arith.constant 112 : index
        %swap3A_1282 = tpu.vector_load %arg9[%swap3A_1280, %swap3A_1281] {strides = array<i32>} : memref<128x128xf32, #tpu.memory_space<vmem>>, vector<1x16xf32>,
        %swap3A_1283 = vector.shape_cast %swap3A_1282 : vector<1x16xf32> to vector<16xf32>
        %swap3A_1284 = vector.shape_cast %mul3A_1279 : vector<16xf32> to vector<1x16xf32>
        tpu.vector_store %arg9[%swap3A_1280, %swap3A_1281], %swap3A_1284 {strides = array<i32>} : memref<128x128xf32, #tpu.memory_space<vmem>>, vector<1x16xf32>,
        %mul3A_1285 = arith.constant 16 : i32
        %mul3A_1286 = arith.muli %scan3A_213, %mul3A_1285 : i32
        %add3A_1287 = arith.constant 12 : i32
        %add3A_1288 = arith.addi %mul3A_1286, %add3A_1287 : i32
        %broadcast_in_dim3A_1289 = arith.constant 12 : i32
        %broadcast_in_dim3A_1290 = vector.broadcast %broadcast_in_dim3A_1289 : i32 to vector<16xi32>
        %broadcast_in_dim3A_1291 = vector.shape_cast %broadcast_in_dim3A_1290 : vector<16xi32> to vector<16x1xi32>
        %gather3A_1292 = vector.shape_cast %broadcast_in_dim3A_1291 : vector<16x1xi32> to vector<16xi32>
        %gather3A_1293 = tpu.dynamic_gather %get3A_218[%gather3A_1292] in [0] : vector<16xf32>, vector<16xi32> -> vector<16xf32>
        %get3A_1294 = arith.index_cast %add3A_1288 : i32 to index
        %get3A_1295 = arith.constant 0 : index
        %get3A_1296 = tpu.vector_load %arg9[%get3A_1294, %get3A_1295] {strides = array<i32>} : memref<128x128xf32, #tpu.memory_space<vmem>>, vector<1x16xf32>,
        %get3A_1297 = vector.shape_cast %get3A_1296 : vector<1x16xf32> to vector<16xf32>
        %mul3A_1298 = arith.mulf %get3A_1297, %gather3A_1293 : vector<16xf32>
        %swap3A_1299 = arith.index_cast %add3A_1288 : i32 to index
        %swap3A_1300 = arith.constant 0 : index
        %swap3A_1301 = tpu.vector_load %arg9[%swap3A_1299, %swap3A_1300] {strides = array<i32>} : memref<128x128xf32, #tpu.memory_space<vmem>>, vector<1x16xf32>,
        %swap3A_1302 = vector.shape_cast %swap3A_1301 : vector<1x16xf32> to vector<16xf32>
        %swap3A_1303 = vector.shape_cast %mul3A_1298 : vector<16xf32> to vector<1x16xf32>
        tpu.vector_store %arg9[%swap3A_1299, %swap3A_1300], %swap3A_1303 {strides = array<i32>} : memref<128x128xf32, #tpu.memory_space<vmem>>, vector<1x16xf32>,
        %get3A_1304 = arith.index_cast %add3A_1288 : i32 to index
        %get3A_1305 = arith.constant 16 : index
        %get3A_1306 = tpu.vector_load %arg9[%get3A_1304, %get3A_1305] {strides = array<i32>} : memref<128x128xf32, #tpu.memory_space<vmem>>, vector<1x16xf32>,
        %get3A_1307 = vector.shape_cast %get3A_1306 : vector<1x16xf32> to vector<16xf32>
        %mul3A_1308 = arith.mulf %get3A_1307, %gather3A_1293 : vector<16xf32>
        %swap3A_1309 = arith.index_cast %add3A_1288 : i32 to index
        %swap3A_1310 = arith.constant 16 : index
        %swap3A_1311 = tpu.vector_load %arg9[%swap3A_1309, %swap3A_1310] {strides = array<i32>} : memref<128x128xf32, #tpu.memory_space<vmem>>, vector<1x16xf32>,
        %swap3A_1312 = vector.shape_cast %swap3A_1311 : vector<1x16xf32> to vector<16xf32>
        %swap3A_1313 = vector.shape_cast %mul3A_1308 : vector<16xf32> to vector<1x16xf32>
        tpu.vector_store %arg9[%swap3A_1309, %swap3A_1310], %swap3A_1313 {strides = array<i32>} : memref<128x128xf32, #tpu.memory_space<vmem>>, vector<1x16xf32>,
        %get3A_1314 = arith.index_cast %add3A_1288 : i32 to index
        %get3A_1315 = arith.constant 32 : index
        %get3A_1316 = tpu.vector_load %arg9[%get3A_1314, %get3A_1315] {strides = array<i32>} : memref<128x128xf32, #tpu.memory_space<vmem>>, vector<1x16xf32>,
        %get3A_1317 = vector.shape_cast %get3A_1316 : vector<1x16xf32> to vector<16xf32>
        %mul3A_1318 = arith.mulf %get3A_1317, %gather3A_1293 : vector<16xf32>
        %swap3A_1319 = arith.index_cast %add3A_1288 : i32 to index
        %swap3A_1320 = arith.constant 32 : index
        %swap3A_1321 = tpu.vector_load %arg9[%swap3A_1319, %swap3A_1320] {strides = array<i32>} : memref<128x128xf32, #tpu.memory_space<vmem>>, vector<1x16xf32>,
        %swap3A_1322 = vector.shape_cast %swap3A_1321 : vector<1x16xf32> to vector<16xf32>
        %swap3A_1323 = vector.shape_cast %mul3A_1318 : vector<16xf32> to vector<1x16xf32>
        tpu.vector_store %arg9[%swap3A_1319, %swap3A_1320], %swap3A_1323 {strides = array<i32>} : memref<128x128xf32, #tpu.memory_space<vmem>>, vector<1x16xf32>,
        %get3A_1324 = arith.index_cast %add3A_1288 : i32 to index
        %get3A_1325 = arith.constant 48 : index
        %get3A_1326 = tpu.vector_load %arg9[%get3A_1324, %get3A_1325] {strides = array<i32>} : memref<128x128xf32, #tpu.memory_space<vmem>>, vector<1x16xf32>,
        %get3A_1327 = vector.shape_cast %get3A_1326 : vector<1x16xf32> to vector<16xf32>
        %mul3A_1328 = arith.mulf %get3A_1327, %gather3A_1293 : vector<16xf32>
        %swap3A_1329 = arith.index_cast %add3A_1288 : i32 to index
        %swap3A_1330 = arith.constant 48 : index
        %swap3A_1331 = tpu.vector_load %arg9[%swap3A_1329, %swap3A_1330] {strides = array<i32>} : memref<128x128xf32, #tpu.memory_space<vmem>>, vector<1x16xf32>,
        %swap3A_1332 = vector.shape_cast %swap3A_1331 : vector<1x16xf32> to vector<16xf32>
        %swap3A_1333 = vector.shape_cast %mul3A_1328 : vector<16xf32> to vector<1x16xf32>
        tpu.vector_store %arg9[%swap3A_1329, %swap3A_1330], %swap3A_1333 {strides = array<i32>} : memref<128x128xf32, #tpu.memory_space<vmem>>, vector<1x16xf32>,
        %get3A_1334 = arith.index_cast %add3A_1288 : i32 to index
        %get3A_1335 = arith.constant 64 : index
        %get3A_1336 = tpu.vector_load %arg9[%get3A_1334, %get3A_1335] {strides = array<i32>} : memref<128x128xf32, #tpu.memory_space<vmem>>, vector<1x16xf32>,
        %get3A_1337 = vector.shape_cast %get3A_1336 : vector<1x16xf32> to vector<16xf32>
        %mul3A_1338 = arith.mulf %get3A_1337, %gather3A_1293 : vector<16xf32>
        %swap3A_1339 = arith.index_cast %add3A_1288 : i32 to index
        %swap3A_1340 = arith.constant 64 : index
        %swap3A_1341 = tpu.vector_load %arg9[%swap3A_1339, %swap3A_1340] {strides = array<i32>} : memref<128x128xf32, #tpu.memory_space<vmem>>, vector<1x16xf32>,
        %swap3A_1342 = vector.shape_cast %swap3A_1341 : vector<1x16xf32> to vector<16xf32>
        %swap3A_1343 = vector.shape_cast %mul3A_1338 : vector<16xf32> to vector<1x16xf32>
        tpu.vector_store %arg9[%swap3A_1339, %swap3A_1340], %swap3A_1343 {strides = array<i32>} : memref<128x128xf32, #tpu.memory_space<vmem>>, vector<1x16xf32>,
        %get3A_1344 = arith.index_cast %add3A_1288 : i32 to index
        %get3A_1345 = arith.constant 80 : index
        %get3A_1346 = tpu.vector_load %arg9[%get3A_1344, %get3A_1345] {strides = array<i32>} : memref<128x128xf32, #tpu.memory_space<vmem>>, vector<1x16xf32>,
        %get3A_1347 = vector.shape_cast %get3A_1346 : vector<1x16xf32> to vector<16xf32>
        %mul3A_1348 = arith.mulf %get3A_1347, %gather3A_1293 : vector<16xf32>
        %swap3A_1349 = arith.index_cast %add3A_1288 : i32 to index
        %swap3A_1350 = arith.constant 80 : index
        %swap3A_1351 = tpu.vector_load %arg9[%swap3A_1349, %swap3A_1350] {strides = array<i32>} : memref<128x128xf32, #tpu.memory_space<vmem>>, vector<1x16xf32>,
        %swap3A_1352 = vector.shape_cast %swap3A_1351 : vector<1x16xf32> to vector<16xf32>
        %swap3A_1353 = vector.shape_cast %mul3A_1348 : vector<16xf32> to vector<1x16xf32>
        tpu.vector_store %arg9[%swap3A_1349, %swap3A_1350], %swap3A_1353 {strides = array<i32>} : memref<128x128xf32, #tpu.memory_space<vmem>>, vector<1x16xf32>,
        %get3A_1354 = arith.index_cast %add3A_1288 : i32 to index
        %get3A_1355 = arith.constant 96 : index
        %get3A_1356 = tpu.vector_load %arg9[%get3A_1354, %get3A_1355] {strides = array<i32>} : memref<128x128xf32, #tpu.memory_space<vmem>>, vector<1x16xf32>,
        %get3A_1357 = vector.shape_cast %get3A_1356 : vector<1x16xf32> to vector<16xf32>
        %mul3A_1358 = arith.mulf %get3A_1357, %gather3A_1293 : vector<16xf32>
        %swap3A_1359 = arith.index_cast %add3A_1288 : i32 to index
        %swap3A_1360 = arith.constant 96 : index
        %swap3A_1361 = tpu.vector_load %arg9[%swap3A_1359, %swap3A_1360] {strides = array<i32>} : memref<128x128xf32, #tpu.memory_space<vmem>>, vector<1x16xf32>,
        %swap3A_1362 = vector.shape_cast %swap3A_1361 : vector<1x16xf32> to vector<16xf32>
        %swap3A_1363 = vector.shape_cast %mul3A_1358 : vector<16xf32> to vector<1x16xf32>
        tpu.vector_store %arg9[%swap3A_1359, %swap3A_1360], %swap3A_1363 {strides = array<i32>} : memref<128x128xf32, #tpu.memory_space<vmem>>, vector<1x16xf32>,
        %get3A_1364 = arith.index_cast %add3A_1288 : i32 to index
        %get3A_1365 = arith.constant 112 : index
        %get3A_1366 = tpu.vector_load %arg9[%get3A_1364, %get3A_1365] {strides = array<i32>} : memref<128x128xf32, #tpu.memory_space<vmem>>, vector<1x16xf32>,
        %get3A_1367 = vector.shape_cast %get3A_1366 : vector<1x16xf32> to vector<16xf32>
        %mul3A_1368 = arith.mulf %get3A_1367, %gather3A_1293 : vector<16xf32>
        %swap3A_1369 = arith.index_cast %add3A_1288 : i32 to index
        %swap3A_1370 = arith.constant 112 : index
        %swap3A_1371 = tpu.vector_load %arg9[%swap3A_1369, %swap3A_1370] {strides = array<i32>} : memref<128x128xf32, #tpu.memory_space<vmem>>, vector<1x16xf32>,
        %swap3A_1372 = vector.shape_cast %swap3A_1371 : vector<1x16xf32> to vector<16xf32>
        %swap3A_1373 = vector.shape_cast %mul3A_1368 : vector<16xf32> to vector<1x16xf32>
        tpu.vector_store %arg9[%swap3A_1369, %swap3A_1370], %swap3A_1373 {strides = array<i32>} : memref<128x128xf32, #tpu.memory_space<vmem>>, vector<1x16xf32>,
        %mul3A_1374 = arith.constant 16 : i32
        %mul3A_1375 = arith.muli %scan3A_213, %mul3A_1374 : i32
        %add3A_1376 = arith.constant 13 : i32
        %add3A_1377 = arith.addi %mul3A_1375, %add3A_1376 : i32
        %broadcast_in_dim3A_1378 = arith.constant 13 : i32
        %broadcast_in_dim3A_1379 = vector.broadcast %broadcast_in_dim3A_1378 : i32 to vector<16xi32>
        %broadcast_in_dim3A_1380 = vector.shape_cast %broadcast_in_dim3A_1379 : vector<16xi32> to vector<16x1xi32>
        %gather3A_1381 = vector.shape_cast %broadcast_in_dim3A_1380 : vector<16x1xi32> to vector<16xi32>
        %gather3A_1382 = tpu.dynamic_gather %get3A_218[%gather3A_1381] in [0] : vector<16xf32>, vector<16xi32> -> vector<16xf32>
        %get3A_1383 = arith.index_cast %add3A_1377 : i32 to index
        %get3A_1384 = arith.constant 0 : index
        %get3A_1385 = tpu.vector_load %arg9[%get3A_1383, %get3A_1384] {strides = array<i32>} : memref<128x128xf32, #tpu.memory_space<vmem>>, vector<1x16xf32>,
        %get3A_1386 = vector.shape_cast %get3A_1385 : vector<1x16xf32> to vector<16xf32>
        %mul3A_1387 = arith.mulf %get3A_1386, %gather3A_1382 : vector<16xf32>
        %swap3A_1388 = arith.index_cast %add3A_1377 : i32 to index
        %swap3A_1389 = arith.constant 0 : index
        %swap3A_1390 = tpu.vector_load %arg9[%swap3A_1388, %swap3A_1389] {strides = array<i32>} : memref<128x128xf32, #tpu.memory_space<vmem>>, vector<1x16xf32>,
        %swap3A_1391 = vector.shape_cast %swap3A_1390 : vector<1x16xf32> to vector<16xf32>
        %swap3A_1392 = vector.shape_cast %mul3A_1387 : vector<16xf32> to vector<1x16xf32>
        tpu.vector_store %arg9[%swap3A_1388, %swap3A_1389], %swap3A_1392 {strides = array<i32>} : memref<128x128xf32, #tpu.memory_space<vmem>>, vector<1x16xf32>,
        %get3A_1393 = arith.index_cast %add3A_1377 : i32 to index
        %get3A_1394 = arith.constant 16 : index
        %get3A_1395 = tpu.vector_load %arg9[%get3A_1393, %get3A_1394] {strides = array<i32>} : memref<128x128xf32, #tpu.memory_space<vmem>>, vector<1x16xf32>,
        %get3A_1396 = vector.shape_cast %get3A_1395 : vector<1x16xf32> to vector<16xf32>
        %mul3A_1397 = arith.mulf %get3A_1396, %gather3A_1382 : vector<16xf32>
        %swap3A_1398 = arith.index_cast %add3A_1377 : i32 to index
        %swap3A_1399 = arith.constant 16 : index
        %swap3A_1400 = tpu.vector_load %arg9[%swap3A_1398, %swap3A_1399] {strides = array<i32>} : memref<128x128xf32, #tpu.memory_space<vmem>>, vector<1x16xf32>,
        %swap3A_1401 = vector.shape_cast %swap3A_1400 : vector<1x16xf32> to vector<16xf32>
        %swap3A_1402 = vector.shape_cast %mul3A_1397 : vector<16xf32> to vector<1x16xf32>
        tpu.vector_store %arg9[%swap3A_1398, %swap3A_1399], %swap3A_1402 {strides = array<i32>} : memref<128x128xf32, #tpu.memory_space<vmem>>, vector<1x16xf32>,
        %get3A_1403 = arith.index_cast %add3A_1377 : i32 to index
        %get3A_1404 = arith.constant 32 : index
        %get3A_1405 = tpu.vector_load %arg9[%get3A_1403, %get3A_1404] {strides = array<i32>} : memref<128x128xf32, #tpu.memory_space<vmem>>, vector<1x16xf32>,
        %get3A_1406 = vector.shape_cast %get3A_1405 : vector<1x16xf32> to vector<16xf32>
        %mul3A_1407 = arith.mulf %get3A_1406, %gather3A_1382 : vector<16xf32>
        %swap3A_1408 = arith.index_cast %add3A_1377 : i32 to index
        %swap3A_1409 = arith.constant 32 : index
        %swap3A_1410 = tpu.vector_load %arg9[%swap3A_1408, %swap3A_1409] {strides = array<i32>} : memref<128x128xf32, #tpu.memory_space<vmem>>, vector<1x16xf32>,
        %swap3A_1411 = vector.shape_cast %swap3A_1410 : vector<1x16xf32> to vector<16xf32>
        %swap3A_1412 = vector.shape_cast %mul3A_1407 : vector<16xf32> to vector<1x16xf32>
        tpu.vector_store %arg9[%swap3A_1408, %swap3A_1409], %swap3A_1412 {strides = array<i32>} : memref<128x128xf32, #tpu.memory_space<vmem>>, vector<1x16xf32>,
        %get3A_1413 = arith.index_cast %add3A_1377 : i32 to index
        %get3A_1414 = arith.constant 48 : index
        %get3A_1415 = tpu.vector_load %arg9[%get3A_1413, %get3A_1414] {strides = array<i32>} : memref<128x128xf32, #tpu.memory_space<vmem>>, vector<1x16xf32>,
        %get3A_1416 = vector.shape_cast %get3A_1415 : vector<1x16xf32> to vector<16xf32>
        %mul3A_1417 = arith.mulf %get3A_1416, %gather3A_1382 : vector<16xf32>
        %swap3A_1418 = arith.index_cast %add3A_1377 : i32 to index
        %swap3A_1419 = arith.constant 48 : index
        %swap3A_1420 = tpu.vector_load %arg9[%swap3A_1418, %swap3A_1419] {strides = array<i32>} : memref<128x128xf32, #tpu.memory_space<vmem>>, vector<1x16xf32>,
        %swap3A_1421 = vector.shape_cast %swap3A_1420 : vector<1x16xf32> to vector<16xf32>
        %swap3A_1422 = vector.shape_cast %mul3A_1417 : vector<16xf32> to vector<1x16xf32>
        tpu.vector_store %arg9[%swap3A_1418, %swap3A_1419], %swap3A_1422 {strides = array<i32>} : memref<128x128xf32, #tpu.memory_space<vmem>>, vector<1x16xf32>,
        %get3A_1423 = arith.index_cast %add3A_1377 : i32 to index
        %get3A_1424 = arith.constant 64 : index
        %get3A_1425 = tpu.vector_load %arg9[%get3A_1423, %get3A_1424] {strides = array<i32>} : memref<128x128xf32, #tpu.memory_space<vmem>>, vector<1x16xf32>,
        %get3A_1426 = vector.shape_cast %get3A_1425 : vector<1x16xf32> to vector<16xf32>
        %mul3A_1427 = arith.mulf %get3A_1426, %gather3A_1382 : vector<16xf32>
        %swap3A_1428 = arith.index_cast %add3A_1377 : i32 to index
        %swap3A_1429 = arith.constant 64 : index
        %swap3A_1430 = tpu.vector_load %arg9[%swap3A_1428, %swap3A_1429] {strides = array<i32>} : memref<128x128xf32, #tpu.memory_space<vmem>>, vector<1x16xf32>,
        %swap3A_1431 = vector.shape_cast %swap3A_1430 : vector<1x16xf32> to vector<16xf32>
        %swap3A_1432 = vector.shape_cast %mul3A_1427 : vector<16xf32> to vector<1x16xf32>
        tpu.vector_store %arg9[%swap3A_1428, %swap3A_1429], %swap3A_1432 {strides = array<i32>} : memref<128x128xf32, #tpu.memory_space<vmem>>, vector<1x16xf32>,
        %get3A_1433 = arith.index_cast %add3A_1377 : i32 to index
        %get3A_1434 = arith.constant 80 : index
        %get3A_1435 = tpu.vector_load %arg9[%get3A_1433, %get3A_1434] {strides = array<i32>} : memref<128x128xf32, #tpu.memory_space<vmem>>, vector<1x16xf32>,
        %get3A_1436 = vector.shape_cast %get3A_1435 : vector<1x16xf32> to vector<16xf32>
        %mul3A_1437 = arith.mulf %get3A_1436, %gather3A_1382 : vector<16xf32>
        %swap3A_1438 = arith.index_cast %add3A_1377 : i32 to index
        %swap3A_1439 = arith.constant 80 : index
        %swap3A_1440 = tpu.vector_load %arg9[%swap3A_1438, %swap3A_1439] {strides = array<i32>} : memref<128x128xf32, #tpu.memory_space<vmem>>, vector<1x16xf32>,
        %swap3A_1441 = vector.shape_cast %swap3A_1440 : vector<1x16xf32> to vector<16xf32>
        %swap3A_1442 = vector.shape_cast %mul3A_1437 : vector<16xf32> to vector<1x16xf32>
        tpu.vector_store %arg9[%swap3A_1438, %swap3A_1439], %swap3A_1442 {strides = array<i32>} : memref<128x128xf32, #tpu.memory_space<vmem>>, vector<1x16xf32>,
        %get3A_1443 = arith.index_cast %add3A_1377 : i32 to index
        %get3A_1444 = arith.constant 96 : index
        %get3A_1445 = tpu.vector_load %arg9[%get3A_1443, %get3A_1444] {strides = array<i32>} : memref<128x128xf32, #tpu.memory_space<vmem>>, vector<1x16xf32>,
        %get3A_1446 = vector.shape_cast %get3A_1445 : vector<1x16xf32> to vector<16xf32>
        %mul3A_1447 = arith.mulf %get3A_1446, %gather3A_1382 : vector<16xf32>
        %swap3A_1448 = arith.index_cast %add3A_1377 : i32 to index
        %swap3A_1449 = arith.constant 96 : index
        %swap3A_1450 = tpu.vector_load %arg9[%swap3A_1448, %swap3A_1449] {strides = array<i32>} : memref<128x128xf32, #tpu.memory_space<vmem>>, vector<1x16xf32>,
        %swap3A_1451 = vector.shape_cast %swap3A_1450 : vector<1x16xf32> to vector<16xf32>
        %swap3A_1452 = vector.shape_cast %mul3A_1447 : vector<16xf32> to vector<1x16xf32>
        tpu.vector_store %arg9[%swap3A_1448, %swap3A_1449], %swap3A_1452 {strides = array<i32>} : memref<128x128xf32, #tpu.memory_space<vmem>>, vector<1x16xf32>,
        %get3A_1453 = arith.index_cast %add3A_1377 : i32 to index
        %get3A_1454 = arith.constant 112 : index
        %get3A_1455 = tpu.vector_load %arg9[%get3A_1453, %get3A_1454] {strides = array<i32>} : memref<128x128xf32, #tpu.memory_space<vmem>>, vector<1x16xf32>,
        %get3A_1456 = vector.shape_cast %get3A_1455 : vector<1x16xf32> to vector<16xf32>
        %mul3A_1457 = arith.mulf %get3A_1456, %gather3A_1382 : vector<16xf32>
        %swap3A_1458 = arith.index_cast %add3A_1377 : i32 to index
        %swap3A_1459 = arith.constant 112 : index
        %swap3A_1460 = tpu.vector_load %arg9[%swap3A_1458, %swap3A_1459] {strides = array<i32>} : memref<128x128xf32, #tpu.memory_space<vmem>>, vector<1x16xf32>,
        %swap3A_1461 = vector.shape_cast %swap3A_1460 : vector<1x16xf32> to vector<16xf32>
        %swap3A_1462 = vector.shape_cast %mul3A_1457 : vector<16xf32> to vector<1x16xf32>
        tpu.vector_store %arg9[%swap3A_1458, %swap3A_1459], %swap3A_1462 {strides = array<i32>} : memref<128x128xf32, #tpu.memory_space<vmem>>, vector<1x16xf32>,
        %mul3A_1463 = arith.constant 16 : i32
        %mul3A_1464 = arith.muli %scan3A_213, %mul3A_1463 : i32
        %add3A_1465 = arith.constant 14 : i32
        %add3A_1466 = arith.addi %mul3A_1464, %add3A_1465 : i32
        %broadcast_in_dim3A_1467 = arith.constant 14 : i32
        %broadcast_in_dim3A_1468 = vector.broadcast %broadcast_in_dim3A_1467 : i32 to vector<16xi32>
        %broadcast_in_dim3A_1469 = vector.shape_cast %broadcast_in_dim3A_1468 : vector<16xi32> to vector<16x1xi32>
        %gather3A_1470 = vector.shape_cast %broadcast_in_dim3A_1469 : vector<16x1xi32> to vector<16xi32>
        %gather3A_1471 = tpu.dynamic_gather %get3A_218[%gather3A_1470] in [0] : vector<16xf32>, vector<16xi32> -> vector<16xf32>
        %get3A_1472 = arith.index_cast %add3A_1466 : i32 to index
        %get3A_1473 = arith.constant 0 : index
        %get3A_1474 = tpu.vector_load %arg9[%get3A_1472, %get3A_1473] {strides = array<i32>} : memref<128x128xf32, #tpu.memory_space<vmem>>, vector<1x16xf32>,
        %get3A_1475 = vector.shape_cast %get3A_1474 : vector<1x16xf32> to vector<16xf32>
        %mul3A_1476 = arith.mulf %get3A_1475, %gather3A_1471 : vector<16xf32>
        %swap3A_1477 = arith.index_cast %add3A_1466 : i32 to index
        %swap3A_1478 = arith.constant 0 : index
        %swap3A_1479 = tpu.vector_load %arg9[%swap3A_1477, %swap3A_1478] {strides = array<i32>} : memref<128x128xf32, #tpu.memory_space<vmem>>, vector<1x16xf32>,
        %swap3A_1480 = vector.shape_cast %swap3A_1479 : vector<1x16xf32> to vector<16xf32>
        %swap3A_1481 = vector.shape_cast %mul3A_1476 : vector<16xf32> to vector<1x16xf32>
        tpu.vector_store %arg9[%swap3A_1477, %swap3A_1478], %swap3A_1481 {strides = array<i32>} : memref<128x128xf32, #tpu.memory_space<vmem>>, vector<1x16xf32>,
        %get3A_1482 = arith.index_cast %add3A_1466 : i32 to index
        %get3A_1483 = arith.constant 16 : index
        %get3A_1484 = tpu.vector_load %arg9[%get3A_1482, %get3A_1483] {strides = array<i32>} : memref<128x128xf32, #tpu.memory_space<vmem>>, vector<1x16xf32>,
        %get3A_1485 = vector.shape_cast %get3A_1484 : vector<1x16xf32> to vector<16xf32>
        %mul3A_1486 = arith.mulf %get3A_1485, %gather3A_1471 : vector<16xf32>
        %swap3A_1487 = arith.index_cast %add3A_1466 : i32 to index
        %swap3A_1488 = arith.constant 16 : index
        %swap3A_1489 = tpu.vector_load %arg9[%swap3A_1487, %swap3A_1488] {strides = array<i32>} : memref<128x128xf32, #tpu.memory_space<vmem>>, vector<1x16xf32>,
        %swap3A_1490 = vector.shape_cast %swap3A_1489 : vector<1x16xf32> to vector<16xf32>
        %swap3A_1491 = vector.shape_cast %mul3A_1486 : vector<16xf32> to vector<1x16xf32>
        tpu.vector_store %arg9[%swap3A_1487, %swap3A_1488], %swap3A_1491 {strides = array<i32>} : memref<128x128xf32, #tpu.memory_space<vmem>>, vector<1x16xf32>,
        %get3A_1492 = arith.index_cast %add3A_1466 : i32 to index
        %get3A_1493 = arith.constant 32 : index
        %get3A_1494 = tpu.vector_load %arg9[%get3A_1492, %get3A_1493] {strides = array<i32>} : memref<128x128xf32, #tpu.memory_space<vmem>>, vector<1x16xf32>,
        %get3A_1495 = vector.shape_cast %get3A_1494 : vector<1x16xf32> to vector<16xf32>
        %mul3A_1496 = arith.mulf %get3A_1495, %gather3A_1471 : vector<16xf32>
        %swap3A_1497 = arith.index_cast %add3A_1466 : i32 to index
        %swap3A_1498 = arith.constant 32 : index
        %swap3A_1499 = tpu.vector_load %arg9[%swap3A_1497, %swap3A_1498] {strides = array<i32>} : memref<128x128xf32, #tpu.memory_space<vmem>>, vector<1x16xf32>,
        %swap3A_1500 = vector.shape_cast %swap3A_1499 : vector<1x16xf32> to vector<16xf32>
        %swap3A_1501 = vector.shape_cast %mul3A_1496 : vector<16xf32> to vector<1x16xf32>
        tpu.vector_store %arg9[%swap3A_1497, %swap3A_1498], %swap3A_1501 {strides = array<i32>} : memref<128x128xf32, #tpu.memory_space<vmem>>, vector<1x16xf32>,
        %get3A_1502 = arith.index_cast %add3A_1466 : i32 to index
        %get3A_1503 = arith.constant 48 : index
        %get3A_1504 = tpu.vector_load %arg9[%get3A_1502, %get3A_1503] {strides = array<i32>} : memref<128x128xf32, #tpu.memory_space<vmem>>, vector<1x16xf32>,
        %get3A_1505 = vector.shape_cast %get3A_1504 : vector<1x16xf32> to vector<16xf32>
        %mul3A_1506 = arith.mulf %get3A_1505, %gather3A_1471 : vector<16xf32>
        %swap3A_1507 = arith.index_cast %add3A_1466 : i32 to index
        %swap3A_1508 = arith.constant 48 : index
        %swap3A_1509 = tpu.vector_load %arg9[%swap3A_1507, %swap3A_1508] {strides = array<i32>} : memref<128x128xf32, #tpu.memory_space<vmem>>, vector<1x16xf32>,
        %swap3A_1510 = vector.shape_cast %swap3A_1509 : vector<1x16xf32> to vector<16xf32>
        %swap3A_1511 = vector.shape_cast %mul3A_1506 : vector<16xf32> to vector<1x16xf32>
        tpu.vector_store %arg9[%swap3A_1507, %swap3A_1508], %swap3A_1511 {strides = array<i32>} : memref<128x128xf32, #tpu.memory_space<vmem>>, vector<1x16xf32>,
        %get3A_1512 = arith.index_cast %add3A_1466 : i32 to index
        %get3A_1513 = arith.constant 64 : index
        %get3A_1514 = tpu.vector_load %arg9[%get3A_1512, %get3A_1513] {strides = array<i32>} : memref<128x128xf32, #tpu.memory_space<vmem>>, vector<1x16xf32>,
        %get3A_1515 = vector.shape_cast %get3A_1514 : vector<1x16xf32> to vector<16xf32>
        %mul3A_1516 = arith.mulf %get3A_1515, %gather3A_1471 : vector<16xf32>
        %swap3A_1517 = arith.index_cast %add3A_1466 : i32 to index
        %swap3A_1518 = arith.constant 64 : index
        %swap3A_1519 = tpu.vector_load %arg9[%swap3A_1517, %swap3A_1518] {strides = array<i32>} : memref<128x128xf32, #tpu.memory_space<vmem>>, vector<1x16xf32>,
        %swap3A_1520 = vector.shape_cast %swap3A_1519 : vector<1x16xf32> to vector<16xf32>
        %swap3A_1521 = vector.shape_cast %mul3A_1516 : vector<16xf32> to vector<1x16xf32>
        tpu.vector_store %arg9[%swap3A_1517, %swap3A_1518], %swap3A_1521 {strides = array<i32>} : memref<128x128xf32, #tpu.memory_space<vmem>>, vector<1x16xf32>,
        %get3A_1522 = arith.index_cast %add3A_1466 : i32 to index
        %get3A_1523 = arith.constant 80 : index
        %get3A_1524 = tpu.vector_load %arg9[%get3A_1522, %get3A_1523] {strides = array<i32>} : memref<128x128xf32, #tpu.memory_space<vmem>>, vector<1x16xf32>,
        %get3A_1525 = vector.shape_cast %get3A_1524 : vector<1x16xf32> to vector<16xf32>
        %mul3A_1526 = arith.mulf %get3A_1525, %gather3A_1471 : vector<16xf32>
        %swap3A_1527 = arith.index_cast %add3A_1466 : i32 to index
        %swap3A_1528 = arith.constant 80 : index
        %swap3A_1529 = tpu.vector_load %arg9[%swap3A_1527, %swap3A_1528] {strides = array<i32>} : memref<128x128xf32, #tpu.memory_space<vmem>>, vector<1x16xf32>,
        %swap3A_1530 = vector.shape_cast %swap3A_1529 : vector<1x16xf32> to vector<16xf32>
        %swap3A_1531 = vector.shape_cast %mul3A_1526 : vector<16xf32> to vector<1x16xf32>
        tpu.vector_store %arg9[%swap3A_1527, %swap3A_1528], %swap3A_1531 {strides = array<i32>} : memref<128x128xf32, #tpu.memory_space<vmem>>, vector<1x16xf32>,
        %get3A_1532 = arith.index_cast %add3A_1466 : i32 to index
        %get3A_1533 = arith.constant 96 : index
        %get3A_1534 = tpu.vector_load %arg9[%get3A_1532, %get3A_1533] {strides = array<i32>} : memref<128x128xf32, #tpu.memory_space<vmem>>, vector<1x16xf32>,
        %get3A_1535 = vector.shape_cast %get3A_1534 : vector<1x16xf32> to vector<16xf32>
        %mul3A_1536 = arith.mulf %get3A_1535, %gather3A_1471 : vector<16xf32>
        %swap3A_1537 = arith.index_cast %add3A_1466 : i32 to index
        %swap3A_1538 = arith.constant 96 : index
        %swap3A_1539 = tpu.vector_load %arg9[%swap3A_1537, %swap3A_1538] {strides = array<i32>} : memref<128x128xf32, #tpu.memory_space<vmem>>, vector<1x16xf32>,
        %swap3A_1540 = vector.shape_cast %swap3A_1539 : vector<1x16xf32> to vector<16xf32>
        %swap3A_1541 = vector.shape_cast %mul3A_1536 : vector<16xf32> to vector<1x16xf32>
        tpu.vector_store %arg9[%swap3A_1537, %swap3A_1538], %swap3A_1541 {strides = array<i32>} : memref<128x128xf32, #tpu.memory_space<vmem>>, vector<1x16xf32>,
        %get3A_1542 = arith.index_cast %add3A_1466 : i32 to index
        %get3A_1543 = arith.constant 112 : index
        %get3A_1544 = tpu.vector_load %arg9[%get3A_1542, %get3A_1543] {strides = array<i32>} : memref<128x128xf32, #tpu.memory_space<vmem>>, vector<1x16xf32>,
        %get3A_1545 = vector.shape_cast %get3A_1544 : vector<1x16xf32> to vector<16xf32>
        %mul3A_1546 = arith.mulf %get3A_1545, %gather3A_1471 : vector<16xf32>
        %swap3A_1547 = arith.index_cast %add3A_1466 : i32 to index
        %swap3A_1548 = arith.constant 112 : index
        %swap3A_1549 = tpu.vector_load %arg9[%swap3A_1547, %swap3A_1548] {strides = array<i32>} : memref<128x128xf32, #tpu.memory_space<vmem>>, vector<1x16xf32>,
        %swap3A_1550 = vector.shape_cast %swap3A_1549 : vector<1x16xf32> to vector<16xf32>
        %swap3A_1551 = vector.shape_cast %mul3A_1546 : vector<16xf32> to vector<1x16xf32>
        tpu.vector_store %arg9[%swap3A_1547, %swap3A_1548], %swap3A_1551 {strides = array<i32>} : memref<128x128xf32, #tpu.memory_space<vmem>>, vector<1x16xf32>,
        %mul3A_1552 = arith.constant 16 : i32
        %mul3A_1553 = arith.muli %scan3A_213, %mul3A_1552 : i32
        %add3A_1554 = arith.constant 15 : i32
        %add3A_1555 = arith.addi %mul3A_1553, %add3A_1554 : i32
        %broadcast_in_dim3A_1556 = arith.constant 15 : i32
        %broadcast_in_dim3A_1557 = vector.broadcast %broadcast_in_dim3A_1556 : i32 to vector<16xi32>
        %broadcast_in_dim3A_1558 = vector.shape_cast %broadcast_in_dim3A_1557 : vector<16xi32> to vector<16x1xi32>
        %gather3A_1559 = vector.shape_cast %broadcast_in_dim3A_1558 : vector<16x1xi32> to vector<16xi32>
        %gather3A_1560 = tpu.dynamic_gather %get3A_218[%gather3A_1559] in [0] : vector<16xf32>, vector<16xi32> -> vector<16xf32>
        %get3A_1561 = arith.index_cast %add3A_1555 : i32 to index
        %get3A_1562 = arith.constant 0 : index
        %get3A_1563 = tpu.vector_load %arg9[%get3A_1561, %get3A_1562] {strides = array<i32>} : memref<128x128xf32, #tpu.memory_space<vmem>>, vector<1x16xf32>,
        %get3A_1564 = vector.shape_cast %get3A_1563 : vector<1x16xf32> to vector<16xf32>
        %mul3A_1565 = arith.mulf %get3A_1564, %gather3A_1560 : vector<16xf32>
        %swap3A_1566 = arith.index_cast %add3A_1555 : i32 to index
        %swap3A_1567 = arith.constant 0 : index
        %swap3A_1568 = tpu.vector_load %arg9[%swap3A_1566, %swap3A_1567] {strides = array<i32>} : memref<128x128xf32, #tpu.memory_space<vmem>>, vector<1x16xf32>,
        %swap3A_1569 = vector.shape_cast %swap3A_1568 : vector<1x16xf32> to vector<16xf32>
        %swap3A_1570 = vector.shape_cast %mul3A_1565 : vector<16xf32> to vector<1x16xf32>
        tpu.vector_store %arg9[%swap3A_1566, %swap3A_1567], %swap3A_1570 {strides = array<i32>} : memref<128x128xf32, #tpu.memory_space<vmem>>, vector<1x16xf32>,
        %get3A_1571 = arith.index_cast %add3A_1555 : i32 to index
        %get3A_1572 = arith.constant 16 : index
        %get3A_1573 = tpu.vector_load %arg9[%get3A_1571, %get3A_1572] {strides = array<i32>} : memref<128x128xf32, #tpu.memory_space<vmem>>, vector<1x16xf32>,
        %get3A_1574 = vector.shape_cast %get3A_1573 : vector<1x16xf32> to vector<16xf32>
        %mul3A_1575 = arith.mulf %get3A_1574, %gather3A_1560 : vector<16xf32>
        %swap3A_1576 = arith.index_cast %add3A_1555 : i32 to index
        %swap3A_1577 = arith.constant 16 : index
        %swap3A_1578 = tpu.vector_load %arg9[%swap3A_1576, %swap3A_1577] {strides = array<i32>} : memref<128x128xf32, #tpu.memory_space<vmem>>, vector<1x16xf32>,
        %swap3A_1579 = vector.shape_cast %swap3A_1578 : vector<1x16xf32> to vector<16xf32>
        %swap3A_1580 = vector.shape_cast %mul3A_1575 : vector<16xf32> to vector<1x16xf32>
        tpu.vector_store %arg9[%swap3A_1576, %swap3A_1577], %swap3A_1580 {strides = array<i32>} : memref<128x128xf32, #tpu.memory_space<vmem>>, vector<1x16xf32>,
        %get3A_1581 = arith.index_cast %add3A_1555 : i32 to index
        %get3A_1582 = arith.constant 32 : index
        %get3A_1583 = tpu.vector_load %arg9[%get3A_1581, %get3A_1582] {strides = array<i32>} : memref<128x128xf32, #tpu.memory_space<vmem>>, vector<1x16xf32>,
        %get3A_1584 = vector.shape_cast %get3A_1583 : vector<1x16xf32> to vector<16xf32>
        %mul3A_1585 = arith.mulf %get3A_1584, %gather3A_1560 : vector<16xf32>
        %swap3A_1586 = arith.index_cast %add3A_1555 : i32 to index
        %swap3A_1587 = arith.constant 32 : index
        %swap3A_1588 = tpu.vector_load %arg9[%swap3A_1586, %swap3A_1587] {strides = array<i32>} : memref<128x128xf32, #tpu.memory_space<vmem>>, vector<1x16xf32>,
        %swap3A_1589 = vector.shape_cast %swap3A_1588 : vector<1x16xf32> to vector<16xf32>
        %swap3A_1590 = vector.shape_cast %mul3A_1585 : vector<16xf32> to vector<1x16xf32>
        tpu.vector_store %arg9[%swap3A_1586, %swap3A_1587], %swap3A_1590 {strides = array<i32>} : memref<128x128xf32, #tpu.memory_space<vmem>>, vector<1x16xf32>,
        %get3A_1591 = arith.index_cast %add3A_1555 : i32 to index
        %get3A_1592 = arith.constant 48 : index
        %get3A_1593 = tpu.vector_load %arg9[%get3A_1591, %get3A_1592] {strides = array<i32>} : memref<128x128xf32, #tpu.memory_space<vmem>>, vector<1x16xf32>,
        %get3A_1594 = vector.shape_cast %get3A_1593 : vector<1x16xf32> to vector<16xf32>
        %mul3A_1595 = arith.mulf %get3A_1594, %gather3A_1560 : vector<16xf32>
        %swap3A_1596 = arith.index_cast %add3A_1555 : i32 to index
        %swap3A_1597 = arith.constant 48 : index
        %swap3A_1598 = tpu.vector_load %arg9[%swap3A_1596, %swap3A_1597] {strides = array<i32>} : memref<128x128xf32, #tpu.memory_space<vmem>>, vector<1x16xf32>,
        %swap3A_1599 = vector.shape_cast %swap3A_1598 : vector<1x16xf32> to vector<16xf32>
        %swap3A_1600 = vector.shape_cast %mul3A_1595 : vector<16xf32> to vector<1x16xf32>
        tpu.vector_store %arg9[%swap3A_1596, %swap3A_1597], %swap3A_1600 {strides = array<i32>} : memref<128x128xf32, #tpu.memory_space<vmem>>, vector<1x16xf32>,
        %get3A_1601 = arith.index_cast %add3A_1555 : i32 to index
        %get3A_1602 = arith.constant 64 : index
        %get3A_1603 = tpu.vector_load %arg9[%get3A_1601, %get3A_1602] {strides = array<i32>} : memref<128x128xf32, #tpu.memory_space<vmem>>, vector<1x16xf32>,
        %get3A_1604 = vector.shape_cast %get3A_1603 : vector<1x16xf32> to vector<16xf32>
        %mul3A_1605 = arith.mulf %get3A_1604, %gather3A_1560 : vector<16xf32>
        %swap3A_1606 = arith.index_cast %add3A_1555 : i32 to index
        %swap3A_1607 = arith.constant 64 : index
        %swap3A_1608 = tpu.vector_load %arg9[%swap3A_1606, %swap3A_1607] {strides = array<i32>} : memref<128x128xf32, #tpu.memory_space<vmem>>, vector<1x16xf32>,
        %swap3A_1609 = vector.shape_cast %swap3A_1608 : vector<1x16xf32> to vector<16xf32>
        %swap3A_1610 = vector.shape_cast %mul3A_1605 : vector<16xf32> to vector<1x16xf32>
        tpu.vector_store %arg9[%swap3A_1606, %swap3A_1607], %swap3A_1610 {strides = array<i32>} : memref<128x128xf32, #tpu.memory_space<vmem>>, vector<1x16xf32>,
        %get3A_1611 = arith.index_cast %add3A_1555 : i32 to index
        %get3A_1612 = arith.constant 80 : index
        %get3A_1613 = tpu.vector_load %arg9[%get3A_1611, %get3A_1612] {strides = array<i32>} : memref<128x128xf32, #tpu.memory_space<vmem>>, vector<1x16xf32>,
        %get3A_1614 = vector.shape_cast %get3A_1613 : vector<1x16xf32> to vector<16xf32>
        %mul3A_1615 = arith.mulf %get3A_1614, %gather3A_1560 : vector<16xf32>
        %swap3A_1616 = arith.index_cast %add3A_1555 : i32 to index
        %swap3A_1617 = arith.constant 80 : index
        %swap3A_1618 = tpu.vector_load %arg9[%swap3A_1616, %swap3A_1617] {strides = array<i32>} : memref<128x128xf32, #tpu.memory_space<vmem>>, vector<1x16xf32>,
        %swap3A_1619 = vector.shape_cast %swap3A_1618 : vector<1x16xf32> to vector<16xf32>
        %swap3A_1620 = vector.shape_cast %mul3A_1615 : vector<16xf32> to vector<1x16xf32>
        tpu.vector_store %arg9[%swap3A_1616, %swap3A_1617], %swap3A_1620 {strides = array<i32>} : memref<128x128xf32, #tpu.memory_space<vmem>>, vector<1x16xf32>,
        %get3A_1621 = arith.index_cast %add3A_1555 : i32 to index
        %get3A_1622 = arith.constant 96 : index
        %get3A_1623 = tpu.vector_load %arg9[%get3A_1621, %get3A_1622] {strides = array<i32>} : memref<128x128xf32, #tpu.memory_space<vmem>>, vector<1x16xf32>,
        %get3A_1624 = vector.shape_cast %get3A_1623 : vector<1x16xf32> to vector<16xf32>
        %mul3A_1625 = arith.mulf %get3A_1624, %gather3A_1560 : vector<16xf32>
        %swap3A_1626 = arith.index_cast %add3A_1555 : i32 to index
        %swap3A_1627 = arith.constant 96 : index
        %swap3A_1628 = tpu.vector_load %arg9[%swap3A_1626, %swap3A_1627] {strides = array<i32>} : memref<128x128xf32, #tpu.memory_space<vmem>>, vector<1x16xf32>,
        %swap3A_1629 = vector.shape_cast %swap3A_1628 : vector<1x16xf32> to vector<16xf32>
        %swap3A_1630 = vector.shape_cast %mul3A_1625 : vector<16xf32> to vector<1x16xf32>
        tpu.vector_store %arg9[%swap3A_1626, %swap3A_1627], %swap3A_1630 {strides = array<i32>} : memref<128x128xf32, #tpu.memory_space<vmem>>, vector<1x16xf32>,
        %get3A_1631 = arith.index_cast %add3A_1555 : i32 to index
        %get3A_1632 = arith.constant 112 : index
        %get3A_1633 = tpu.vector_load %arg9[%get3A_1631, %get3A_1632] {strides = array<i32>} : memref<128x128xf32, #tpu.memory_space<vmem>>, vector<1x16xf32>,
        %get3A_1634 = vector.shape_cast %get3A_1633 : vector<1x16xf32> to vector<16xf32>
        %mul3A_1635 = arith.mulf %get3A_1634, %gather3A_1560 : vector<16xf32>
        %swap3A_1636 = arith.index_cast %add3A_1555 : i32 to index
        %swap3A_1637 = arith.constant 112 : index
        %swap3A_1638 = tpu.vector_load %arg9[%swap3A_1636, %swap3A_1637] {strides = array<i32>} : memref<128x128xf32, #tpu.memory_space<vmem>>, vector<1x16xf32>,
        %swap3A_1639 = vector.shape_cast %swap3A_1638 : vector<1x16xf32> to vector<16xf32>
        %swap3A_1640 = vector.shape_cast %mul3A_1635 : vector<16xf32> to vector<1x16xf32>
        tpu.vector_store %arg9[%swap3A_1636, %swap3A_1637], %swap3A_1640 {strides = array<i32>} : memref<128x128xf32, #tpu.memory_space<vmem>>, vector<1x16xf32>,
      }
      %scan3A_212 = arith.constant 8 : i32
      %run_scoped3A = arith.constant 2 : i32
      "tpu.region"() ({
        %run_scoped3A_213 = tpu.sem_alloc : memref<!tpu.dma_semaphore, #tpu.memory_space<semaphore_mem>>
        %dma_start3A_214 = arith.constant 0 : i32
        %dma_start3A_215 = tpu.memref_slice %arg6[%run_scoped3A, %dma_start3A_214] : memref<3x128xi32, #tpu.memory_space<vmem>> -> memref<1x128xi32, #tpu.memory_space<vmem>>
        %dma_start3A_216 = tpu.memref_squeeze %dma_start3A_215 : memref<1x128xi32, #tpu.memory_space<vmem>> -> memref<128xi32, #tpu.memory_space<vmem>>
        %dma_start3A_217 = arith.constant 0 : i32
        %dma_start3A_218 = arith.constant 0 : i32
        %dma_start3A_219 = tpu.memref_slice %arg11[%dma_start3A_217, %dma_start3A_218] : memref<10240x128xf32, #tpu.memory_space<vmem_shared>> -> memref<10240x128xf32, #tpu.memory_space<vmem_shared>>
        tpu.enqueue_indirect_dma source(%arg9 : memref<128x128xf32, #tpu.memory_space<vmem>>) target(%dma_start3A_219 : memref<10240x128xf32, #tpu.memory_space<vmem_shared>>) offsets(%dma_start3A_216 : memref<128xi32, #tpu.memory_space<vmem>>) semaphore(%run_scoped3A_213 : memref<!tpu.dma_semaphore, #tpu.memory_space<semaphore_mem>>) {add = true}
        %dma_wait3A_220 = arith.constant 0 : i32
        %dma_wait3A_221 = tpu.memref_slice %arg6[%run_scoped3A, %dma_wait3A_220] : memref<3x128xi32, #tpu.memory_space<vmem>> -> memref<1x128xi32, #tpu.memory_space<vmem>>
        %dma_wait3A_222 = tpu.memref_squeeze %dma_wait3A_221 : memref<1x128xi32, #tpu.memory_space<vmem>> -> memref<128xi32, #tpu.memory_space<vmem>>
        %dma_wait3A_223 = arith.constant 0 : i32
        %dma_wait3A_224 = arith.constant 0 : i32
        %dma_wait3A_225 = tpu.memref_slice %arg11[%dma_wait3A_223, %dma_wait3A_224] : memref<10240x128xf32, #tpu.memory_space<vmem_shared>> -> memref<10240x128xf32, #tpu.memory_space<vmem_shared>>
        tpu.wait_indirect_dma semaphore(%run_scoped3A_213 : memref<!tpu.dma_semaphore, #tpu.memory_space<semaphore_mem>>) src(%arg9 : memref<128x128xf32, #tpu.memory_space<vmem>>) dst(%dma_wait3A_225 : memref<10240x128xf32, #tpu.memory_space<vmem_shared>>)
        tpu.yield
      }) : () -> ()
    }
    %while3A_58 = arith.constant 1 : i32
    scf.for %while3A_60 = %while3A_56 to %while3A_52 step %while3A_58  : i32 {
      %add3A_61 = arith.addi %add3A, %while3A_60 : i32
      "tpu.region"() ({
        %run_scoped3A_213 = tpu.sem_alloc : memref<!tpu.dma_semaphore, #tpu.memory_space<semaphore_mem>>
        %dma_start3A_214 = arith.constant 0 : i32
        %dma_start3A_215 = arith.constant 0 : i32
        %dma_start3A_216 = tpu.memref_slice %arg3[%add3A_61, %dma_start3A_214, %dma_start3A_215] : memref<2512x3x128xi32, #tpu.memory_space<hbm>> -> memref<1x3x128xi32, #tpu.memory_space<hbm>>
        %dma_start3A_217 = tpu.memref_squeeze %dma_start3A_216 : memref<1x3x128xi32, #tpu.memory_space<hbm>> -> memref<3x128xi32, #tpu.memory_space<hbm>>
        %dma_start3A_218 = arith.constant 0 : i32
        %dma_start3A_219 = arith.constant 0 : i32
        %dma_start3A_220 = tpu.memref_slice %arg3[%add3A_61, %dma_start3A_218, %dma_start3A_219] : memref<2512x3x128xi32, #tpu.memory_space<hbm>> -> memref<1x3x128xi32, #tpu.memory_space<hbm>>
        %dma_start3A_221 = tpu.memref_squeeze %dma_start3A_220 : memref<1x3x128xi32, #tpu.memory_space<hbm>> -> memref<3x128xi32, #tpu.memory_space<hbm>>
        tpu.enqueue_dma source(%dma_start3A_221 : memref<3x128xi32, #tpu.memory_space<hbm>>) target(%arg6 : memref<3x128xi32, #tpu.memory_space<vmem>>) target_semaphore(%run_scoped3A_213 : memref<!tpu.dma_semaphore, #tpu.memory_space<semaphore_mem>>)
        %dma_wait3A_222 = arith.constant 0 : i32
        %dma_wait3A_223 = arith.constant 0 : i32
        %dma_wait3A_224 = tpu.memref_slice %arg3[%add3A_61, %dma_wait3A_222, %dma_wait3A_223] : memref<2512x3x128xi32, #tpu.memory_space<hbm>> -> memref<1x3x128xi32, #tpu.memory_space<hbm>>
        %dma_wait3A_225 = tpu.memref_squeeze %dma_wait3A_224 : memref<1x3x128xi32, #tpu.memory_space<hbm>> -> memref<3x128xi32, #tpu.memory_space<hbm>>
        %dma_wait3A_226 = arith.constant 0 : i32
        %dma_wait3A_227 = arith.constant 0 : i32
        %dma_wait3A_228 = tpu.memref_slice %arg3[%add3A_61, %dma_wait3A_226, %dma_wait3A_227] : memref<2512x3x128xi32, #tpu.memory_space<hbm>> -> memref<1x3x128xi32, #tpu.memory_space<hbm>>
        %dma_wait3A_229 = tpu.memref_squeeze %dma_wait3A_228 : memref<1x3x128xi32, #tpu.memory_space<hbm>> -> memref<3x128xi32, #tpu.memory_space<hbm>>
        tpu.wait_dma2 semaphore(%run_scoped3A_213 : memref<!tpu.dma_semaphore, #tpu.memory_space<semaphore_mem>>) src(%dma_wait3A_229 : memref<3x128xi32, #tpu.memory_space<hbm>>) dst(%arg6 : memref<3x128xi32, #tpu.memory_space<vmem>>)
        tpu.yield
      }) : () -> ()
      "tpu.region"() ({
        %run_scoped3A_213 = tpu.sem_alloc : memref<!tpu.dma_semaphore, #tpu.memory_space<semaphore_mem>>
        %dma_start3A_214 = arith.constant 0 : i32
        %dma_start3A_215 = tpu.memref_slice %arg4[%add3A_61, %dma_start3A_214] : memref<2512x128xf32, #tpu.memory_space<hbm>> -> memref<1x128xf32, #tpu.memory_space<hbm>>
        %dma_start3A_216 = tpu.memref_squeeze %dma_start3A_215 : memref<1x128xf32, #tpu.memory_space<hbm>> -> memref<128xf32, #tpu.memory_space<hbm>>
        %dma_start3A_217 = arith.constant 0 : i32
        %dma_start3A_218 = tpu.memref_slice %arg4[%add3A_61, %dma_start3A_217] : memref<2512x128xf32, #tpu.memory_space<hbm>> -> memref<1x128xf32, #tpu.memory_space<hbm>>
        %dma_start3A_219 = tpu.memref_squeeze %dma_start3A_218 : memref<1x128xf32, #tpu.memory_space<hbm>> -> memref<128xf32, #tpu.memory_space<hbm>>
        tpu.enqueue_dma source(%dma_start3A_219 : memref<128xf32, #tpu.memory_space<hbm>>) target(%arg7 : memref<128xf32, #tpu.memory_space<vmem>>) target_semaphore(%run_scoped3A_213 : memref<!tpu.dma_semaphore, #tpu.memory_space<semaphore_mem>>)
        %dma_wait3A_220 = arith.constant 0 : i32
        %dma_wait3A_221 = tpu.memref_slice %arg4[%add3A_61, %dma_wait3A_220] : memref<2512x128xf32, #tpu.memory_space<hbm>> -> memref<1x128xf32, #tpu.memory_space<hbm>>
        %dma_wait3A_222 = tpu.memref_squeeze %dma_wait3A_221 : memref<1x128xf32, #tpu.memory_space<hbm>> -> memref<128xf32, #tpu.memory_space<hbm>>
        %dma_wait3A_223 = arith.constant 0 : i32
        %dma_wait3A_224 = tpu.memref_slice %arg4[%add3A_61, %dma_wait3A_223] : memref<2512x128xf32, #tpu.memory_space<hbm>> -> memref<1x128xf32, #tpu.memory_space<hbm>>
        %dma_wait3A_225 = tpu.memref_squeeze %dma_wait3A_224 : memref<1x128xf32, #tpu.memory_space<hbm>> -> memref<128xf32, #tpu.memory_space<hbm>>
        tpu.wait_dma2 semaphore(%run_scoped3A_213 : memref<!tpu.dma_semaphore, #tpu.memory_space<semaphore_mem>>) src(%dma_wait3A_225 : memref<128xf32, #tpu.memory_space<hbm>>) dst(%arg7 : memref<128xf32, #tpu.memory_space<vmem>>)
        tpu.yield
      }) : () -> ()
      %get3A = arith.constant 1 : i32
      %get3A_62 = arith.index_cast %get3A : i32 to index
      %get3A_63 = arith.constant 0 : index
      %get3A_64 = tpu.vector_load %arg6[%get3A_62, %get3A_63] {strides = array<i32>} : memref<3x128xi32, #tpu.memory_space<vmem>>, vector<1x16xi32>,
      %get3A_65 = vector.shape_cast %get3A_64 : vector<1x16xi32> to vector<16xi32>
      %mul3A_66 = arith.constant 10000 : i32
      %mul3A_67 = vector.broadcast %mul3A_66 : i32 to vector<16xi32>
      %mul3A_68 = arith.muli %get3A_65, %mul3A_67 : vector<16xi32>
      %get3A_69 = arith.constant 0 : i32
      %get3A_70 = arith.index_cast %get3A_69 : i32 to index
      %get3A_71 = arith.constant 0 : index
      %get3A_72 = tpu.vector_load %arg6[%get3A_70, %get3A_71] {strides = array<i32>} : memref<3x128xi32, #tpu.memory_space<vmem>>, vector<1x16xi32>,
      %get3A_73 = vector.shape_cast %get3A_72 : vector<1x16xi32> to vector<16xi32>
      %add3A_74 = arith.addi %mul3A_68, %get3A_73 : vector<16xi32>
      %swap3A = arith.constant 0 : index
      %swap3A_75 = tpu.vector_load %arg8[%swap3A] {strides = array<i32>} : memref<128xi32, #tpu.memory_space<vmem>>, vector<16xi32>,
      %swap3A_76 = vector.shape_cast %swap3A_75 : vector<16xi32> to vector<16xi32>
      %swap3A_77 = vector.shape_cast %add3A_74 : vector<16xi32> to vector<16xi32>
      tpu.vector_store %arg8[%swap3A], %swap3A_77 {strides = array<i32>} : memref<128xi32, #tpu.memory_space<vmem>>, vector<16xi32>,
      %get3A_78 = arith.constant 1 : i32
      %get3A_79 = arith.index_cast %get3A_78 : i32 to index
      %get3A_80 = arith.constant 16 : index
      %get3A_81 = tpu.vector_load %arg6[%get3A_79, %get3A_80] {strides = array<i32>} : memref<3x128xi32, #tpu.memory_space<vmem>>, vector<1x16xi32>,
      %get3A_82 = vector.shape_cast %get3A_81 : vector<1x16xi32> to vector<16xi32>
      %mul3A_83 = arith.constant 10000 : i32
      %mul3A_84 = vector.broadcast %mul3A_83 : i32 to vector<16xi32>
      %mul3A_85 = arith.muli %get3A_82, %mul3A_84 : vector<16xi32>
      %get3A_86 = arith.constant 0 : i32
      %get3A_87 = arith.index_cast %get3A_86 : i32 to index
      %get3A_88 = arith.constant 16 : index
      %get3A_89 = tpu.vector_load %arg6[%get3A_87, %get3A_88] {strides = array<i32>} : memref<3x128xi32, #tpu.memory_space<vmem>>, vector<1x16xi32>,
      %get3A_90 = vector.shape_cast %get3A_89 : vector<1x16xi32> to vector<16xi32>
      %add3A_91 = arith.addi %mul3A_85, %get3A_90 : vector<16xi32>
      %swap3A_92 = arith.constant 16 : index
      %swap3A_93 = tpu.vector_load %arg8[%swap3A_92] {strides = array<i32>} : memref<128xi32, #tpu.memory_space<vmem>>, vector<16xi32>,
      %swap3A_94 = vector.shape_cast %swap3A_93 : vector<16xi32> to vector<16xi32>
      %swap3A_95 = vector.shape_cast %add3A_91 : vector<16xi32> to vector<16xi32>
      tpu.vector_store %arg8[%swap3A_92], %swap3A_95 {strides = array<i32>} : memref<128xi32, #tpu.memory_space<vmem>>, vector<16xi32>,
      %get3A_96 = arith.constant 1 : i32
      %get3A_97 = arith.index_cast %get3A_96 : i32 to index
      %get3A_98 = arith.constant 32 : index
      %get3A_99 = tpu.vector_load %arg6[%get3A_97, %get3A_98] {strides = array<i32>} : memref<3x128xi32, #tpu.memory_space<vmem>>, vector<1x16xi32>,
      %get3A_100 = vector.shape_cast %get3A_99 : vector<1x16xi32> to vector<16xi32>
      %mul3A_101 = arith.constant 10000 : i32
      %mul3A_102 = vector.broadcast %mul3A_101 : i32 to vector<16xi32>
      %mul3A_103 = arith.muli %get3A_100, %mul3A_102 : vector<16xi32>
      %get3A_104 = arith.constant 0 : i32
      %get3A_105 = arith.index_cast %get3A_104 : i32 to index
      %get3A_106 = arith.constant 32 : index
      %get3A_107 = tpu.vector_load %arg6[%get3A_105, %get3A_106] {strides = array<i32>} : memref<3x128xi32, #tpu.memory_space<vmem>>, vector<1x16xi32>,
      %get3A_108 = vector.shape_cast %get3A_107 : vector<1x16xi32> to vector<16xi32>
      %add3A_109 = arith.addi %mul3A_103, %get3A_108 : vector<16xi32>
      %swap3A_110 = arith.constant 32 : index
      %swap3A_111 = tpu.vector_load %arg8[%swap3A_110] {strides = array<i32>} : memref<128xi32, #tpu.memory_space<vmem>>, vector<16xi32>,
      %swap3A_112 = vector.shape_cast %swap3A_111 : vector<16xi32> to vector<16xi32>
      %swap3A_113 = vector.shape_cast %add3A_109 : vector<16xi32> to vector<16xi32>
      tpu.vector_store %arg8[%swap3A_110], %swap3A_113 {strides = array<i32>} : memref<128xi32, #tpu.memory_space<vmem>>, vector<16xi32>,
      %get3A_114 = arith.constant 1 : i32
      %get3A_115 = arith.index_cast %get3A_114 : i32 to index
      %get3A_116 = arith.constant 48 : index
      %get3A_117 = tpu.vector_load %arg6[%get3A_115, %get3A_116] {strides = array<i32>} : memref<3x128xi32, #tpu.memory_space<vmem>>, vector<1x16xi32>,
      %get3A_118 = vector.shape_cast %get3A_117 : vector<1x16xi32> to vector<16xi32>
      %mul3A_119 = arith.constant 10000 : i32
      %mul3A_120 = vector.broadcast %mul3A_119 : i32 to vector<16xi32>
      %mul3A_121 = arith.muli %get3A_118, %mul3A_120 : vector<16xi32>
      %get3A_122 = arith.constant 0 : i32
      %get3A_123 = arith.index_cast %get3A_122 : i32 to index
      %get3A_124 = arith.constant 48 : index
      %get3A_125 = tpu.vector_load %arg6[%get3A_123, %get3A_124] {strides = array<i32>} : memref<3x128xi32, #tpu.memory_space<vmem>>, vector<1x16xi32>,
      %get3A_126 = vector.shape_cast %get3A_125 : vector<1x16xi32> to vector<16xi32>
      %add3A_127 = arith.addi %mul3A_121, %get3A_126 : vector<16xi32>
      %swap3A_128 = arith.constant 48 : index
      %swap3A_129 = tpu.vector_load %arg8[%swap3A_128] {strides = array<i32>} : memref<128xi32, #tpu.memory_space<vmem>>, vector<16xi32>,
      %swap3A_130 = vector.shape_cast %swap3A_129 : vector<16xi32> to vector<16xi32>
      %swap3A_131 = vector.shape_cast %add3A_127 : vector<16xi32> to vector<16xi32>
      tpu.vector_store %arg8[%swap3A_128], %swap3A_131 {strides = array<i32>} : memref<128xi32, #tpu.memory_space<vmem>>, vector<16xi32>,
      %get3A_132 = arith.constant 1 : i32
      %get3A_133 = arith.index_cast %get3A_132 : i32 to index
      %get3A_134 = arith.constant 64 : index
      %get3A_135 = tpu.vector_load %arg6[%get3A_133, %get3A_134] {strides = array<i32>} : memref<3x128xi32, #tpu.memory_space<vmem>>, vector<1x16xi32>,
      %get3A_136 = vector.shape_cast %get3A_135 : vector<1x16xi32> to vector<16xi32>
      %mul3A_137 = arith.constant 10000 : i32
      %mul3A_138 = vector.broadcast %mul3A_137 : i32 to vector<16xi32>
      %mul3A_139 = arith.muli %get3A_136, %mul3A_138 : vector<16xi32>
      %get3A_140 = arith.constant 0 : i32
      %get3A_141 = arith.index_cast %get3A_140 : i32 to index
      %get3A_142 = arith.constant 64 : index
      %get3A_143 = tpu.vector_load %arg6[%get3A_141, %get3A_142] {strides = array<i32>} : memref<3x128xi32, #tpu.memory_space<vmem>>, vector<1x16xi32>,
      %get3A_144 = vector.shape_cast %get3A_143 : vector<1x16xi32> to vector<16xi32>
      %add3A_145 = arith.addi %mul3A_139, %get3A_144 : vector<16xi32>
      %swap3A_146 = arith.constant 64 : index
      %swap3A_147 = tpu.vector_load %arg8[%swap3A_146] {strides = array<i32>} : memref<128xi32, #tpu.memory_space<vmem>>, vector<16xi32>,
      %swap3A_148 = vector.shape_cast %swap3A_147 : vector<16xi32> to vector<16xi32>
      %swap3A_149 = vector.shape_cast %add3A_145 : vector<16xi32> to vector<16xi32>
      tpu.vector_store %arg8[%swap3A_146], %swap3A_149 {strides = array<i32>} : memref<128xi32, #tpu.memory_space<vmem>>, vector<16xi32>,
      %get3A_150 = arith.constant 1 : i32
      %get3A_151 = arith.index_cast %get3A_150 : i32 to index
      %get3A_152 = arith.constant 80 : index
      %get3A_153 = tpu.vector_load %arg6[%get3A_151, %get3A_152] {strides = array<i32>} : memref<3x128xi32, #tpu.memory_space<vmem>>, vector<1x16xi32>,
      %get3A_154 = vector.shape_cast %get3A_153 : vector<1x16xi32> to vector<16xi32>
      %mul3A_155 = arith.constant 10000 : i32
      %mul3A_156 = vector.broadcast %mul3A_155 : i32 to vector<16xi32>
      %mul3A_157 = arith.muli %get3A_154, %mul3A_156 : vector<16xi32>
      %get3A_158 = arith.constant 0 : i32
      %get3A_159 = arith.index_cast %get3A_158 : i32 to index
      %get3A_160 = arith.constant 80 : index
      %get3A_161 = tpu.vector_load %arg6[%get3A_159, %get3A_160] {strides = array<i32>} : memref<3x128xi32, #tpu.memory_space<vmem>>, vector<1x16xi32>,
      %get3A_162 = vector.shape_cast %get3A_161 : vector<1x16xi32> to vector<16xi32>
      %add3A_163 = arith.addi %mul3A_157, %get3A_162 : vector<16xi32>
      %swap3A_164 = arith.constant 80 : index
      %swap3A_165 = tpu.vector_load %arg8[%swap3A_164] {strides = array<i32>} : memref<128xi32, #tpu.memory_space<vmem>>, vector<16xi32>,
      %swap3A_166 = vector.shape_cast %swap3A_165 : vector<16xi32> to vector<16xi32>
      %swap3A_167 = vector.shape_cast %add3A_163 : vector<16xi32> to vector<16xi32>
      tpu.vector_store %arg8[%swap3A_164], %swap3A_167 {strides = array<i32>} : memref<128xi32, #tpu.memory_space<vmem>>, vector<16xi32>,
      %get3A_168 = arith.constant 1 : i32
      %get3A_169 = arith.index_cast %get3A_168 : i32 to index
      %get3A_170 = arith.constant 96 : index
      %get3A_171 = tpu.vector_load %arg6[%get3A_169, %get3A_170] {strides = array<i32>} : memref<3x128xi32, #tpu.memory_space<vmem>>, vector<1x16xi32>,
      %get3A_172 = vector.shape_cast %get3A_171 : vector<1x16xi32> to vector<16xi32>
      %mul3A_173 = arith.constant 10000 : i32
      %mul3A_174 = vector.broadcast %mul3A_173 : i32 to vector<16xi32>
      %mul3A_175 = arith.muli %get3A_172, %mul3A_174 : vector<16xi32>
      %get3A_176 = arith.constant 0 : i32
      %get3A_177 = arith.index_cast %get3A_176 : i32 to index
      %get3A_178 = arith.constant 96 : index
      %get3A_179 = tpu.vector_load %arg6[%get3A_177, %get3A_178] {strides = array<i32>} : memref<3x128xi32, #tpu.memory_space<vmem>>, vector<1x16xi32>,
      %get3A_180 = vector.shape_cast %get3A_179 : vector<1x16xi32> to vector<16xi32>
      %add3A_181 = arith.addi %mul3A_175, %get3A_180 : vector<16xi32>
      %swap3A_182 = arith.constant 96 : index
      %swap3A_183 = tpu.vector_load %arg8[%swap3A_182] {strides = array<i32>} : memref<128xi32, #tpu.memory_space<vmem>>, vector<16xi32>,
      %swap3A_184 = vector.shape_cast %swap3A_183 : vector<16xi32> to vector<16xi32>
      %swap3A_185 = vector.shape_cast %add3A_181 : vector<16xi32> to vector<16xi32>
      tpu.vector_store %arg8[%swap3A_182], %swap3A_185 {strides = array<i32>} : memref<128xi32, #tpu.memory_space<vmem>>, vector<16xi32>,
      %get3A_186 = arith.constant 1 : i32
      %get3A_187 = arith.index_cast %get3A_186 : i32 to index
      %get3A_188 = arith.constant 112 : index
      %get3A_189 = tpu.vector_load %arg6[%get3A_187, %get3A_188] {strides = array<i32>} : memref<3x128xi32, #tpu.memory_space<vmem>>, vector<1x16xi32>,
      %get3A_190 = vector.shape_cast %get3A_189 : vector<1x16xi32> to vector<16xi32>
      %mul3A_191 = arith.constant 10000 : i32
      %mul3A_192 = vector.broadcast %mul3A_191 : i32 to vector<16xi32>
      %mul3A_193 = arith.muli %get3A_190, %mul3A_192 : vector<16xi32>
      %get3A_194 = arith.constant 0 : i32
      %get3A_195 = arith.index_cast %get3A_194 : i32 to index
      %get3A_196 = arith.constant 112 : index
      %get3A_197 = tpu.vector_load %arg6[%get3A_195, %get3A_196] {strides = array<i32>} : memref<3x128xi32, #tpu.memory_space<vmem>>, vector<1x16xi32>,
      %get3A_198 = vector.shape_cast %get3A_197 : vector<1x16xi32> to vector<16xi32>
      %add3A_199 = arith.addi %mul3A_193, %get3A_198 : vector<16xi32>
      %swap3A_200 = arith.constant 112 : index
      %swap3A_201 = tpu.vector_load %arg8[%swap3A_200] {strides = array<i32>} : memref<128xi32, #tpu.memory_space<vmem>>, vector<16xi32>,
      %swap3A_202 = vector.shape_cast %swap3A_201 : vector<16xi32> to vector<16xi32>
      %swap3A_203 = vector.shape_cast %add3A_199 : vector<16xi32> to vector<16xi32>
      tpu.vector_store %arg8[%swap3A_200], %swap3A_203 {strides = array<i32>} : memref<128xi32, #tpu.memory_space<vmem>>, vector<16xi32>,
      %dma_start3A = arith.constant 0 : i32
      %dma_start3A_204 = arith.constant 0 : i32
      %dma_start3A_205 = tpu.memref_slice %arg2[%dma_start3A, %dma_start3A_204] : memref<80000x128xf32, #tpu.memory_space<hbm>> -> memref<80000x128xf32, #tpu.memory_space<hbm>>
      tpu.enqueue_indirect_dma source(%dma_start3A_205 : memref<80000x128xf32, #tpu.memory_space<hbm>>) target(%arg9 : memref<128x128xf32, #tpu.memory_space<vmem>>) offsets(%arg8 : memref<128xi32, #tpu.memory_space<vmem>>) semaphore(%arg12 : memref<!tpu.dma_semaphore, #tpu.memory_space<semaphore_mem>>)
      %dma_wait3A = arith.constant 0 : i32
      %dma_wait3A_206 = arith.constant 0 : i32
      %dma_wait3A_207 = tpu.memref_slice %arg2[%dma_wait3A, %dma_wait3A_206] : memref<80000x128xf32, #tpu.memory_space<hbm>> -> memref<80000x128xf32, #tpu.memory_space<hbm>>
      tpu.wait_indirect_dma semaphore(%arg12 : memref<!tpu.dma_semaphore, #tpu.memory_space<semaphore_mem>>) src(%dma_wait3A_207 : memref<80000x128xf32, #tpu.memory_space<hbm>>) dst(%arg9 : memref<128x128xf32, #tpu.memory_space<vmem>>)
      %scan3A_208 = arith.constant 0 : i32
      %scan3A_209 = arith.constant 8 : i32
      %scan3A_210 = arith.addi %scan3A_208, %scan3A_209 : i32
      %scan3A_211 = arith.constant 1 : i32
      scf.for %scan3A_213 = %scan3A_208 to %scan3A_210 step %scan3A_211  : i32 {
        %mul3A_214 = arith.constant 16 : i32
        %mul3A_215 = arith.muli %scan3A_213, %mul3A_214 : i32
        %get3A_216 = arith.index_cast %mul3A_215 : i32 to index
        %get3A_217 = tpu.vector_load %arg7[%get3A_216] {strides = array<i32>} : memref<128xf32, #tpu.memory_space<vmem>>, vector<16xf32>,
        %get3A_218 = vector.shape_cast %get3A_217 : vector<16xf32> to vector<16xf32>
        %mul3A_219 = arith.constant 16 : i32
        %mul3A_220 = arith.muli %scan3A_213, %mul3A_219 : i32
        %add3A_221 = arith.constant 0 : i32
        %add3A_222 = arith.addi %mul3A_220, %add3A_221 : i32
        %broadcast_in_dim3A = arith.constant 0 : i32
        %broadcast_in_dim3A_223 = vector.broadcast %broadcast_in_dim3A : i32 to vector<16xi32>
        %broadcast_in_dim3A_224 = vector.shape_cast %broadcast_in_dim3A_223 : vector<16xi32> to vector<16x1xi32>
        %gather3A = vector.shape_cast %broadcast_in_dim3A_224 : vector<16x1xi32> to vector<16xi32>
        %gather3A_225 = tpu.dynamic_gather %get3A_218[%gather3A] in [0] : vector<16xf32>, vector<16xi32> -> vector<16xf32>
        %get3A_226 = arith.index_cast %add3A_222 : i32 to index
        %get3A_227 = arith.constant 0 : index
        %get3A_228 = tpu.vector_load %arg9[%get3A_226, %get3A_227] {strides = array<i32>} : memref<128x128xf32, #tpu.memory_space<vmem>>, vector<1x16xf32>,
        %get3A_229 = vector.shape_cast %get3A_228 : vector<1x16xf32> to vector<16xf32>
        %mul3A_230 = arith.mulf %get3A_229, %gather3A_225 : vector<16xf32>
        %swap3A_231 = arith.index_cast %add3A_222 : i32 to index
        %swap3A_232 = arith.constant 0 : index
        %swap3A_233 = tpu.vector_load %arg9[%swap3A_231, %swap3A_232] {strides = array<i32>} : memref<128x128xf32, #tpu.memory_space<vmem>>, vector<1x16xf32>,
        %swap3A_234 = vector.shape_cast %swap3A_233 : vector<1x16xf32> to vector<16xf32>
        %swap3A_235 = vector.shape_cast %mul3A_230 : vector<16xf32> to vector<1x16xf32>
        tpu.vector_store %arg9[%swap3A_231, %swap3A_232], %swap3A_235 {strides = array<i32>} : memref<128x128xf32, #tpu.memory_space<vmem>>, vector<1x16xf32>,
        %get3A_236 = arith.index_cast %add3A_222 : i32 to index
        %get3A_237 = arith.constant 16 : index
        %get3A_238 = tpu.vector_load %arg9[%get3A_236, %get3A_237] {strides = array<i32>} : memref<128x128xf32, #tpu.memory_space<vmem>>, vector<1x16xf32>,
        %get3A_239 = vector.shape_cast %get3A_238 : vector<1x16xf32> to vector<16xf32>
        %mul3A_240 = arith.mulf %get3A_239, %gather3A_225 : vector<16xf32>
        %swap3A_241 = arith.index_cast %add3A_222 : i32 to index
        %swap3A_242 = arith.constant 16 : index
        %swap3A_243 = tpu.vector_load %arg9[%swap3A_241, %swap3A_242] {strides = array<i32>} : memref<128x128xf32, #tpu.memory_space<vmem>>, vector<1x16xf32>,
        %swap3A_244 = vector.shape_cast %swap3A_243 : vector<1x16xf32> to vector<16xf32>
        %swap3A_245 = vector.shape_cast %mul3A_240 : vector<16xf32> to vector<1x16xf32>
        tpu.vector_store %arg9[%swap3A_241, %swap3A_242], %swap3A_245 {strides = array<i32>} : memref<128x128xf32, #tpu.memory_space<vmem>>, vector<1x16xf32>,
        %get3A_246 = arith.index_cast %add3A_222 : i32 to index
        %get3A_247 = arith.constant 32 : index
        %get3A_248 = tpu.vector_load %arg9[%get3A_246, %get3A_247] {strides = array<i32>} : memref<128x128xf32, #tpu.memory_space<vmem>>, vector<1x16xf32>,
        %get3A_249 = vector.shape_cast %get3A_248 : vector<1x16xf32> to vector<16xf32>
        %mul3A_250 = arith.mulf %get3A_249, %gather3A_225 : vector<16xf32>
        %swap3A_251 = arith.index_cast %add3A_222 : i32 to index
        %swap3A_252 = arith.constant 32 : index
        %swap3A_253 = tpu.vector_load %arg9[%swap3A_251, %swap3A_252] {strides = array<i32>} : memref<128x128xf32, #tpu.memory_space<vmem>>, vector<1x16xf32>,
        %swap3A_254 = vector.shape_cast %swap3A_253 : vector<1x16xf32> to vector<16xf32>
        %swap3A_255 = vector.shape_cast %mul3A_250 : vector<16xf32> to vector<1x16xf32>
        tpu.vector_store %arg9[%swap3A_251, %swap3A_252], %swap3A_255 {strides = array<i32>} : memref<128x128xf32, #tpu.memory_space<vmem>>, vector<1x16xf32>,
        %get3A_256 = arith.index_cast %add3A_222 : i32 to index
        %get3A_257 = arith.constant 48 : index
        %get3A_258 = tpu.vector_load %arg9[%get3A_256, %get3A_257] {strides = array<i32>} : memref<128x128xf32, #tpu.memory_space<vmem>>, vector<1x16xf32>,
        %get3A_259 = vector.shape_cast %get3A_258 : vector<1x16xf32> to vector<16xf32>
        %mul3A_260 = arith.mulf %get3A_259, %gather3A_225 : vector<16xf32>
        %swap3A_261 = arith.index_cast %add3A_222 : i32 to index
        %swap3A_262 = arith.constant 48 : index
        %swap3A_263 = tpu.vector_load %arg9[%swap3A_261, %swap3A_262] {strides = array<i32>} : memref<128x128xf32, #tpu.memory_space<vmem>>, vector<1x16xf32>,
        %swap3A_264 = vector.shape_cast %swap3A_263 : vector<1x16xf32> to vector<16xf32>
        %swap3A_265 = vector.shape_cast %mul3A_260 : vector<16xf32> to vector<1x16xf32>
        tpu.vector_store %arg9[%swap3A_261, %swap3A_262], %swap3A_265 {strides = array<i32>} : memref<128x128xf32, #tpu.memory_space<vmem>>, vector<1x16xf32>,
        %get3A_266 = arith.index_cast %add3A_222 : i32 to index
        %get3A_267 = arith.constant 64 : index
        %get3A_268 = tpu.vector_load %arg9[%get3A_266, %get3A_267] {strides = array<i32>} : memref<128x128xf32, #tpu.memory_space<vmem>>, vector<1x16xf32>,
        %get3A_269 = vector.shape_cast %get3A_268 : vector<1x16xf32> to vector<16xf32>
        %mul3A_270 = arith.mulf %get3A_269, %gather3A_225 : vector<16xf32>
        %swap3A_271 = arith.index_cast %add3A_222 : i32 to index
        %swap3A_272 = arith.constant 64 : index
        %swap3A_273 = tpu.vector_load %arg9[%swap3A_271, %swap3A_272] {strides = array<i32>} : memref<128x128xf32, #tpu.memory_space<vmem>>, vector<1x16xf32>,
        %swap3A_274 = vector.shape_cast %swap3A_273 : vector<1x16xf32> to vector<16xf32>
        %swap3A_275 = vector.shape_cast %mul3A_270 : vector<16xf32> to vector<1x16xf32>
        tpu.vector_store %arg9[%swap3A_271, %swap3A_272], %swap3A_275 {strides = array<i32>} : memref<128x128xf32, #tpu.memory_space<vmem>>, vector<1x16xf32>,
        %get3A_276 = arith.index_cast %add3A_222 : i32 to index
        %get3A_277 = arith.constant 80 : index
        %get3A_278 = tpu.vector_load %arg9[%get3A_276, %get3A_277] {strides = array<i32>} : memref<128x128xf32, #tpu.memory_space<vmem>>, vector<1x16xf32>,
        %get3A_279 = vector.shape_cast %get3A_278 : vector<1x16xf32> to vector<16xf32>
        %mul3A_280 = arith.mulf %get3A_279, %gather3A_225 : vector<16xf32>
        %swap3A_281 = arith.index_cast %add3A_222 : i32 to index
        %swap3A_282 = arith.constant 80 : index
        %swap3A_283 = tpu.vector_load %arg9[%swap3A_281, %swap3A_282] {strides = array<i32>} : memref<128x128xf32, #tpu.memory_space<vmem>>, vector<1x16xf32>,
        %swap3A_284 = vector.shape_cast %swap3A_283 : vector<1x16xf32> to vector<16xf32>
        %swap3A_285 = vector.shape_cast %mul3A_280 : vector<16xf32> to vector<1x16xf32>
        tpu.vector_store %arg9[%swap3A_281, %swap3A_282], %swap3A_285 {strides = array<i32>} : memref<128x128xf32, #tpu.memory_space<vmem>>, vector<1x16xf32>,
        %get3A_286 = arith.index_cast %add3A_222 : i32 to index
        %get3A_287 = arith.constant 96 : index
        %get3A_288 = tpu.vector_load %arg9[%get3A_286, %get3A_287] {strides = array<i32>} : memref<128x128xf32, #tpu.memory_space<vmem>>, vector<1x16xf32>,
        %get3A_289 = vector.shape_cast %get3A_288 : vector<1x16xf32> to vector<16xf32>
        %mul3A_290 = arith.mulf %get3A_289, %gather3A_225 : vector<16xf32>
        %swap3A_291 = arith.index_cast %add3A_222 : i32 to index
        %swap3A_292 = arith.constant 96 : index
        %swap3A_293 = tpu.vector_load %arg9[%swap3A_291, %swap3A_292] {strides = array<i32>} : memref<128x128xf32, #tpu.memory_space<vmem>>, vector<1x16xf32>,
        %swap3A_294 = vector.shape_cast %swap3A_293 : vector<1x16xf32> to vector<16xf32>
        %swap3A_295 = vector.shape_cast %mul3A_290 : vector<16xf32> to vector<1x16xf32>
        tpu.vector_store %arg9[%swap3A_291, %swap3A_292], %swap3A_295 {strides = array<i32>} : memref<128x128xf32, #tpu.memory_space<vmem>>, vector<1x16xf32>,
        %get3A_296 = arith.index_cast %add3A_222 : i32 to index
        %get3A_297 = arith.constant 112 : index
        %get3A_298 = tpu.vector_load %arg9[%get3A_296, %get3A_297] {strides = array<i32>} : memref<128x128xf32, #tpu.memory_space<vmem>>, vector<1x16xf32>,
        %get3A_299 = vector.shape_cast %get3A_298 : vector<1x16xf32> to vector<16xf32>
        %mul3A_300 = arith.mulf %get3A_299, %gather3A_225 : vector<16xf32>
        %swap3A_301 = arith.index_cast %add3A_222 : i32 to index
        %swap3A_302 = arith.constant 112 : index
        %swap3A_303 = tpu.vector_load %arg9[%swap3A_301, %swap3A_302] {strides = array<i32>} : memref<128x128xf32, #tpu.memory_space<vmem>>, vector<1x16xf32>,
        %swap3A_304 = vector.shape_cast %swap3A_303 : vector<1x16xf32> to vector<16xf32>
        %swap3A_305 = vector.shape_cast %mul3A_300 : vector<16xf32> to vector<1x16xf32>
        tpu.vector_store %arg9[%swap3A_301, %swap3A_302], %swap3A_305 {strides = array<i32>} : memref<128x128xf32, #tpu.memory_space<vmem>>, vector<1x16xf32>,
        %mul3A_306 = arith.constant 16 : i32
        %mul3A_307 = arith.muli %scan3A_213, %mul3A_306 : i32
        %add3A_308 = arith.constant 1 : i32
        %add3A_309 = arith.addi %mul3A_307, %add3A_308 : i32
        %broadcast_in_dim3A_310 = arith.constant 1 : i32
        %broadcast_in_dim3A_311 = vector.broadcast %broadcast_in_dim3A_310 : i32 to vector<16xi32>
        %broadcast_in_dim3A_312 = vector.shape_cast %broadcast_in_dim3A_311 : vector<16xi32> to vector<16x1xi32>
        %gather3A_313 = vector.shape_cast %broadcast_in_dim3A_312 : vector<16x1xi32> to vector<16xi32>
        %gather3A_314 = tpu.dynamic_gather %get3A_218[%gather3A_313] in [0] : vector<16xf32>, vector<16xi32> -> vector<16xf32>
        %get3A_315 = arith.index_cast %add3A_309 : i32 to index
        %get3A_316 = arith.constant 0 : index
        %get3A_317 = tpu.vector_load %arg9[%get3A_315, %get3A_316] {strides = array<i32>} : memref<128x128xf32, #tpu.memory_space<vmem>>, vector<1x16xf32>,
        %get3A_318 = vector.shape_cast %get3A_317 : vector<1x16xf32> to vector<16xf32>
        %mul3A_319 = arith.mulf %get3A_318, %gather3A_314 : vector<16xf32>
        %swap3A_320 = arith.index_cast %add3A_309 : i32 to index
        %swap3A_321 = arith.constant 0 : index
        %swap3A_322 = tpu.vector_load %arg9[%swap3A_320, %swap3A_321] {strides = array<i32>} : memref<128x128xf32, #tpu.memory_space<vmem>>, vector<1x16xf32>,
        %swap3A_323 = vector.shape_cast %swap3A_322 : vector<1x16xf32> to vector<16xf32>
        %swap3A_324 = vector.shape_cast %mul3A_319 : vector<16xf32> to vector<1x16xf32>
        tpu.vector_store %arg9[%swap3A_320, %swap3A_321], %swap3A_324 {strides = array<i32>} : memref<128x128xf32, #tpu.memory_space<vmem>>, vector<1x16xf32>,
        %get3A_325 = arith.index_cast %add3A_309 : i32 to index
        %get3A_326 = arith.constant 16 : index
        %get3A_327 = tpu.vector_load %arg9[%get3A_325, %get3A_326] {strides = array<i32>} : memref<128x128xf32, #tpu.memory_space<vmem>>, vector<1x16xf32>,
        %get3A_328 = vector.shape_cast %get3A_327 : vector<1x16xf32> to vector<16xf32>
        %mul3A_329 = arith.mulf %get3A_328, %gather3A_314 : vector<16xf32>
        %swap3A_330 = arith.index_cast %add3A_309 : i32 to index
        %swap3A_331 = arith.constant 16 : index
        %swap3A_332 = tpu.vector_load %arg9[%swap3A_330, %swap3A_331] {strides = array<i32>} : memref<128x128xf32, #tpu.memory_space<vmem>>, vector<1x16xf32>,
        %swap3A_333 = vector.shape_cast %swap3A_332 : vector<1x16xf32> to vector<16xf32>
        %swap3A_334 = vector.shape_cast %mul3A_329 : vector<16xf32> to vector<1x16xf32>
        tpu.vector_store %arg9[%swap3A_330, %swap3A_331], %swap3A_334 {strides = array<i32>} : memref<128x128xf32, #tpu.memory_space<vmem>>, vector<1x16xf32>,
        %get3A_335 = arith.index_cast %add3A_309 : i32 to index
        %get3A_336 = arith.constant 32 : index
        %get3A_337 = tpu.vector_load %arg9[%get3A_335, %get3A_336] {strides = array<i32>} : memref<128x128xf32, #tpu.memory_space<vmem>>, vector<1x16xf32>,
        %get3A_338 = vector.shape_cast %get3A_337 : vector<1x16xf32> to vector<16xf32>
        %mul3A_339 = arith.mulf %get3A_338, %gather3A_314 : vector<16xf32>
        %swap3A_340 = arith.index_cast %add3A_309 : i32 to index
        %swap3A_341 = arith.constant 32 : index
        %swap3A_342 = tpu.vector_load %arg9[%swap3A_340, %swap3A_341] {strides = array<i32>} : memref<128x128xf32, #tpu.memory_space<vmem>>, vector<1x16xf32>,
        %swap3A_343 = vector.shape_cast %swap3A_342 : vector<1x16xf32> to vector<16xf32>
        %swap3A_344 = vector.shape_cast %mul3A_339 : vector<16xf32> to vector<1x16xf32>
        tpu.vector_store %arg9[%swap3A_340, %swap3A_341], %swap3A_344 {strides = array<i32>} : memref<128x128xf32, #tpu.memory_space<vmem>>, vector<1x16xf32>,
        %get3A_345 = arith.index_cast %add3A_309 : i32 to index
        %get3A_346 = arith.constant 48 : index
        %get3A_347 = tpu.vector_load %arg9[%get3A_345, %get3A_346] {strides = array<i32>} : memref<128x128xf32, #tpu.memory_space<vmem>>, vector<1x16xf32>,
        %get3A_348 = vector.shape_cast %get3A_347 : vector<1x16xf32> to vector<16xf32>
        %mul3A_349 = arith.mulf %get3A_348, %gather3A_314 : vector<16xf32>
        %swap3A_350 = arith.index_cast %add3A_309 : i32 to index
        %swap3A_351 = arith.constant 48 : index
        %swap3A_352 = tpu.vector_load %arg9[%swap3A_350, %swap3A_351] {strides = array<i32>} : memref<128x128xf32, #tpu.memory_space<vmem>>, vector<1x16xf32>,
        %swap3A_353 = vector.shape_cast %swap3A_352 : vector<1x16xf32> to vector<16xf32>
        %swap3A_354 = vector.shape_cast %mul3A_349 : vector<16xf32> to vector<1x16xf32>
        tpu.vector_store %arg9[%swap3A_350, %swap3A_351], %swap3A_354 {strides = array<i32>} : memref<128x128xf32, #tpu.memory_space<vmem>>, vector<1x16xf32>,
        %get3A_355 = arith.index_cast %add3A_309 : i32 to index
        %get3A_356 = arith.constant 64 : index
        %get3A_357 = tpu.vector_load %arg9[%get3A_355, %get3A_356] {strides = array<i32>} : memref<128x128xf32, #tpu.memory_space<vmem>>, vector<1x16xf32>,
        %get3A_358 = vector.shape_cast %get3A_357 : vector<1x16xf32> to vector<16xf32>
        %mul3A_359 = arith.mulf %get3A_358, %gather3A_314 : vector<16xf32>
        %swap3A_360 = arith.index_cast %add3A_309 : i32 to index
        %swap3A_361 = arith.constant 64 : index
        %swap3A_362 = tpu.vector_load %arg9[%swap3A_360, %swap3A_361] {strides = array<i32>} : memref<128x128xf32, #tpu.memory_space<vmem>>, vector<1x16xf32>,
        %swap3A_363 = vector.shape_cast %swap3A_362 : vector<1x16xf32> to vector<16xf32>
        %swap3A_364 = vector.shape_cast %mul3A_359 : vector<16xf32> to vector<1x16xf32>
        tpu.vector_store %arg9[%swap3A_360, %swap3A_361], %swap3A_364 {strides = array<i32>} : memref<128x128xf32, #tpu.memory_space<vmem>>, vector<1x16xf32>,
        %get3A_365 = arith.index_cast %add3A_309 : i32 to index
        %get3A_366 = arith.constant 80 : index
        %get3A_367 = tpu.vector_load %arg9[%get3A_365, %get3A_366] {strides = array<i32>} : memref<128x128xf32, #tpu.memory_space<vmem>>, vector<1x16xf32>,
        %get3A_368 = vector.shape_cast %get3A_367 : vector<1x16xf32> to vector<16xf32>
        %mul3A_369 = arith.mulf %get3A_368, %gather3A_314 : vector<16xf32>
        %swap3A_370 = arith.index_cast %add3A_309 : i32 to index
        %swap3A_371 = arith.constant 80 : index
        %swap3A_372 = tpu.vector_load %arg9[%swap3A_370, %swap3A_371] {strides = array<i32>} : memref<128x128xf32, #tpu.memory_space<vmem>>, vector<1x16xf32>,
        %swap3A_373 = vector.shape_cast %swap3A_372 : vector<1x16xf32> to vector<16xf32>
        %swap3A_374 = vector.shape_cast %mul3A_369 : vector<16xf32> to vector<1x16xf32>
        tpu.vector_store %arg9[%swap3A_370, %swap3A_371], %swap3A_374 {strides = array<i32>} : memref<128x128xf32, #tpu.memory_space<vmem>>, vector<1x16xf32>,
        %get3A_375 = arith.index_cast %add3A_309 : i32 to index
        %get3A_376 = arith.constant 96 : index
        %get3A_377 = tpu.vector_load %arg9[%get3A_375, %get3A_376] {strides = array<i32>} : memref<128x128xf32, #tpu.memory_space<vmem>>, vector<1x16xf32>,
        %get3A_378 = vector.shape_cast %get3A_377 : vector<1x16xf32> to vector<16xf32>
        %mul3A_379 = arith.mulf %get3A_378, %gather3A_314 : vector<16xf32>
        %swap3A_380 = arith.index_cast %add3A_309 : i32 to index
        %swap3A_381 = arith.constant 96 : index
        %swap3A_382 = tpu.vector_load %arg9[%swap3A_380, %swap3A_381] {strides = array<i32>} : memref<128x128xf32, #tpu.memory_space<vmem>>, vector<1x16xf32>,
        %swap3A_383 = vector.shape_cast %swap3A_382 : vector<1x16xf32> to vector<16xf32>
        %swap3A_384 = vector.shape_cast %mul3A_379 : vector<16xf32> to vector<1x16xf32>
        tpu.vector_store %arg9[%swap3A_380, %swap3A_381], %swap3A_384 {strides = array<i32>} : memref<128x128xf32, #tpu.memory_space<vmem>>, vector<1x16xf32>,
        %get3A_385 = arith.index_cast %add3A_309 : i32 to index
        %get3A_386 = arith.constant 112 : index
        %get3A_387 = tpu.vector_load %arg9[%get3A_385, %get3A_386] {strides = array<i32>} : memref<128x128xf32, #tpu.memory_space<vmem>>, vector<1x16xf32>,
        %get3A_388 = vector.shape_cast %get3A_387 : vector<1x16xf32> to vector<16xf32>
        %mul3A_389 = arith.mulf %get3A_388, %gather3A_314 : vector<16xf32>
        %swap3A_390 = arith.index_cast %add3A_309 : i32 to index
        %swap3A_391 = arith.constant 112 : index
        %swap3A_392 = tpu.vector_load %arg9[%swap3A_390, %swap3A_391] {strides = array<i32>} : memref<128x128xf32, #tpu.memory_space<vmem>>, vector<1x16xf32>,
        %swap3A_393 = vector.shape_cast %swap3A_392 : vector<1x16xf32> to vector<16xf32>
        %swap3A_394 = vector.shape_cast %mul3A_389 : vector<16xf32> to vector<1x16xf32>
        tpu.vector_store %arg9[%swap3A_390, %swap3A_391], %swap3A_394 {strides = array<i32>} : memref<128x128xf32, #tpu.memory_space<vmem>>, vector<1x16xf32>,
        %mul3A_395 = arith.constant 16 : i32
        %mul3A_396 = arith.muli %scan3A_213, %mul3A_395 : i32
        %add3A_397 = arith.constant 2 : i32
        %add3A_398 = arith.addi %mul3A_396, %add3A_397 : i32
        %broadcast_in_dim3A_399 = arith.constant 2 : i32
        %broadcast_in_dim3A_400 = vector.broadcast %broadcast_in_dim3A_399 : i32 to vector<16xi32>
        %broadcast_in_dim3A_401 = vector.shape_cast %broadcast_in_dim3A_400 : vector<16xi32> to vector<16x1xi32>
        %gather3A_402 = vector.shape_cast %broadcast_in_dim3A_401 : vector<16x1xi32> to vector<16xi32>
        %gather3A_403 = tpu.dynamic_gather %get3A_218[%gather3A_402] in [0] : vector<16xf32>, vector<16xi32> -> vector<16xf32>
        %get3A_404 = arith.index_cast %add3A_398 : i32 to index
        %get3A_405 = arith.constant 0 : index
        %get3A_406 = tpu.vector_load %arg9[%get3A_404, %get3A_405] {strides = array<i32>} : memref<128x128xf32, #tpu.memory_space<vmem>>, vector<1x16xf32>,
        %get3A_407 = vector.shape_cast %get3A_406 : vector<1x16xf32> to vector<16xf32>
        %mul3A_408 = arith.mulf %get3A_407, %gather3A_403 : vector<16xf32>
        %swap3A_409 = arith.index_cast %add3A_398 : i32 to index
        %swap3A_410 = arith.constant 0 : index
        %swap3A_411 = tpu.vector_load %arg9[%swap3A_409, %swap3A_410] {strides = array<i32>} : memref<128x128xf32, #tpu.memory_space<vmem>>, vector<1x16xf32>,
        %swap3A_412 = vector.shape_cast %swap3A_411 : vector<1x16xf32> to vector<16xf32>
        %swap3A_413 = vector.shape_cast %mul3A_408 : vector<16xf32> to vector<1x16xf32>
        tpu.vector_store %arg9[%swap3A_409, %swap3A_410], %swap3A_413 {strides = array<i32>} : memref<128x128xf32, #tpu.memory_space<vmem>>, vector<1x16xf32>,
        %get3A_414 = arith.index_cast %add3A_398 : i32 to index
        %get3A_415 = arith.constant 16 : index
        %get3A_416 = tpu.vector_load %arg9[%get3A_414, %get3A_415] {strides = array<i32>} : memref<128x128xf32, #tpu.memory_space<vmem>>, vector<1x16xf32>,
        %get3A_417 = vector.shape_cast %get3A_416 : vector<1x16xf32> to vector<16xf32>
        %mul3A_418 = arith.mulf %get3A_417, %gather3A_403 : vector<16xf32>
        %swap3A_419 = arith.index_cast %add3A_398 : i32 to index
        %swap3A_420 = arith.constant 16 : index
        %swap3A_421 = tpu.vector_load %arg9[%swap3A_419, %swap3A_420] {strides = array<i32>} : memref<128x128xf32, #tpu.memory_space<vmem>>, vector<1x16xf32>,
        %swap3A_422 = vector.shape_cast %swap3A_421 : vector<1x16xf32> to vector<16xf32>
        %swap3A_423 = vector.shape_cast %mul3A_418 : vector<16xf32> to vector<1x16xf32>
        tpu.vector_store %arg9[%swap3A_419, %swap3A_420], %swap3A_423 {strides = array<i32>} : memref<128x128xf32, #tpu.memory_space<vmem>>, vector<1x16xf32>,
        %get3A_424 = arith.index_cast %add3A_398 : i32 to index
        %get3A_425 = arith.constant 32 : index
        %get3A_426 = tpu.vector_load %arg9[%get3A_424, %get3A_425] {strides = array<i32>} : memref<128x128xf32, #tpu.memory_space<vmem>>, vector<1x16xf32>,
        %get3A_427 = vector.shape_cast %get3A_426 : vector<1x16xf32> to vector<16xf32>
        %mul3A_428 = arith.mulf %get3A_427, %gather3A_403 : vector<16xf32>
        %swap3A_429 = arith.index_cast %add3A_398 : i32 to index
        %swap3A_430 = arith.constant 32 : index
        %swap3A_431 = tpu.vector_load %arg9[%swap3A_429, %swap3A_430] {strides = array<i32>} : memref<128x128xf32, #tpu.memory_space<vmem>>, vector<1x16xf32>,
        %swap3A_432 = vector.shape_cast %swap3A_431 : vector<1x16xf32> to vector<16xf32>
        %swap3A_433 = vector.shape_cast %mul3A_428 : vector<16xf32> to vector<1x16xf32>
        tpu.vector_store %arg9[%swap3A_429, %swap3A_430], %swap3A_433 {strides = array<i32>} : memref<128x128xf32, #tpu.memory_space<vmem>>, vector<1x16xf32>,
        %get3A_434 = arith.index_cast %add3A_398 : i32 to index
        %get3A_435 = arith.constant 48 : index
        %get3A_436 = tpu.vector_load %arg9[%get3A_434, %get3A_435] {strides = array<i32>} : memref<128x128xf32, #tpu.memory_space<vmem>>, vector<1x16xf32>,
        %get3A_437 = vector.shape_cast %get3A_436 : vector<1x16xf32> to vector<16xf32>
        %mul3A_438 = arith.mulf %get3A_437, %gather3A_403 : vector<16xf32>
        %swap3A_439 = arith.index_cast %add3A_398 : i32 to index
        %swap3A_440 = arith.constant 48 : index
        %swap3A_441 = tpu.vector_load %arg9[%swap3A_439, %swap3A_440] {strides = array<i32>} : memref<128x128xf32, #tpu.memory_space<vmem>>, vector<1x16xf32>,
        %swap3A_442 = vector.shape_cast %swap3A_441 : vector<1x16xf32> to vector<16xf32>
        %swap3A_443 = vector.shape_cast %mul3A_438 : vector<16xf32> to vector<1x16xf32>
        tpu.vector_store %arg9[%swap3A_439, %swap3A_440], %swap3A_443 {strides = array<i32>} : memref<128x128xf32, #tpu.memory_space<vmem>>, vector<1x16xf32>,
        %get3A_444 = arith.index_cast %add3A_398 : i32 to index
        %get3A_445 = arith.constant 64 : index
        %get3A_446 = tpu.vector_load %arg9[%get3A_444, %get3A_445] {strides = array<i32>} : memref<128x128xf32, #tpu.memory_space<vmem>>, vector<1x16xf32>,
        %get3A_447 = vector.shape_cast %get3A_446 : vector<1x16xf32> to vector<16xf32>
        %mul3A_448 = arith.mulf %get3A_447, %gather3A_403 : vector<16xf32>
        %swap3A_449 = arith.index_cast %add3A_398 : i32 to index
        %swap3A_450 = arith.constant 64 : index
        %swap3A_451 = tpu.vector_load %arg9[%swap3A_449, %swap3A_450] {strides = array<i32>} : memref<128x128xf32, #tpu.memory_space<vmem>>, vector<1x16xf32>,
        %swap3A_452 = vector.shape_cast %swap3A_451 : vector<1x16xf32> to vector<16xf32>
        %swap3A_453 = vector.shape_cast %mul3A_448 : vector<16xf32> to vector<1x16xf32>
        tpu.vector_store %arg9[%swap3A_449, %swap3A_450], %swap3A_453 {strides = array<i32>} : memref<128x128xf32, #tpu.memory_space<vmem>>, vector<1x16xf32>,
        %get3A_454 = arith.index_cast %add3A_398 : i32 to index
        %get3A_455 = arith.constant 80 : index
        %get3A_456 = tpu.vector_load %arg9[%get3A_454, %get3A_455] {strides = array<i32>} : memref<128x128xf32, #tpu.memory_space<vmem>>, vector<1x16xf32>,
        %get3A_457 = vector.shape_cast %get3A_456 : vector<1x16xf32> to vector<16xf32>
        %mul3A_458 = arith.mulf %get3A_457, %gather3A_403 : vector<16xf32>
        %swap3A_459 = arith.index_cast %add3A_398 : i32 to index
        %swap3A_460 = arith.constant 80 : index
        %swap3A_461 = tpu.vector_load %arg9[%swap3A_459, %swap3A_460] {strides = array<i32>} : memref<128x128xf32, #tpu.memory_space<vmem>>, vector<1x16xf32>,
        %swap3A_462 = vector.shape_cast %swap3A_461 : vector<1x16xf32> to vector<16xf32>
        %swap3A_463 = vector.shape_cast %mul3A_458 : vector<16xf32> to vector<1x16xf32>
        tpu.vector_store %arg9[%swap3A_459, %swap3A_460], %swap3A_463 {strides = array<i32>} : memref<128x128xf32, #tpu.memory_space<vmem>>, vector<1x16xf32>,
        %get3A_464 = arith.index_cast %add3A_398 : i32 to index
        %get3A_465 = arith.constant 96 : index
        %get3A_466 = tpu.vector_load %arg9[%get3A_464, %get3A_465] {strides = array<i32>} : memref<128x128xf32, #tpu.memory_space<vmem>>, vector<1x16xf32>,
        %get3A_467 = vector.shape_cast %get3A_466 : vector<1x16xf32> to vector<16xf32>
        %mul3A_468 = arith.mulf %get3A_467, %gather3A_403 : vector<16xf32>
        %swap3A_469 = arith.index_cast %add3A_398 : i32 to index
        %swap3A_470 = arith.constant 96 : index
        %swap3A_471 = tpu.vector_load %arg9[%swap3A_469, %swap3A_470] {strides = array<i32>} : memref<128x128xf32, #tpu.memory_space<vmem>>, vector<1x16xf32>,
        %swap3A_472 = vector.shape_cast %swap3A_471 : vector<1x16xf32> to vector<16xf32>
        %swap3A_473 = vector.shape_cast %mul3A_468 : vector<16xf32> to vector<1x16xf32>
        tpu.vector_store %arg9[%swap3A_469, %swap3A_470], %swap3A_473 {strides = array<i32>} : memref<128x128xf32, #tpu.memory_space<vmem>>, vector<1x16xf32>,
        %get3A_474 = arith.index_cast %add3A_398 : i32 to index
        %get3A_475 = arith.constant 112 : index
        %get3A_476 = tpu.vector_load %arg9[%get3A_474, %get3A_475] {strides = array<i32>} : memref<128x128xf32, #tpu.memory_space<vmem>>, vector<1x16xf32>,
        %get3A_477 = vector.shape_cast %get3A_476 : vector<1x16xf32> to vector<16xf32>
        %mul3A_478 = arith.mulf %get3A_477, %gather3A_403 : vector<16xf32>
        %swap3A_479 = arith.index_cast %add3A_398 : i32 to index
        %swap3A_480 = arith.constant 112 : index
        %swap3A_481 = tpu.vector_load %arg9[%swap3A_479, %swap3A_480] {strides = array<i32>} : memref<128x128xf32, #tpu.memory_space<vmem>>, vector<1x16xf32>,
        %swap3A_482 = vector.shape_cast %swap3A_481 : vector<1x16xf32> to vector<16xf32>
        %swap3A_483 = vector.shape_cast %mul3A_478 : vector<16xf32> to vector<1x16xf32>
        tpu.vector_store %arg9[%swap3A_479, %swap3A_480], %swap3A_483 {strides = array<i32>} : memref<128x128xf32, #tpu.memory_space<vmem>>, vector<1x16xf32>,
        %mul3A_484 = arith.constant 16 : i32
        %mul3A_485 = arith.muli %scan3A_213, %mul3A_484 : i32
        %add3A_486 = arith.constant 3 : i32
        %add3A_487 = arith.addi %mul3A_485, %add3A_486 : i32
        %broadcast_in_dim3A_488 = arith.constant 3 : i32
        %broadcast_in_dim3A_489 = vector.broadcast %broadcast_in_dim3A_488 : i32 to vector<16xi32>
        %broadcast_in_dim3A_490 = vector.shape_cast %broadcast_in_dim3A_489 : vector<16xi32> to vector<16x1xi32>
        %gather3A_491 = vector.shape_cast %broadcast_in_dim3A_490 : vector<16x1xi32> to vector<16xi32>
        %gather3A_492 = tpu.dynamic_gather %get3A_218[%gather3A_491] in [0] : vector<16xf32>, vector<16xi32> -> vector<16xf32>
        %get3A_493 = arith.index_cast %add3A_487 : i32 to index
        %get3A_494 = arith.constant 0 : index
        %get3A_495 = tpu.vector_load %arg9[%get3A_493, %get3A_494] {strides = array<i32>} : memref<128x128xf32, #tpu.memory_space<vmem>>, vector<1x16xf32>,
        %get3A_496 = vector.shape_cast %get3A_495 : vector<1x16xf32> to vector<16xf32>
        %mul3A_497 = arith.mulf %get3A_496, %gather3A_492 : vector<16xf32>
        %swap3A_498 = arith.index_cast %add3A_487 : i32 to index
        %swap3A_499 = arith.constant 0 : index
        %swap3A_500 = tpu.vector_load %arg9[%swap3A_498, %swap3A_499] {strides = array<i32>} : memref<128x128xf32, #tpu.memory_space<vmem>>, vector<1x16xf32>,
        %swap3A_501 = vector.shape_cast %swap3A_500 : vector<1x16xf32> to vector<16xf32>
        %swap3A_502 = vector.shape_cast %mul3A_497 : vector<16xf32> to vector<1x16xf32>
        tpu.vector_store %arg9[%swap3A_498, %swap3A_499], %swap3A_502 {strides = array<i32>} : memref<128x128xf32, #tpu.memory_space<vmem>>, vector<1x16xf32>,
        %get3A_503 = arith.index_cast %add3A_487 : i32 to index
        %get3A_504 = arith.constant 16 : index
        %get3A_505 = tpu.vector_load %arg9[%get3A_503, %get3A_504] {strides = array<i32>} : memref<128x128xf32, #tpu.memory_space<vmem>>, vector<1x16xf32>,
        %get3A_506 = vector.shape_cast %get3A_505 : vector<1x16xf32> to vector<16xf32>
        %mul3A_507 = arith.mulf %get3A_506, %gather3A_492 : vector<16xf32>
        %swap3A_508 = arith.index_cast %add3A_487 : i32 to index
        %swap3A_509 = arith.constant 16 : index
        %swap3A_510 = tpu.vector_load %arg9[%swap3A_508, %swap3A_509] {strides = array<i32>} : memref<128x128xf32, #tpu.memory_space<vmem>>, vector<1x16xf32>,
        %swap3A_511 = vector.shape_cast %swap3A_510 : vector<1x16xf32> to vector<16xf32>
        %swap3A_512 = vector.shape_cast %mul3A_507 : vector<16xf32> to vector<1x16xf32>
        tpu.vector_store %arg9[%swap3A_508, %swap3A_509], %swap3A_512 {strides = array<i32>} : memref<128x128xf32, #tpu.memory_space<vmem>>, vector<1x16xf32>,
        %get3A_513 = arith.index_cast %add3A_487 : i32 to index
        %get3A_514 = arith.constant 32 : index
        %get3A_515 = tpu.vector_load %arg9[%get3A_513, %get3A_514] {strides = array<i32>} : memref<128x128xf32, #tpu.memory_space<vmem>>, vector<1x16xf32>,
        %get3A_516 = vector.shape_cast %get3A_515 : vector<1x16xf32> to vector<16xf32>
        %mul3A_517 = arith.mulf %get3A_516, %gather3A_492 : vector<16xf32>
        %swap3A_518 = arith.index_cast %add3A_487 : i32 to index
        %swap3A_519 = arith.constant 32 : index
        %swap3A_520 = tpu.vector_load %arg9[%swap3A_518, %swap3A_519] {strides = array<i32>} : memref<128x128xf32, #tpu.memory_space<vmem>>, vector<1x16xf32>,
        %swap3A_521 = vector.shape_cast %swap3A_520 : vector<1x16xf32> to vector<16xf32>
        %swap3A_522 = vector.shape_cast %mul3A_517 : vector<16xf32> to vector<1x16xf32>
        tpu.vector_store %arg9[%swap3A_518, %swap3A_519], %swap3A_522 {strides = array<i32>} : memref<128x128xf32, #tpu.memory_space<vmem>>, vector<1x16xf32>,
        %get3A_523 = arith.index_cast %add3A_487 : i32 to index
        %get3A_524 = arith.constant 48 : index
        %get3A_525 = tpu.vector_load %arg9[%get3A_523, %get3A_524] {strides = array<i32>} : memref<128x128xf32, #tpu.memory_space<vmem>>, vector<1x16xf32>,
        %get3A_526 = vector.shape_cast %get3A_525 : vector<1x16xf32> to vector<16xf32>
        %mul3A_527 = arith.mulf %get3A_526, %gather3A_492 : vector<16xf32>
        %swap3A_528 = arith.index_cast %add3A_487 : i32 to index
        %swap3A_529 = arith.constant 48 : index
        %swap3A_530 = tpu.vector_load %arg9[%swap3A_528, %swap3A_529] {strides = array<i32>} : memref<128x128xf32, #tpu.memory_space<vmem>>, vector<1x16xf32>,
        %swap3A_531 = vector.shape_cast %swap3A_530 : vector<1x16xf32> to vector<16xf32>
        %swap3A_532 = vector.shape_cast %mul3A_527 : vector<16xf32> to vector<1x16xf32>
        tpu.vector_store %arg9[%swap3A_528, %swap3A_529], %swap3A_532 {strides = array<i32>} : memref<128x128xf32, #tpu.memory_space<vmem>>, vector<1x16xf32>,
        %get3A_533 = arith.index_cast %add3A_487 : i32 to index
        %get3A_534 = arith.constant 64 : index
        %get3A_535 = tpu.vector_load %arg9[%get3A_533, %get3A_534] {strides = array<i32>} : memref<128x128xf32, #tpu.memory_space<vmem>>, vector<1x16xf32>,
        %get3A_536 = vector.shape_cast %get3A_535 : vector<1x16xf32> to vector<16xf32>
        %mul3A_537 = arith.mulf %get3A_536, %gather3A_492 : vector<16xf32>
        %swap3A_538 = arith.index_cast %add3A_487 : i32 to index
        %swap3A_539 = arith.constant 64 : index
        %swap3A_540 = tpu.vector_load %arg9[%swap3A_538, %swap3A_539] {strides = array<i32>} : memref<128x128xf32, #tpu.memory_space<vmem>>, vector<1x16xf32>,
        %swap3A_541 = vector.shape_cast %swap3A_540 : vector<1x16xf32> to vector<16xf32>
        %swap3A_542 = vector.shape_cast %mul3A_537 : vector<16xf32> to vector<1x16xf32>
        tpu.vector_store %arg9[%swap3A_538, %swap3A_539], %swap3A_542 {strides = array<i32>} : memref<128x128xf32, #tpu.memory_space<vmem>>, vector<1x16xf32>,
        %get3A_543 = arith.index_cast %add3A_487 : i32 to index
        %get3A_544 = arith.constant 80 : index
        %get3A_545 = tpu.vector_load %arg9[%get3A_543, %get3A_544] {strides = array<i32>} : memref<128x128xf32, #tpu.memory_space<vmem>>, vector<1x16xf32>,
        %get3A_546 = vector.shape_cast %get3A_545 : vector<1x16xf32> to vector<16xf32>
        %mul3A_547 = arith.mulf %get3A_546, %gather3A_492 : vector<16xf32>
        %swap3A_548 = arith.index_cast %add3A_487 : i32 to index
        %swap3A_549 = arith.constant 80 : index
        %swap3A_550 = tpu.vector_load %arg9[%swap3A_548, %swap3A_549] {strides = array<i32>} : memref<128x128xf32, #tpu.memory_space<vmem>>, vector<1x16xf32>,
        %swap3A_551 = vector.shape_cast %swap3A_550 : vector<1x16xf32> to vector<16xf32>
        %swap3A_552 = vector.shape_cast %mul3A_547 : vector<16xf32> to vector<1x16xf32>
        tpu.vector_store %arg9[%swap3A_548, %swap3A_549], %swap3A_552 {strides = array<i32>} : memref<128x128xf32, #tpu.memory_space<vmem>>, vector<1x16xf32>,
        %get3A_553 = arith.index_cast %add3A_487 : i32 to index
        %get3A_554 = arith.constant 96 : index
        %get3A_555 = tpu.vector_load %arg9[%get3A_553, %get3A_554] {strides = array<i32>} : memref<128x128xf32, #tpu.memory_space<vmem>>, vector<1x16xf32>,
        %get3A_556 = vector.shape_cast %get3A_555 : vector<1x16xf32> to vector<16xf32>
        %mul3A_557 = arith.mulf %get3A_556, %gather3A_492 : vector<16xf32>
        %swap3A_558 = arith.index_cast %add3A_487 : i32 to index
        %swap3A_559 = arith.constant 96 : index
        %swap3A_560 = tpu.vector_load %arg9[%swap3A_558, %swap3A_559] {strides = array<i32>} : memref<128x128xf32, #tpu.memory_space<vmem>>, vector<1x16xf32>,
        %swap3A_561 = vector.shape_cast %swap3A_560 : vector<1x16xf32> to vector<16xf32>
        %swap3A_562 = vector.shape_cast %mul3A_557 : vector<16xf32> to vector<1x16xf32>
        tpu.vector_store %arg9[%swap3A_558, %swap3A_559], %swap3A_562 {strides = array<i32>} : memref<128x128xf32, #tpu.memory_space<vmem>>, vector<1x16xf32>,
        %get3A_563 = arith.index_cast %add3A_487 : i32 to index
        %get3A_564 = arith.constant 112 : index
        %get3A_565 = tpu.vector_load %arg9[%get3A_563, %get3A_564] {strides = array<i32>} : memref<128x128xf32, #tpu.memory_space<vmem>>, vector<1x16xf32>,
        %get3A_566 = vector.shape_cast %get3A_565 : vector<1x16xf32> to vector<16xf32>
        %mul3A_567 = arith.mulf %get3A_566, %gather3A_492 : vector<16xf32>
        %swap3A_568 = arith.index_cast %add3A_487 : i32 to index
        %swap3A_569 = arith.constant 112 : index
        %swap3A_570 = tpu.vector_load %arg9[%swap3A_568, %swap3A_569] {strides = array<i32>} : memref<128x128xf32, #tpu.memory_space<vmem>>, vector<1x16xf32>,
        %swap3A_571 = vector.shape_cast %swap3A_570 : vector<1x16xf32> to vector<16xf32>
        %swap3A_572 = vector.shape_cast %mul3A_567 : vector<16xf32> to vector<1x16xf32>
        tpu.vector_store %arg9[%swap3A_568, %swap3A_569], %swap3A_572 {strides = array<i32>} : memref<128x128xf32, #tpu.memory_space<vmem>>, vector<1x16xf32>,
        %mul3A_573 = arith.constant 16 : i32
        %mul3A_574 = arith.muli %scan3A_213, %mul3A_573 : i32
        %add3A_575 = arith.constant 4 : i32
        %add3A_576 = arith.addi %mul3A_574, %add3A_575 : i32
        %broadcast_in_dim3A_577 = arith.constant 4 : i32
        %broadcast_in_dim3A_578 = vector.broadcast %broadcast_in_dim3A_577 : i32 to vector<16xi32>
        %broadcast_in_dim3A_579 = vector.shape_cast %broadcast_in_dim3A_578 : vector<16xi32> to vector<16x1xi32>
        %gather3A_580 = vector.shape_cast %broadcast_in_dim3A_579 : vector<16x1xi32> to vector<16xi32>
        %gather3A_581 = tpu.dynamic_gather %get3A_218[%gather3A_580] in [0] : vector<16xf32>, vector<16xi32> -> vector<16xf32>
        %get3A_582 = arith.index_cast %add3A_576 : i32 to index
        %get3A_583 = arith.constant 0 : index
        %get3A_584 = tpu.vector_load %arg9[%get3A_582, %get3A_583] {strides = array<i32>} : memref<128x128xf32, #tpu.memory_space<vmem>>, vector<1x16xf32>,
        %get3A_585 = vector.shape_cast %get3A_584 : vector<1x16xf32> to vector<16xf32>
        %mul3A_586 = arith.mulf %get3A_585, %gather3A_581 : vector<16xf32>
        %swap3A_587 = arith.index_cast %add3A_576 : i32 to index
        %swap3A_588 = arith.constant 0 : index
        %swap3A_589 = tpu.vector_load %arg9[%swap3A_587, %swap3A_588] {strides = array<i32>} : memref<128x128xf32, #tpu.memory_space<vmem>>, vector<1x16xf32>,
        %swap3A_590 = vector.shape_cast %swap3A_589 : vector<1x16xf32> to vector<16xf32>
        %swap3A_591 = vector.shape_cast %mul3A_586 : vector<16xf32> to vector<1x16xf32>
        tpu.vector_store %arg9[%swap3A_587, %swap3A_588], %swap3A_591 {strides = array<i32>} : memref<128x128xf32, #tpu.memory_space<vmem>>, vector<1x16xf32>,
        %get3A_592 = arith.index_cast %add3A_576 : i32 to index
        %get3A_593 = arith.constant 16 : index
        %get3A_594 = tpu.vector_load %arg9[%get3A_592, %get3A_593] {strides = array<i32>} : memref<128x128xf32, #tpu.memory_space<vmem>>, vector<1x16xf32>,
        %get3A_595 = vector.shape_cast %get3A_594 : vector<1x16xf32> to vector<16xf32>
        %mul3A_596 = arith.mulf %get3A_595, %gather3A_581 : vector<16xf32>
        %swap3A_597 = arith.index_cast %add3A_576 : i32 to index
        %swap3A_598 = arith.constant 16 : index
        %swap3A_599 = tpu.vector_load %arg9[%swap3A_597, %swap3A_598] {strides = array<i32>} : memref<128x128xf32, #tpu.memory_space<vmem>>, vector<1x16xf32>,
        %swap3A_600 = vector.shape_cast %swap3A_599 : vector<1x16xf32> to vector<16xf32>
        %swap3A_601 = vector.shape_cast %mul3A_596 : vector<16xf32> to vector<1x16xf32>
        tpu.vector_store %arg9[%swap3A_597, %swap3A_598], %swap3A_601 {strides = array<i32>} : memref<128x128xf32, #tpu.memory_space<vmem>>, vector<1x16xf32>,
        %get3A_602 = arith.index_cast %add3A_576 : i32 to index
        %get3A_603 = arith.constant 32 : index
        %get3A_604 = tpu.vector_load %arg9[%get3A_602, %get3A_603] {strides = array<i32>} : memref<128x128xf32, #tpu.memory_space<vmem>>, vector<1x16xf32>,
        %get3A_605 = vector.shape_cast %get3A_604 : vector<1x16xf32> to vector<16xf32>
        %mul3A_606 = arith.mulf %get3A_605, %gather3A_581 : vector<16xf32>
        %swap3A_607 = arith.index_cast %add3A_576 : i32 to index
        %swap3A_608 = arith.constant 32 : index
        %swap3A_609 = tpu.vector_load %arg9[%swap3A_607, %swap3A_608] {strides = array<i32>} : memref<128x128xf32, #tpu.memory_space<vmem>>, vector<1x16xf32>,
        %swap3A_610 = vector.shape_cast %swap3A_609 : vector<1x16xf32> to vector<16xf32>
        %swap3A_611 = vector.shape_cast %mul3A_606 : vector<16xf32> to vector<1x16xf32>
        tpu.vector_store %arg9[%swap3A_607, %swap3A_608], %swap3A_611 {strides = array<i32>} : memref<128x128xf32, #tpu.memory_space<vmem>>, vector<1x16xf32>,
        %get3A_612 = arith.index_cast %add3A_576 : i32 to index
        %get3A_613 = arith.constant 48 : index
        %get3A_614 = tpu.vector_load %arg9[%get3A_612, %get3A_613] {strides = array<i32>} : memref<128x128xf32, #tpu.memory_space<vmem>>, vector<1x16xf32>,
        %get3A_615 = vector.shape_cast %get3A_614 : vector<1x16xf32> to vector<16xf32>
        %mul3A_616 = arith.mulf %get3A_615, %gather3A_581 : vector<16xf32>
        %swap3A_617 = arith.index_cast %add3A_576 : i32 to index
        %swap3A_618 = arith.constant 48 : index
        %swap3A_619 = tpu.vector_load %arg9[%swap3A_617, %swap3A_618] {strides = array<i32>} : memref<128x128xf32, #tpu.memory_space<vmem>>, vector<1x16xf32>,
        %swap3A_620 = vector.shape_cast %swap3A_619 : vector<1x16xf32> to vector<16xf32>
        %swap3A_621 = vector.shape_cast %mul3A_616 : vector<16xf32> to vector<1x16xf32>
        tpu.vector_store %arg9[%swap3A_617, %swap3A_618], %swap3A_621 {strides = array<i32>} : memref<128x128xf32, #tpu.memory_space<vmem>>, vector<1x16xf32>,
        %get3A_622 = arith.index_cast %add3A_576 : i32 to index
        %get3A_623 = arith.constant 64 : index
        %get3A_624 = tpu.vector_load %arg9[%get3A_622, %get3A_623] {strides = array<i32>} : memref<128x128xf32, #tpu.memory_space<vmem>>, vector<1x16xf32>,
        %get3A_625 = vector.shape_cast %get3A_624 : vector<1x16xf32> to vector<16xf32>
        %mul3A_626 = arith.mulf %get3A_625, %gather3A_581 : vector<16xf32>
        %swap3A_627 = arith.index_cast %add3A_576 : i32 to index
        %swap3A_628 = arith.constant 64 : index
        %swap3A_629 = tpu.vector_load %arg9[%swap3A_627, %swap3A_628] {strides = array<i32>} : memref<128x128xf32, #tpu.memory_space<vmem>>, vector<1x16xf32>,
        %swap3A_630 = vector.shape_cast %swap3A_629 : vector<1x16xf32> to vector<16xf32>
        %swap3A_631 = vector.shape_cast %mul3A_626 : vector<16xf32> to vector<1x16xf32>
        tpu.vector_store %arg9[%swap3A_627, %swap3A_628], %swap3A_631 {strides = array<i32>} : memref<128x128xf32, #tpu.memory_space<vmem>>, vector<1x16xf32>,
        %get3A_632 = arith.index_cast %add3A_576 : i32 to index
        %get3A_633 = arith.constant 80 : index
        %get3A_634 = tpu.vector_load %arg9[%get3A_632, %get3A_633] {strides = array<i32>} : memref<128x128xf32, #tpu.memory_space<vmem>>, vector<1x16xf32>,
        %get3A_635 = vector.shape_cast %get3A_634 : vector<1x16xf32> to vector<16xf32>
        %mul3A_636 = arith.mulf %get3A_635, %gather3A_581 : vector<16xf32>
        %swap3A_637 = arith.index_cast %add3A_576 : i32 to index
        %swap3A_638 = arith.constant 80 : index
        %swap3A_639 = tpu.vector_load %arg9[%swap3A_637, %swap3A_638] {strides = array<i32>} : memref<128x128xf32, #tpu.memory_space<vmem>>, vector<1x16xf32>,
        %swap3A_640 = vector.shape_cast %swap3A_639 : vector<1x16xf32> to vector<16xf32>
        %swap3A_641 = vector.shape_cast %mul3A_636 : vector<16xf32> to vector<1x16xf32>
        tpu.vector_store %arg9[%swap3A_637, %swap3A_638], %swap3A_641 {strides = array<i32>} : memref<128x128xf32, #tpu.memory_space<vmem>>, vector<1x16xf32>,
        %get3A_642 = arith.index_cast %add3A_576 : i32 to index
        %get3A_643 = arith.constant 96 : index
        %get3A_644 = tpu.vector_load %arg9[%get3A_642, %get3A_643] {strides = array<i32>} : memref<128x128xf32, #tpu.memory_space<vmem>>, vector<1x16xf32>,
        %get3A_645 = vector.shape_cast %get3A_644 : vector<1x16xf32> to vector<16xf32>
        %mul3A_646 = arith.mulf %get3A_645, %gather3A_581 : vector<16xf32>
        %swap3A_647 = arith.index_cast %add3A_576 : i32 to index
        %swap3A_648 = arith.constant 96 : index
        %swap3A_649 = tpu.vector_load %arg9[%swap3A_647, %swap3A_648] {strides = array<i32>} : memref<128x128xf32, #tpu.memory_space<vmem>>, vector<1x16xf32>,
        %swap3A_650 = vector.shape_cast %swap3A_649 : vector<1x16xf32> to vector<16xf32>
        %swap3A_651 = vector.shape_cast %mul3A_646 : vector<16xf32> to vector<1x16xf32>
        tpu.vector_store %arg9[%swap3A_647, %swap3A_648], %swap3A_651 {strides = array<i32>} : memref<128x128xf32, #tpu.memory_space<vmem>>, vector<1x16xf32>,
        %get3A_652 = arith.index_cast %add3A_576 : i32 to index
        %get3A_653 = arith.constant 112 : index
        %get3A_654 = tpu.vector_load %arg9[%get3A_652, %get3A_653] {strides = array<i32>} : memref<128x128xf32, #tpu.memory_space<vmem>>, vector<1x16xf32>,
        %get3A_655 = vector.shape_cast %get3A_654 : vector<1x16xf32> to vector<16xf32>
        %mul3A_656 = arith.mulf %get3A_655, %gather3A_581 : vector<16xf32>
        %swap3A_657 = arith.index_cast %add3A_576 : i32 to index
        %swap3A_658 = arith.constant 112 : index
        %swap3A_659 = tpu.vector_load %arg9[%swap3A_657, %swap3A_658] {strides = array<i32>} : memref<128x128xf32, #tpu.memory_space<vmem>>, vector<1x16xf32>,
        %swap3A_660 = vector.shape_cast %swap3A_659 : vector<1x16xf32> to vector<16xf32>
        %swap3A_661 = vector.shape_cast %mul3A_656 : vector<16xf32> to vector<1x16xf32>
        tpu.vector_store %arg9[%swap3A_657, %swap3A_658], %swap3A_661 {strides = array<i32>} : memref<128x128xf32, #tpu.memory_space<vmem>>, vector<1x16xf32>,
        %mul3A_662 = arith.constant 16 : i32
        %mul3A_663 = arith.muli %scan3A_213, %mul3A_662 : i32
        %add3A_664 = arith.constant 5 : i32
        %add3A_665 = arith.addi %mul3A_663, %add3A_664 : i32
        %broadcast_in_dim3A_666 = arith.constant 5 : i32
        %broadcast_in_dim3A_667 = vector.broadcast %broadcast_in_dim3A_666 : i32 to vector<16xi32>
        %broadcast_in_dim3A_668 = vector.shape_cast %broadcast_in_dim3A_667 : vector<16xi32> to vector<16x1xi32>
        %gather3A_669 = vector.shape_cast %broadcast_in_dim3A_668 : vector<16x1xi32> to vector<16xi32>
        %gather3A_670 = tpu.dynamic_gather %get3A_218[%gather3A_669] in [0] : vector<16xf32>, vector<16xi32> -> vector<16xf32>
        %get3A_671 = arith.index_cast %add3A_665 : i32 to index
        %get3A_672 = arith.constant 0 : index
        %get3A_673 = tpu.vector_load %arg9[%get3A_671, %get3A_672] {strides = array<i32>} : memref<128x128xf32, #tpu.memory_space<vmem>>, vector<1x16xf32>,
        %get3A_674 = vector.shape_cast %get3A_673 : vector<1x16xf32> to vector<16xf32>
        %mul3A_675 = arith.mulf %get3A_674, %gather3A_670 : vector<16xf32>
        %swap3A_676 = arith.index_cast %add3A_665 : i32 to index
        %swap3A_677 = arith.constant 0 : index
        %swap3A_678 = tpu.vector_load %arg9[%swap3A_676, %swap3A_677] {strides = array<i32>} : memref<128x128xf32, #tpu.memory_space<vmem>>, vector<1x16xf32>,
        %swap3A_679 = vector.shape_cast %swap3A_678 : vector<1x16xf32> to vector<16xf32>
        %swap3A_680 = vector.shape_cast %mul3A_675 : vector<16xf32> to vector<1x16xf32>
        tpu.vector_store %arg9[%swap3A_676, %swap3A_677], %swap3A_680 {strides = array<i32>} : memref<128x128xf32, #tpu.memory_space<vmem>>, vector<1x16xf32>,
        %get3A_681 = arith.index_cast %add3A_665 : i32 to index
        %get3A_682 = arith.constant 16 : index
        %get3A_683 = tpu.vector_load %arg9[%get3A_681, %get3A_682] {strides = array<i32>} : memref<128x128xf32, #tpu.memory_space<vmem>>, vector<1x16xf32>,
        %get3A_684 = vector.shape_cast %get3A_683 : vector<1x16xf32> to vector<16xf32>
        %mul3A_685 = arith.mulf %get3A_684, %gather3A_670 : vector<16xf32>
        %swap3A_686 = arith.index_cast %add3A_665 : i32 to index
        %swap3A_687 = arith.constant 16 : index
        %swap3A_688 = tpu.vector_load %arg9[%swap3A_686, %swap3A_687] {strides = array<i32>} : memref<128x128xf32, #tpu.memory_space<vmem>>, vector<1x16xf32>,
        %swap3A_689 = vector.shape_cast %swap3A_688 : vector<1x16xf32> to vector<16xf32>
        %swap3A_690 = vector.shape_cast %mul3A_685 : vector<16xf32> to vector<1x16xf32>
        tpu.vector_store %arg9[%swap3A_686, %swap3A_687], %swap3A_690 {strides = array<i32>} : memref<128x128xf32, #tpu.memory_space<vmem>>, vector<1x16xf32>,
        %get3A_691 = arith.index_cast %add3A_665 : i32 to index
        %get3A_692 = arith.constant 32 : index
        %get3A_693 = tpu.vector_load %arg9[%get3A_691, %get3A_692] {strides = array<i32>} : memref<128x128xf32, #tpu.memory_space<vmem>>, vector<1x16xf32>,
        %get3A_694 = vector.shape_cast %get3A_693 : vector<1x16xf32> to vector<16xf32>
        %mul3A_695 = arith.mulf %get3A_694, %gather3A_670 : vector<16xf32>
        %swap3A_696 = arith.index_cast %add3A_665 : i32 to index
        %swap3A_697 = arith.constant 32 : index
        %swap3A_698 = tpu.vector_load %arg9[%swap3A_696, %swap3A_697] {strides = array<i32>} : memref<128x128xf32, #tpu.memory_space<vmem>>, vector<1x16xf32>,
        %swap3A_699 = vector.shape_cast %swap3A_698 : vector<1x16xf32> to vector<16xf32>
        %swap3A_700 = vector.shape_cast %mul3A_695 : vector<16xf32> to vector<1x16xf32>
        tpu.vector_store %arg9[%swap3A_696, %swap3A_697], %swap3A_700 {strides = array<i32>} : memref<128x128xf32, #tpu.memory_space<vmem>>, vector<1x16xf32>,
        %get3A_701 = arith.index_cast %add3A_665 : i32 to index
        %get3A_702 = arith.constant 48 : index
        %get3A_703 = tpu.vector_load %arg9[%get3A_701, %get3A_702] {strides = array<i32>} : memref<128x128xf32, #tpu.memory_space<vmem>>, vector<1x16xf32>,
        %get3A_704 = vector.shape_cast %get3A_703 : vector<1x16xf32> to vector<16xf32>
        %mul3A_705 = arith.mulf %get3A_704, %gather3A_670 : vector<16xf32>
        %swap3A_706 = arith.index_cast %add3A_665 : i32 to index
        %swap3A_707 = arith.constant 48 : index
        %swap3A_708 = tpu.vector_load %arg9[%swap3A_706, %swap3A_707] {strides = array<i32>} : memref<128x128xf32, #tpu.memory_space<vmem>>, vector<1x16xf32>,
        %swap3A_709 = vector.shape_cast %swap3A_708 : vector<1x16xf32> to vector<16xf32>
        %swap3A_710 = vector.shape_cast %mul3A_705 : vector<16xf32> to vector<1x16xf32>
        tpu.vector_store %arg9[%swap3A_706, %swap3A_707], %swap3A_710 {strides = array<i32>} : memref<128x128xf32, #tpu.memory_space<vmem>>, vector<1x16xf32>,
        %get3A_711 = arith.index_cast %add3A_665 : i32 to index
        %get3A_712 = arith.constant 64 : index
        %get3A_713 = tpu.vector_load %arg9[%get3A_711, %get3A_712] {strides = array<i32>} : memref<128x128xf32, #tpu.memory_space<vmem>>, vector<1x16xf32>,
        %get3A_714 = vector.shape_cast %get3A_713 : vector<1x16xf32> to vector<16xf32>
        %mul3A_715 = arith.mulf %get3A_714, %gather3A_670 : vector<16xf32>
        %swap3A_716 = arith.index_cast %add3A_665 : i32 to index
        %swap3A_717 = arith.constant 64 : index
        %swap3A_718 = tpu.vector_load %arg9[%swap3A_716, %swap3A_717] {strides = array<i32>} : memref<128x128xf32, #tpu.memory_space<vmem>>, vector<1x16xf32>,
        %swap3A_719 = vector.shape_cast %swap3A_718 : vector<1x16xf32> to vector<16xf32>
        %swap3A_720 = vector.shape_cast %mul3A_715 : vector<16xf32> to vector<1x16xf32>
        tpu.vector_store %arg9[%swap3A_716, %swap3A_717], %swap3A_720 {strides = array<i32>} : memref<128x128xf32, #tpu.memory_space<vmem>>, vector<1x16xf32>,
        %get3A_721 = arith.index_cast %add3A_665 : i32 to index
        %get3A_722 = arith.constant 80 : index
        %get3A_723 = tpu.vector_load %arg9[%get3A_721, %get3A_722] {strides = array<i32>} : memref<128x128xf32, #tpu.memory_space<vmem>>, vector<1x16xf32>,
        %get3A_724 = vector.shape_cast %get3A_723 : vector<1x16xf32> to vector<16xf32>
        %mul3A_725 = arith.mulf %get3A_724, %gather3A_670 : vector<16xf32>
        %swap3A_726 = arith.index_cast %add3A_665 : i32 to index
        %swap3A_727 = arith.constant 80 : index
        %swap3A_728 = tpu.vector_load %arg9[%swap3A_726, %swap3A_727] {strides = array<i32>} : memref<128x128xf32, #tpu.memory_space<vmem>>, vector<1x16xf32>,
        %swap3A_729 = vector.shape_cast %swap3A_728 : vector<1x16xf32> to vector<16xf32>
        %swap3A_730 = vector.shape_cast %mul3A_725 : vector<16xf32> to vector<1x16xf32>
        tpu.vector_store %arg9[%swap3A_726, %swap3A_727], %swap3A_730 {strides = array<i32>} : memref<128x128xf32, #tpu.memory_space<vmem>>, vector<1x16xf32>,
        %get3A_731 = arith.index_cast %add3A_665 : i32 to index
        %get3A_732 = arith.constant 96 : index
        %get3A_733 = tpu.vector_load %arg9[%get3A_731, %get3A_732] {strides = array<i32>} : memref<128x128xf32, #tpu.memory_space<vmem>>, vector<1x16xf32>,
        %get3A_734 = vector.shape_cast %get3A_733 : vector<1x16xf32> to vector<16xf32>
        %mul3A_735 = arith.mulf %get3A_734, %gather3A_670 : vector<16xf32>
        %swap3A_736 = arith.index_cast %add3A_665 : i32 to index
        %swap3A_737 = arith.constant 96 : index
        %swap3A_738 = tpu.vector_load %arg9[%swap3A_736, %swap3A_737] {strides = array<i32>} : memref<128x128xf32, #tpu.memory_space<vmem>>, vector<1x16xf32>,
        %swap3A_739 = vector.shape_cast %swap3A_738 : vector<1x16xf32> to vector<16xf32>
        %swap3A_740 = vector.shape_cast %mul3A_735 : vector<16xf32> to vector<1x16xf32>
        tpu.vector_store %arg9[%swap3A_736, %swap3A_737], %swap3A_740 {strides = array<i32>} : memref<128x128xf32, #tpu.memory_space<vmem>>, vector<1x16xf32>,
        %get3A_741 = arith.index_cast %add3A_665 : i32 to index
        %get3A_742 = arith.constant 112 : index
        %get3A_743 = tpu.vector_load %arg9[%get3A_741, %get3A_742] {strides = array<i32>} : memref<128x128xf32, #tpu.memory_space<vmem>>, vector<1x16xf32>,
        %get3A_744 = vector.shape_cast %get3A_743 : vector<1x16xf32> to vector<16xf32>
        %mul3A_745 = arith.mulf %get3A_744, %gather3A_670 : vector<16xf32>
        %swap3A_746 = arith.index_cast %add3A_665 : i32 to index
        %swap3A_747 = arith.constant 112 : index
        %swap3A_748 = tpu.vector_load %arg9[%swap3A_746, %swap3A_747] {strides = array<i32>} : memref<128x128xf32, #tpu.memory_space<vmem>>, vector<1x16xf32>,
        %swap3A_749 = vector.shape_cast %swap3A_748 : vector<1x16xf32> to vector<16xf32>
        %swap3A_750 = vector.shape_cast %mul3A_745 : vector<16xf32> to vector<1x16xf32>
        tpu.vector_store %arg9[%swap3A_746, %swap3A_747], %swap3A_750 {strides = array<i32>} : memref<128x128xf32, #tpu.memory_space<vmem>>, vector<1x16xf32>,
        %mul3A_751 = arith.constant 16 : i32
        %mul3A_752 = arith.muli %scan3A_213, %mul3A_751 : i32
        %add3A_753 = arith.constant 6 : i32
        %add3A_754 = arith.addi %mul3A_752, %add3A_753 : i32
        %broadcast_in_dim3A_755 = arith.constant 6 : i32
        %broadcast_in_dim3A_756 = vector.broadcast %broadcast_in_dim3A_755 : i32 to vector<16xi32>
        %broadcast_in_dim3A_757 = vector.shape_cast %broadcast_in_dim3A_756 : vector<16xi32> to vector<16x1xi32>
        %gather3A_758 = vector.shape_cast %broadcast_in_dim3A_757 : vector<16x1xi32> to vector<16xi32>
        %gather3A_759 = tpu.dynamic_gather %get3A_218[%gather3A_758] in [0] : vector<16xf32>, vector<16xi32> -> vector<16xf32>
        %get3A_760 = arith.index_cast %add3A_754 : i32 to index
        %get3A_761 = arith.constant 0 : index
        %get3A_762 = tpu.vector_load %arg9[%get3A_760, %get3A_761] {strides = array<i32>} : memref<128x128xf32, #tpu.memory_space<vmem>>, vector<1x16xf32>,
        %get3A_763 = vector.shape_cast %get3A_762 : vector<1x16xf32> to vector<16xf32>
        %mul3A_764 = arith.mulf %get3A_763, %gather3A_759 : vector<16xf32>
        %swap3A_765 = arith.index_cast %add3A_754 : i32 to index
        %swap3A_766 = arith.constant 0 : index
        %swap3A_767 = tpu.vector_load %arg9[%swap3A_765, %swap3A_766] {strides = array<i32>} : memref<128x128xf32, #tpu.memory_space<vmem>>, vector<1x16xf32>,
        %swap3A_768 = vector.shape_cast %swap3A_767 : vector<1x16xf32> to vector<16xf32>
        %swap3A_769 = vector.shape_cast %mul3A_764 : vector<16xf32> to vector<1x16xf32>
        tpu.vector_store %arg9[%swap3A_765, %swap3A_766], %swap3A_769 {strides = array<i32>} : memref<128x128xf32, #tpu.memory_space<vmem>>, vector<1x16xf32>,
        %get3A_770 = arith.index_cast %add3A_754 : i32 to index
        %get3A_771 = arith.constant 16 : index
        %get3A_772 = tpu.vector_load %arg9[%get3A_770, %get3A_771] {strides = array<i32>} : memref<128x128xf32, #tpu.memory_space<vmem>>, vector<1x16xf32>,
        %get3A_773 = vector.shape_cast %get3A_772 : vector<1x16xf32> to vector<16xf32>
        %mul3A_774 = arith.mulf %get3A_773, %gather3A_759 : vector<16xf32>
        %swap3A_775 = arith.index_cast %add3A_754 : i32 to index
        %swap3A_776 = arith.constant 16 : index
        %swap3A_777 = tpu.vector_load %arg9[%swap3A_775, %swap3A_776] {strides = array<i32>} : memref<128x128xf32, #tpu.memory_space<vmem>>, vector<1x16xf32>,
        %swap3A_778 = vector.shape_cast %swap3A_777 : vector<1x16xf32> to vector<16xf32>
        %swap3A_779 = vector.shape_cast %mul3A_774 : vector<16xf32> to vector<1x16xf32>
        tpu.vector_store %arg9[%swap3A_775, %swap3A_776], %swap3A_779 {strides = array<i32>} : memref<128x128xf32, #tpu.memory_space<vmem>>, vector<1x16xf32>,
        %get3A_780 = arith.index_cast %add3A_754 : i32 to index
        %get3A_781 = arith.constant 32 : index
        %get3A_782 = tpu.vector_load %arg9[%get3A_780, %get3A_781] {strides = array<i32>} : memref<128x128xf32, #tpu.memory_space<vmem>>, vector<1x16xf32>,
        %get3A_783 = vector.shape_cast %get3A_782 : vector<1x16xf32> to vector<16xf32>
        %mul3A_784 = arith.mulf %get3A_783, %gather3A_759 : vector<16xf32>
        %swap3A_785 = arith.index_cast %add3A_754 : i32 to index
        %swap3A_786 = arith.constant 32 : index
        %swap3A_787 = tpu.vector_load %arg9[%swap3A_785, %swap3A_786] {strides = array<i32>} : memref<128x128xf32, #tpu.memory_space<vmem>>, vector<1x16xf32>,
        %swap3A_788 = vector.shape_cast %swap3A_787 : vector<1x16xf32> to vector<16xf32>
        %swap3A_789 = vector.shape_cast %mul3A_784 : vector<16xf32> to vector<1x16xf32>
        tpu.vector_store %arg9[%swap3A_785, %swap3A_786], %swap3A_789 {strides = array<i32>} : memref<128x128xf32, #tpu.memory_space<vmem>>, vector<1x16xf32>,
        %get3A_790 = arith.index_cast %add3A_754 : i32 to index
        %get3A_791 = arith.constant 48 : index
        %get3A_792 = tpu.vector_load %arg9[%get3A_790, %get3A_791] {strides = array<i32>} : memref<128x128xf32, #tpu.memory_space<vmem>>, vector<1x16xf32>,
        %get3A_793 = vector.shape_cast %get3A_792 : vector<1x16xf32> to vector<16xf32>
        %mul3A_794 = arith.mulf %get3A_793, %gather3A_759 : vector<16xf32>
        %swap3A_795 = arith.index_cast %add3A_754 : i32 to index
        %swap3A_796 = arith.constant 48 : index
        %swap3A_797 = tpu.vector_load %arg9[%swap3A_795, %swap3A_796] {strides = array<i32>} : memref<128x128xf32, #tpu.memory_space<vmem>>, vector<1x16xf32>,
        %swap3A_798 = vector.shape_cast %swap3A_797 : vector<1x16xf32> to vector<16xf32>
        %swap3A_799 = vector.shape_cast %mul3A_794 : vector<16xf32> to vector<1x16xf32>
        tpu.vector_store %arg9[%swap3A_795, %swap3A_796], %swap3A_799 {strides = array<i32>} : memref<128x128xf32, #tpu.memory_space<vmem>>, vector<1x16xf32>,
        %get3A_800 = arith.index_cast %add3A_754 : i32 to index
        %get3A_801 = arith.constant 64 : index
        %get3A_802 = tpu.vector_load %arg9[%get3A_800, %get3A_801] {strides = array<i32>} : memref<128x128xf32, #tpu.memory_space<vmem>>, vector<1x16xf32>,
        %get3A_803 = vector.shape_cast %get3A_802 : vector<1x16xf32> to vector<16xf32>
        %mul3A_804 = arith.mulf %get3A_803, %gather3A_759 : vector<16xf32>
        %swap3A_805 = arith.index_cast %add3A_754 : i32 to index
        %swap3A_806 = arith.constant 64 : index
        %swap3A_807 = tpu.vector_load %arg9[%swap3A_805, %swap3A_806] {strides = array<i32>} : memref<128x128xf32, #tpu.memory_space<vmem>>, vector<1x16xf32>,
        %swap3A_808 = vector.shape_cast %swap3A_807 : vector<1x16xf32> to vector<16xf32>
        %swap3A_809 = vector.shape_cast %mul3A_804 : vector<16xf32> to vector<1x16xf32>
        tpu.vector_store %arg9[%swap3A_805, %swap3A_806], %swap3A_809 {strides = array<i32>} : memref<128x128xf32, #tpu.memory_space<vmem>>, vector<1x16xf32>,
        %get3A_810 = arith.index_cast %add3A_754 : i32 to index
        %get3A_811 = arith.constant 80 : index
        %get3A_812 = tpu.vector_load %arg9[%get3A_810, %get3A_811] {strides = array<i32>} : memref<128x128xf32, #tpu.memory_space<vmem>>, vector<1x16xf32>,
        %get3A_813 = vector.shape_cast %get3A_812 : vector<1x16xf32> to vector<16xf32>
        %mul3A_814 = arith.mulf %get3A_813, %gather3A_759 : vector<16xf32>
        %swap3A_815 = arith.index_cast %add3A_754 : i32 to index
        %swap3A_816 = arith.constant 80 : index
        %swap3A_817 = tpu.vector_load %arg9[%swap3A_815, %swap3A_816] {strides = array<i32>} : memref<128x128xf32, #tpu.memory_space<vmem>>, vector<1x16xf32>,
        %swap3A_818 = vector.shape_cast %swap3A_817 : vector<1x16xf32> to vector<16xf32>
        %swap3A_819 = vector.shape_cast %mul3A_814 : vector<16xf32> to vector<1x16xf32>
        tpu.vector_store %arg9[%swap3A_815, %swap3A_816], %swap3A_819 {strides = array<i32>} : memref<128x128xf32, #tpu.memory_space<vmem>>, vector<1x16xf32>,
        %get3A_820 = arith.index_cast %add3A_754 : i32 to index
        %get3A_821 = arith.constant 96 : index
        %get3A_822 = tpu.vector_load %arg9[%get3A_820, %get3A_821] {strides = array<i32>} : memref<128x128xf32, #tpu.memory_space<vmem>>, vector<1x16xf32>,
        %get3A_823 = vector.shape_cast %get3A_822 : vector<1x16xf32> to vector<16xf32>
        %mul3A_824 = arith.mulf %get3A_823, %gather3A_759 : vector<16xf32>
        %swap3A_825 = arith.index_cast %add3A_754 : i32 to index
        %swap3A_826 = arith.constant 96 : index
        %swap3A_827 = tpu.vector_load %arg9[%swap3A_825, %swap3A_826] {strides = array<i32>} : memref<128x128xf32, #tpu.memory_space<vmem>>, vector<1x16xf32>,
        %swap3A_828 = vector.shape_cast %swap3A_827 : vector<1x16xf32> to vector<16xf32>
        %swap3A_829 = vector.shape_cast %mul3A_824 : vector<16xf32> to vector<1x16xf32>
        tpu.vector_store %arg9[%swap3A_825, %swap3A_826], %swap3A_829 {strides = array<i32>} : memref<128x128xf32, #tpu.memory_space<vmem>>, vector<1x16xf32>,
        %get3A_830 = arith.index_cast %add3A_754 : i32 to index
        %get3A_831 = arith.constant 112 : index
        %get3A_832 = tpu.vector_load %arg9[%get3A_830, %get3A_831] {strides = array<i32>} : memref<128x128xf32, #tpu.memory_space<vmem>>, vector<1x16xf32>,
        %get3A_833 = vector.shape_cast %get3A_832 : vector<1x16xf32> to vector<16xf32>
        %mul3A_834 = arith.mulf %get3A_833, %gather3A_759 : vector<16xf32>
        %swap3A_835 = arith.index_cast %add3A_754 : i32 to index
        %swap3A_836 = arith.constant 112 : index
        %swap3A_837 = tpu.vector_load %arg9[%swap3A_835, %swap3A_836] {strides = array<i32>} : memref<128x128xf32, #tpu.memory_space<vmem>>, vector<1x16xf32>,
        %swap3A_838 = vector.shape_cast %swap3A_837 : vector<1x16xf32> to vector<16xf32>
        %swap3A_839 = vector.shape_cast %mul3A_834 : vector<16xf32> to vector<1x16xf32>
        tpu.vector_store %arg9[%swap3A_835, %swap3A_836], %swap3A_839 {strides = array<i32>} : memref<128x128xf32, #tpu.memory_space<vmem>>, vector<1x16xf32>,
        %mul3A_840 = arith.constant 16 : i32
        %mul3A_841 = arith.muli %scan3A_213, %mul3A_840 : i32
        %add3A_842 = arith.constant 7 : i32
        %add3A_843 = arith.addi %mul3A_841, %add3A_842 : i32
        %broadcast_in_dim3A_844 = arith.constant 7 : i32
        %broadcast_in_dim3A_845 = vector.broadcast %broadcast_in_dim3A_844 : i32 to vector<16xi32>
        %broadcast_in_dim3A_846 = vector.shape_cast %broadcast_in_dim3A_845 : vector<16xi32> to vector<16x1xi32>
        %gather3A_847 = vector.shape_cast %broadcast_in_dim3A_846 : vector<16x1xi32> to vector<16xi32>
        %gather3A_848 = tpu.dynamic_gather %get3A_218[%gather3A_847] in [0] : vector<16xf32>, vector<16xi32> -> vector<16xf32>
        %get3A_849 = arith.index_cast %add3A_843 : i32 to index
        %get3A_850 = arith.constant 0 : index
        %get3A_851 = tpu.vector_load %arg9[%get3A_849, %get3A_850] {strides = array<i32>} : memref<128x128xf32, #tpu.memory_space<vmem>>, vector<1x16xf32>,
        %get3A_852 = vector.shape_cast %get3A_851 : vector<1x16xf32> to vector<16xf32>
        %mul3A_853 = arith.mulf %get3A_852, %gather3A_848 : vector<16xf32>
        %swap3A_854 = arith.index_cast %add3A_843 : i32 to index
        %swap3A_855 = arith.constant 0 : index
        %swap3A_856 = tpu.vector_load %arg9[%swap3A_854, %swap3A_855] {strides = array<i32>} : memref<128x128xf32, #tpu.memory_space<vmem>>, vector<1x16xf32>,
        %swap3A_857 = vector.shape_cast %swap3A_856 : vector<1x16xf32> to vector<16xf32>
        %swap3A_858 = vector.shape_cast %mul3A_853 : vector<16xf32> to vector<1x16xf32>
        tpu.vector_store %arg9[%swap3A_854, %swap3A_855], %swap3A_858 {strides = array<i32>} : memref<128x128xf32, #tpu.memory_space<vmem>>, vector<1x16xf32>,
        %get3A_859 = arith.index_cast %add3A_843 : i32 to index
        %get3A_860 = arith.constant 16 : index
        %get3A_861 = tpu.vector_load %arg9[%get3A_859, %get3A_860] {strides = array<i32>} : memref<128x128xf32, #tpu.memory_space<vmem>>, vector<1x16xf32>,
        %get3A_862 = vector.shape_cast %get3A_861 : vector<1x16xf32> to vector<16xf32>
        %mul3A_863 = arith.mulf %get3A_862, %gather3A_848 : vector<16xf32>
        %swap3A_864 = arith.index_cast %add3A_843 : i32 to index
        %swap3A_865 = arith.constant 16 : index
        %swap3A_866 = tpu.vector_load %arg9[%swap3A_864, %swap3A_865] {strides = array<i32>} : memref<128x128xf32, #tpu.memory_space<vmem>>, vector<1x16xf32>,
        %swap3A_867 = vector.shape_cast %swap3A_866 : vector<1x16xf32> to vector<16xf32>
        %swap3A_868 = vector.shape_cast %mul3A_863 : vector<16xf32> to vector<1x16xf32>
        tpu.vector_store %arg9[%swap3A_864, %swap3A_865], %swap3A_868 {strides = array<i32>} : memref<128x128xf32, #tpu.memory_space<vmem>>, vector<1x16xf32>,
        %get3A_869 = arith.index_cast %add3A_843 : i32 to index
        %get3A_870 = arith.constant 32 : index
        %get3A_871 = tpu.vector_load %arg9[%get3A_869, %get3A_870] {strides = array<i32>} : memref<128x128xf32, #tpu.memory_space<vmem>>, vector<1x16xf32>,
        %get3A_872 = vector.shape_cast %get3A_871 : vector<1x16xf32> to vector<16xf32>
        %mul3A_873 = arith.mulf %get3A_872, %gather3A_848 : vector<16xf32>
        %swap3A_874 = arith.index_cast %add3A_843 : i32 to index
        %swap3A_875 = arith.constant 32 : index
        %swap3A_876 = tpu.vector_load %arg9[%swap3A_874, %swap3A_875] {strides = array<i32>} : memref<128x128xf32, #tpu.memory_space<vmem>>, vector<1x16xf32>,
        %swap3A_877 = vector.shape_cast %swap3A_876 : vector<1x16xf32> to vector<16xf32>
        %swap3A_878 = vector.shape_cast %mul3A_873 : vector<16xf32> to vector<1x16xf32>
        tpu.vector_store %arg9[%swap3A_874, %swap3A_875], %swap3A_878 {strides = array<i32>} : memref<128x128xf32, #tpu.memory_space<vmem>>, vector<1x16xf32>,
        %get3A_879 = arith.index_cast %add3A_843 : i32 to index
        %get3A_880 = arith.constant 48 : index
        %get3A_881 = tpu.vector_load %arg9[%get3A_879, %get3A_880] {strides = array<i32>} : memref<128x128xf32, #tpu.memory_space<vmem>>, vector<1x16xf32>,
        %get3A_882 = vector.shape_cast %get3A_881 : vector<1x16xf32> to vector<16xf32>
        %mul3A_883 = arith.mulf %get3A_882, %gather3A_848 : vector<16xf32>
        %swap3A_884 = arith.index_cast %add3A_843 : i32 to index
        %swap3A_885 = arith.constant 48 : index
        %swap3A_886 = tpu.vector_load %arg9[%swap3A_884, %swap3A_885] {strides = array<i32>} : memref<128x128xf32, #tpu.memory_space<vmem>>, vector<1x16xf32>,
        %swap3A_887 = vector.shape_cast %swap3A_886 : vector<1x16xf32> to vector<16xf32>
        %swap3A_888 = vector.shape_cast %mul3A_883 : vector<16xf32> to vector<1x16xf32>
        tpu.vector_store %arg9[%swap3A_884, %swap3A_885], %swap3A_888 {strides = array<i32>} : memref<128x128xf32, #tpu.memory_space<vmem>>, vector<1x16xf32>,
        %get3A_889 = arith.index_cast %add3A_843 : i32 to index
        %get3A_890 = arith.constant 64 : index
        %get3A_891 = tpu.vector_load %arg9[%get3A_889, %get3A_890] {strides = array<i32>} : memref<128x128xf32, #tpu.memory_space<vmem>>, vector<1x16xf32>,
        %get3A_892 = vector.shape_cast %get3A_891 : vector<1x16xf32> to vector<16xf32>
        %mul3A_893 = arith.mulf %get3A_892, %gather3A_848 : vector<16xf32>
        %swap3A_894 = arith.index_cast %add3A_843 : i32 to index
        %swap3A_895 = arith.constant 64 : index
        %swap3A_896 = tpu.vector_load %arg9[%swap3A_894, %swap3A_895] {strides = array<i32>} : memref<128x128xf32, #tpu.memory_space<vmem>>, vector<1x16xf32>,
        %swap3A_897 = vector.shape_cast %swap3A_896 : vector<1x16xf32> to vector<16xf32>
        %swap3A_898 = vector.shape_cast %mul3A_893 : vector<16xf32> to vector<1x16xf32>
        tpu.vector_store %arg9[%swap3A_894, %swap3A_895], %swap3A_898 {strides = array<i32>} : memref<128x128xf32, #tpu.memory_space<vmem>>, vector<1x16xf32>,
        %get3A_899 = arith.index_cast %add3A_843 : i32 to index
        %get3A_900 = arith.constant 80 : index
        %get3A_901 = tpu.vector_load %arg9[%get3A_899, %get3A_900] {strides = array<i32>} : memref<128x128xf32, #tpu.memory_space<vmem>>, vector<1x16xf32>,
        %get3A_902 = vector.shape_cast %get3A_901 : vector<1x16xf32> to vector<16xf32>
        %mul3A_903 = arith.mulf %get3A_902, %gather3A_848 : vector<16xf32>
        %swap3A_904 = arith.index_cast %add3A_843 : i32 to index
        %swap3A_905 = arith.constant 80 : index
        %swap3A_906 = tpu.vector_load %arg9[%swap3A_904, %swap3A_905] {strides = array<i32>} : memref<128x128xf32, #tpu.memory_space<vmem>>, vector<1x16xf32>,
        %swap3A_907 = vector.shape_cast %swap3A_906 : vector<1x16xf32> to vector<16xf32>
        %swap3A_908 = vector.shape_cast %mul3A_903 : vector<16xf32> to vector<1x16xf32>
        tpu.vector_store %arg9[%swap3A_904, %swap3A_905], %swap3A_908 {strides = array<i32>} : memref<128x128xf32, #tpu.memory_space<vmem>>, vector<1x16xf32>,
        %get3A_909 = arith.index_cast %add3A_843 : i32 to index
        %get3A_910 = arith.constant 96 : index
        %get3A_911 = tpu.vector_load %arg9[%get3A_909, %get3A_910] {strides = array<i32>} : memref<128x128xf32, #tpu.memory_space<vmem>>, vector<1x16xf32>,
        %get3A_912 = vector.shape_cast %get3A_911 : vector<1x16xf32> to vector<16xf32>
        %mul3A_913 = arith.mulf %get3A_912, %gather3A_848 : vector<16xf32>
        %swap3A_914 = arith.index_cast %add3A_843 : i32 to index
        %swap3A_915 = arith.constant 96 : index
        %swap3A_916 = tpu.vector_load %arg9[%swap3A_914, %swap3A_915] {strides = array<i32>} : memref<128x128xf32, #tpu.memory_space<vmem>>, vector<1x16xf32>,
        %swap3A_917 = vector.shape_cast %swap3A_916 : vector<1x16xf32> to vector<16xf32>
        %swap3A_918 = vector.shape_cast %mul3A_913 : vector<16xf32> to vector<1x16xf32>
        tpu.vector_store %arg9[%swap3A_914, %swap3A_915], %swap3A_918 {strides = array<i32>} : memref<128x128xf32, #tpu.memory_space<vmem>>, vector<1x16xf32>,
        %get3A_919 = arith.index_cast %add3A_843 : i32 to index
        %get3A_920 = arith.constant 112 : index
        %get3A_921 = tpu.vector_load %arg9[%get3A_919, %get3A_920] {strides = array<i32>} : memref<128x128xf32, #tpu.memory_space<vmem>>, vector<1x16xf32>,
        %get3A_922 = vector.shape_cast %get3A_921 : vector<1x16xf32> to vector<16xf32>
        %mul3A_923 = arith.mulf %get3A_922, %gather3A_848 : vector<16xf32>
        %swap3A_924 = arith.index_cast %add3A_843 : i32 to index
        %swap3A_925 = arith.constant 112 : index
        %swap3A_926 = tpu.vector_load %arg9[%swap3A_924, %swap3A_925] {strides = array<i32>} : memref<128x128xf32, #tpu.memory_space<vmem>>, vector<1x16xf32>,
        %swap3A_927 = vector.shape_cast %swap3A_926 : vector<1x16xf32> to vector<16xf32>
        %swap3A_928 = vector.shape_cast %mul3A_923 : vector<16xf32> to vector<1x16xf32>
        tpu.vector_store %arg9[%swap3A_924, %swap3A_925], %swap3A_928 {strides = array<i32>} : memref<128x128xf32, #tpu.memory_space<vmem>>, vector<1x16xf32>,
        %mul3A_929 = arith.constant 16 : i32
        %mul3A_930 = arith.muli %scan3A_213, %mul3A_929 : i32
        %add3A_931 = arith.constant 8 : i32
        %add3A_932 = arith.addi %mul3A_930, %add3A_931 : i32
        %broadcast_in_dim3A_933 = arith.constant 8 : i32
        %broadcast_in_dim3A_934 = vector.broadcast %broadcast_in_dim3A_933 : i32 to vector<16xi32>
        %broadcast_in_dim3A_935 = vector.shape_cast %broadcast_in_dim3A_934 : vector<16xi32> to vector<16x1xi32>
        %gather3A_936 = vector.shape_cast %broadcast_in_dim3A_935 : vector<16x1xi32> to vector<16xi32>
        %gather3A_937 = tpu.dynamic_gather %get3A_218[%gather3A_936] in [0] : vector<16xf32>, vector<16xi32> -> vector<16xf32>
        %get3A_938 = arith.index_cast %add3A_932 : i32 to index
        %get3A_939 = arith.constant 0 : index
        %get3A_940 = tpu.vector_load %arg9[%get3A_938, %get3A_939] {strides = array<i32>} : memref<128x128xf32, #tpu.memory_space<vmem>>, vector<1x16xf32>,
        %get3A_941 = vector.shape_cast %get3A_940 : vector<1x16xf32> to vector<16xf32>
        %mul3A_942 = arith.mulf %get3A_941, %gather3A_937 : vector<16xf32>
        %swap3A_943 = arith.index_cast %add3A_932 : i32 to index
        %swap3A_944 = arith.constant 0 : index
        %swap3A_945 = tpu.vector_load %arg9[%swap3A_943, %swap3A_944] {strides = array<i32>} : memref<128x128xf32, #tpu.memory_space<vmem>>, vector<1x16xf32>,
        %swap3A_946 = vector.shape_cast %swap3A_945 : vector<1x16xf32> to vector<16xf32>
        %swap3A_947 = vector.shape_cast %mul3A_942 : vector<16xf32> to vector<1x16xf32>
        tpu.vector_store %arg9[%swap3A_943, %swap3A_944], %swap3A_947 {strides = array<i32>} : memref<128x128xf32, #tpu.memory_space<vmem>>, vector<1x16xf32>,
        %get3A_948 = arith.index_cast %add3A_932 : i32 to index
        %get3A_949 = arith.constant 16 : index
        %get3A_950 = tpu.vector_load %arg9[%get3A_948, %get3A_949] {strides = array<i32>} : memref<128x128xf32, #tpu.memory_space<vmem>>, vector<1x16xf32>,
        %get3A_951 = vector.shape_cast %get3A_950 : vector<1x16xf32> to vector<16xf32>
        %mul3A_952 = arith.mulf %get3A_951, %gather3A_937 : vector<16xf32>
        %swap3A_953 = arith.index_cast %add3A_932 : i32 to index
        %swap3A_954 = arith.constant 16 : index
        %swap3A_955 = tpu.vector_load %arg9[%swap3A_953, %swap3A_954] {strides = array<i32>} : memref<128x128xf32, #tpu.memory_space<vmem>>, vector<1x16xf32>,
        %swap3A_956 = vector.shape_cast %swap3A_955 : vector<1x16xf32> to vector<16xf32>
        %swap3A_957 = vector.shape_cast %mul3A_952 : vector<16xf32> to vector<1x16xf32>
        tpu.vector_store %arg9[%swap3A_953, %swap3A_954], %swap3A_957 {strides = array<i32>} : memref<128x128xf32, #tpu.memory_space<vmem>>, vector<1x16xf32>,
        %get3A_958 = arith.index_cast %add3A_932 : i32 to index
        %get3A_959 = arith.constant 32 : index
        %get3A_960 = tpu.vector_load %arg9[%get3A_958, %get3A_959] {strides = array<i32>} : memref<128x128xf32, #tpu.memory_space<vmem>>, vector<1x16xf32>,
        %get3A_961 = vector.shape_cast %get3A_960 : vector<1x16xf32> to vector<16xf32>
        %mul3A_962 = arith.mulf %get3A_961, %gather3A_937 : vector<16xf32>
        %swap3A_963 = arith.index_cast %add3A_932 : i32 to index
        %swap3A_964 = arith.constant 32 : index
        %swap3A_965 = tpu.vector_load %arg9[%swap3A_963, %swap3A_964] {strides = array<i32>} : memref<128x128xf32, #tpu.memory_space<vmem>>, vector<1x16xf32>,
        %swap3A_966 = vector.shape_cast %swap3A_965 : vector<1x16xf32> to vector<16xf32>
        %swap3A_967 = vector.shape_cast %mul3A_962 : vector<16xf32> to vector<1x16xf32>
        tpu.vector_store %arg9[%swap3A_963, %swap3A_964], %swap3A_967 {strides = array<i32>} : memref<128x128xf32, #tpu.memory_space<vmem>>, vector<1x16xf32>,
        %get3A_968 = arith.index_cast %add3A_932 : i32 to index
        %get3A_969 = arith.constant 48 : index
        %get3A_970 = tpu.vector_load %arg9[%get3A_968, %get3A_969] {strides = array<i32>} : memref<128x128xf32, #tpu.memory_space<vmem>>, vector<1x16xf32>,
        %get3A_971 = vector.shape_cast %get3A_970 : vector<1x16xf32> to vector<16xf32>
        %mul3A_972 = arith.mulf %get3A_971, %gather3A_937 : vector<16xf32>
        %swap3A_973 = arith.index_cast %add3A_932 : i32 to index
        %swap3A_974 = arith.constant 48 : index
        %swap3A_975 = tpu.vector_load %arg9[%swap3A_973, %swap3A_974] {strides = array<i32>} : memref<128x128xf32, #tpu.memory_space<vmem>>, vector<1x16xf32>,
        %swap3A_976 = vector.shape_cast %swap3A_975 : vector<1x16xf32> to vector<16xf32>
        %swap3A_977 = vector.shape_cast %mul3A_972 : vector<16xf32> to vector<1x16xf32>
        tpu.vector_store %arg9[%swap3A_973, %swap3A_974], %swap3A_977 {strides = array<i32>} : memref<128x128xf32, #tpu.memory_space<vmem>>, vector<1x16xf32>,
        %get3A_978 = arith.index_cast %add3A_932 : i32 to index
        %get3A_979 = arith.constant 64 : index
        %get3A_980 = tpu.vector_load %arg9[%get3A_978, %get3A_979] {strides = array<i32>} : memref<128x128xf32, #tpu.memory_space<vmem>>, vector<1x16xf32>,
        %get3A_981 = vector.shape_cast %get3A_980 : vector<1x16xf32> to vector<16xf32>
        %mul3A_982 = arith.mulf %get3A_981, %gather3A_937 : vector<16xf32>
        %swap3A_983 = arith.index_cast %add3A_932 : i32 to index
        %swap3A_984 = arith.constant 64 : index
        %swap3A_985 = tpu.vector_load %arg9[%swap3A_983, %swap3A_984] {strides = array<i32>} : memref<128x128xf32, #tpu.memory_space<vmem>>, vector<1x16xf32>,
        %swap3A_986 = vector.shape_cast %swap3A_985 : vector<1x16xf32> to vector<16xf32>
        %swap3A_987 = vector.shape_cast %mul3A_982 : vector<16xf32> to vector<1x16xf32>
        tpu.vector_store %arg9[%swap3A_983, %swap3A_984], %swap3A_987 {strides = array<i32>} : memref<128x128xf32, #tpu.memory_space<vmem>>, vector<1x16xf32>,
        %get3A_988 = arith.index_cast %add3A_932 : i32 to index
        %get3A_989 = arith.constant 80 : index
        %get3A_990 = tpu.vector_load %arg9[%get3A_988, %get3A_989] {strides = array<i32>} : memref<128x128xf32, #tpu.memory_space<vmem>>, vector<1x16xf32>,
        %get3A_991 = vector.shape_cast %get3A_990 : vector<1x16xf32> to vector<16xf32>
        %mul3A_992 = arith.mulf %get3A_991, %gather3A_937 : vector<16xf32>
        %swap3A_993 = arith.index_cast %add3A_932 : i32 to index
        %swap3A_994 = arith.constant 80 : index
        %swap3A_995 = tpu.vector_load %arg9[%swap3A_993, %swap3A_994] {strides = array<i32>} : memref<128x128xf32, #tpu.memory_space<vmem>>, vector<1x16xf32>,
        %swap3A_996 = vector.shape_cast %swap3A_995 : vector<1x16xf32> to vector<16xf32>
        %swap3A_997 = vector.shape_cast %mul3A_992 : vector<16xf32> to vector<1x16xf32>
        tpu.vector_store %arg9[%swap3A_993, %swap3A_994], %swap3A_997 {strides = array<i32>} : memref<128x128xf32, #tpu.memory_space<vmem>>, vector<1x16xf32>,
        %get3A_998 = arith.index_cast %add3A_932 : i32 to index
        %get3A_999 = arith.constant 96 : index
        %get3A_1000 = tpu.vector_load %arg9[%get3A_998, %get3A_999] {strides = array<i32>} : memref<128x128xf32, #tpu.memory_space<vmem>>, vector<1x16xf32>,
        %get3A_1001 = vector.shape_cast %get3A_1000 : vector<1x16xf32> to vector<16xf32>
        %mul3A_1002 = arith.mulf %get3A_1001, %gather3A_937 : vector<16xf32>
        %swap3A_1003 = arith.index_cast %add3A_932 : i32 to index
        %swap3A_1004 = arith.constant 96 : index
        %swap3A_1005 = tpu.vector_load %arg9[%swap3A_1003, %swap3A_1004] {strides = array<i32>} : memref<128x128xf32, #tpu.memory_space<vmem>>, vector<1x16xf32>,
        %swap3A_1006 = vector.shape_cast %swap3A_1005 : vector<1x16xf32> to vector<16xf32>
        %swap3A_1007 = vector.shape_cast %mul3A_1002 : vector<16xf32> to vector<1x16xf32>
        tpu.vector_store %arg9[%swap3A_1003, %swap3A_1004], %swap3A_1007 {strides = array<i32>} : memref<128x128xf32, #tpu.memory_space<vmem>>, vector<1x16xf32>,
        %get3A_1008 = arith.index_cast %add3A_932 : i32 to index
        %get3A_1009 = arith.constant 112 : index
        %get3A_1010 = tpu.vector_load %arg9[%get3A_1008, %get3A_1009] {strides = array<i32>} : memref<128x128xf32, #tpu.memory_space<vmem>>, vector<1x16xf32>,
        %get3A_1011 = vector.shape_cast %get3A_1010 : vector<1x16xf32> to vector<16xf32>
        %mul3A_1012 = arith.mulf %get3A_1011, %gather3A_937 : vector<16xf32>
        %swap3A_1013 = arith.index_cast %add3A_932 : i32 to index
        %swap3A_1014 = arith.constant 112 : index
        %swap3A_1015 = tpu.vector_load %arg9[%swap3A_1013, %swap3A_1014] {strides = array<i32>} : memref<128x128xf32, #tpu.memory_space<vmem>>, vector<1x16xf32>,
        %swap3A_1016 = vector.shape_cast %swap3A_1015 : vector<1x16xf32> to vector<16xf32>
        %swap3A_1017 = vector.shape_cast %mul3A_1012 : vector<16xf32> to vector<1x16xf32>
        tpu.vector_store %arg9[%swap3A_1013, %swap3A_1014], %swap3A_1017 {strides = array<i32>} : memref<128x128xf32, #tpu.memory_space<vmem>>, vector<1x16xf32>,
        %mul3A_1018 = arith.constant 16 : i32
        %mul3A_1019 = arith.muli %scan3A_213, %mul3A_1018 : i32
        %add3A_1020 = arith.constant 9 : i32
        %add3A_1021 = arith.addi %mul3A_1019, %add3A_1020 : i32
        %broadcast_in_dim3A_1022 = arith.constant 9 : i32
        %broadcast_in_dim3A_1023 = vector.broadcast %broadcast_in_dim3A_1022 : i32 to vector<16xi32>
        %broadcast_in_dim3A_1024 = vector.shape_cast %broadcast_in_dim3A_1023 : vector<16xi32> to vector<16x1xi32>
        %gather3A_1025 = vector.shape_cast %broadcast_in_dim3A_1024 : vector<16x1xi32> to vector<16xi32>
        %gather3A_1026 = tpu.dynamic_gather %get3A_218[%gather3A_1025] in [0] : vector<16xf32>, vector<16xi32> -> vector<16xf32>
        %get3A_1027 = arith.index_cast %add3A_1021 : i32 to index
        %get3A_1028 = arith.constant 0 : index
        %get3A_1029 = tpu.vector_load %arg9[%get3A_1027, %get3A_1028] {strides = array<i32>} : memref<128x128xf32, #tpu.memory_space<vmem>>, vector<1x16xf32>,
        %get3A_1030 = vector.shape_cast %get3A_1029 : vector<1x16xf32> to vector<16xf32>
        %mul3A_1031 = arith.mulf %get3A_1030, %gather3A_1026 : vector<16xf32>
        %swap3A_1032 = arith.index_cast %add3A_1021 : i32 to index
        %swap3A_1033 = arith.constant 0 : index
        %swap3A_1034 = tpu.vector_load %arg9[%swap3A_1032, %swap3A_1033] {strides = array<i32>} : memref<128x128xf32, #tpu.memory_space<vmem>>, vector<1x16xf32>,
        %swap3A_1035 = vector.shape_cast %swap3A_1034 : vector<1x16xf32> to vector<16xf32>
        %swap3A_1036 = vector.shape_cast %mul3A_1031 : vector<16xf32> to vector<1x16xf32>
        tpu.vector_store %arg9[%swap3A_1032, %swap3A_1033], %swap3A_1036 {strides = array<i32>} : memref<128x128xf32, #tpu.memory_space<vmem>>, vector<1x16xf32>,
        %get3A_1037 = arith.index_cast %add3A_1021 : i32 to index
        %get3A_1038 = arith.constant 16 : index
        %get3A_1039 = tpu.vector_load %arg9[%get3A_1037, %get3A_1038] {strides = array<i32>} : memref<128x128xf32, #tpu.memory_space<vmem>>, vector<1x16xf32>,
        %get3A_1040 = vector.shape_cast %get3A_1039 : vector<1x16xf32> to vector<16xf32>
        %mul3A_1041 = arith.mulf %get3A_1040, %gather3A_1026 : vector<16xf32>
        %swap3A_1042 = arith.index_cast %add3A_1021 : i32 to index
        %swap3A_1043 = arith.constant 16 : index
        %swap3A_1044 = tpu.vector_load %arg9[%swap3A_1042, %swap3A_1043] {strides = array<i32>} : memref<128x128xf32, #tpu.memory_space<vmem>>, vector<1x16xf32>,
        %swap3A_1045 = vector.shape_cast %swap3A_1044 : vector<1x16xf32> to vector<16xf32>
        %swap3A_1046 = vector.shape_cast %mul3A_1041 : vector<16xf32> to vector<1x16xf32>
        tpu.vector_store %arg9[%swap3A_1042, %swap3A_1043], %swap3A_1046 {strides = array<i32>} : memref<128x128xf32, #tpu.memory_space<vmem>>, vector<1x16xf32>,
        %get3A_1047 = arith.index_cast %add3A_1021 : i32 to index
        %get3A_1048 = arith.constant 32 : index
        %get3A_1049 = tpu.vector_load %arg9[%get3A_1047, %get3A_1048] {strides = array<i32>} : memref<128x128xf32, #tpu.memory_space<vmem>>, vector<1x16xf32>,
        %get3A_1050 = vector.shape_cast %get3A_1049 : vector<1x16xf32> to vector<16xf32>
        %mul3A_1051 = arith.mulf %get3A_1050, %gather3A_1026 : vector<16xf32>
        %swap3A_1052 = arith.index_cast %add3A_1021 : i32 to index
        %swap3A_1053 = arith.constant 32 : index
        %swap3A_1054 = tpu.vector_load %arg9[%swap3A_1052, %swap3A_1053] {strides = array<i32>} : memref<128x128xf32, #tpu.memory_space<vmem>>, vector<1x16xf32>,
        %swap3A_1055 = vector.shape_cast %swap3A_1054 : vector<1x16xf32> to vector<16xf32>
        %swap3A_1056 = vector.shape_cast %mul3A_1051 : vector<16xf32> to vector<1x16xf32>
        tpu.vector_store %arg9[%swap3A_1052, %swap3A_1053], %swap3A_1056 {strides = array<i32>} : memref<128x128xf32, #tpu.memory_space<vmem>>, vector<1x16xf32>,
        %get3A_1057 = arith.index_cast %add3A_1021 : i32 to index
        %get3A_1058 = arith.constant 48 : index
        %get3A_1059 = tpu.vector_load %arg9[%get3A_1057, %get3A_1058] {strides = array<i32>} : memref<128x128xf32, #tpu.memory_space<vmem>>, vector<1x16xf32>,
        %get3A_1060 = vector.shape_cast %get3A_1059 : vector<1x16xf32> to vector<16xf32>
        %mul3A_1061 = arith.mulf %get3A_1060, %gather3A_1026 : vector<16xf32>
        %swap3A_1062 = arith.index_cast %add3A_1021 : i32 to index
        %swap3A_1063 = arith.constant 48 : index
        %swap3A_1064 = tpu.vector_load %arg9[%swap3A_1062, %swap3A_1063] {strides = array<i32>} : memref<128x128xf32, #tpu.memory_space<vmem>>, vector<1x16xf32>,
        %swap3A_1065 = vector.shape_cast %swap3A_1064 : vector<1x16xf32> to vector<16xf32>
        %swap3A_1066 = vector.shape_cast %mul3A_1061 : vector<16xf32> to vector<1x16xf32>
        tpu.vector_store %arg9[%swap3A_1062, %swap3A_1063], %swap3A_1066 {strides = array<i32>} : memref<128x128xf32, #tpu.memory_space<vmem>>, vector<1x16xf32>,
        %get3A_1067 = arith.index_cast %add3A_1021 : i32 to index
        %get3A_1068 = arith.constant 64 : index
        %get3A_1069 = tpu.vector_load %arg9[%get3A_1067, %get3A_1068] {strides = array<i32>} : memref<128x128xf32, #tpu.memory_space<vmem>>, vector<1x16xf32>,
        %get3A_1070 = vector.shape_cast %get3A_1069 : vector<1x16xf32> to vector<16xf32>
        %mul3A_1071 = arith.mulf %get3A_1070, %gather3A_1026 : vector<16xf32>
        %swap3A_1072 = arith.index_cast %add3A_1021 : i32 to index
        %swap3A_1073 = arith.constant 64 : index
        %swap3A_1074 = tpu.vector_load %arg9[%swap3A_1072, %swap3A_1073] {strides = array<i32>} : memref<128x128xf32, #tpu.memory_space<vmem>>, vector<1x16xf32>,
        %swap3A_1075 = vector.shape_cast %swap3A_1074 : vector<1x16xf32> to vector<16xf32>
        %swap3A_1076 = vector.shape_cast %mul3A_1071 : vector<16xf32> to vector<1x16xf32>
        tpu.vector_store %arg9[%swap3A_1072, %swap3A_1073], %swap3A_1076 {strides = array<i32>} : memref<128x128xf32, #tpu.memory_space<vmem>>, vector<1x16xf32>,
        %get3A_1077 = arith.index_cast %add3A_1021 : i32 to index
        %get3A_1078 = arith.constant 80 : index
        %get3A_1079 = tpu.vector_load %arg9[%get3A_1077, %get3A_1078] {strides = array<i32>} : memref<128x128xf32, #tpu.memory_space<vmem>>, vector<1x16xf32>,
        %get3A_1080 = vector.shape_cast %get3A_1079 : vector<1x16xf32> to vector<16xf32>
        %mul3A_1081 = arith.mulf %get3A_1080, %gather3A_1026 : vector<16xf32>
        %swap3A_1082 = arith.index_cast %add3A_1021 : i32 to index
        %swap3A_1083 = arith.constant 80 : index
        %swap3A_1084 = tpu.vector_load %arg9[%swap3A_1082, %swap3A_1083] {strides = array<i32>} : memref<128x128xf32, #tpu.memory_space<vmem>>, vector<1x16xf32>,
        %swap3A_1085 = vector.shape_cast %swap3A_1084 : vector<1x16xf32> to vector<16xf32>
        %swap3A_1086 = vector.shape_cast %mul3A_1081 : vector<16xf32> to vector<1x16xf32>
        tpu.vector_store %arg9[%swap3A_1082, %swap3A_1083], %swap3A_1086 {strides = array<i32>} : memref<128x128xf32, #tpu.memory_space<vmem>>, vector<1x16xf32>,
        %get3A_1087 = arith.index_cast %add3A_1021 : i32 to index
        %get3A_1088 = arith.constant 96 : index
        %get3A_1089 = tpu.vector_load %arg9[%get3A_1087, %get3A_1088] {strides = array<i32>} : memref<128x128xf32, #tpu.memory_space<vmem>>, vector<1x16xf32>,
        %get3A_1090 = vector.shape_cast %get3A_1089 : vector<1x16xf32> to vector<16xf32>
        %mul3A_1091 = arith.mulf %get3A_1090, %gather3A_1026 : vector<16xf32>
        %swap3A_1092 = arith.index_cast %add3A_1021 : i32 to index
        %swap3A_1093 = arith.constant 96 : index
        %swap3A_1094 = tpu.vector_load %arg9[%swap3A_1092, %swap3A_1093] {strides = array<i32>} : memref<128x128xf32, #tpu.memory_space<vmem>>, vector<1x16xf32>,
        %swap3A_1095 = vector.shape_cast %swap3A_1094 : vector<1x16xf32> to vector<16xf32>
        %swap3A_1096 = vector.shape_cast %mul3A_1091 : vector<16xf32> to vector<1x16xf32>
        tpu.vector_store %arg9[%swap3A_1092, %swap3A_1093], %swap3A_1096 {strides = array<i32>} : memref<128x128xf32, #tpu.memory_space<vmem>>, vector<1x16xf32>,
        %get3A_1097 = arith.index_cast %add3A_1021 : i32 to index
        %get3A_1098 = arith.constant 112 : index
        %get3A_1099 = tpu.vector_load %arg9[%get3A_1097, %get3A_1098] {strides = array<i32>} : memref<128x128xf32, #tpu.memory_space<vmem>>, vector<1x16xf32>,
        %get3A_1100 = vector.shape_cast %get3A_1099 : vector<1x16xf32> to vector<16xf32>
        %mul3A_1101 = arith.mulf %get3A_1100, %gather3A_1026 : vector<16xf32>
        %swap3A_1102 = arith.index_cast %add3A_1021 : i32 to index
        %swap3A_1103 = arith.constant 112 : index
        %swap3A_1104 = tpu.vector_load %arg9[%swap3A_1102, %swap3A_1103] {strides = array<i32>} : memref<128x128xf32, #tpu.memory_space<vmem>>, vector<1x16xf32>,
        %swap3A_1105 = vector.shape_cast %swap3A_1104 : vector<1x16xf32> to vector<16xf32>
        %swap3A_1106 = vector.shape_cast %mul3A_1101 : vector<16xf32> to vector<1x16xf32>
        tpu.vector_store %arg9[%swap3A_1102, %swap3A_1103], %swap3A_1106 {strides = array<i32>} : memref<128x128xf32, #tpu.memory_space<vmem>>, vector<1x16xf32>,
        %mul3A_1107 = arith.constant 16 : i32
        %mul3A_1108 = arith.muli %scan3A_213, %mul3A_1107 : i32
        %add3A_1109 = arith.constant 10 : i32
        %add3A_1110 = arith.addi %mul3A_1108, %add3A_1109 : i32
        %broadcast_in_dim3A_1111 = arith.constant 10 : i32
        %broadcast_in_dim3A_1112 = vector.broadcast %broadcast_in_dim3A_1111 : i32 to vector<16xi32>
        %broadcast_in_dim3A_1113 = vector.shape_cast %broadcast_in_dim3A_1112 : vector<16xi32> to vector<16x1xi32>
        %gather3A_1114 = vector.shape_cast %broadcast_in_dim3A_1113 : vector<16x1xi32> to vector<16xi32>
        %gather3A_1115 = tpu.dynamic_gather %get3A_218[%gather3A_1114] in [0] : vector<16xf32>, vector<16xi32> -> vector<16xf32>
        %get3A_1116 = arith.index_cast %add3A_1110 : i32 to index
        %get3A_1117 = arith.constant 0 : index
        %get3A_1118 = tpu.vector_load %arg9[%get3A_1116, %get3A_1117] {strides = array<i32>} : memref<128x128xf32, #tpu.memory_space<vmem>>, vector<1x16xf32>,
        %get3A_1119 = vector.shape_cast %get3A_1118 : vector<1x16xf32> to vector<16xf32>
        %mul3A_1120 = arith.mulf %get3A_1119, %gather3A_1115 : vector<16xf32>
        %swap3A_1121 = arith.index_cast %add3A_1110 : i32 to index
        %swap3A_1122 = arith.constant 0 : index
        %swap3A_1123 = tpu.vector_load %arg9[%swap3A_1121, %swap3A_1122] {strides = array<i32>} : memref<128x128xf32, #tpu.memory_space<vmem>>, vector<1x16xf32>,
        %swap3A_1124 = vector.shape_cast %swap3A_1123 : vector<1x16xf32> to vector<16xf32>
        %swap3A_1125 = vector.shape_cast %mul3A_1120 : vector<16xf32> to vector<1x16xf32>
        tpu.vector_store %arg9[%swap3A_1121, %swap3A_1122], %swap3A_1125 {strides = array<i32>} : memref<128x128xf32, #tpu.memory_space<vmem>>, vector<1x16xf32>,
        %get3A_1126 = arith.index_cast %add3A_1110 : i32 to index
        %get3A_1127 = arith.constant 16 : index
        %get3A_1128 = tpu.vector_load %arg9[%get3A_1126, %get3A_1127] {strides = array<i32>} : memref<128x128xf32, #tpu.memory_space<vmem>>, vector<1x16xf32>,
        %get3A_1129 = vector.shape_cast %get3A_1128 : vector<1x16xf32> to vector<16xf32>
        %mul3A_1130 = arith.mulf %get3A_1129, %gather3A_1115 : vector<16xf32>
        %swap3A_1131 = arith.index_cast %add3A_1110 : i32 to index
        %swap3A_1132 = arith.constant 16 : index
        %swap3A_1133 = tpu.vector_load %arg9[%swap3A_1131, %swap3A_1132] {strides = array<i32>} : memref<128x128xf32, #tpu.memory_space<vmem>>, vector<1x16xf32>,
        %swap3A_1134 = vector.shape_cast %swap3A_1133 : vector<1x16xf32> to vector<16xf32>
        %swap3A_1135 = vector.shape_cast %mul3A_1130 : vector<16xf32> to vector<1x16xf32>
        tpu.vector_store %arg9[%swap3A_1131, %swap3A_1132], %swap3A_1135 {strides = array<i32>} : memref<128x128xf32, #tpu.memory_space<vmem>>, vector<1x16xf32>,
        %get3A_1136 = arith.index_cast %add3A_1110 : i32 to index
        %get3A_1137 = arith.constant 32 : index
        %get3A_1138 = tpu.vector_load %arg9[%get3A_1136, %get3A_1137] {strides = array<i32>} : memref<128x128xf32, #tpu.memory_space<vmem>>, vector<1x16xf32>,
        %get3A_1139 = vector.shape_cast %get3A_1138 : vector<1x16xf32> to vector<16xf32>
        %mul3A_1140 = arith.mulf %get3A_1139, %gather3A_1115 : vector<16xf32>
        %swap3A_1141 = arith.index_cast %add3A_1110 : i32 to index
        %swap3A_1142 = arith.constant 32 : index
        %swap3A_1143 = tpu.vector_load %arg9[%swap3A_1141, %swap3A_1142] {strides = array<i32>} : memref<128x128xf32, #tpu.memory_space<vmem>>, vector<1x16xf32>,
        %swap3A_1144 = vector.shape_cast %swap3A_1143 : vector<1x16xf32> to vector<16xf32>
        %swap3A_1145 = vector.shape_cast %mul3A_1140 : vector<16xf32> to vector<1x16xf32>
        tpu.vector_store %arg9[%swap3A_1141, %swap3A_1142], %swap3A_1145 {strides = array<i32>} : memref<128x128xf32, #tpu.memory_space<vmem>>, vector<1x16xf32>,
        %get3A_1146 = arith.index_cast %add3A_1110 : i32 to index
        %get3A_1147 = arith.constant 48 : index
        %get3A_1148 = tpu.vector_load %arg9[%get3A_1146, %get3A_1147] {strides = array<i32>} : memref<128x128xf32, #tpu.memory_space<vmem>>, vector<1x16xf32>,
        %get3A_1149 = vector.shape_cast %get3A_1148 : vector<1x16xf32> to vector<16xf32>
        %mul3A_1150 = arith.mulf %get3A_1149, %gather3A_1115 : vector<16xf32>
        %swap3A_1151 = arith.index_cast %add3A_1110 : i32 to index
        %swap3A_1152 = arith.constant 48 : index
        %swap3A_1153 = tpu.vector_load %arg9[%swap3A_1151, %swap3A_1152] {strides = array<i32>} : memref<128x128xf32, #tpu.memory_space<vmem>>, vector<1x16xf32>,
        %swap3A_1154 = vector.shape_cast %swap3A_1153 : vector<1x16xf32> to vector<16xf32>
        %swap3A_1155 = vector.shape_cast %mul3A_1150 : vector<16xf32> to vector<1x16xf32>
        tpu.vector_store %arg9[%swap3A_1151, %swap3A_1152], %swap3A_1155 {strides = array<i32>} : memref<128x128xf32, #tpu.memory_space<vmem>>, vector<1x16xf32>,
        %get3A_1156 = arith.index_cast %add3A_1110 : i32 to index
        %get3A_1157 = arith.constant 64 : index
        %get3A_1158 = tpu.vector_load %arg9[%get3A_1156, %get3A_1157] {strides = array<i32>} : memref<128x128xf32, #tpu.memory_space<vmem>>, vector<1x16xf32>,
        %get3A_1159 = vector.shape_cast %get3A_1158 : vector<1x16xf32> to vector<16xf32>
        %mul3A_1160 = arith.mulf %get3A_1159, %gather3A_1115 : vector<16xf32>
        %swap3A_1161 = arith.index_cast %add3A_1110 : i32 to index
        %swap3A_1162 = arith.constant 64 : index
        %swap3A_1163 = tpu.vector_load %arg9[%swap3A_1161, %swap3A_1162] {strides = array<i32>} : memref<128x128xf32, #tpu.memory_space<vmem>>, vector<1x16xf32>,
        %swap3A_1164 = vector.shape_cast %swap3A_1163 : vector<1x16xf32> to vector<16xf32>
        %swap3A_1165 = vector.shape_cast %mul3A_1160 : vector<16xf32> to vector<1x16xf32>
        tpu.vector_store %arg9[%swap3A_1161, %swap3A_1162], %swap3A_1165 {strides = array<i32>} : memref<128x128xf32, #tpu.memory_space<vmem>>, vector<1x16xf32>,
        %get3A_1166 = arith.index_cast %add3A_1110 : i32 to index
        %get3A_1167 = arith.constant 80 : index
        %get3A_1168 = tpu.vector_load %arg9[%get3A_1166, %get3A_1167] {strides = array<i32>} : memref<128x128xf32, #tpu.memory_space<vmem>>, vector<1x16xf32>,
        %get3A_1169 = vector.shape_cast %get3A_1168 : vector<1x16xf32> to vector<16xf32>
        %mul3A_1170 = arith.mulf %get3A_1169, %gather3A_1115 : vector<16xf32>
        %swap3A_1171 = arith.index_cast %add3A_1110 : i32 to index
        %swap3A_1172 = arith.constant 80 : index
        %swap3A_1173 = tpu.vector_load %arg9[%swap3A_1171, %swap3A_1172] {strides = array<i32>} : memref<128x128xf32, #tpu.memory_space<vmem>>, vector<1x16xf32>,
        %swap3A_1174 = vector.shape_cast %swap3A_1173 : vector<1x16xf32> to vector<16xf32>
        %swap3A_1175 = vector.shape_cast %mul3A_1170 : vector<16xf32> to vector<1x16xf32>
        tpu.vector_store %arg9[%swap3A_1171, %swap3A_1172], %swap3A_1175 {strides = array<i32>} : memref<128x128xf32, #tpu.memory_space<vmem>>, vector<1x16xf32>,
        %get3A_1176 = arith.index_cast %add3A_1110 : i32 to index
        %get3A_1177 = arith.constant 96 : index
        %get3A_1178 = tpu.vector_load %arg9[%get3A_1176, %get3A_1177] {strides = array<i32>} : memref<128x128xf32, #tpu.memory_space<vmem>>, vector<1x16xf32>,
        %get3A_1179 = vector.shape_cast %get3A_1178 : vector<1x16xf32> to vector<16xf32>
        %mul3A_1180 = arith.mulf %get3A_1179, %gather3A_1115 : vector<16xf32>
        %swap3A_1181 = arith.index_cast %add3A_1110 : i32 to index
        %swap3A_1182 = arith.constant 96 : index
        %swap3A_1183 = tpu.vector_load %arg9[%swap3A_1181, %swap3A_1182] {strides = array<i32>} : memref<128x128xf32, #tpu.memory_space<vmem>>, vector<1x16xf32>,
        %swap3A_1184 = vector.shape_cast %swap3A_1183 : vector<1x16xf32> to vector<16xf32>
        %swap3A_1185 = vector.shape_cast %mul3A_1180 : vector<16xf32> to vector<1x16xf32>
        tpu.vector_store %arg9[%swap3A_1181, %swap3A_1182], %swap3A_1185 {strides = array<i32>} : memref<128x128xf32, #tpu.memory_space<vmem>>, vector<1x16xf32>,
        %get3A_1186 = arith.index_cast %add3A_1110 : i32 to index
        %get3A_1187 = arith.constant 112 : index
        %get3A_1188 = tpu.vector_load %arg9[%get3A_1186, %get3A_1187] {strides = array<i32>} : memref<128x128xf32, #tpu.memory_space<vmem>>, vector<1x16xf32>,
        %get3A_1189 = vector.shape_cast %get3A_1188 : vector<1x16xf32> to vector<16xf32>
        %mul3A_1190 = arith.mulf %get3A_1189, %gather3A_1115 : vector<16xf32>
        %swap3A_1191 = arith.index_cast %add3A_1110 : i32 to index
        %swap3A_1192 = arith.constant 112 : index
        %swap3A_1193 = tpu.vector_load %arg9[%swap3A_1191, %swap3A_1192] {strides = array<i32>} : memref<128x128xf32, #tpu.memory_space<vmem>>, vector<1x16xf32>,
        %swap3A_1194 = vector.shape_cast %swap3A_1193 : vector<1x16xf32> to vector<16xf32>
        %swap3A_1195 = vector.shape_cast %mul3A_1190 : vector<16xf32> to vector<1x16xf32>
        tpu.vector_store %arg9[%swap3A_1191, %swap3A_1192], %swap3A_1195 {strides = array<i32>} : memref<128x128xf32, #tpu.memory_space<vmem>>, vector<1x16xf32>,
        %mul3A_1196 = arith.constant 16 : i32
        %mul3A_1197 = arith.muli %scan3A_213, %mul3A_1196 : i32
        %add3A_1198 = arith.constant 11 : i32
        %add3A_1199 = arith.addi %mul3A_1197, %add3A_1198 : i32
        %broadcast_in_dim3A_1200 = arith.constant 11 : i32
        %broadcast_in_dim3A_1201 = vector.broadcast %broadcast_in_dim3A_1200 : i32 to vector<16xi32>
        %broadcast_in_dim3A_1202 = vector.shape_cast %broadcast_in_dim3A_1201 : vector<16xi32> to vector<16x1xi32>
        %gather3A_1203 = vector.shape_cast %broadcast_in_dim3A_1202 : vector<16x1xi32> to vector<16xi32>
        %gather3A_1204 = tpu.dynamic_gather %get3A_218[%gather3A_1203] in [0] : vector<16xf32>, vector<16xi32> -> vector<16xf32>
        %get3A_1205 = arith.index_cast %add3A_1199 : i32 to index
        %get3A_1206 = arith.constant 0 : index
        %get3A_1207 = tpu.vector_load %arg9[%get3A_1205, %get3A_1206] {strides = array<i32>} : memref<128x128xf32, #tpu.memory_space<vmem>>, vector<1x16xf32>,
        %get3A_1208 = vector.shape_cast %get3A_1207 : vector<1x16xf32> to vector<16xf32>
        %mul3A_1209 = arith.mulf %get3A_1208, %gather3A_1204 : vector<16xf32>
        %swap3A_1210 = arith.index_cast %add3A_1199 : i32 to index
        %swap3A_1211 = arith.constant 0 : index
        %swap3A_1212 = tpu.vector_load %arg9[%swap3A_1210, %swap3A_1211] {strides = array<i32>} : memref<128x128xf32, #tpu.memory_space<vmem>>, vector<1x16xf32>,
        %swap3A_1213 = vector.shape_cast %swap3A_1212 : vector<1x16xf32> to vector<16xf32>
        %swap3A_1214 = vector.shape_cast %mul3A_1209 : vector<16xf32> to vector<1x16xf32>
        tpu.vector_store %arg9[%swap3A_1210, %swap3A_1211], %swap3A_1214 {strides = array<i32>} : memref<128x128xf32, #tpu.memory_space<vmem>>, vector<1x16xf32>,
        %get3A_1215 = arith.index_cast %add3A_1199 : i32 to index
        %get3A_1216 = arith.constant 16 : index
        %get3A_1217 = tpu.vector_load %arg9[%get3A_1215, %get3A_1216] {strides = array<i32>} : memref<128x128xf32, #tpu.memory_space<vmem>>, vector<1x16xf32>,
        %get3A_1218 = vector.shape_cast %get3A_1217 : vector<1x16xf32> to vector<16xf32>
        %mul3A_1219 = arith.mulf %get3A_1218, %gather3A_1204 : vector<16xf32>
        %swap3A_1220 = arith.index_cast %add3A_1199 : i32 to index
        %swap3A_1221 = arith.constant 16 : index
        %swap3A_1222 = tpu.vector_load %arg9[%swap3A_1220, %swap3A_1221] {strides = array<i32>} : memref<128x128xf32, #tpu.memory_space<vmem>>, vector<1x16xf32>,
        %swap3A_1223 = vector.shape_cast %swap3A_1222 : vector<1x16xf32> to vector<16xf32>
        %swap3A_1224 = vector.shape_cast %mul3A_1219 : vector<16xf32> to vector<1x16xf32>
        tpu.vector_store %arg9[%swap3A_1220, %swap3A_1221], %swap3A_1224 {strides = array<i32>} : memref<128x128xf32, #tpu.memory_space<vmem>>, vector<1x16xf32>,
        %get3A_1225 = arith.index_cast %add3A_1199 : i32 to index
        %get3A_1226 = arith.constant 32 : index
        %get3A_1227 = tpu.vector_load %arg9[%get3A_1225, %get3A_1226] {strides = array<i32>} : memref<128x128xf32, #tpu.memory_space<vmem>>, vector<1x16xf32>,
        %get3A_1228 = vector.shape_cast %get3A_1227 : vector<1x16xf32> to vector<16xf32>
        %mul3A_1229 = arith.mulf %get3A_1228, %gather3A_1204 : vector<16xf32>
        %swap3A_1230 = arith.index_cast %add3A_1199 : i32 to index
        %swap3A_1231 = arith.constant 32 : index
        %swap3A_1232 = tpu.vector_load %arg9[%swap3A_1230, %swap3A_1231] {strides = array<i32>} : memref<128x128xf32, #tpu.memory_space<vmem>>, vector<1x16xf32>,
        %swap3A_1233 = vector.shape_cast %swap3A_1232 : vector<1x16xf32> to vector<16xf32>
        %swap3A_1234 = vector.shape_cast %mul3A_1229 : vector<16xf32> to vector<1x16xf32>
        tpu.vector_store %arg9[%swap3A_1230, %swap3A_1231], %swap3A_1234 {strides = array<i32>} : memref<128x128xf32, #tpu.memory_space<vmem>>, vector<1x16xf32>,
        %get3A_1235 = arith.index_cast %add3A_1199 : i32 to index
        %get3A_1236 = arith.constant 48 : index
        %get3A_1237 = tpu.vector_load %arg9[%get3A_1235, %get3A_1236] {strides = array<i32>} : memref<128x128xf32, #tpu.memory_space<vmem>>, vector<1x16xf32>,
        %get3A_1238 = vector.shape_cast %get3A_1237 : vector<1x16xf32> to vector<16xf32>
        %mul3A_1239 = arith.mulf %get3A_1238, %gather3A_1204 : vector<16xf32>
        %swap3A_1240 = arith.index_cast %add3A_1199 : i32 to index
        %swap3A_1241 = arith.constant 48 : index
        %swap3A_1242 = tpu.vector_load %arg9[%swap3A_1240, %swap3A_1241] {strides = array<i32>} : memref<128x128xf32, #tpu.memory_space<vmem>>, vector<1x16xf32>,
        %swap3A_1243 = vector.shape_cast %swap3A_1242 : vector<1x16xf32> to vector<16xf32>
        %swap3A_1244 = vector.shape_cast %mul3A_1239 : vector<16xf32> to vector<1x16xf32>
        tpu.vector_store %arg9[%swap3A_1240, %swap3A_1241], %swap3A_1244 {strides = array<i32>} : memref<128x128xf32, #tpu.memory_space<vmem>>, vector<1x16xf32>,
        %get3A_1245 = arith.index_cast %add3A_1199 : i32 to index
        %get3A_1246 = arith.constant 64 : index
        %get3A_1247 = tpu.vector_load %arg9[%get3A_1245, %get3A_1246] {strides = array<i32>} : memref<128x128xf32, #tpu.memory_space<vmem>>, vector<1x16xf32>,
        %get3A_1248 = vector.shape_cast %get3A_1247 : vector<1x16xf32> to vector<16xf32>
        %mul3A_1249 = arith.mulf %get3A_1248, %gather3A_1204 : vector<16xf32>
        %swap3A_1250 = arith.index_cast %add3A_1199 : i32 to index
        %swap3A_1251 = arith.constant 64 : index
        %swap3A_1252 = tpu.vector_load %arg9[%swap3A_1250, %swap3A_1251] {strides = array<i32>} : memref<128x128xf32, #tpu.memory_space<vmem>>, vector<1x16xf32>,
        %swap3A_1253 = vector.shape_cast %swap3A_1252 : vector<1x16xf32> to vector<16xf32>
        %swap3A_1254 = vector.shape_cast %mul3A_1249 : vector<16xf32> to vector<1x16xf32>
        tpu.vector_store %arg9[%swap3A_1250, %swap3A_1251], %swap3A_1254 {strides = array<i32>} : memref<128x128xf32, #tpu.memory_space<vmem>>, vector<1x16xf32>,
        %get3A_1255 = arith.index_cast %add3A_1199 : i32 to index
        %get3A_1256 = arith.constant 80 : index
        %get3A_1257 = tpu.vector_load %arg9[%get3A_1255, %get3A_1256] {strides = array<i32>} : memref<128x128xf32, #tpu.memory_space<vmem>>, vector<1x16xf32>,
        %get3A_1258 = vector.shape_cast %get3A_1257 : vector<1x16xf32> to vector<16xf32>
        %mul3A_1259 = arith.mulf %get3A_1258, %gather3A_1204 : vector<16xf32>
        %swap3A_1260 = arith.index_cast %add3A_1199 : i32 to index
        %swap3A_1261 = arith.constant 80 : index
        %swap3A_1262 = tpu.vector_load %arg9[%swap3A_1260, %swap3A_1261] {strides = array<i32>} : memref<128x128xf32, #tpu.memory_space<vmem>>, vector<1x16xf32>,
        %swap3A_1263 = vector.shape_cast %swap3A_1262 : vector<1x16xf32> to vector<16xf32>
        %swap3A_1264 = vector.shape_cast %mul3A_1259 : vector<16xf32> to vector<1x16xf32>
        tpu.vector_store %arg9[%swap3A_1260, %swap3A_1261], %swap3A_1264 {strides = array<i32>} : memref<128x128xf32, #tpu.memory_space<vmem>>, vector<1x16xf32>,
        %get3A_1265 = arith.index_cast %add3A_1199 : i32 to index
        %get3A_1266 = arith.constant 96 : index
        %get3A_1267 = tpu.vector_load %arg9[%get3A_1265, %get3A_1266] {strides = array<i32>} : memref<128x128xf32, #tpu.memory_space<vmem>>, vector<1x16xf32>,
        %get3A_1268 = vector.shape_cast %get3A_1267 : vector<1x16xf32> to vector<16xf32>
        %mul3A_1269 = arith.mulf %get3A_1268, %gather3A_1204 : vector<16xf32>
        %swap3A_1270 = arith.index_cast %add3A_1199 : i32 to index
        %swap3A_1271 = arith.constant 96 : index
        %swap3A_1272 = tpu.vector_load %arg9[%swap3A_1270, %swap3A_1271] {strides = array<i32>} : memref<128x128xf32, #tpu.memory_space<vmem>>, vector<1x16xf32>,
        %swap3A_1273 = vector.shape_cast %swap3A_1272 : vector<1x16xf32> to vector<16xf32>
        %swap3A_1274 = vector.shape_cast %mul3A_1269 : vector<16xf32> to vector<1x16xf32>
        tpu.vector_store %arg9[%swap3A_1270, %swap3A_1271], %swap3A_1274 {strides = array<i32>} : memref<128x128xf32, #tpu.memory_space<vmem>>, vector<1x16xf32>,
        %get3A_1275 = arith.index_cast %add3A_1199 : i32 to index
        %get3A_1276 = arith.constant 112 : index
        %get3A_1277 = tpu.vector_load %arg9[%get3A_1275, %get3A_1276] {strides = array<i32>} : memref<128x128xf32, #tpu.memory_space<vmem>>, vector<1x16xf32>,
        %get3A_1278 = vector.shape_cast %get3A_1277 : vector<1x16xf32> to vector<16xf32>
        %mul3A_1279 = arith.mulf %get3A_1278, %gather3A_1204 : vector<16xf32>
        %swap3A_1280 = arith.index_cast %add3A_1199 : i32 to index
        %swap3A_1281 = arith.constant 112 : index
        %swap3A_1282 = tpu.vector_load %arg9[%swap3A_1280, %swap3A_1281] {strides = array<i32>} : memref<128x128xf32, #tpu.memory_space<vmem>>, vector<1x16xf32>,
        %swap3A_1283 = vector.shape_cast %swap3A_1282 : vector<1x16xf32> to vector<16xf32>
        %swap3A_1284 = vector.shape_cast %mul3A_1279 : vector<16xf32> to vector<1x16xf32>
        tpu.vector_store %arg9[%swap3A_1280, %swap3A_1281], %swap3A_1284 {strides = array<i32>} : memref<128x128xf32, #tpu.memory_space<vmem>>, vector<1x16xf32>,
        %mul3A_1285 = arith.constant 16 : i32
        %mul3A_1286 = arith.muli %scan3A_213, %mul3A_1285 : i32
        %add3A_1287 = arith.constant 12 : i32
        %add3A_1288 = arith.addi %mul3A_1286, %add3A_1287 : i32
        %broadcast_in_dim3A_1289 = arith.constant 12 : i32
        %broadcast_in_dim3A_1290 = vector.broadcast %broadcast_in_dim3A_1289 : i32 to vector<16xi32>
        %broadcast_in_dim3A_1291 = vector.shape_cast %broadcast_in_dim3A_1290 : vector<16xi32> to vector<16x1xi32>
        %gather3A_1292 = vector.shape_cast %broadcast_in_dim3A_1291 : vector<16x1xi32> to vector<16xi32>
        %gather3A_1293 = tpu.dynamic_gather %get3A_218[%gather3A_1292] in [0] : vector<16xf32>, vector<16xi32> -> vector<16xf32>
        %get3A_1294 = arith.index_cast %add3A_1288 : i32 to index
        %get3A_1295 = arith.constant 0 : index
        %get3A_1296 = tpu.vector_load %arg9[%get3A_1294, %get3A_1295] {strides = array<i32>} : memref<128x128xf32, #tpu.memory_space<vmem>>, vector<1x16xf32>,
        %get3A_1297 = vector.shape_cast %get3A_1296 : vector<1x16xf32> to vector<16xf32>
        %mul3A_1298 = arith.mulf %get3A_1297, %gather3A_1293 : vector<16xf32>
        %swap3A_1299 = arith.index_cast %add3A_1288 : i32 to index
        %swap3A_1300 = arith.constant 0 : index
        %swap3A_1301 = tpu.vector_load %arg9[%swap3A_1299, %swap3A_1300] {strides = array<i32>} : memref<128x128xf32, #tpu.memory_space<vmem>>, vector<1x16xf32>,
        %swap3A_1302 = vector.shape_cast %swap3A_1301 : vector<1x16xf32> to vector<16xf32>
        %swap3A_1303 = vector.shape_cast %mul3A_1298 : vector<16xf32> to vector<1x16xf32>
        tpu.vector_store %arg9[%swap3A_1299, %swap3A_1300], %swap3A_1303 {strides = array<i32>} : memref<128x128xf32, #tpu.memory_space<vmem>>, vector<1x16xf32>,
        %get3A_1304 = arith.index_cast %add3A_1288 : i32 to index
        %get3A_1305 = arith.constant 16 : index
        %get3A_1306 = tpu.vector_load %arg9[%get3A_1304, %get3A_1305] {strides = array<i32>} : memref<128x128xf32, #tpu.memory_space<vmem>>, vector<1x16xf32>,
        %get3A_1307 = vector.shape_cast %get3A_1306 : vector<1x16xf32> to vector<16xf32>
        %mul3A_1308 = arith.mulf %get3A_1307, %gather3A_1293 : vector<16xf32>
        %swap3A_1309 = arith.index_cast %add3A_1288 : i32 to index
        %swap3A_1310 = arith.constant 16 : index
        %swap3A_1311 = tpu.vector_load %arg9[%swap3A_1309, %swap3A_1310] {strides = array<i32>} : memref<128x128xf32, #tpu.memory_space<vmem>>, vector<1x16xf32>,
        %swap3A_1312 = vector.shape_cast %swap3A_1311 : vector<1x16xf32> to vector<16xf32>
        %swap3A_1313 = vector.shape_cast %mul3A_1308 : vector<16xf32> to vector<1x16xf32>
        tpu.vector_store %arg9[%swap3A_1309, %swap3A_1310], %swap3A_1313 {strides = array<i32>} : memref<128x128xf32, #tpu.memory_space<vmem>>, vector<1x16xf32>,
        %get3A_1314 = arith.index_cast %add3A_1288 : i32 to index
        %get3A_1315 = arith.constant 32 : index
        %get3A_1316 = tpu.vector_load %arg9[%get3A_1314, %get3A_1315] {strides = array<i32>} : memref<128x128xf32, #tpu.memory_space<vmem>>, vector<1x16xf32>,
        %get3A_1317 = vector.shape_cast %get3A_1316 : vector<1x16xf32> to vector<16xf32>
        %mul3A_1318 = arith.mulf %get3A_1317, %gather3A_1293 : vector<16xf32>
        %swap3A_1319 = arith.index_cast %add3A_1288 : i32 to index
        %swap3A_1320 = arith.constant 32 : index
        %swap3A_1321 = tpu.vector_load %arg9[%swap3A_1319, %swap3A_1320] {strides = array<i32>} : memref<128x128xf32, #tpu.memory_space<vmem>>, vector<1x16xf32>,
        %swap3A_1322 = vector.shape_cast %swap3A_1321 : vector<1x16xf32> to vector<16xf32>
        %swap3A_1323 = vector.shape_cast %mul3A_1318 : vector<16xf32> to vector<1x16xf32>
        tpu.vector_store %arg9[%swap3A_1319, %swap3A_1320], %swap3A_1323 {strides = array<i32>} : memref<128x128xf32, #tpu.memory_space<vmem>>, vector<1x16xf32>,
        %get3A_1324 = arith.index_cast %add3A_1288 : i32 to index
        %get3A_1325 = arith.constant 48 : index
        %get3A_1326 = tpu.vector_load %arg9[%get3A_1324, %get3A_1325] {strides = array<i32>} : memref<128x128xf32, #tpu.memory_space<vmem>>, vector<1x16xf32>,
        %get3A_1327 = vector.shape_cast %get3A_1326 : vector<1x16xf32> to vector<16xf32>
        %mul3A_1328 = arith.mulf %get3A_1327, %gather3A_1293 : vector<16xf32>
        %swap3A_1329 = arith.index_cast %add3A_1288 : i32 to index
        %swap3A_1330 = arith.constant 48 : index
        %swap3A_1331 = tpu.vector_load %arg9[%swap3A_1329, %swap3A_1330] {strides = array<i32>} : memref<128x128xf32, #tpu.memory_space<vmem>>, vector<1x16xf32>,
        %swap3A_1332 = vector.shape_cast %swap3A_1331 : vector<1x16xf32> to vector<16xf32>
        %swap3A_1333 = vector.shape_cast %mul3A_1328 : vector<16xf32> to vector<1x16xf32>
        tpu.vector_store %arg9[%swap3A_1329, %swap3A_1330], %swap3A_1333 {strides = array<i32>} : memref<128x128xf32, #tpu.memory_space<vmem>>, vector<1x16xf32>,
        %get3A_1334 = arith.index_cast %add3A_1288 : i32 to index
        %get3A_1335 = arith.constant 64 : index
        %get3A_1336 = tpu.vector_load %arg9[%get3A_1334, %get3A_1335] {strides = array<i32>} : memref<128x128xf32, #tpu.memory_space<vmem>>, vector<1x16xf32>,
        %get3A_1337 = vector.shape_cast %get3A_1336 : vector<1x16xf32> to vector<16xf32>
        %mul3A_1338 = arith.mulf %get3A_1337, %gather3A_1293 : vector<16xf32>
        %swap3A_1339 = arith.index_cast %add3A_1288 : i32 to index
        %swap3A_1340 = arith.constant 64 : index
        %swap3A_1341 = tpu.vector_load %arg9[%swap3A_1339, %swap3A_1340] {strides = array<i32>} : memref<128x128xf32, #tpu.memory_space<vmem>>, vector<1x16xf32>,
        %swap3A_1342 = vector.shape_cast %swap3A_1341 : vector<1x16xf32> to vector<16xf32>
        %swap3A_1343 = vector.shape_cast %mul3A_1338 : vector<16xf32> to vector<1x16xf32>
        tpu.vector_store %arg9[%swap3A_1339, %swap3A_1340], %swap3A_1343 {strides = array<i32>} : memref<128x128xf32, #tpu.memory_space<vmem>>, vector<1x16xf32>,
        %get3A_1344 = arith.index_cast %add3A_1288 : i32 to index
        %get3A_1345 = arith.constant 80 : index
        %get3A_1346 = tpu.vector_load %arg9[%get3A_1344, %get3A_1345] {strides = array<i32>} : memref<128x128xf32, #tpu.memory_space<vmem>>, vector<1x16xf32>,
        %get3A_1347 = vector.shape_cast %get3A_1346 : vector<1x16xf32> to vector<16xf32>
        %mul3A_1348 = arith.mulf %get3A_1347, %gather3A_1293 : vector<16xf32>
        %swap3A_1349 = arith.index_cast %add3A_1288 : i32 to index
        %swap3A_1350 = arith.constant 80 : index
        %swap3A_1351 = tpu.vector_load %arg9[%swap3A_1349, %swap3A_1350] {strides = array<i32>} : memref<128x128xf32, #tpu.memory_space<vmem>>, vector<1x16xf32>,
        %swap3A_1352 = vector.shape_cast %swap3A_1351 : vector<1x16xf32> to vector<16xf32>
        %swap3A_1353 = vector.shape_cast %mul3A_1348 : vector<16xf32> to vector<1x16xf32>
        tpu.vector_store %arg9[%swap3A_1349, %swap3A_1350], %swap3A_1353 {strides = array<i32>} : memref<128x128xf32, #tpu.memory_space<vmem>>, vector<1x16xf32>,
        %get3A_1354 = arith.index_cast %add3A_1288 : i32 to index
        %get3A_1355 = arith.constant 96 : index
        %get3A_1356 = tpu.vector_load %arg9[%get3A_1354, %get3A_1355] {strides = array<i32>} : memref<128x128xf32, #tpu.memory_space<vmem>>, vector<1x16xf32>,
        %get3A_1357 = vector.shape_cast %get3A_1356 : vector<1x16xf32> to vector<16xf32>
        %mul3A_1358 = arith.mulf %get3A_1357, %gather3A_1293 : vector<16xf32>
        %swap3A_1359 = arith.index_cast %add3A_1288 : i32 to index
        %swap3A_1360 = arith.constant 96 : index
        %swap3A_1361 = tpu.vector_load %arg9[%swap3A_1359, %swap3A_1360] {strides = array<i32>} : memref<128x128xf32, #tpu.memory_space<vmem>>, vector<1x16xf32>,
        %swap3A_1362 = vector.shape_cast %swap3A_1361 : vector<1x16xf32> to vector<16xf32>
        %swap3A_1363 = vector.shape_cast %mul3A_1358 : vector<16xf32> to vector<1x16xf32>
        tpu.vector_store %arg9[%swap3A_1359, %swap3A_1360], %swap3A_1363 {strides = array<i32>} : memref<128x128xf32, #tpu.memory_space<vmem>>, vector<1x16xf32>,
        %get3A_1364 = arith.index_cast %add3A_1288 : i32 to index
        %get3A_1365 = arith.constant 112 : index
        %get3A_1366 = tpu.vector_load %arg9[%get3A_1364, %get3A_1365] {strides = array<i32>} : memref<128x128xf32, #tpu.memory_space<vmem>>, vector<1x16xf32>,
        %get3A_1367 = vector.shape_cast %get3A_1366 : vector<1x16xf32> to vector<16xf32>
        %mul3A_1368 = arith.mulf %get3A_1367, %gather3A_1293 : vector<16xf32>
        %swap3A_1369 = arith.index_cast %add3A_1288 : i32 to index
        %swap3A_1370 = arith.constant 112 : index
        %swap3A_1371 = tpu.vector_load %arg9[%swap3A_1369, %swap3A_1370] {strides = array<i32>} : memref<128x128xf32, #tpu.memory_space<vmem>>, vector<1x16xf32>,
        %swap3A_1372 = vector.shape_cast %swap3A_1371 : vector<1x16xf32> to vector<16xf32>
        %swap3A_1373 = vector.shape_cast %mul3A_1368 : vector<16xf32> to vector<1x16xf32>
        tpu.vector_store %arg9[%swap3A_1369, %swap3A_1370], %swap3A_1373 {strides = array<i32>} : memref<128x128xf32, #tpu.memory_space<vmem>>, vector<1x16xf32>,
        %mul3A_1374 = arith.constant 16 : i32
        %mul3A_1375 = arith.muli %scan3A_213, %mul3A_1374 : i32
        %add3A_1376 = arith.constant 13 : i32
        %add3A_1377 = arith.addi %mul3A_1375, %add3A_1376 : i32
        %broadcast_in_dim3A_1378 = arith.constant 13 : i32
        %broadcast_in_dim3A_1379 = vector.broadcast %broadcast_in_dim3A_1378 : i32 to vector<16xi32>
        %broadcast_in_dim3A_1380 = vector.shape_cast %broadcast_in_dim3A_1379 : vector<16xi32> to vector<16x1xi32>
        %gather3A_1381 = vector.shape_cast %broadcast_in_dim3A_1380 : vector<16x1xi32> to vector<16xi32>
        %gather3A_1382 = tpu.dynamic_gather %get3A_218[%gather3A_1381] in [0] : vector<16xf32>, vector<16xi32> -> vector<16xf32>
        %get3A_1383 = arith.index_cast %add3A_1377 : i32 to index
        %get3A_1384 = arith.constant 0 : index
        %get3A_1385 = tpu.vector_load %arg9[%get3A_1383, %get3A_1384] {strides = array<i32>} : memref<128x128xf32, #tpu.memory_space<vmem>>, vector<1x16xf32>,
        %get3A_1386 = vector.shape_cast %get3A_1385 : vector<1x16xf32> to vector<16xf32>
        %mul3A_1387 = arith.mulf %get3A_1386, %gather3A_1382 : vector<16xf32>
        %swap3A_1388 = arith.index_cast %add3A_1377 : i32 to index
        %swap3A_1389 = arith.constant 0 : index
        %swap3A_1390 = tpu.vector_load %arg9[%swap3A_1388, %swap3A_1389] {strides = array<i32>} : memref<128x128xf32, #tpu.memory_space<vmem>>, vector<1x16xf32>,
        %swap3A_1391 = vector.shape_cast %swap3A_1390 : vector<1x16xf32> to vector<16xf32>
        %swap3A_1392 = vector.shape_cast %mul3A_1387 : vector<16xf32> to vector<1x16xf32>
        tpu.vector_store %arg9[%swap3A_1388, %swap3A_1389], %swap3A_1392 {strides = array<i32>} : memref<128x128xf32, #tpu.memory_space<vmem>>, vector<1x16xf32>,
        %get3A_1393 = arith.index_cast %add3A_1377 : i32 to index
        %get3A_1394 = arith.constant 16 : index
        %get3A_1395 = tpu.vector_load %arg9[%get3A_1393, %get3A_1394] {strides = array<i32>} : memref<128x128xf32, #tpu.memory_space<vmem>>, vector<1x16xf32>,
        %get3A_1396 = vector.shape_cast %get3A_1395 : vector<1x16xf32> to vector<16xf32>
        %mul3A_1397 = arith.mulf %get3A_1396, %gather3A_1382 : vector<16xf32>
        %swap3A_1398 = arith.index_cast %add3A_1377 : i32 to index
        %swap3A_1399 = arith.constant 16 : index
        %swap3A_1400 = tpu.vector_load %arg9[%swap3A_1398, %swap3A_1399] {strides = array<i32>} : memref<128x128xf32, #tpu.memory_space<vmem>>, vector<1x16xf32>,
        %swap3A_1401 = vector.shape_cast %swap3A_1400 : vector<1x16xf32> to vector<16xf32>
        %swap3A_1402 = vector.shape_cast %mul3A_1397 : vector<16xf32> to vector<1x16xf32>
        tpu.vector_store %arg9[%swap3A_1398, %swap3A_1399], %swap3A_1402 {strides = array<i32>} : memref<128x128xf32, #tpu.memory_space<vmem>>, vector<1x16xf32>,
        %get3A_1403 = arith.index_cast %add3A_1377 : i32 to index
        %get3A_1404 = arith.constant 32 : index
        %get3A_1405 = tpu.vector_load %arg9[%get3A_1403, %get3A_1404] {strides = array<i32>} : memref<128x128xf32, #tpu.memory_space<vmem>>, vector<1x16xf32>,
        %get3A_1406 = vector.shape_cast %get3A_1405 : vector<1x16xf32> to vector<16xf32>
        %mul3A_1407 = arith.mulf %get3A_1406, %gather3A_1382 : vector<16xf32>
        %swap3A_1408 = arith.index_cast %add3A_1377 : i32 to index
        %swap3A_1409 = arith.constant 32 : index
        %swap3A_1410 = tpu.vector_load %arg9[%swap3A_1408, %swap3A_1409] {strides = array<i32>} : memref<128x128xf32, #tpu.memory_space<vmem>>, vector<1x16xf32>,
        %swap3A_1411 = vector.shape_cast %swap3A_1410 : vector<1x16xf32> to vector<16xf32>
        %swap3A_1412 = vector.shape_cast %mul3A_1407 : vector<16xf32> to vector<1x16xf32>
        tpu.vector_store %arg9[%swap3A_1408, %swap3A_1409], %swap3A_1412 {strides = array<i32>} : memref<128x128xf32, #tpu.memory_space<vmem>>, vector<1x16xf32>,
        %get3A_1413 = arith.index_cast %add3A_1377 : i32 to index
        %get3A_1414 = arith.constant 48 : index
        %get3A_1415 = tpu.vector_load %arg9[%get3A_1413, %get3A_1414] {strides = array<i32>} : memref<128x128xf32, #tpu.memory_space<vmem>>, vector<1x16xf32>,
        %get3A_1416 = vector.shape_cast %get3A_1415 : vector<1x16xf32> to vector<16xf32>
        %mul3A_1417 = arith.mulf %get3A_1416, %gather3A_1382 : vector<16xf32>
        %swap3A_1418 = arith.index_cast %add3A_1377 : i32 to index
        %swap3A_1419 = arith.constant 48 : index
        %swap3A_1420 = tpu.vector_load %arg9[%swap3A_1418, %swap3A_1419] {strides = array<i32>} : memref<128x128xf32, #tpu.memory_space<vmem>>, vector<1x16xf32>,
        %swap3A_1421 = vector.shape_cast %swap3A_1420 : vector<1x16xf32> to vector<16xf32>
        %swap3A_1422 = vector.shape_cast %mul3A_1417 : vector<16xf32> to vector<1x16xf32>
        tpu.vector_store %arg9[%swap3A_1418, %swap3A_1419], %swap3A_1422 {strides = array<i32>} : memref<128x128xf32, #tpu.memory_space<vmem>>, vector<1x16xf32>,
        %get3A_1423 = arith.index_cast %add3A_1377 : i32 to index
        %get3A_1424 = arith.constant 64 : index
        %get3A_1425 = tpu.vector_load %arg9[%get3A_1423, %get3A_1424] {strides = array<i32>} : memref<128x128xf32, #tpu.memory_space<vmem>>, vector<1x16xf32>,
        %get3A_1426 = vector.shape_cast %get3A_1425 : vector<1x16xf32> to vector<16xf32>
        %mul3A_1427 = arith.mulf %get3A_1426, %gather3A_1382 : vector<16xf32>
        %swap3A_1428 = arith.index_cast %add3A_1377 : i32 to index
        %swap3A_1429 = arith.constant 64 : index
        %swap3A_1430 = tpu.vector_load %arg9[%swap3A_1428, %swap3A_1429] {strides = array<i32>} : memref<128x128xf32, #tpu.memory_space<vmem>>, vector<1x16xf32>,
        %swap3A_1431 = vector.shape_cast %swap3A_1430 : vector<1x16xf32> to vector<16xf32>
        %swap3A_1432 = vector.shape_cast %mul3A_1427 : vector<16xf32> to vector<1x16xf32>
        tpu.vector_store %arg9[%swap3A_1428, %swap3A_1429], %swap3A_1432 {strides = array<i32>} : memref<128x128xf32, #tpu.memory_space<vmem>>, vector<1x16xf32>,
        %get3A_1433 = arith.index_cast %add3A_1377 : i32 to index
        %get3A_1434 = arith.constant 80 : index
        %get3A_1435 = tpu.vector_load %arg9[%get3A_1433, %get3A_1434] {strides = array<i32>} : memref<128x128xf32, #tpu.memory_space<vmem>>, vector<1x16xf32>,
        %get3A_1436 = vector.shape_cast %get3A_1435 : vector<1x16xf32> to vector<16xf32>
        %mul3A_1437 = arith.mulf %get3A_1436, %gather3A_1382 : vector<16xf32>
        %swap3A_1438 = arith.index_cast %add3A_1377 : i32 to index
        %swap3A_1439 = arith.constant 80 : index
        %swap3A_1440 = tpu.vector_load %arg9[%swap3A_1438, %swap3A_1439] {strides = array<i32>} : memref<128x128xf32, #tpu.memory_space<vmem>>, vector<1x16xf32>,
        %swap3A_1441 = vector.shape_cast %swap3A_1440 : vector<1x16xf32> to vector<16xf32>
        %swap3A_1442 = vector.shape_cast %mul3A_1437 : vector<16xf32> to vector<1x16xf32>
        tpu.vector_store %arg9[%swap3A_1438, %swap3A_1439], %swap3A_1442 {strides = array<i32>} : memref<128x128xf32, #tpu.memory_space<vmem>>, vector<1x16xf32>,
        %get3A_1443 = arith.index_cast %add3A_1377 : i32 to index
        %get3A_1444 = arith.constant 96 : index
        %get3A_1445 = tpu.vector_load %arg9[%get3A_1443, %get3A_1444] {strides = array<i32>} : memref<128x128xf32, #tpu.memory_space<vmem>>, vector<1x16xf32>,
        %get3A_1446 = vector.shape_cast %get3A_1445 : vector<1x16xf32> to vector<16xf32>
        %mul3A_1447 = arith.mulf %get3A_1446, %gather3A_1382 : vector<16xf32>
        %swap3A_1448 = arith.index_cast %add3A_1377 : i32 to index
        %swap3A_1449 = arith.constant 96 : index
        %swap3A_1450 = tpu.vector_load %arg9[%swap3A_1448, %swap3A_1449] {strides = array<i32>} : memref<128x128xf32, #tpu.memory_space<vmem>>, vector<1x16xf32>,
        %swap3A_1451 = vector.shape_cast %swap3A_1450 : vector<1x16xf32> to vector<16xf32>
        %swap3A_1452 = vector.shape_cast %mul3A_1447 : vector<16xf32> to vector<1x16xf32>
        tpu.vector_store %arg9[%swap3A_1448, %swap3A_1449], %swap3A_1452 {strides = array<i32>} : memref<128x128xf32, #tpu.memory_space<vmem>>, vector<1x16xf32>,
        %get3A_1453 = arith.index_cast %add3A_1377 : i32 to index
        %get3A_1454 = arith.constant 112 : index
        %get3A_1455 = tpu.vector_load %arg9[%get3A_1453, %get3A_1454] {strides = array<i32>} : memref<128x128xf32, #tpu.memory_space<vmem>>, vector<1x16xf32>,
        %get3A_1456 = vector.shape_cast %get3A_1455 : vector<1x16xf32> to vector<16xf32>
        %mul3A_1457 = arith.mulf %get3A_1456, %gather3A_1382 : vector<16xf32>
        %swap3A_1458 = arith.index_cast %add3A_1377 : i32 to index
        %swap3A_1459 = arith.constant 112 : index
        %swap3A_1460 = tpu.vector_load %arg9[%swap3A_1458, %swap3A_1459] {strides = array<i32>} : memref<128x128xf32, #tpu.memory_space<vmem>>, vector<1x16xf32>,
        %swap3A_1461 = vector.shape_cast %swap3A_1460 : vector<1x16xf32> to vector<16xf32>
        %swap3A_1462 = vector.shape_cast %mul3A_1457 : vector<16xf32> to vector<1x16xf32>
        tpu.vector_store %arg9[%swap3A_1458, %swap3A_1459], %swap3A_1462 {strides = array<i32>} : memref<128x128xf32, #tpu.memory_space<vmem>>, vector<1x16xf32>,
        %mul3A_1463 = arith.constant 16 : i32
        %mul3A_1464 = arith.muli %scan3A_213, %mul3A_1463 : i32
        %add3A_1465 = arith.constant 14 : i32
        %add3A_1466 = arith.addi %mul3A_1464, %add3A_1465 : i32
        %broadcast_in_dim3A_1467 = arith.constant 14 : i32
        %broadcast_in_dim3A_1468 = vector.broadcast %broadcast_in_dim3A_1467 : i32 to vector<16xi32>
        %broadcast_in_dim3A_1469 = vector.shape_cast %broadcast_in_dim3A_1468 : vector<16xi32> to vector<16x1xi32>
        %gather3A_1470 = vector.shape_cast %broadcast_in_dim3A_1469 : vector<16x1xi32> to vector<16xi32>
        %gather3A_1471 = tpu.dynamic_gather %get3A_218[%gather3A_1470] in [0] : vector<16xf32>, vector<16xi32> -> vector<16xf32>
        %get3A_1472 = arith.index_cast %add3A_1466 : i32 to index
        %get3A_1473 = arith.constant 0 : index
        %get3A_1474 = tpu.vector_load %arg9[%get3A_1472, %get3A_1473] {strides = array<i32>} : memref<128x128xf32, #tpu.memory_space<vmem>>, vector<1x16xf32>,
        %get3A_1475 = vector.shape_cast %get3A_1474 : vector<1x16xf32> to vector<16xf32>
        %mul3A_1476 = arith.mulf %get3A_1475, %gather3A_1471 : vector<16xf32>
        %swap3A_1477 = arith.index_cast %add3A_1466 : i32 to index
        %swap3A_1478 = arith.constant 0 : index
        %swap3A_1479 = tpu.vector_load %arg9[%swap3A_1477, %swap3A_1478] {strides = array<i32>} : memref<128x128xf32, #tpu.memory_space<vmem>>, vector<1x16xf32>,
        %swap3A_1480 = vector.shape_cast %swap3A_1479 : vector<1x16xf32> to vector<16xf32>
        %swap3A_1481 = vector.shape_cast %mul3A_1476 : vector<16xf32> to vector<1x16xf32>
        tpu.vector_store %arg9[%swap3A_1477, %swap3A_1478], %swap3A_1481 {strides = array<i32>} : memref<128x128xf32, #tpu.memory_space<vmem>>, vector<1x16xf32>,
        %get3A_1482 = arith.index_cast %add3A_1466 : i32 to index
        %get3A_1483 = arith.constant 16 : index
        %get3A_1484 = tpu.vector_load %arg9[%get3A_1482, %get3A_1483] {strides = array<i32>} : memref<128x128xf32, #tpu.memory_space<vmem>>, vector<1x16xf32>,
        %get3A_1485 = vector.shape_cast %get3A_1484 : vector<1x16xf32> to vector<16xf32>
        %mul3A_1486 = arith.mulf %get3A_1485, %gather3A_1471 : vector<16xf32>
        %swap3A_1487 = arith.index_cast %add3A_1466 : i32 to index
        %swap3A_1488 = arith.constant 16 : index
        %swap3A_1489 = tpu.vector_load %arg9[%swap3A_1487, %swap3A_1488] {strides = array<i32>} : memref<128x128xf32, #tpu.memory_space<vmem>>, vector<1x16xf32>,
        %swap3A_1490 = vector.shape_cast %swap3A_1489 : vector<1x16xf32> to vector<16xf32>
        %swap3A_1491 = vector.shape_cast %mul3A_1486 : vector<16xf32> to vector<1x16xf32>
        tpu.vector_store %arg9[%swap3A_1487, %swap3A_1488], %swap3A_1491 {strides = array<i32>} : memref<128x128xf32, #tpu.memory_space<vmem>>, vector<1x16xf32>,
        %get3A_1492 = arith.index_cast %add3A_1466 : i32 to index
        %get3A_1493 = arith.constant 32 : index
        %get3A_1494 = tpu.vector_load %arg9[%get3A_1492, %get3A_1493] {strides = array<i32>} : memref<128x128xf32, #tpu.memory_space<vmem>>, vector<1x16xf32>,
        %get3A_1495 = vector.shape_cast %get3A_1494 : vector<1x16xf32> to vector<16xf32>
        %mul3A_1496 = arith.mulf %get3A_1495, %gather3A_1471 : vector<16xf32>
        %swap3A_1497 = arith.index_cast %add3A_1466 : i32 to index
        %swap3A_1498 = arith.constant 32 : index
        %swap3A_1499 = tpu.vector_load %arg9[%swap3A_1497, %swap3A_1498] {strides = array<i32>} : memref<128x128xf32, #tpu.memory_space<vmem>>, vector<1x16xf32>,
        %swap3A_1500 = vector.shape_cast %swap3A_1499 : vector<1x16xf32> to vector<16xf32>
        %swap3A_1501 = vector.shape_cast %mul3A_1496 : vector<16xf32> to vector<1x16xf32>
        tpu.vector_store %arg9[%swap3A_1497, %swap3A_1498], %swap3A_1501 {strides = array<i32>} : memref<128x128xf32, #tpu.memory_space<vmem>>, vector<1x16xf32>,
        %get3A_1502 = arith.index_cast %add3A_1466 : i32 to index
        %get3A_1503 = arith.constant 48 : index
        %get3A_1504 = tpu.vector_load %arg9[%get3A_1502, %get3A_1503] {strides = array<i32>} : memref<128x128xf32, #tpu.memory_space<vmem>>, vector<1x16xf32>,
        %get3A_1505 = vector.shape_cast %get3A_1504 : vector<1x16xf32> to vector<16xf32>
        %mul3A_1506 = arith.mulf %get3A_1505, %gather3A_1471 : vector<16xf32>
        %swap3A_1507 = arith.index_cast %add3A_1466 : i32 to index
        %swap3A_1508 = arith.constant 48 : index
        %swap3A_1509 = tpu.vector_load %arg9[%swap3A_1507, %swap3A_1508] {strides = array<i32>} : memref<128x128xf32, #tpu.memory_space<vmem>>, vector<1x16xf32>,
        %swap3A_1510 = vector.shape_cast %swap3A_1509 : vector<1x16xf32> to vector<16xf32>
        %swap3A_1511 = vector.shape_cast %mul3A_1506 : vector<16xf32> to vector<1x16xf32>
        tpu.vector_store %arg9[%swap3A_1507, %swap3A_1508], %swap3A_1511 {strides = array<i32>} : memref<128x128xf32, #tpu.memory_space<vmem>>, vector<1x16xf32>,
        %get3A_1512 = arith.index_cast %add3A_1466 : i32 to index
        %get3A_1513 = arith.constant 64 : index
        %get3A_1514 = tpu.vector_load %arg9[%get3A_1512, %get3A_1513] {strides = array<i32>} : memref<128x128xf32, #tpu.memory_space<vmem>>, vector<1x16xf32>,
        %get3A_1515 = vector.shape_cast %get3A_1514 : vector<1x16xf32> to vector<16xf32>
        %mul3A_1516 = arith.mulf %get3A_1515, %gather3A_1471 : vector<16xf32>
        %swap3A_1517 = arith.index_cast %add3A_1466 : i32 to index
        %swap3A_1518 = arith.constant 64 : index
        %swap3A_1519 = tpu.vector_load %arg9[%swap3A_1517, %swap3A_1518] {strides = array<i32>} : memref<128x128xf32, #tpu.memory_space<vmem>>, vector<1x16xf32>,
        %swap3A_1520 = vector.shape_cast %swap3A_1519 : vector<1x16xf32> to vector<16xf32>
        %swap3A_1521 = vector.shape_cast %mul3A_1516 : vector<16xf32> to vector<1x16xf32>
        tpu.vector_store %arg9[%swap3A_1517, %swap3A_1518], %swap3A_1521 {strides = array<i32>} : memref<128x128xf32, #tpu.memory_space<vmem>>, vector<1x16xf32>,
        %get3A_1522 = arith.index_cast %add3A_1466 : i32 to index
        %get3A_1523 = arith.constant 80 : index
        %get3A_1524 = tpu.vector_load %arg9[%get3A_1522, %get3A_1523] {strides = array<i32>} : memref<128x128xf32, #tpu.memory_space<vmem>>, vector<1x16xf32>,
        %get3A_1525 = vector.shape_cast %get3A_1524 : vector<1x16xf32> to vector<16xf32>
        %mul3A_1526 = arith.mulf %get3A_1525, %gather3A_1471 : vector<16xf32>
        %swap3A_1527 = arith.index_cast %add3A_1466 : i32 to index
        %swap3A_1528 = arith.constant 80 : index
        %swap3A_1529 = tpu.vector_load %arg9[%swap3A_1527, %swap3A_1528] {strides = array<i32>} : memref<128x128xf32, #tpu.memory_space<vmem>>, vector<1x16xf32>,
        %swap3A_1530 = vector.shape_cast %swap3A_1529 : vector<1x16xf32> to vector<16xf32>
        %swap3A_1531 = vector.shape_cast %mul3A_1526 : vector<16xf32> to vector<1x16xf32>
        tpu.vector_store %arg9[%swap3A_1527, %swap3A_1528], %swap3A_1531 {strides = array<i32>} : memref<128x128xf32, #tpu.memory_space<vmem>>, vector<1x16xf32>,
        %get3A_1532 = arith.index_cast %add3A_1466 : i32 to index
        %get3A_1533 = arith.constant 96 : index
        %get3A_1534 = tpu.vector_load %arg9[%get3A_1532, %get3A_1533] {strides = array<i32>} : memref<128x128xf32, #tpu.memory_space<vmem>>, vector<1x16xf32>,
        %get3A_1535 = vector.shape_cast %get3A_1534 : vector<1x16xf32> to vector<16xf32>
        %mul3A_1536 = arith.mulf %get3A_1535, %gather3A_1471 : vector<16xf32>
        %swap3A_1537 = arith.index_cast %add3A_1466 : i32 to index
        %swap3A_1538 = arith.constant 96 : index
        %swap3A_1539 = tpu.vector_load %arg9[%swap3A_1537, %swap3A_1538] {strides = array<i32>} : memref<128x128xf32, #tpu.memory_space<vmem>>, vector<1x16xf32>,
        %swap3A_1540 = vector.shape_cast %swap3A_1539 : vector<1x16xf32> to vector<16xf32>
        %swap3A_1541 = vector.shape_cast %mul3A_1536 : vector<16xf32> to vector<1x16xf32>
        tpu.vector_store %arg9[%swap3A_1537, %swap3A_1538], %swap3A_1541 {strides = array<i32>} : memref<128x128xf32, #tpu.memory_space<vmem>>, vector<1x16xf32>,
        %get3A_1542 = arith.index_cast %add3A_1466 : i32 to index
        %get3A_1543 = arith.constant 112 : index
        %get3A_1544 = tpu.vector_load %arg9[%get3A_1542, %get3A_1543] {strides = array<i32>} : memref<128x128xf32, #tpu.memory_space<vmem>>, vector<1x16xf32>,
        %get3A_1545 = vector.shape_cast %get3A_1544 : vector<1x16xf32> to vector<16xf32>
        %mul3A_1546 = arith.mulf %get3A_1545, %gather3A_1471 : vector<16xf32>
        %swap3A_1547 = arith.index_cast %add3A_1466 : i32 to index
        %swap3A_1548 = arith.constant 112 : index
        %swap3A_1549 = tpu.vector_load %arg9[%swap3A_1547, %swap3A_1548] {strides = array<i32>} : memref<128x128xf32, #tpu.memory_space<vmem>>, vector<1x16xf32>,
        %swap3A_1550 = vector.shape_cast %swap3A_1549 : vector<1x16xf32> to vector<16xf32>
        %swap3A_1551 = vector.shape_cast %mul3A_1546 : vector<16xf32> to vector<1x16xf32>
        tpu.vector_store %arg9[%swap3A_1547, %swap3A_1548], %swap3A_1551 {strides = array<i32>} : memref<128x128xf32, #tpu.memory_space<vmem>>, vector<1x16xf32>,
        %mul3A_1552 = arith.constant 16 : i32
        %mul3A_1553 = arith.muli %scan3A_213, %mul3A_1552 : i32
        %add3A_1554 = arith.constant 15 : i32
        %add3A_1555 = arith.addi %mul3A_1553, %add3A_1554 : i32
        %broadcast_in_dim3A_1556 = arith.constant 15 : i32
        %broadcast_in_dim3A_1557 = vector.broadcast %broadcast_in_dim3A_1556 : i32 to vector<16xi32>
        %broadcast_in_dim3A_1558 = vector.shape_cast %broadcast_in_dim3A_1557 : vector<16xi32> to vector<16x1xi32>
        %gather3A_1559 = vector.shape_cast %broadcast_in_dim3A_1558 : vector<16x1xi32> to vector<16xi32>
        %gather3A_1560 = tpu.dynamic_gather %get3A_218[%gather3A_1559] in [0] : vector<16xf32>, vector<16xi32> -> vector<16xf32>
        %get3A_1561 = arith.index_cast %add3A_1555 : i32 to index
        %get3A_1562 = arith.constant 0 : index
        %get3A_1563 = tpu.vector_load %arg9[%get3A_1561, %get3A_1562] {strides = array<i32>} : memref<128x128xf32, #tpu.memory_space<vmem>>, vector<1x16xf32>,
        %get3A_1564 = vector.shape_cast %get3A_1563 : vector<1x16xf32> to vector<16xf32>
        %mul3A_1565 = arith.mulf %get3A_1564, %gather3A_1560 : vector<16xf32>
        %swap3A_1566 = arith.index_cast %add3A_1555 : i32 to index
        %swap3A_1567 = arith.constant 0 : index
        %swap3A_1568 = tpu.vector_load %arg9[%swap3A_1566, %swap3A_1567] {strides = array<i32>} : memref<128x128xf32, #tpu.memory_space<vmem>>, vector<1x16xf32>,
        %swap3A_1569 = vector.shape_cast %swap3A_1568 : vector<1x16xf32> to vector<16xf32>
        %swap3A_1570 = vector.shape_cast %mul3A_1565 : vector<16xf32> to vector<1x16xf32>
        tpu.vector_store %arg9[%swap3A_1566, %swap3A_1567], %swap3A_1570 {strides = array<i32>} : memref<128x128xf32, #tpu.memory_space<vmem>>, vector<1x16xf32>,
        %get3A_1571 = arith.index_cast %add3A_1555 : i32 to index
        %get3A_1572 = arith.constant 16 : index
        %get3A_1573 = tpu.vector_load %arg9[%get3A_1571, %get3A_1572] {strides = array<i32>} : memref<128x128xf32, #tpu.memory_space<vmem>>, vector<1x16xf32>,
        %get3A_1574 = vector.shape_cast %get3A_1573 : vector<1x16xf32> to vector<16xf32>
        %mul3A_1575 = arith.mulf %get3A_1574, %gather3A_1560 : vector<16xf32>
        %swap3A_1576 = arith.index_cast %add3A_1555 : i32 to index
        %swap3A_1577 = arith.constant 16 : index
        %swap3A_1578 = tpu.vector_load %arg9[%swap3A_1576, %swap3A_1577] {strides = array<i32>} : memref<128x128xf32, #tpu.memory_space<vmem>>, vector<1x16xf32>,
        %swap3A_1579 = vector.shape_cast %swap3A_1578 : vector<1x16xf32> to vector<16xf32>
        %swap3A_1580 = vector.shape_cast %mul3A_1575 : vector<16xf32> to vector<1x16xf32>
        tpu.vector_store %arg9[%swap3A_1576, %swap3A_1577], %swap3A_1580 {strides = array<i32>} : memref<128x128xf32, #tpu.memory_space<vmem>>, vector<1x16xf32>,
        %get3A_1581 = arith.index_cast %add3A_1555 : i32 to index
        %get3A_1582 = arith.constant 32 : index
        %get3A_1583 = tpu.vector_load %arg9[%get3A_1581, %get3A_1582] {strides = array<i32>} : memref<128x128xf32, #tpu.memory_space<vmem>>, vector<1x16xf32>,
        %get3A_1584 = vector.shape_cast %get3A_1583 : vector<1x16xf32> to vector<16xf32>
        %mul3A_1585 = arith.mulf %get3A_1584, %gather3A_1560 : vector<16xf32>
        %swap3A_1586 = arith.index_cast %add3A_1555 : i32 to index
        %swap3A_1587 = arith.constant 32 : index
        %swap3A_1588 = tpu.vector_load %arg9[%swap3A_1586, %swap3A_1587] {strides = array<i32>} : memref<128x128xf32, #tpu.memory_space<vmem>>, vector<1x16xf32>,
        %swap3A_1589 = vector.shape_cast %swap3A_1588 : vector<1x16xf32> to vector<16xf32>
        %swap3A_1590 = vector.shape_cast %mul3A_1585 : vector<16xf32> to vector<1x16xf32>
        tpu.vector_store %arg9[%swap3A_1586, %swap3A_1587], %swap3A_1590 {strides = array<i32>} : memref<128x128xf32, #tpu.memory_space<vmem>>, vector<1x16xf32>,
        %get3A_1591 = arith.index_cast %add3A_1555 : i32 to index
        %get3A_1592 = arith.constant 48 : index
        %get3A_1593 = tpu.vector_load %arg9[%get3A_1591, %get3A_1592] {strides = array<i32>} : memref<128x128xf32, #tpu.memory_space<vmem>>, vector<1x16xf32>,
        %get3A_1594 = vector.shape_cast %get3A_1593 : vector<1x16xf32> to vector<16xf32>
        %mul3A_1595 = arith.mulf %get3A_1594, %gather3A_1560 : vector<16xf32>
        %swap3A_1596 = arith.index_cast %add3A_1555 : i32 to index
        %swap3A_1597 = arith.constant 48 : index
        %swap3A_1598 = tpu.vector_load %arg9[%swap3A_1596, %swap3A_1597] {strides = array<i32>} : memref<128x128xf32, #tpu.memory_space<vmem>>, vector<1x16xf32>,
        %swap3A_1599 = vector.shape_cast %swap3A_1598 : vector<1x16xf32> to vector<16xf32>
        %swap3A_1600 = vector.shape_cast %mul3A_1595 : vector<16xf32> to vector<1x16xf32>
        tpu.vector_store %arg9[%swap3A_1596, %swap3A_1597], %swap3A_1600 {strides = array<i32>} : memref<128x128xf32, #tpu.memory_space<vmem>>, vector<1x16xf32>,
        %get3A_1601 = arith.index_cast %add3A_1555 : i32 to index
        %get3A_1602 = arith.constant 64 : index
        %get3A_1603 = tpu.vector_load %arg9[%get3A_1601, %get3A_1602] {strides = array<i32>} : memref<128x128xf32, #tpu.memory_space<vmem>>, vector<1x16xf32>,
        %get3A_1604 = vector.shape_cast %get3A_1603 : vector<1x16xf32> to vector<16xf32>
        %mul3A_1605 = arith.mulf %get3A_1604, %gather3A_1560 : vector<16xf32>
        %swap3A_1606 = arith.index_cast %add3A_1555 : i32 to index
        %swap3A_1607 = arith.constant 64 : index
        %swap3A_1608 = tpu.vector_load %arg9[%swap3A_1606, %swap3A_1607] {strides = array<i32>} : memref<128x128xf32, #tpu.memory_space<vmem>>, vector<1x16xf32>,
        %swap3A_1609 = vector.shape_cast %swap3A_1608 : vector<1x16xf32> to vector<16xf32>
        %swap3A_1610 = vector.shape_cast %mul3A_1605 : vector<16xf32> to vector<1x16xf32>
        tpu.vector_store %arg9[%swap3A_1606, %swap3A_1607], %swap3A_1610 {strides = array<i32>} : memref<128x128xf32, #tpu.memory_space<vmem>>, vector<1x16xf32>,
        %get3A_1611 = arith.index_cast %add3A_1555 : i32 to index
        %get3A_1612 = arith.constant 80 : index
        %get3A_1613 = tpu.vector_load %arg9[%get3A_1611, %get3A_1612] {strides = array<i32>} : memref<128x128xf32, #tpu.memory_space<vmem>>, vector<1x16xf32>,
        %get3A_1614 = vector.shape_cast %get3A_1613 : vector<1x16xf32> to vector<16xf32>
        %mul3A_1615 = arith.mulf %get3A_1614, %gather3A_1560 : vector<16xf32>
        %swap3A_1616 = arith.index_cast %add3A_1555 : i32 to index
        %swap3A_1617 = arith.constant 80 : index
        %swap3A_1618 = tpu.vector_load %arg9[%swap3A_1616, %swap3A_1617] {strides = array<i32>} : memref<128x128xf32, #tpu.memory_space<vmem>>, vector<1x16xf32>,
        %swap3A_1619 = vector.shape_cast %swap3A_1618 : vector<1x16xf32> to vector<16xf32>
        %swap3A_1620 = vector.shape_cast %mul3A_1615 : vector<16xf32> to vector<1x16xf32>
        tpu.vector_store %arg9[%swap3A_1616, %swap3A_1617], %swap3A_1620 {strides = array<i32>} : memref<128x128xf32, #tpu.memory_space<vmem>>, vector<1x16xf32>,
        %get3A_1621 = arith.index_cast %add3A_1555 : i32 to index
        %get3A_1622 = arith.constant 96 : index
        %get3A_1623 = tpu.vector_load %arg9[%get3A_1621, %get3A_1622] {strides = array<i32>} : memref<128x128xf32, #tpu.memory_space<vmem>>, vector<1x16xf32>,
        %get3A_1624 = vector.shape_cast %get3A_1623 : vector<1x16xf32> to vector<16xf32>
        %mul3A_1625 = arith.mulf %get3A_1624, %gather3A_1560 : vector<16xf32>
        %swap3A_1626 = arith.index_cast %add3A_1555 : i32 to index
        %swap3A_1627 = arith.constant 96 : index
        %swap3A_1628 = tpu.vector_load %arg9[%swap3A_1626, %swap3A_1627] {strides = array<i32>} : memref<128x128xf32, #tpu.memory_space<vmem>>, vector<1x16xf32>,
        %swap3A_1629 = vector.shape_cast %swap3A_1628 : vector<1x16xf32> to vector<16xf32>
        %swap3A_1630 = vector.shape_cast %mul3A_1625 : vector<16xf32> to vector<1x16xf32>
        tpu.vector_store %arg9[%swap3A_1626, %swap3A_1627], %swap3A_1630 {strides = array<i32>} : memref<128x128xf32, #tpu.memory_space<vmem>>, vector<1x16xf32>,
        %get3A_1631 = arith.index_cast %add3A_1555 : i32 to index
        %get3A_1632 = arith.constant 112 : index
        %get3A_1633 = tpu.vector_load %arg9[%get3A_1631, %get3A_1632] {strides = array<i32>} : memref<128x128xf32, #tpu.memory_space<vmem>>, vector<1x16xf32>,
        %get3A_1634 = vector.shape_cast %get3A_1633 : vector<1x16xf32> to vector<16xf32>
        %mul3A_1635 = arith.mulf %get3A_1634, %gather3A_1560 : vector<16xf32>
        %swap3A_1636 = arith.index_cast %add3A_1555 : i32 to index
        %swap3A_1637 = arith.constant 112 : index
        %swap3A_1638 = tpu.vector_load %arg9[%swap3A_1636, %swap3A_1637] {strides = array<i32>} : memref<128x128xf32, #tpu.memory_space<vmem>>, vector<1x16xf32>,
        %swap3A_1639 = vector.shape_cast %swap3A_1638 : vector<1x16xf32> to vector<16xf32>
        %swap3A_1640 = vector.shape_cast %mul3A_1635 : vector<16xf32> to vector<1x16xf32>
        tpu.vector_store %arg9[%swap3A_1636, %swap3A_1637], %swap3A_1640 {strides = array<i32>} : memref<128x128xf32, #tpu.memory_space<vmem>>, vector<1x16xf32>,
      }
      %scan3A_212 = arith.constant 8 : i32
      %run_scoped3A = arith.constant 2 : i32
      "tpu.region"() ({
        %run_scoped3A_213 = tpu.sem_alloc : memref<!tpu.dma_semaphore, #tpu.memory_space<semaphore_mem>>
        %dma_start3A_214 = arith.constant 0 : i32
        %dma_start3A_215 = tpu.memref_slice %arg6[%run_scoped3A, %dma_start3A_214] : memref<3x128xi32, #tpu.memory_space<vmem>> -> memref<1x128xi32, #tpu.memory_space<vmem>>
        %dma_start3A_216 = tpu.memref_squeeze %dma_start3A_215 : memref<1x128xi32, #tpu.memory_space<vmem>> -> memref<128xi32, #tpu.memory_space<vmem>>
        %dma_start3A_217 = arith.constant 0 : i32
        %dma_start3A_218 = arith.constant 0 : i32
        %dma_start3A_219 = tpu.memref_slice %arg11[%dma_start3A_217, %dma_start3A_218] : memref<10240x128xf32, #tpu.memory_space<vmem_shared>> -> memref<10240x128xf32, #tpu.memory_space<vmem_shared>>
        tpu.enqueue_indirect_dma source(%arg9 : memref<128x128xf32, #tpu.memory_space<vmem>>) target(%dma_start3A_219 : memref<10240x128xf32, #tpu.memory_space<vmem_shared>>) offsets(%dma_start3A_216 : memref<128xi32, #tpu.memory_space<vmem>>) semaphore(%run_scoped3A_213 : memref<!tpu.dma_semaphore, #tpu.memory_space<semaphore_mem>>) {add = true}
        %dma_wait3A_220 = arith.constant 0 : i32
        %dma_wait3A_221 = tpu.memref_slice %arg6[%run_scoped3A, %dma_wait3A_220] : memref<3x128xi32, #tpu.memory_space<vmem>> -> memref<1x128xi32, #tpu.memory_space<vmem>>
        %dma_wait3A_222 = tpu.memref_squeeze %dma_wait3A_221 : memref<1x128xi32, #tpu.memory_space<vmem>> -> memref<128xi32, #tpu.memory_space<vmem>>
        %dma_wait3A_223 = arith.constant 0 : i32
        %dma_wait3A_224 = arith.constant 0 : i32
        %dma_wait3A_225 = tpu.memref_slice %arg11[%dma_wait3A_223, %dma_wait3A_224] : memref<10240x128xf32, #tpu.memory_space<vmem_shared>> -> memref<10240x128xf32, #tpu.memory_space<vmem_shared>>
        tpu.wait_indirect_dma semaphore(%run_scoped3A_213 : memref<!tpu.dma_semaphore, #tpu.memory_space<semaphore_mem>>) src(%arg9 : memref<128x128xf32, #tpu.memory_space<vmem>>) dst(%dma_wait3A_225 : memref<10240x128xf32, #tpu.memory_space<vmem_shared>>)
        tpu.yield
      }) : () -> ()
    }
    %barrier3A_59 = arith.constant 0 : index
    tpu.barrier barrier_id(%barrier3A_59)
    "tpu.region"() ({
      %run_scoped3A = tpu.sem_alloc : memref<!tpu.dma_semaphore, #tpu.memory_space<semaphore_mem>>
      %dma_start3A = arith.constant 0 : i32
      %dma_start3A_60 = tpu.memref_slice %arg5[%arg0, %mul3A_10, %dma_start3A] : memref<2x10240x128xf32, #tpu.memory_space<hbm>> -> memref<1x640x128xf32, #tpu.memory_space<hbm>>
      %dma_start3A_61 = tpu.memref_squeeze %dma_start3A_60 : memref<1x640x128xf32, #tpu.memory_space<hbm>> -> memref<640x128xf32, #tpu.memory_space<hbm>>
      %dma_start3A_62 = arith.constant 0 : i32
      %dma_start3A_63 = tpu.memref_slice %arg11[%mul3A_10, %dma_start3A_62] : memref<10240x128xf32, #tpu.memory_space<vmem_shared>> -> memref<640x128xf32, #tpu.memory_space<vmem_shared>>
      tpu.enqueue_dma source(%dma_start3A_63 : memref<640x128xf32, #tpu.memory_space<vmem_shared>>) target(%dma_start3A_61 : memref<640x128xf32, #tpu.memory_space<hbm>>) target_semaphore(%run_scoped3A : memref<!tpu.dma_semaphore, #tpu.memory_space<semaphore_mem>>)
      %dma_wait3A = arith.constant 0 : i32
      %dma_wait3A_64 = tpu.memref_slice %arg5[%arg0, %mul3A_10, %dma_wait3A] : memref<2x10240x128xf32, #tpu.memory_space<hbm>> -> memref<1x640x128xf32, #tpu.memory_space<hbm>>
      %dma_wait3A_65 = tpu.memref_squeeze %dma_wait3A_64 : memref<1x640x128xf32, #tpu.memory_space<hbm>> -> memref<640x128xf32, #tpu.memory_space<hbm>>
      %dma_wait3A_66 = arith.constant 0 : i32
      %dma_wait3A_67 = tpu.memref_slice %arg11[%mul3A_10, %dma_wait3A_66] : memref<10240x128xf32, #tpu.memory_space<vmem_shared>> -> memref<640x128xf32, #tpu.memory_space<vmem_shared>>
      tpu.wait_dma2 semaphore(%run_scoped3A : memref<!tpu.dma_semaphore, #tpu.memory_space<semaphore_mem>>) src(%dma_wait3A_67 : memref<640x128xf32, #tpu.memory_space<vmem_shared>>) dst(%dma_wait3A_65 : memref<640x128xf32, #tpu.memory_space<hbm>>)
      tpu.yield
    }) : () -> ()
    return
  }
}

module attributes {stable_mosaic.version = 14 : i64} {
  func.func @_z_body(%arg0: i32, %arg1: memref<2000x128xf32, #tpu.memory_space<vmem>>, %arg2: memref<8x128x128xf32, #tpu.memory_space<vmem>>, %arg3: memref<8x128x128xf32, #tpu.memory_space<vmem>>, %arg4: memref<1x128xf32, #tpu.memory_space<vmem>>, %arg5: memref<8x2000x128xf32, #tpu.memory_space<vmem>>) attributes {dimension_semantics = [#tpu.dimension_semantics<arbitrary>], iteration_bounds = array<i64: 5>, scalar_prefetch = 0 : i64, scratch_operands = 0 : i64, tpu.core_type = #tpu.core_type<tc>, window_params = [{transform_indices = @transform_0, window_bounds = array<i64: 2000, 128>}, {pipeline_mode = #tpu.pipeline_mode<synchronous>, transform_indices = @transform_1, window_bounds = array<i64: 8, 128, 128>}, {pipeline_mode = #tpu.pipeline_mode<synchronous>, transform_indices = @transform_2, window_bounds = array<i64: 8, 128, 128>}, {pipeline_mode = #tpu.pipeline_mode<synchronous>, transform_indices = @transform_3, window_bounds = array<i64: 1, 128>}, {transform_indices = @transform_4, window_bounds = array<i64: 8, 2000, 128>}]} {
    %get3A = arith.constant 0 : index
    %get3A_0 = arith.constant 0 : index
    %get3A_1 = vector.load %arg1[%get3A, %get3A_0] : memref<2000x128xf32, #tpu.memory_space<vmem>>, vector<2000x128xf32>
    %get3A_2 = arith.constant 0 : index
    %get3A_3 = arith.constant 0 : index
    %get3A_4 = vector.load %arg4[%get3A_2, %get3A_3] : memref<1x128xf32, #tpu.memory_space<vmem>>, vector<1x128xf32>
    %get3A_5 = arith.constant 0 : index
    %get3A_6 = arith.constant 0 : index
    %get3A_7 = arith.constant 0 : index
    %get3A_8 = vector.load %arg2[%get3A_5, %get3A_6, %get3A_7] : memref<8x128x128xf32, #tpu.memory_space<vmem>>, vector<1x128x128xf32>
    %get3A_9 = vector.shape_cast %get3A_8 : vector<1x128x128xf32> to vector<128x128xf32>
    %dot_general3A = arith.constant dense<0.000000e+00> : vector<2000x128xf32>
    %dot_general3A_10 = tpu.matmul %get3A_1, %get3A_9, %dot_general3A {dimension_numbers = #tpu.dot_dimension_numbers<[1], [0], [0], [1], [0, 0, 1, 1], [], []>, transpose_lhs_hint = false} : vector<2000x128xf32>, vector<128x128xf32>, vector<2000x128xf32> -> vector<2000x128xf32>
    %add3A = vector.broadcast %get3A_4 : vector<1x128xf32> to vector<2000x128xf32>
    %add3A_11 = arith.addf %dot_general3A_10, %add3A : vector<2000x128xf32>
    %max3A = arith.constant 0.000000e+00 : f32
    %max3A_12 = vector.broadcast %max3A : f32 to vector<2000x128xf32>
    %max3A_13 = arith.maximumf %add3A_11, %max3A_12 : vector<2000x128xf32>
    %get3A_14 = arith.constant 0 : index
    %get3A_15 = arith.constant 0 : index
    %get3A_16 = arith.constant 0 : index
    %get3A_17 = vector.load %arg3[%get3A_14, %get3A_15, %get3A_16] : memref<8x128x128xf32, #tpu.memory_space<vmem>>, vector<1x128x128xf32>
    %get3A_18 = vector.shape_cast %get3A_17 : vector<1x128x128xf32> to vector<128x128xf32>
    %dot_general3A_19 = arith.constant dense<0.000000e+00> : vector<2000x128xf32>
    %dot_general3A_20 = tpu.matmul %max3A_13, %get3A_18, %dot_general3A_19 {dimension_numbers = #tpu.dot_dimension_numbers<[1], [0], [0], [1], [0, 0, 1, 1], [], []>, transpose_lhs_hint = false} : vector<2000x128xf32>, vector<128x128xf32>, vector<2000x128xf32> -> vector<2000x128xf32>
    %swap3A = arith.constant 0 : index
    %swap3A_21 = arith.constant 0 : index
    %swap3A_22 = arith.constant 0 : index
    %swap3A_23 = vector.load %arg5[%swap3A, %swap3A_21, %swap3A_22] : memref<8x2000x128xf32, #tpu.memory_space<vmem>>, vector<1x2000x128xf32>
    %swap3A_24 = vector.shape_cast %swap3A_23 : vector<1x2000x128xf32> to vector<2000x128xf32>
    %swap3A_25 = vector.shape_cast %dot_general3A_20 : vector<2000x128xf32> to vector<1x2000x128xf32>
    tpu.vector_store %arg5[%swap3A, %swap3A_21, %swap3A_22], %swap3A_25 {strides = array<i32>} : memref<8x2000x128xf32, #tpu.memory_space<vmem>>, vector<1x2000x128xf32>,
    %get3A_26 = arith.constant 1 : index
    %get3A_27 = arith.constant 0 : index
    %get3A_28 = arith.constant 0 : index
    %get3A_29 = vector.load %arg2[%get3A_26, %get3A_27, %get3A_28] : memref<8x128x128xf32, #tpu.memory_space<vmem>>, vector<1x128x128xf32>
    %get3A_30 = vector.shape_cast %get3A_29 : vector<1x128x128xf32> to vector<128x128xf32>
    %dot_general3A_31 = arith.constant dense<0.000000e+00> : vector<2000x128xf32>
    %dot_general3A_32 = tpu.matmul %get3A_1, %get3A_30, %dot_general3A_31 {dimension_numbers = #tpu.dot_dimension_numbers<[1], [0], [0], [1], [0, 0, 1, 1], [], []>, transpose_lhs_hint = false} : vector<2000x128xf32>, vector<128x128xf32>, vector<2000x128xf32> -> vector<2000x128xf32>
    %add3A_33 = vector.broadcast %get3A_4 : vector<1x128xf32> to vector<2000x128xf32>
    %add3A_34 = arith.addf %dot_general3A_32, %add3A_33 : vector<2000x128xf32>
    %max3A_35 = arith.constant 0.000000e+00 : f32
    %max3A_36 = vector.broadcast %max3A_35 : f32 to vector<2000x128xf32>
    %max3A_37 = arith.maximumf %add3A_34, %max3A_36 : vector<2000x128xf32>
    %get3A_38 = arith.constant 1 : index
    %get3A_39 = arith.constant 0 : index
    %get3A_40 = arith.constant 0 : index
    %get3A_41 = vector.load %arg3[%get3A_38, %get3A_39, %get3A_40] : memref<8x128x128xf32, #tpu.memory_space<vmem>>, vector<1x128x128xf32>
    %get3A_42 = vector.shape_cast %get3A_41 : vector<1x128x128xf32> to vector<128x128xf32>
    %dot_general3A_43 = arith.constant dense<0.000000e+00> : vector<2000x128xf32>
    %dot_general3A_44 = tpu.matmul %max3A_37, %get3A_42, %dot_general3A_43 {dimension_numbers = #tpu.dot_dimension_numbers<[1], [0], [0], [1], [0, 0, 1, 1], [], []>, transpose_lhs_hint = false} : vector<2000x128xf32>, vector<128x128xf32>, vector<2000x128xf32> -> vector<2000x128xf32>
    %swap3A_45 = arith.constant 1 : index
    %swap3A_46 = arith.constant 0 : index
    %swap3A_47 = arith.constant 0 : index
    %swap3A_48 = vector.load %arg5[%swap3A_45, %swap3A_46, %swap3A_47] : memref<8x2000x128xf32, #tpu.memory_space<vmem>>, vector<1x2000x128xf32>
    %swap3A_49 = vector.shape_cast %swap3A_48 : vector<1x2000x128xf32> to vector<2000x128xf32>
    %swap3A_50 = vector.shape_cast %dot_general3A_44 : vector<2000x128xf32> to vector<1x2000x128xf32>
    tpu.vector_store %arg5[%swap3A_45, %swap3A_46, %swap3A_47], %swap3A_50 {strides = array<i32>} : memref<8x2000x128xf32, #tpu.memory_space<vmem>>, vector<1x2000x128xf32>,
    %get3A_51 = arith.constant 2 : index
    %get3A_52 = arith.constant 0 : index
    %get3A_53 = arith.constant 0 : index
    %get3A_54 = vector.load %arg2[%get3A_51, %get3A_52, %get3A_53] : memref<8x128x128xf32, #tpu.memory_space<vmem>>, vector<1x128x128xf32>
    %get3A_55 = vector.shape_cast %get3A_54 : vector<1x128x128xf32> to vector<128x128xf32>
    %dot_general3A_56 = arith.constant dense<0.000000e+00> : vector<2000x128xf32>
    %dot_general3A_57 = tpu.matmul %get3A_1, %get3A_55, %dot_general3A_56 {dimension_numbers = #tpu.dot_dimension_numbers<[1], [0], [0], [1], [0, 0, 1, 1], [], []>, transpose_lhs_hint = false} : vector<2000x128xf32>, vector<128x128xf32>, vector<2000x128xf32> -> vector<2000x128xf32>
    %add3A_58 = vector.broadcast %get3A_4 : vector<1x128xf32> to vector<2000x128xf32>
    %add3A_59 = arith.addf %dot_general3A_57, %add3A_58 : vector<2000x128xf32>
    %max3A_60 = arith.constant 0.000000e+00 : f32
    %max3A_61 = vector.broadcast %max3A_60 : f32 to vector<2000x128xf32>
    %max3A_62 = arith.maximumf %add3A_59, %max3A_61 : vector<2000x128xf32>
    %get3A_63 = arith.constant 2 : index
    %get3A_64 = arith.constant 0 : index
    %get3A_65 = arith.constant 0 : index
    %get3A_66 = vector.load %arg3[%get3A_63, %get3A_64, %get3A_65] : memref<8x128x128xf32, #tpu.memory_space<vmem>>, vector<1x128x128xf32>
    %get3A_67 = vector.shape_cast %get3A_66 : vector<1x128x128xf32> to vector<128x128xf32>
    %dot_general3A_68 = arith.constant dense<0.000000e+00> : vector<2000x128xf32>
    %dot_general3A_69 = tpu.matmul %max3A_62, %get3A_67, %dot_general3A_68 {dimension_numbers = #tpu.dot_dimension_numbers<[1], [0], [0], [1], [0, 0, 1, 1], [], []>, transpose_lhs_hint = false} : vector<2000x128xf32>, vector<128x128xf32>, vector<2000x128xf32> -> vector<2000x128xf32>
    %swap3A_70 = arith.constant 2 : index
    %swap3A_71 = arith.constant 0 : index
    %swap3A_72 = arith.constant 0 : index
    %swap3A_73 = vector.load %arg5[%swap3A_70, %swap3A_71, %swap3A_72] : memref<8x2000x128xf32, #tpu.memory_space<vmem>>, vector<1x2000x128xf32>
    %swap3A_74 = vector.shape_cast %swap3A_73 : vector<1x2000x128xf32> to vector<2000x128xf32>
    %swap3A_75 = vector.shape_cast %dot_general3A_69 : vector<2000x128xf32> to vector<1x2000x128xf32>
    tpu.vector_store %arg5[%swap3A_70, %swap3A_71, %swap3A_72], %swap3A_75 {strides = array<i32>} : memref<8x2000x128xf32, #tpu.memory_space<vmem>>, vector<1x2000x128xf32>,
    %get3A_76 = arith.constant 3 : index
    %get3A_77 = arith.constant 0 : index
    %get3A_78 = arith.constant 0 : index
    %get3A_79 = vector.load %arg2[%get3A_76, %get3A_77, %get3A_78] : memref<8x128x128xf32, #tpu.memory_space<vmem>>, vector<1x128x128xf32>
    %get3A_80 = vector.shape_cast %get3A_79 : vector<1x128x128xf32> to vector<128x128xf32>
    %dot_general3A_81 = arith.constant dense<0.000000e+00> : vector<2000x128xf32>
    %dot_general3A_82 = tpu.matmul %get3A_1, %get3A_80, %dot_general3A_81 {dimension_numbers = #tpu.dot_dimension_numbers<[1], [0], [0], [1], [0, 0, 1, 1], [], []>, transpose_lhs_hint = false} : vector<2000x128xf32>, vector<128x128xf32>, vector<2000x128xf32> -> vector<2000x128xf32>
    %add3A_83 = vector.broadcast %get3A_4 : vector<1x128xf32> to vector<2000x128xf32>
    %add3A_84 = arith.addf %dot_general3A_82, %add3A_83 : vector<2000x128xf32>
    %max3A_85 = arith.constant 0.000000e+00 : f32
    %max3A_86 = vector.broadcast %max3A_85 : f32 to vector<2000x128xf32>
    %max3A_87 = arith.maximumf %add3A_84, %max3A_86 : vector<2000x128xf32>
    %get3A_88 = arith.constant 3 : index
    %get3A_89 = arith.constant 0 : index
    %get3A_90 = arith.constant 0 : index
    %get3A_91 = vector.load %arg3[%get3A_88, %get3A_89, %get3A_90] : memref<8x128x128xf32, #tpu.memory_space<vmem>>, vector<1x128x128xf32>
    %get3A_92 = vector.shape_cast %get3A_91 : vector<1x128x128xf32> to vector<128x128xf32>
    %dot_general3A_93 = arith.constant dense<0.000000e+00> : vector<2000x128xf32>
    %dot_general3A_94 = tpu.matmul %max3A_87, %get3A_92, %dot_general3A_93 {dimension_numbers = #tpu.dot_dimension_numbers<[1], [0], [0], [1], [0, 0, 1, 1], [], []>, transpose_lhs_hint = false} : vector<2000x128xf32>, vector<128x128xf32>, vector<2000x128xf32> -> vector<2000x128xf32>
    %swap3A_95 = arith.constant 3 : index
    %swap3A_96 = arith.constant 0 : index
    %swap3A_97 = arith.constant 0 : index
    %swap3A_98 = vector.load %arg5[%swap3A_95, %swap3A_96, %swap3A_97] : memref<8x2000x128xf32, #tpu.memory_space<vmem>>, vector<1x2000x128xf32>
    %swap3A_99 = vector.shape_cast %swap3A_98 : vector<1x2000x128xf32> to vector<2000x128xf32>
    %swap3A_100 = vector.shape_cast %dot_general3A_94 : vector<2000x128xf32> to vector<1x2000x128xf32>
    tpu.vector_store %arg5[%swap3A_95, %swap3A_96, %swap3A_97], %swap3A_100 {strides = array<i32>} : memref<8x2000x128xf32, #tpu.memory_space<vmem>>, vector<1x2000x128xf32>,
    %get3A_101 = arith.constant 4 : index
    %get3A_102 = arith.constant 0 : index
    %get3A_103 = arith.constant 0 : index
    %get3A_104 = vector.load %arg2[%get3A_101, %get3A_102, %get3A_103] : memref<8x128x128xf32, #tpu.memory_space<vmem>>, vector<1x128x128xf32>
    %get3A_105 = vector.shape_cast %get3A_104 : vector<1x128x128xf32> to vector<128x128xf32>
    %dot_general3A_106 = arith.constant dense<0.000000e+00> : vector<2000x128xf32>
    %dot_general3A_107 = tpu.matmul %get3A_1, %get3A_105, %dot_general3A_106 {dimension_numbers = #tpu.dot_dimension_numbers<[1], [0], [0], [1], [0, 0, 1, 1], [], []>, transpose_lhs_hint = false} : vector<2000x128xf32>, vector<128x128xf32>, vector<2000x128xf32> -> vector<2000x128xf32>
    %add3A_108 = vector.broadcast %get3A_4 : vector<1x128xf32> to vector<2000x128xf32>
    %add3A_109 = arith.addf %dot_general3A_107, %add3A_108 : vector<2000x128xf32>
    %max3A_110 = arith.constant 0.000000e+00 : f32
    %max3A_111 = vector.broadcast %max3A_110 : f32 to vector<2000x128xf32>
    %max3A_112 = arith.maximumf %add3A_109, %max3A_111 : vector<2000x128xf32>
    %get3A_113 = arith.constant 4 : index
    %get3A_114 = arith.constant 0 : index
    %get3A_115 = arith.constant 0 : index
    %get3A_116 = vector.load %arg3[%get3A_113, %get3A_114, %get3A_115] : memref<8x128x128xf32, #tpu.memory_space<vmem>>, vector<1x128x128xf32>
    %get3A_117 = vector.shape_cast %get3A_116 : vector<1x128x128xf32> to vector<128x128xf32>
    %dot_general3A_118 = arith.constant dense<0.000000e+00> : vector<2000x128xf32>
    %dot_general3A_119 = tpu.matmul %max3A_112, %get3A_117, %dot_general3A_118 {dimension_numbers = #tpu.dot_dimension_numbers<[1], [0], [0], [1], [0, 0, 1, 1], [], []>, transpose_lhs_hint = false} : vector<2000x128xf32>, vector<128x128xf32>, vector<2000x128xf32> -> vector<2000x128xf32>
    %swap3A_120 = arith.constant 4 : index
    %swap3A_121 = arith.constant 0 : index
    %swap3A_122 = arith.constant 0 : index
    %swap3A_123 = vector.load %arg5[%swap3A_120, %swap3A_121, %swap3A_122] : memref<8x2000x128xf32, #tpu.memory_space<vmem>>, vector<1x2000x128xf32>
    %swap3A_124 = vector.shape_cast %swap3A_123 : vector<1x2000x128xf32> to vector<2000x128xf32>
    %swap3A_125 = vector.shape_cast %dot_general3A_119 : vector<2000x128xf32> to vector<1x2000x128xf32>
    tpu.vector_store %arg5[%swap3A_120, %swap3A_121, %swap3A_122], %swap3A_125 {strides = array<i32>} : memref<8x2000x128xf32, #tpu.memory_space<vmem>>, vector<1x2000x128xf32>,
    %get3A_126 = arith.constant 5 : index
    %get3A_127 = arith.constant 0 : index
    %get3A_128 = arith.constant 0 : index
    %get3A_129 = vector.load %arg2[%get3A_126, %get3A_127, %get3A_128] : memref<8x128x128xf32, #tpu.memory_space<vmem>>, vector<1x128x128xf32>
    %get3A_130 = vector.shape_cast %get3A_129 : vector<1x128x128xf32> to vector<128x128xf32>
    %dot_general3A_131 = arith.constant dense<0.000000e+00> : vector<2000x128xf32>
    %dot_general3A_132 = tpu.matmul %get3A_1, %get3A_130, %dot_general3A_131 {dimension_numbers = #tpu.dot_dimension_numbers<[1], [0], [0], [1], [0, 0, 1, 1], [], []>, transpose_lhs_hint = false} : vector<2000x128xf32>, vector<128x128xf32>, vector<2000x128xf32> -> vector<2000x128xf32>
    %add3A_133 = vector.broadcast %get3A_4 : vector<1x128xf32> to vector<2000x128xf32>
    %add3A_134 = arith.addf %dot_general3A_132, %add3A_133 : vector<2000x128xf32>
    %max3A_135 = arith.constant 0.000000e+00 : f32
    %max3A_136 = vector.broadcast %max3A_135 : f32 to vector<2000x128xf32>
    %max3A_137 = arith.maximumf %add3A_134, %max3A_136 : vector<2000x128xf32>
    %get3A_138 = arith.constant 5 : index
    %get3A_139 = arith.constant 0 : index
    %get3A_140 = arith.constant 0 : index
    %get3A_141 = vector.load %arg3[%get3A_138, %get3A_139, %get3A_140] : memref<8x128x128xf32, #tpu.memory_space<vmem>>, vector<1x128x128xf32>
    %get3A_142 = vector.shape_cast %get3A_141 : vector<1x128x128xf32> to vector<128x128xf32>
    %dot_general3A_143 = arith.constant dense<0.000000e+00> : vector<2000x128xf32>
    %dot_general3A_144 = tpu.matmul %max3A_137, %get3A_142, %dot_general3A_143 {dimension_numbers = #tpu.dot_dimension_numbers<[1], [0], [0], [1], [0, 0, 1, 1], [], []>, transpose_lhs_hint = false} : vector<2000x128xf32>, vector<128x128xf32>, vector<2000x128xf32> -> vector<2000x128xf32>
    %swap3A_145 = arith.constant 5 : index
    %swap3A_146 = arith.constant 0 : index
    %swap3A_147 = arith.constant 0 : index
    %swap3A_148 = vector.load %arg5[%swap3A_145, %swap3A_146, %swap3A_147] : memref<8x2000x128xf32, #tpu.memory_space<vmem>>, vector<1x2000x128xf32>
    %swap3A_149 = vector.shape_cast %swap3A_148 : vector<1x2000x128xf32> to vector<2000x128xf32>
    %swap3A_150 = vector.shape_cast %dot_general3A_144 : vector<2000x128xf32> to vector<1x2000x128xf32>
    tpu.vector_store %arg5[%swap3A_145, %swap3A_146, %swap3A_147], %swap3A_150 {strides = array<i32>} : memref<8x2000x128xf32, #tpu.memory_space<vmem>>, vector<1x2000x128xf32>,
    %get3A_151 = arith.constant 6 : index
    %get3A_152 = arith.constant 0 : index
    %get3A_153 = arith.constant 0 : index
    %get3A_154 = vector.load %arg2[%get3A_151, %get3A_152, %get3A_153] : memref<8x128x128xf32, #tpu.memory_space<vmem>>, vector<1x128x128xf32>
    %get3A_155 = vector.shape_cast %get3A_154 : vector<1x128x128xf32> to vector<128x128xf32>
    %dot_general3A_156 = arith.constant dense<0.000000e+00> : vector<2000x128xf32>
    %dot_general3A_157 = tpu.matmul %get3A_1, %get3A_155, %dot_general3A_156 {dimension_numbers = #tpu.dot_dimension_numbers<[1], [0], [0], [1], [0, 0, 1, 1], [], []>, transpose_lhs_hint = false} : vector<2000x128xf32>, vector<128x128xf32>, vector<2000x128xf32> -> vector<2000x128xf32>
    %add3A_158 = vector.broadcast %get3A_4 : vector<1x128xf32> to vector<2000x128xf32>
    %add3A_159 = arith.addf %dot_general3A_157, %add3A_158 : vector<2000x128xf32>
    %max3A_160 = arith.constant 0.000000e+00 : f32
    %max3A_161 = vector.broadcast %max3A_160 : f32 to vector<2000x128xf32>
    %max3A_162 = arith.maximumf %add3A_159, %max3A_161 : vector<2000x128xf32>
    %get3A_163 = arith.constant 6 : index
    %get3A_164 = arith.constant 0 : index
    %get3A_165 = arith.constant 0 : index
    %get3A_166 = vector.load %arg3[%get3A_163, %get3A_164, %get3A_165] : memref<8x128x128xf32, #tpu.memory_space<vmem>>, vector<1x128x128xf32>
    %get3A_167 = vector.shape_cast %get3A_166 : vector<1x128x128xf32> to vector<128x128xf32>
    %dot_general3A_168 = arith.constant dense<0.000000e+00> : vector<2000x128xf32>
    %dot_general3A_169 = tpu.matmul %max3A_162, %get3A_167, %dot_general3A_168 {dimension_numbers = #tpu.dot_dimension_numbers<[1], [0], [0], [1], [0, 0, 1, 1], [], []>, transpose_lhs_hint = false} : vector<2000x128xf32>, vector<128x128xf32>, vector<2000x128xf32> -> vector<2000x128xf32>
    %swap3A_170 = arith.constant 6 : index
    %swap3A_171 = arith.constant 0 : index
    %swap3A_172 = arith.constant 0 : index
    %swap3A_173 = vector.load %arg5[%swap3A_170, %swap3A_171, %swap3A_172] : memref<8x2000x128xf32, #tpu.memory_space<vmem>>, vector<1x2000x128xf32>
    %swap3A_174 = vector.shape_cast %swap3A_173 : vector<1x2000x128xf32> to vector<2000x128xf32>
    %swap3A_175 = vector.shape_cast %dot_general3A_169 : vector<2000x128xf32> to vector<1x2000x128xf32>
    tpu.vector_store %arg5[%swap3A_170, %swap3A_171, %swap3A_172], %swap3A_175 {strides = array<i32>} : memref<8x2000x128xf32, #tpu.memory_space<vmem>>, vector<1x2000x128xf32>,
    %get3A_176 = arith.constant 7 : index
    %get3A_177 = arith.constant 0 : index
    %get3A_178 = arith.constant 0 : index
    %get3A_179 = vector.load %arg2[%get3A_176, %get3A_177, %get3A_178] : memref<8x128x128xf32, #tpu.memory_space<vmem>>, vector<1x128x128xf32>
    %get3A_180 = vector.shape_cast %get3A_179 : vector<1x128x128xf32> to vector<128x128xf32>
    %dot_general3A_181 = arith.constant dense<0.000000e+00> : vector<2000x128xf32>
    %dot_general3A_182 = tpu.matmul %get3A_1, %get3A_180, %dot_general3A_181 {dimension_numbers = #tpu.dot_dimension_numbers<[1], [0], [0], [1], [0, 0, 1, 1], [], []>, transpose_lhs_hint = false} : vector<2000x128xf32>, vector<128x128xf32>, vector<2000x128xf32> -> vector<2000x128xf32>
    %add3A_183 = vector.broadcast %get3A_4 : vector<1x128xf32> to vector<2000x128xf32>
    %add3A_184 = arith.addf %dot_general3A_182, %add3A_183 : vector<2000x128xf32>
    %max3A_185 = arith.constant 0.000000e+00 : f32
    %max3A_186 = vector.broadcast %max3A_185 : f32 to vector<2000x128xf32>
    %max3A_187 = arith.maximumf %add3A_184, %max3A_186 : vector<2000x128xf32>
    %get3A_188 = arith.constant 7 : index
    %get3A_189 = arith.constant 0 : index
    %get3A_190 = arith.constant 0 : index
    %get3A_191 = vector.load %arg3[%get3A_188, %get3A_189, %get3A_190] : memref<8x128x128xf32, #tpu.memory_space<vmem>>, vector<1x128x128xf32>
    %get3A_192 = vector.shape_cast %get3A_191 : vector<1x128x128xf32> to vector<128x128xf32>
    %dot_general3A_193 = arith.constant dense<0.000000e+00> : vector<2000x128xf32>
    %dot_general3A_194 = tpu.matmul %max3A_187, %get3A_192, %dot_general3A_193 {dimension_numbers = #tpu.dot_dimension_numbers<[1], [0], [0], [1], [0, 0, 1, 1], [], []>, transpose_lhs_hint = false} : vector<2000x128xf32>, vector<128x128xf32>, vector<2000x128xf32> -> vector<2000x128xf32>
    %swap3A_195 = arith.constant 7 : index
    %swap3A_196 = arith.constant 0 : index
    %swap3A_197 = arith.constant 0 : index
    %swap3A_198 = vector.load %arg5[%swap3A_195, %swap3A_196, %swap3A_197] : memref<8x2000x128xf32, #tpu.memory_space<vmem>>, vector<1x2000x128xf32>
    %swap3A_199 = vector.shape_cast %swap3A_198 : vector<1x2000x128xf32> to vector<2000x128xf32>
    %swap3A_200 = vector.shape_cast %dot_general3A_194 : vector<2000x128xf32> to vector<1x2000x128xf32>
    tpu.vector_store %arg5[%swap3A_195, %swap3A_196, %swap3A_197], %swap3A_200 {strides = array<i32>} : memref<8x2000x128xf32, #tpu.memory_space<vmem>>, vector<1x2000x128xf32>,
    return
  }
  func.func @transform_0(%arg0: i32) -> (i32, i32) {
    %c0_i32 = arith.constant 0 : i32
    %c0_i32_0 = arith.constant 0 : i32
    return %arg0, %c0_i32 : i32, i32
  }
  func.func @transform_1(%arg0: i32) -> (i32, i32, i32) {
    %c0_i32 = arith.constant 0 : i32
    %c0_i32_0 = arith.constant 0 : i32
    %c0_i32_1 = arith.constant 0 : i32
    %c0_i32_2 = arith.constant 0 : i32
    return %c0_i32, %c0_i32_0, %c0_i32_1 : i32, i32, i32
  }
  func.func @transform_2(%arg0: i32) -> (i32, i32, i32) {
    %c0_i32 = arith.constant 0 : i32
    %c0_i32_0 = arith.constant 0 : i32
    %c0_i32_1 = arith.constant 0 : i32
    %c0_i32_2 = arith.constant 0 : i32
    return %c0_i32, %c0_i32_0, %c0_i32_1 : i32, i32, i32
  }
  func.func @transform_3(%arg0: i32) -> (i32, i32) {
    %c0_i32 = arith.constant 0 : i32
    %c0_i32_0 = arith.constant 0 : i32
    %c0_i32_1 = arith.constant 0 : i32
    return %c0_i32, %c0_i32_0 : i32, i32
  }
  func.func @transform_4(%arg0: i32) -> (i32, i32, i32) {
    %c0_i32 = arith.constant 0 : i32
    %c0_i32_0 = arith.constant 0 : i32
    %c0_i32_1 = arith.constant 0 : i32
    return %c0_i32, %arg0, %c0_i32_0 : i32, i32, i32
  }
}

module attributes {stable_mosaic.version = 14 : i64} {
  func.func @_final_body(%arg0: i32, %arg1: memref<2x2000x128xf32, #tpu.memory_space<vmem>>, %arg2: memref<1x128xf32, #tpu.memory_space<vmem>>, %arg3: memref<2000x128xf32, #tpu.memory_space<vmem>>) attributes {dimension_semantics = [#tpu.dimension_semantics<arbitrary>], iteration_bounds = array<i64: 5>, scalar_prefetch = 0 : i64, scratch_operands = 0 : i64, tpu.core_type = #tpu.core_type<tc>, window_params = [{transform_indices = @transform_0, window_bounds = array<i64: 2, 2000, 128>}, {pipeline_mode = #tpu.pipeline_mode<synchronous>, transform_indices = @transform_1, window_bounds = array<i64: 1, 128>}, {transform_indices = @transform_2, window_bounds = array<i64: 2000, 128>}]} {
    %get3A = arith.constant 0 : index
    %get3A_0 = arith.constant 0 : index
    %get3A_1 = arith.constant 0 : index
    %get3A_2 = vector.load %arg1[%get3A, %get3A_0, %get3A_1] : memref<2x2000x128xf32, #tpu.memory_space<vmem>>, vector<1x2000x128xf32>
    %get3A_3 = vector.shape_cast %get3A_2 : vector<1x2000x128xf32> to vector<2000x128xf32>
    %get3A_4 = arith.constant 1 : index
    %get3A_5 = arith.constant 0 : index
    %get3A_6 = arith.constant 0 : index
    %get3A_7 = vector.load %arg1[%get3A_4, %get3A_5, %get3A_6] : memref<2x2000x128xf32, #tpu.memory_space<vmem>>, vector<1x2000x128xf32>
    %get3A_8 = vector.shape_cast %get3A_7 : vector<1x2000x128xf32> to vector<2000x128xf32>
    %add3A = arith.addf %get3A_3, %get3A_8 : vector<2000x128xf32>
    %get3A_9 = arith.constant 0 : index
    %get3A_10 = arith.constant 0 : index
    %get3A_11 = vector.load %arg2[%get3A_9, %get3A_10] : memref<1x128xf32, #tpu.memory_space<vmem>>, vector<1x128xf32>
    %add3A_12 = vector.broadcast %get3A_11 : vector<1x128xf32> to vector<2000x128xf32>
    %add3A_13 = arith.addf %add3A, %add3A_12 : vector<2000x128xf32>
    %max3A = arith.constant 0.000000e+00 : f32
    %max3A_14 = vector.broadcast %max3A : f32 to vector<2000x128xf32>
    %max3A_15 = arith.maximumf %add3A_13, %max3A_14 : vector<2000x128xf32>
    %swap3A = arith.constant 0 : index
    %swap3A_16 = arith.constant 0 : index
    %swap3A_17 = vector.load %arg3[%swap3A, %swap3A_16] : memref<2000x128xf32, #tpu.memory_space<vmem>>, vector<2000x128xf32>
    tpu.vector_store %arg3[%swap3A, %swap3A_16], %max3A_15 {strides = array<i32>} : memref<2000x128xf32, #tpu.memory_space<vmem>>, vector<2000x128xf32>,
    return
  }
  func.func @transform_0(%arg0: i32) -> (i32, i32, i32) {
    %c0_i32 = arith.constant 0 : i32
    %c0_i32_0 = arith.constant 0 : i32
    %c0_i32_1 = arith.constant 0 : i32
    return %c0_i32, %arg0, %c0_i32_0 : i32, i32, i32
  }
  func.func @transform_1(%arg0: i32) -> (i32, i32) {
    %c0_i32 = arith.constant 0 : i32
    %c0_i32_0 = arith.constant 0 : i32
    %c0_i32_1 = arith.constant 0 : i32
    return %c0_i32, %c0_i32_0 : i32, i32
  }
  func.func @transform_2(%arg0: i32) -> (i32, i32) {
    %c0_i32 = arith.constant 0 : i32
    %c0_i32_0 = arith.constant 0 : i32
    return %arg0, %c0_i32 : i32, i32
  }
}

</mosaic_0001>

<sc_bundles>
// kernel: kernel.5.cloned.1.call-start
scs
__scs_entry_jumppad:
0x0: {  	(pc) =	sbr.rel $0x88, $3  }
0x1: {  	(tag) =	ssettag $0x0;
	lr =	simm.s32 $0x1  }
0x2: {  	[smem:$0x3F99] =	sst lr;
	_ =	strace $0xD0000000  }
0x3: {  	_ = 	snop  }
0x4: {  	_ = 	snop  }
0x5: {  	_ = 	snop  }
0x6: {  	_ = 	snop  }
0x7: {  	_ = 	snop  }
__scs_overlays_trampoline_lowered:
0x8: {  	[smem:$0x3FA8] =	sst s0  }
0x9: {  	[smem:$0x3FA9] =	sst s1  }
0xa: {  	[smem:$0x3FAA] =	sst s2  }
0xb: {  	[smem:$0x3FAB] =	sst s3  }
0xc: {  	[smem:$0x3FAC] =	sst s4  }
0xd: {  	[smem:$0x3FAD] =	sst s5  }
0xe: {  	[smem:$0x3FAE] =	sst s6  }
0xf: {  	[smem:$0x3FAF] =	sst s7  }
0x10: {  	[smem:$0x3FB0] =	sst s8  }
0x11: {  	[smem:$0x3FB1] =	sst s9;
	s0 =	simm.s32 @!p0 $0x0  }
0x12: {  	s1 =	sld [smem:$0x3F97];
	s0 =	simm.s32 @p0 $0x1  }
0x13: {  	[smem:$0x3FB2] =	sst s0;
	s0 =	simm.s32 @!p1 $0x0  }
0x14: {  	s2 =	sld [smem:$0x3F96];
	s0 =	simm.s32 @p1 $0x1  }
0x15: {  	[smem:$0x3FB3] =	sst s0;
	s0 =	simm.s32 @!p2 $0x0  }
0x16: {  	s3 =	sld [smem:$0x3FDB];
	s0 =	simm.s32 @p2 $0x1  }
0x17: {  	s4 =	simm.s32 $0x1BF5;
	[smem:$0x3FB5] =	sst s0  }
0x18: {  	s0 =	sld [smem:$0x3F98];
	_ =	swait.ge [sflag:s4], $0x0  }
0x19: {  	s7 =	sld [smem:$0x3F99]  }
0x1a: {  	s8 =	sadd.s32 $0xFFFFE003, lr  }
0x1b: {  	s9 =	sadd.s32 $0xFFFFFEF7, lr;
	s5 =	simm.s32 $0xFFFFFFFF;
	p2 =	slt.u32 s8, $0xFFFFF086  }
0x1c: {  	p1 =	slt.u32 s9, $0xF7A;
	s5 =	simm.s32 @!p2 $0x0  }
0x1d: {  	s5 =	simm.s32 @p1 $0x1;
	p0 =	seq.s32 s7, s2  }
0x1e: {  	s7 =	smul.u32 @!p0 $0xF7A, s2;
	p2 =	seq.s32 @!p0 s5, $0x0  }
0x1f: {  	s9 =	smul.u32 $0xF7A, s1;
	s8 =	simm.s32 @!p0 $0x1BF5;
	p2 =	por !p2, p0  }
0x20: {  	[sflag:s8] =	ssyncset.s32 @!p0 $0xFFFFF086;
	s6 =	sadd.s32 @!p0 s3, s7;
	s7 =	simm.s32 @!p0 $0x108  }
0x21: {  	s3 =	sadd.s32 s3, s9;
	s6 =	sadd.s32 @!p0 $0x88, s6;
	s7 =	simm.s32 @p2 $0x1082  }
0x22: {  	[simem:s7], [sflag:s8] =	dma.local @!p0 [hbm:s6], $0xF7A  }
0x23: {  	s9 =	sor.u32 $0xD0000000, s2;
	s6 =	simm.s32 $0x108;
	_ =	swait.ge @!p0 [sflag:s8], $0x0  }
0x24: {  	s3 =	sadd.s32 $0x88, s3;
	s6 =	simm.s32 @!p1 $0x1082;
	[sflag:s4] =	ssyncset.s32 $0xFFFFF086  }
0x25: {  	[simem:s6], [sflag:s4] =	dma.local [hbm:s3], $0xF7A  }
0x26: {  	[smem:$0x3F99] =	sst s1;
	(tag) =	ssettag s2;
	_ =	strace s9  }
0x27: {  	s1 =	sld [smem:$0x3FA9]  }
0x28: {  	s2 =	sld [smem:$0x3FAA]  }
0x29: {  	s4 =	sld [smem:$0x3FAC]  }
0x2a: {  	p0 =	seq.s32 s5, $0x0;
	s5 =	sld [smem:$0x3FAD]  }
0x2b: {  	s6 =	sld [smem:$0x3FAE]  }
0x2c: {  	s7 =	sld [smem:$0x3FAF]  }
0x2d: {  	s3 =	simm.s32 $0x108;
	s8 =	sld [smem:$0x3FB0]  }
0x2e: {  	s3 =	simm.s32 @!p0 $0x1082;
	s9 =	sld [smem:$0x3FB1]  }
0x2f: {  	lr =	sadd.s32 s0, s3;
	s0 =	sld [smem:$0x3FA8]  }
0x30: {  	s3 =	sld [smem:$0x3FAB]  }
0x31: {  	[smem:$0x3FB4] =	sst s10  }
0x32: {  	s10 =	sld [smem:$0x3FB2];
	_ =	sdelay $0x3  }
0x33: {  	p0 =	seq.s32 s10, $0x1;
	s10 =	sld [smem:$0x3FB4];
	_ =	sdelay $0x3  }
0x34: {  	[smem:$0x3FB4] =	sst s10  }
0x35: {  	s10 =	sld [smem:$0x3FB3];
	_ =	sdelay $0x3  }
0x36: {  	p1 =	seq.s32 s10, $0x1;
	s10 =	sld [smem:$0x3FB4];
	_ =	sdelay $0x3  }
0x37: {  	[smem:$0x3FB4] =	sst s10  }
0x38: {  	s10 =	sld [smem:$0x3FB5]  }
0x39: {  	_ = 	snop;
	(pc) =	sbr.ind lr, $3  }
0x3a: {  	_ = 	snop  }
0x3b: {  	_ = 	snop  }
0x3c: {  	p2 =	seq.s32 s10, $0x1;
	s10 =	sld [smem:$0x3FB4]  }
0x3d: {  	_ =	shalt  }
0x3e: {  	_ =	shalt  }
0x3f: {  	_ =	shalt  }
0x40: {  	_ =	shalt  }
0x41: {  	_ =	shalt  }
0x42: {  	_ =	shalt  }
0x43: {  	_ =	shalt  }
0x44: {  	_ =	shalt  }
0x45: {  	_ =	shalt  }
0x46: {  	_ =	shalt  }
0x47: {  	_ =	shalt  }
0x48: {  	_ =	shalt  }
0x49: {  	_ =	shalt  }
0x4a: {  	_ =	shalt  }
0x4b: {  	_ =	shalt  }
0x4c: {  	_ =	shalt  }
0x4d: {  	_ =	shalt  }
0x4e: {  	_ =	shalt  }
0x4f: {  	_ =	shalt  }
0x50: {  	_ =	shalt  }
0x51: {  	_ =	shalt  }
0x52: {  	_ =	shalt  }
0x53: {  	_ =	shalt  }
0x54: {  	_ =	shalt  }
0x55: {  	_ =	shalt  }
0x56: {  	_ =	shalt  }
0x57: {  	_ =	shalt  }
0x58: {  	_ =	shalt  }
0x59: {  	_ =	shalt  }
0x5a: {  	_ =	shalt  }
0x5b: {  	_ =	shalt  }
0x5c: {  	_ =	shalt  }
0x5d: {  	_ =	shalt  }
0x5e: {  	_ =	shalt  }
0x5f: {  	_ =	shalt  }
0x60: {  	_ =	shalt  }
0x61: {  	_ =	shalt  }
0x62: {  	_ =	shalt  }
0x63: {  	_ =	shalt  }
0x64: {  	_ =	shalt  }
0x65: {  	_ =	shalt  }
0x66: {  	_ =	shalt  }
0x67: {  	_ =	shalt  }
0x68: {  	_ =	shalt  }
0x69: {  	_ =	shalt  }
0x6a: {  	_ =	shalt  }
0x6b: {  	_ =	shalt  }
0x6c: {  	_ =	shalt  }
0x6d: {  	_ =	shalt  }
0x6e: {  	_ =	shalt  }
0x6f: {  	_ =	shalt  }
0x70: {  	_ =	shalt  }
0x71: {  	_ =	shalt  }
0x72: {  	_ =	shalt  }
0x73: {  	_ =	shalt  }
0x74: {  	_ =	shalt  }
0x75: {  	_ =	shalt  }
0x76: {  	_ =	shalt  }
0x77: {  	_ =	shalt  }
0x78: {  	_ =	shalt  }
0x79: {  	_ =	shalt  }
0x7a: {  	_ =	shalt  }
0x7b: {  	_ =	shalt  }
0x7c: {  	_ =	shalt  }
0x7d: {  	_ =	shalt  }
0x7e: {  	_ =	shalt  }
0x7f: {  	_ =	shalt  }
0x80: {  	_ =	shalt  }
0x81: {  	_ =	shalt  }
0x82: {  	_ =	shalt  }
0x83: {  	_ =	shalt  }
0x84: {  	_ =	shalt  }
0x85: {  	_ =	shalt  }
0x86: {  	_ =	shalt  }
0x87: {  	_ =	shalt  }
.Lfunc_end0:
.L_simem_size_0:
called_computation_lowered:
.L_overlay_start_0:
0x88: {  	s2 =	sld [smem:$0x3FD9]  }
0x89: {  	s3 =	sld [smem:$0x3FFE];
	_ =	sdelay $0x1  }
0x8a: {  	s1 =	srdreg.scid  }
0x8b: {  	s0 =	sand.u32 $0x1, s1  }
0x8c: {  	s17 =	sshll.u32 s0, $0xA;
	s2 =	sadd.s32 s3, s2  }
0x8d: {  	s2 =	sadd.s32 s2, s17  }
0x8e: {  	[smem:$0x3FC0] =	sst s2  }
0x8f: {  	_ = 	snop  }
0x90: {  	s2 =	sld [smem:$0x3FD0];
	(tm) =	ssettm $0x1  }
0x91: {  	s18 =	sld [smem:$0x3FFB];
	_ =	sdelay $0x3  }
0x92: {  	_ =	strace s18  }
0x93: {  	s3 =	sld [smem:$0x3FFC];
	_ =	sdelay $0x3  }
0x94: {  	_ =	strace s3  }
0x95: {  	s3 =	sld [smem:$0x3FFD];
	_ =	sdelay $0x3  }
0x96: {  	_ =	strace s3  }
0x97: {  	_ =	strace $0x8FFFFFFF  }
0x98: {  	s19 =	sld [smem:$0x3FDB];
	_ =	sdelay $0x1  }
0x99: {  	s4 =	simm.s32 $_scs_section_size  }
0x9a: {  	s5 =	simm.s32 $_size__tile_overlayer_lowered;
	s6 =	simm.s32 $_tile_overlayer_lowered  }
0x9b: {  	s22 =	simm.s32 $0x1BFF;
	s21 =	sshll.u32 s6, $0x1;
	s3 =	sadd.s32 s4, s19  }
0x9c: {  	s7 =	simm.s32 $0x0;
	s20 =	sshll.u32 s5, $0x1;
	s5 =	sadd.s32 s21, s3  }
0x9d: {  	[timem:s7], [sflag:s22] =	dma.local [hbm:s5], s20  }
0x9e: {  	_ =	swait.ge [sflag:s22], s20  }
0x9f: {  	s4 =	ssub.s32 $0x0, s20;
	[sflag:s22] =	ssyncset.done $0x0  }
0xa0: {  	[sflag:s22] =	ssyncadd.s32 s4;
	_ =	sdelay $0x1  }
0xa1: {  	s23 =	simm.s32 $0x1B8B  }
0xa2: {  	_ =	swait.ge [sflag:s23], $0x1  }
0xa3: {  	[sflag:s23] =	ssyncset.done $0x0  }
0xa4: {  	s25 =	simm.s32 $0x1B8E;
	s24 =	sld [smem:$0x3FFE];
	[sflag:s23] =	ssyncadd.s32 $0xFFFFFFFF  }
0xa5: {  	s26 =	simm.s32 $execute0_lowered;
	[smem:$0x3FD2] =	sst s25  }
0xa6: {  	s5 =	sshll.u32 s26, $0x1;
	_ =	strace $0x80000046;
	[dreg:$0x1] =	wrdreg $0xFFFFFFFF  }
0xa7: {  	s28 =	simm.s32 $_size_execute0_lowered;
	s3 =	sadd.s32 s3, s5;
	[dreg:$0x0] =	wrdreg $0x0  }
0xa8: {  	s5 =	sshll.u32 s28, $0x1;
	[dreg:$0x2] =	wrdreg s3  }
0xa9: {  	[dreg:$0x3] =	wrdreg s5  }
0xaa: {  	[dreg:$0x4] =	wrdreg $0xC0  }
0xab: {  	_ =	task [dreg:s7], $0x5FFFF  }
0xac: {  	[dreg:$0x1] =	wrdreg $0xFFFFFFFF  }
0xad: {  	[dreg:$0x0] =	wrdreg $0x60  }
0xae: {  	[dreg:$0x2] =	wrdreg s24  }
0xaf: {  	[dreg:$0x3] =	wrdreg s2  }
0xb0: {  	[dreg:$0x4] =	wrdreg $0x53000  }
0xb1: {  	[dreg:$0x5] =	wrdreg $0x9  }
0xb2: {  	_ =	task.clear_ibuf [dreg:s7], $0x6FFFF;
	_ =	strace $0x90000046  }
0xb3: {  	s29 =	simm.s32 $0x9;
	_ =	strace $0x80000048  }
0xb4: {  	_ =	swait.ge [sflag:s29], $0x1  }
0xb5: {  	[sflag:s29] =	ssyncadd.s32 $0xFFFFFFFF  }
0xb6: {  	_ =	strace $0x90000048  }
0xb7: {  	_ =	sfence  }
0xb8: {  	s30 =	sld [smem:$0x0];
	_ =	sdelay $0x2  }
0xb9: {  	s31 =	sshll.u32 s1, $0xD;
	s1 =	sshrl.u32 s1, $0x2  }
0xba: {  	s3 =	sand.u32 $0x4000, s31;
	s1 =	sadd.s32 s1, s30  }
0xbb: {  	s0 =	sor.u32 s3, s0;
	s1 =	sshll.u32 s1, $0x11  }
0xbc: {  	s0 =	sor.u32 s1, s0  }
0xbd: {  	s0 =	sadd.s32 $0x8F2B, s0  }
0xbe: {  	[sflag:s0] =	ssyncadd.remote.s32 $0x1  }
0xbf: {  	_ =	sfence.sel $0xFFFF  }
0xc0: {  	[dreg:$0x0] =	wrdreg $0xFFFFFFFF;
	(pc) =	sbr.abs _section_cstart, $3  }
0xc1: {  	[dreg:$0x1] =	wrdreg $0xFFFFFFFF  }
0xc2: {  	_ =	task.clear_ibuf [dreg:s7], $0x2FFFF;
	_ =	strace $0x9FFFFFFF  }
0xc3: {  	(tm) =	ssettm $0x7FFFFFFF  }
tec
execute0_lowered:
.L_overlay_start_1:
0x0: {  	(tag) =	ssettag $0x1  }
0x1: {  	s0 =	rddreg [dreg:$0x0]  }
0x2: {  	s1 =	rddreg [dreg:$0x1]  }
0x3: {  	s2 =	rddreg [dreg:$0x2];
	s11 =	stileid.u32  }
0x4: {  	s3 =	srdreg.scid;
	s4 =	simm.s32 $0x0;
	s7 =	smul.u32 $0x14000, s11  }
0x5: {  	s12 =	simm.s32 $0x280;
	s3 =	sand.u32 $0x1, s3;
	s8 =	smul.u32 $0x9D, s11  }
0x6: {  	s13 =	simm.s32 $0x300;
	[smem:$0x7FF] =	sst s4;
	s6 =	smul.u32 $0x140000, s3  }
0x7: {  	s5 =	sadd.s32 $0x28000, s0;
	s11 =	smul.u32 $0x50000, s11;
	_ =	strace $0x80000047  }
0x8: {  	s14 =	smul.u32 $0x55, s3;
	s10 =	ssub.s32 $0x2, s3;
	s6 =	sadd.s32 s7, s6  }
0x9: {  	p0 =	seq.s32 s3, $0x0;
	s16 =	sshrl.u32 s11, $0x2;
	s9 =	sshrl.u32 s6, $0x3  }
0xa: {  	s6 =	sadd.s32 $0xC00, s0;
	s0 =	sadd.s32 s9, s0;
	s9 =	sadd.s32 s16, s2  }
0xb: {  	s3 =	simm.s32 $0x2;
	s15 =	sshrl.u32 s10, $0x1;
	s17 =	sadd.s32 $0x1000, s9  }
0xc: {  	s11 =	simm.s32 $0x80;
	s18 =	sadd.s32 $0x2000, s9;
	[dreg:$0x4] =	wrdreg s17  }
0xd: {  	s10 =	ssub.s32 s10, s15;
	s19 =	sadd.s32 $0x3000, s9;
	[dreg:$0x5] =	wrdreg s18  }
0xe: {  	s7 =	sadd.s32 s14, s8;
	s20 =	sadd.s32 $0x4000, s9;
	[dreg:$0x6] =	wrdreg s19  }
0xf: {  	s8 =	simm.s32 $0x55;
	s21 =	sadd.s32 $0x5000, s9;
	[dreg:$0x7] =	wrdreg s20  }
0x10: {  	s14 =	simm.s32 $0x1;
	s22 =	sadd.s32 $0x6000, s9;
	[dreg:$0x8] =	wrdreg s21  }
0x11: {  	s15 =	simm.s32 $0x100;
	s23 =	sadd.s32 $0x7000, s9;
	[dreg:$0x9] =	wrdreg s22  }
0x12: {  	s8 =	simm.s32 @!p0 $0x48;
	s24 =	sadd.s32 $0x8000, s9;
	[dreg:$0xa] =	wrdreg s23  }
0x13: {  	v0 =	vimm.f32 $0.0e+00;
	v1 =	vimm.s32 $0x0;
	s25 =	sadd.s32 $0x9000, s9;
	s26 =	sadd.s32 $0xA000, s9;
	[dreg:$0xb] =	wrdreg s24  }
0x14: {  	v2 =	vimm.s32 $0x1;
	v3 =	vimm.s32 $0x2;
	v4 =	vimm.s32 $0x3;
	s28 =	sadd.s32 $0x10000, s9;
	s29 =	sadd.s32 $0x11000, s9;
	[dreg:$0xc] =	wrdreg s25  }
0x15: {  	v5 =	vimm.s32 $0x4;
	v6 =	vimm.s32 $0x5;
	v7 =	vimm.s32 $0x6;
	s30 =	sadd.s32 $0x12000, s9;
	s31 =	sadd.s32 $0x13000, s9;
	[dreg:$0xd] =	wrdreg s26  }
0x16: {  	v8 =	vimm.s32 $0x7;
	v9 =	vimm.s32 $0x8;
	v10 =	vimm.s32 $0x9;
	s20 =	sadd.s32 $0xB000, s9;
	s21 =	sadd.s32 $0xC000, s9;
	s22 =	sadd.s32 $0xD000, s9  }
0x17: {  	v11 =	vimm.s32 $0xA;
	v12 =	vimm.s32 $0xB;
	v13 =	vimm.s32 $0xC;
	s23 =	sadd.s32 $0xE000, s9;
	s24 =	sadd.s32 $0x160800, s0;
	s25 =	smax.u32 s10, $0x1  }
0x18: {  	v14 =	vimm.s32 $0xD;
	v15 =	vimm.s32 $0xE;
	v16 =	vimm.s32 $0xF;
	s26 =	sadd.s32 $0xF000, s9;
	s0 =	simm.s32 $0x4300;
	s10 =	simm.s32 $0x200  }
.LBB2_1:
0x19: {  	s16 =	simm.s32 $0x0;
	s17 =	simm.s32 $0x200  }
.LBB2_2:
0x1a: {  	p0 =	sne.s32 s17, $0x3E00;
	[tilespmem:s16+$0x4370] =	vst v0  }
0x1b: {  	[tilespmem:s16+$0x4300] =	vst v0  }
0x1c: {  	[tilespmem:s16+$0x4310] =	vst v0  }
.Ltmp0:
0x1d: {  	[tilespmem:s16+$0x4320] =	vst v0;
	(pc) =	sbr.rel @p0 .LBB2_2-.Ltmp0, $4  }
0x1e: {  	[tilespmem:s16+$0x4330] =	vst v0  }
0x1f: {  	[tilespmem:s16+$0x4340] =	vst v0  }
0x20: {  	[tilespmem:s16+$0x4350] =	vst v0  }
0x21: {  	[tilespmem:s16+$0x4360] =	vst v0;
	s16 =	sshra.s32 s17, $0x2;
	s17 =	sadd.s32 $0x200, s17  }
0x22: {  	[tilespmem:s16+$0x4370] =	vst v0  }
0x23: {  	[tilespmem:s16+$0x4300] =	vst v0  }
0x24: {  	[tilespmem:s16+$0x4310] =	vst v0  }
0x25: {  	[tilespmem:s16+$0x4320] =	vst v0  }
0x26: {  	[tilespmem:s16+$0x4330] =	vst v0  }
0x27: {  	[tilespmem:s16+$0x4340] =	vst v0  }
0x28: {  	[tilespmem:s16+$0x4350] =	vst v0  }
0x29: {  	[tilespmem:s16+$0x4360] =	vst v0  }
0x2a: {  	[spmem:s9] =	stream.linear.scatter [tilespmem:s0], [sflag:$0x2], $0x1000, $0x38;
	[tilespmem:$0x19300] =	vst v63  }
0x2b: {  	_ =	swait.ge [sflag:s3], $0x1000  }
0x2c: {  	[sflag:s3] =	ssyncset.done $0x0  }
0x2d: {  	s19 =	rddreg [dreg:$0x4];
	[sflag:s3] =	ssyncadd.s32 $0xFFFFF000  }
0x2e: {  	[spmem:s19] =	stream.linear.scatter [tilespmem:s0], [sflag:$0x2], $0x1000, $0x38;
	[tilespmem:$0x19300] =	vst v63  }
0x2f: {  	_ =	swait.ge [sflag:s3], $0x1000  }
0x30: {  	[sflag:s3] =	ssyncset.done $0x0  }
0x31: {  	s17 =	rddreg [dreg:$0x5];
	[sflag:s3] =	ssyncadd.s32 $0xFFFFF000  }
0x32: {  	[spmem:s17] =	stream.linear.scatter [tilespmem:s0], [sflag:$0x2], $0x1000, $0x38;
	[tilespmem:$0x19300] =	vst v63  }
0x33: {  	_ =	swait.ge [sflag:s3], $0x1000  }
0x34: {  	[sflag:s3] =	ssyncset.done $0x0  }
0x35: {  	s18 =	rddreg [dreg:$0x6];
	[sflag:s3] =	ssyncadd.s32 $0xFFFFF000  }
0x36: {  	[spmem:s18] =	stream.linear.scatter [tilespmem:s0], [sflag:$0x2], $0x1000, $0x38;
	[tilespmem:$0x19300] =	vst v63  }
0x37: {  	_ =	swait.ge [sflag:s3], $0x1000  }
0x38: {  	[sflag:s3] =	ssyncset.done $0x0  }
0x39: {  	s19 =	rddreg [dreg:$0x7];
	[sflag:s3] =	ssyncadd.s32 $0xFFFFF000  }
0x3a: {  	[spmem:s19] =	stream.linear.scatter [tilespmem:s0], [sflag:$0x2], $0x1000, $0x38;
	[tilespmem:$0x19300] =	vst v63  }
0x3b: {  	_ =	swait.ge [sflag:s3], $0x1000  }
0x3c: {  	[sflag:s3] =	ssyncset.done $0x0  }
0x3d: {  	s17 =	rddreg [dreg:$0x8];
	[sflag:s3] =	ssyncadd.s32 $0xFFFFF000  }
0x3e: {  	[spmem:s17] =	stream.linear.scatter [tilespmem:s0], [sflag:$0x2], $0x1000, $0x38;
	[tilespmem:$0x19300] =	vst v63  }
0x3f: {  	_ =	swait.ge [sflag:s3], $0x1000  }
0x40: {  	[sflag:s3] =	ssyncset.done $0x0  }
0x41: {  	s18 =	rddreg [dreg:$0x9];
	[sflag:s3] =	ssyncadd.s32 $0xFFFFF000  }
0x42: {  	[spmem:s18] =	stream.linear.scatter [tilespmem:s0], [sflag:$0x2], $0x1000, $0x38;
	[tilespmem:$0x19300] =	vst v63  }
0x43: {  	_ =	swait.ge [sflag:s3], $0x1000  }
0x44: {  	[sflag:s3] =	ssyncset.done $0x0  }
0x45: {  	s19 =	rddreg [dreg:$0xa];
	[sflag:s3] =	ssyncadd.s32 $0xFFFFF000  }
0x46: {  	[spmem:s19] =	stream.linear.scatter [tilespmem:s0], [sflag:$0x2], $0x1000, $0x38;
	[tilespmem:$0x19300] =	vst v63  }
0x47: {  	_ =	swait.ge [sflag:s3], $0x1000  }
0x48: {  	[sflag:s3] =	ssyncset.done $0x0  }
0x49: {  	s17 =	rddreg [dreg:$0xb];
	[sflag:s3] =	ssyncadd.s32 $0xFFFFF000  }
0x4a: {  	[spmem:s17] =	stream.linear.scatter [tilespmem:s0], [sflag:$0x2], $0x1000, $0x38;
	[tilespmem:$0x19300] =	vst v63  }
0x4b: {  	_ =	swait.ge [sflag:s3], $0x1000  }
0x4c: {  	[sflag:s3] =	ssyncset.done $0x0  }
0x4d: {  	s18 =	rddreg [dreg:$0xc];
	[sflag:s3] =	ssyncadd.s32 $0xFFFFF000  }
0x4e: {  	[spmem:s18] =	stream.linear.scatter [tilespmem:s0], [sflag:$0x2], $0x1000, $0x38;
	[tilespmem:$0x19300] =	vst v63  }
0x4f: {  	_ =	swait.ge [sflag:s3], $0x1000  }
0x50: {  	[sflag:s3] =	ssyncset.done $0x0  }
0x51: {  	s19 =	rddreg [dreg:$0xd];
	[sflag:s3] =	ssyncadd.s32 $0xFFFFF000  }
0x52: {  	[spmem:s19] =	stream.linear.scatter [tilespmem:s0], [sflag:$0x2], $0x1000, $0x38;
	[tilespmem:$0x19300] =	vst v63  }
0x53: {  	_ =	swait.ge [sflag:s3], $0x1000  }
0x54: {  	[sflag:s3] =	ssyncset.done $0x0  }
0x55: {  	[sflag:s3] =	ssyncadd.s32 $0xFFFFF000  }
0x56: {  	[spmem:s20] =	stream.linear.scatter [tilespmem:s0], [sflag:$0x2], $0x1000, $0x38;
	[tilespmem:$0x19300] =	vst v63  }
0x57: {  	_ =	swait.ge [sflag:s3], $0x1000  }
0x58: {  	[sflag:s3] =	ssyncset.done $0x0  }
0x59: {  	[sflag:s3] =	ssyncadd.s32 $0xFFFFF000  }
0x5a: {  	[spmem:s21] =	stream.linear.scatter [tilespmem:s0], [sflag:$0x2], $0x1000, $0x38;
	[tilespmem:$0x19300] =	vst v63  }
0x5b: {  	_ =	swait.ge [sflag:s3], $0x1000  }
0x5c: {  	[sflag:s3] =	ssyncset.done $0x0  }
0x5d: {  	[sflag:s3] =	ssyncadd.s32 $0xFFFFF000  }
0x5e: {  	[spmem:s22] =	stream.linear.scatter [tilespmem:s0], [sflag:$0x2], $0x1000, $0x38;
	[tilespmem:$0x19300] =	vst v63  }
0x5f: {  	_ =	swait.ge [sflag:s3], $0x1000  }
0x60: {  	[sflag:s3] =	ssyncset.done $0x0  }
0x61: {  	[sflag:s3] =	ssyncadd.s32 $0xFFFFF000  }
0x62: {  	[spmem:s23] =	stream.linear.scatter [tilespmem:s0], [sflag:$0x2], $0x1000, $0x38;
	[tilespmem:$0x19300] =	vst v63  }
0x63: {  	_ =	swait.ge [sflag:s3], $0x1000  }
0x64: {  	[sflag:s3] =	ssyncset.done $0x0  }
0x65: {  	[sflag:s3] =	ssyncadd.s32 $0xFFFFF000  }
0x66: {  	[spmem:s26] =	stream.linear.scatter [tilespmem:s0], [sflag:$0x2], $0x1000, $0x38;
	[tilespmem:$0x19300] =	vst v63  }
0x67: {  	_ =	swait.ge [sflag:s3], $0x1000  }
0x68: {  	[sflag:s3] =	ssyncset.done $0x0  }
0x69: {  	[sflag:s3] =	ssyncadd.s32 $0xFFFFF000  }
0x6a: {  	[spmem:s28] =	stream.linear.scatter [tilespmem:s0], [sflag:$0x2], $0x1000, $0x38;
	[tilespmem:$0x19300] =	vst v63  }
0x6b: {  	_ =	swait.ge [sflag:s3], $0x1000  }
0x6c: {  	[sflag:s3] =	ssyncset.done $0x0  }
0x6d: {  	[sflag:s3] =	ssyncadd.s32 $0xFFFFF000  }
0x6e: {  	[spmem:s29] =	stream.linear.scatter [tilespmem:s0], [sflag:$0x2], $0x1000, $0x38;
	[tilespmem:$0x19300] =	vst v63  }
0x6f: {  	_ =	swait.ge [sflag:s3], $0x1000  }
0x70: {  	[sflag:s3] =	ssyncset.done $0x0  }
0x71: {  	[sflag:s3] =	ssyncadd.s32 $0xFFFFF000  }
0x72: {  	[spmem:s30] =	stream.linear.scatter [tilespmem:s0], [sflag:$0x2], $0x1000, $0x38;
	[tilespmem:$0x19300] =	vst v63  }
0x73: {  	_ =	swait.ge [sflag:s3], $0x1000  }
0x74: {  	[sflag:s3] =	ssyncset.done $0x0  }
0x75: {  	[sflag:s3] =	ssyncadd.s32 $0xFFFFF000  }
0x76: {  	[spmem:s31] =	stream.linear.scatter [tilespmem:s0], [sflag:$0x2], $0x1000, $0x38;
	[tilespmem:$0x19300] =	vst v63  }
0x77: {  	_ =	swait.ge [sflag:s3], $0x1000  }
0x78: {  	[sflag:s3] =	ssyncset.done $0x0  }
0x79: {  	[sflag:s3] =	ssyncadd.s32 $0xFFFFF000  }
0x7a: {  	s16 =	simm.s32 $0x0;
	s17 =	simm.s32 $0x0;
	[bflag:$0x0] =	sbarrier.arrive $0xFFFF  }
.LBB2_4:
0x7b: {  	s18 =	sadd.s32 s17, s7  }
0x7c: {  	s19 =	sshll.u32 s18, $0x6  }
0x7d: {  	s19 =	sadd.s32 s6, s19  }
0x7e: {  	[tilespmem:s16], [sflag:$0x2] =	stream.linear.gather [hbm4b:s19+s16], $0x180, $0x38;
	[tilespmem:$0x19300] =	vst v63  }
0x7f: {  	_ =	swait.ge [sflag:s3], $0x180  }
0x80: {  	s18 =	sshll.u32 s18, $0x4;
	[sflag:s3] =	ssyncset.done $0x0  }
0x81: {  	s18 =	sadd.s32 s1, s18;
	[sflag:s3] =	ssyncadd.s32 $0xFFFFFE80  }
0x82: {  	[tilespmem:s10], [sflag:$0x2] =	stream.linear.gather [hbm4b:s18+s16], $0x80, $0x38;
	[tilespmem:$0x19300] =	vst v63  }
0x83: {  	_ =	swait.ge [sflag:s3], $0x80  }
0x84: {  	[sflag:s3] =	ssyncset.done $0x0  }
0x85: {  	[sflag:s3] =	ssyncadd.s32 $0xFFFFFF80  }
0x86: {  	v17 =	vld [tilespmem:$0x80]  }
0x87: {  	v18 =	vld [tilespmem:$0x0]  }
0x88: {  	v19 =	vld [tilespmem:$0x90]  }
0x89: {  	v20 =	vld [tilespmem:$0x10]  }
0x8a: {  	v21 =	vld [tilespmem:$0xA0]  }
0x8b: {  	v22 =	vld [tilespmem:$0x20]  }
0x8c: {  	v23 =	vld [tilespmem:$0xB0]  }
0x8d: {  	v24 =	vld [tilespmem:$0x30]  }
0x8e: {  	v25 =	vld [tilespmem:$0xC0]  }
0x8f: {  	v26 =	vld [tilespmem:$0x40]  }
0x90: {  	v27 =	vld [tilespmem:$0xD0]  }
0x91: {  	v28 =	vld [tilespmem:$0x50];
	v17 =	vmul.u32 $0x2710, v17  }
0x92: {  	v29 =	vld [tilespmem:$0xE0];
	v19 =	vmul.u32 $0x2710, v19  }
0x93: {  	v61 =	vld [tilespmem:$0xF0];
	v17 =	vadd.s32 v18, v17;
	v18 =	vmul.u32 $0x2710, v21  }
0x94: {  	v62 =	vld [tilespmem:$0x60];
	[tilespmem:$0x280] =	vst v17;
	v17 =	vadd.s32 v20, v19;
	v19 =	vmul.u32 $0x2710, v23  }
0x95: {  	v63 =	vld [tilespmem:$0x70];
	[tilespmem:$0x290] =	vst v17;
	v17 =	vadd.s32 v22, v18;
	v18 =	vmul.u32 $0x2710, v25  }
0x96: {  	[tilespmem:$0x2A0] =	vst v17;
	v17 =	vadd.s32 v24, v19;
	v19 =	vmul.u32 $0x2710, v27  }
0x97: {  	[tilespmem:$0x2B0] =	vst v17;
	v17 =	vadd.s32 v26, v18;
	v18 =	vmul.u32 $0x2710, v29  }
0x98: {  	[tilespmem:$0x2C0] =	vst v17;
	v17 =	vadd.s32 v28, v19;
	v19 =	vmul.u32 $0x2710, v61  }
0x99: {  	[tilespmem:$0x2D0] =	vst v17;
	v17 =	vadd.s32 v62, v18  }
0x9a: {  	[tilespmem:$0x2E0] =	vst v17;
	v17 =	vadd.s32 v63, v19  }
0x9b: {  	[tilespmem:$0x2F0] =	vst v17  }
0x9c: {  	[tilespmem:s13], [sflag:$0x1] =	stream.indirect.gather [hbm4b:s5+s11], $0x80, s12, s11, $0xb8;
	[tilespmem:$0x19300] =	vst v63  }
0x9d: {  	_ =	swait.ge [sflag:s14], $0x4000  }
0x9e: {  	[sflag:s14] =	ssyncset.done $0x0  }
0x9f: {  	s18 =	simm.s32 $0x0;
	[sflag:s14] =	ssyncadd.s32 $0xFFFFC000  }
.LBB2_5:
0xa0: {  	s19 =	sshll.u32 s18, $0x4  }
0xa1: {  	s19 =	sand.u32 $0x3FFFFFF0, s19  }
0xa2: {  	v17 =	vld [tilespmem:s19+$0x200];
	s19 =	sshll.u32 s18, $0xB  }
0xa3: {  	s19 =	sand.u32 $0x3FFFF800, s19  }
0xa4: {  	v18 =	vld [tilespmem:s19+$0x300]  }
0xa5: {  	v19 =	vld [tilespmem:s19+$0x310]  }
0xa6: {  	v20 =	vld [tilespmem:s19+$0x320]  }
0xa7: {  	v22 =	vld [tilespmem:s19+$0x330];
	v21 =	vperm.xlane v17, v1  }
0xa8: {  	v23 =	vld [tilespmem:s19+$0x340]  }
0xa9: {  	v24 =	vld [tilespmem:s19+$0x350];
	v18 =	vmul.f32 v18, v21  }
0xaa: {  	v25 =	vld [tilespmem:s19+$0x360];
	v19 =	vmul.f32 v19, v21  }
0xab: {  	v38 =	vld [tilespmem:s19+$0x370];
	[tilespmem:s19+$0x300] =	vst v18;
	v18 =	vmul.f32 v20, v21  }
0xac: {  	v39 =	vld [tilespmem:s19+$0x380];
	[tilespmem:s19+$0x310] =	vst v19;
	v19 =	vmul.f32 v22, v21  }
0xad: {  	v40 =	vld [tilespmem:s19+$0x390];
	[tilespmem:s19+$0x320] =	vst v18;
	v18 =	vmul.f32 v23, v21  }
0xae: {  	v41 =	vld [tilespmem:s19+$0x3A0];
	[tilespmem:s19+$0x330] =	vst v19;
	v19 =	vmul.f32 v24, v21  }
0xaf: {  	v26 =	vld [tilespmem:s19+$0x3B0];
	v42 =	vperm.xlane v17, v2;
	[tilespmem:s19+$0x340] =	vst v18;
	v18 =	vmul.f32 v25, v21  }
0xb0: {  	v43 =	vld [tilespmem:s19+$0x3C0];
	[tilespmem:s19+$0x350] =	vst v19;
	v19 =	vmul.f32 v38, v21  }
0xb1: {  	v44 =	vld [tilespmem:s19+$0x3D0];
	[tilespmem:s19+$0x360] =	vst v18;
	v18 =	vmul.f32 v39, v42  }
0xb2: {  	v45 =	vld [tilespmem:s19+$0x3E0];
	[tilespmem:s19+$0x370] =	vst v19;
	v19 =	vmul.f32 v40, v42  }
0xb3: {  	v46 =	vld [tilespmem:s19+$0x3F0];
	[tilespmem:s19+$0x380] =	vst v18;
	v18 =	vmul.f32 v41, v42  }
0xb4: {  	v47 =	vld [tilespmem:s19+$0x400];
	[tilespmem:s19+$0x390] =	vst v19;
	v19 =	vmul.f32 v26, v42  }
0xb5: {  	v48 =	vld [tilespmem:s19+$0x410];
	[tilespmem:s19+$0x3A0] =	vst v18;
	v18 =	vmul.f32 v43, v42  }
0xb6: {  	v49 =	vld [tilespmem:s19+$0x420];
	[tilespmem:s19+$0x3B0] =	vst v19;
	v19 =	vmul.f32 v44, v42  }
0xb7: {  	v51 =	vld [tilespmem:s19+$0x430];
	v50 =	vperm.xlane v17, v3;
	[tilespmem:s19+$0x3C0] =	vst v18;
	v18 =	vmul.f32 v45, v42  }
0xb8: {  	v52 =	vld [tilespmem:s19+$0x440];
	[tilespmem:s19+$0x3D0] =	vst v19;
	v19 =	vmul.f32 v46, v42  }
0xb9: {  	v53 =	vld [tilespmem:s19+$0x450];
	[tilespmem:s19+$0x3E0] =	vst v18;
	v18 =	vmul.f32 v47, v50  }
0xba: {  	v54 =	vld [tilespmem:s19+$0x460];
	[tilespmem:s19+$0x3F0] =	vst v19;
	v19 =	vmul.f32 v48, v50  }
0xbb: {  	v55 =	vld [tilespmem:s19+$0x470];
	[tilespmem:s19+$0x400] =	vst v18;
	v18 =	vmul.f32 v49, v50  }
0xbc: {  	v56 =	vld [tilespmem:s19+$0x480];
	[tilespmem:s19+$0x410] =	vst v19;
	v19 =	vmul.f32 v51, v50  }
0xbd: {  	v57 =	vld [tilespmem:s19+$0x490];
	[tilespmem:s19+$0x420] =	vst v18;
	v18 =	vmul.f32 v52, v50  }
0xbe: {  	v58 =	vld [tilespmem:s19+$0x4A0];
	[tilespmem:s19+$0x430] =	vst v19;
	v19 =	vmul.f32 v53, v50  }
0xbf: {  	v60 =	vld [tilespmem:s19+$0x4B0];
	v59 =	vperm.xlane v17, v4;
	[tilespmem:s19+$0x440] =	vst v18;
	v18 =	vmul.f32 v54, v50  }
0xc0: {  	v61 =	vld [tilespmem:s19+$0x4C0];
	[tilespmem:s19+$0x450] =	vst v19;
	v19 =	vmul.f32 v55, v50  }
0xc1: {  	v62 =	vld [tilespmem:s19+$0x4D0];
	[tilespmem:s19+$0x460] =	vst v18;
	v18 =	vmul.f32 v56, v59  }
0xc2: {  	v63 =	vld [tilespmem:s19+$0x4E0];
	[tilespmem:s19+$0x470] =	vst v19;
	v19 =	vmul.f32 v57, v59  }
0xc3: {  	v28 =	vld [tilespmem:s19+$0x4F0];
	[tilespmem:s19+$0x480] =	vst v18;
	v18 =	vmul.f32 v58, v59  }
0xc4: {  	v29 =	vld [tilespmem:s19+$0x500];
	[tilespmem:s19+$0x490] =	vst v19;
	v19 =	vmul.f32 v60, v59  }
0xc5: {  	v30 =	vld [tilespmem:s19+$0x510];
	[tilespmem:s19+$0x4A0] =	vst v18;
	v18 =	vmul.f32 v61, v59  }
0xc6: {  	v31 =	vld [tilespmem:s19+$0x520];
	[tilespmem:s19+$0x4B0] =	vst v19;
	v19 =	vmul.f32 v62, v59  }
0xc7: {  	v33 =	vld [tilespmem:s19+$0x530];
	v32 =	vperm.xlane v17, v5;
	[tilespmem:s19+$0x4C0] =	vst v18;
	v18 =	vmul.f32 v63, v59  }
0xc8: {  	v34 =	vld [tilespmem:s19+$0x540];
	[tilespmem:s19+$0x4D0] =	vst v19;
	v19 =	vmul.f32 v28, v59  }
0xc9: {  	v35 =	vld [tilespmem:s19+$0x550];
	[tilespmem:s19+$0x4E0] =	vst v18;
	v18 =	vmul.f32 v29, v32  }
0xca: {  	v36 =	vld [tilespmem:s19+$0x560];
	[tilespmem:s19+$0x4F0] =	vst v19;
	v19 =	vmul.f32 v30, v32  }
0xcb: {  	v37 =	vld [tilespmem:s19+$0x570];
	[tilespmem:s19+$0x500] =	vst v18;
	v18 =	vmul.f32 v31, v32  }
0xcc: {  	v38 =	vld [tilespmem:s19+$0x580];
	[tilespmem:s19+$0x510] =	vst v19;
	v19 =	vmul.f32 v33, v32  }
0xcd: {  	v39 =	vld [tilespmem:s19+$0x590];
	[tilespmem:s19+$0x520] =	vst v18;
	v18 =	vmul.f32 v34, v32  }
0xce: {  	v40 =	vld [tilespmem:s19+$0x5A0];
	[tilespmem:s19+$0x530] =	vst v19;
	v19 =	vmul.f32 v35, v32  }
0xcf: {  	v41 =	vperm.xlane v17, v6;
	v42 =	vld [tilespmem:s19+$0x5B0];
	[tilespmem:s19+$0x540] =	vst v18;
	v18 =	vmul.f32 v36, v32  }
0xd0: {  	v43 =	vld [tilespmem:s19+$0x5C0];
	[tilespmem:s19+$0x550] =	vst v19;
	v19 =	vmul.f32 v37, v32  }
0xd1: {  	v44 =	vld [tilespmem:s19+$0x5D0];
	[tilespmem:s19+$0x560] =	vst v18;
	v18 =	vmul.f32 v38, v41  }
0xd2: {  	v45 =	vld [tilespmem:s19+$0x5E0];
	[tilespmem:s19+$0x570] =	vst v19;
	v19 =	vmul.f32 v39, v41  }
0xd3: {  	v46 =	vld [tilespmem:s19+$0x5F0];
	[tilespmem:s19+$0x580] =	vst v18;
	v18 =	vmul.f32 v40, v41  }
0xd4: {  	v47 =	vld [tilespmem:s19+$0x600];
	[tilespmem:s19+$0x590] =	vst v19;
	v19 =	vmul.f32 v42, v41  }
0xd5: {  	v48 =	vld [tilespmem:s19+$0x610];
	[tilespmem:s19+$0x5A0] =	vst v18;
	v18 =	vmul.f32 v43, v41  }
0xd6: {  	v49 =	vld [tilespmem:s19+$0x620];
	[tilespmem:s19+$0x5B0] =	vst v19;
	v19 =	vmul.f32 v44, v41  }
0xd7: {  	v51 =	vld [tilespmem:s19+$0x630];
	v50 =	vperm.xlane v17, v7;
	[tilespmem:s19+$0x5C0] =	vst v18;
	v18 =	vmul.f32 v45, v41  }
0xd8: {  	v52 =	vld [tilespmem:s19+$0x640];
	[tilespmem:s19+$0x5D0] =	vst v19;
	v19 =	vmul.f32 v46, v41  }
0xd9: {  	v53 =	vld [tilespmem:s19+$0x650];
	[tilespmem:s19+$0x5E0] =	vst v18;
	v18 =	vmul.f32 v47, v50  }
0xda: {  	v54 =	vld [tilespmem:s19+$0x660];
	[tilespmem:s19+$0x5F0] =	vst v19;
	v19 =	vmul.f32 v48, v50  }
0xdb: {  	v55 =	vld [tilespmem:s19+$0x670];
	[tilespmem:s19+$0x600] =	vst v18;
	v18 =	vmul.f32 v49, v50  }
0xdc: {  	v56 =	vld [tilespmem:s19+$0x680];
	[tilespmem:s19+$0x610] =	vst v19;
	v19 =	vmul.f32 v51, v50  }
0xdd: {  	v57 =	vld [tilespmem:s19+$0x690];
	[tilespmem:s19+$0x620] =	vst v18;
	v18 =	vmul.f32 v52, v50  }
0xde: {  	v58 =	vld [tilespmem:s19+$0x6A0];
	[tilespmem:s19+$0x630] =	vst v19;
	v19 =	vmul.f32 v53, v50  }
0xdf: {  	v60 =	vld [tilespmem:s19+$0x6B0];
	v59 =	vperm.xlane v17, v8;
	[tilespmem:s19+$0x640] =	vst v18;
	v18 =	vmul.f32 v54, v50  }
0xe0: {  	v61 =	vld [tilespmem:s19+$0x6C0];
	[tilespmem:s19+$0x650] =	vst v19;
	v19 =	vmul.f32 v55, v50  }
0xe1: {  	v62 =	vld [tilespmem:s19+$0x6D0];
	[tilespmem:s19+$0x660] =	vst v18;
	v18 =	vmul.f32 v56, v59  }
0xe2: {  	v63 =	vld [tilespmem:s19+$0x6E0];
	[tilespmem:s19+$0x670] =	vst v19;
	v19 =	vmul.f32 v57, v59  }
0xe3: {  	v28 =	vld [tilespmem:s19+$0x6F0];
	[tilespmem:s19+$0x680] =	vst v18;
	v18 =	vmul.f32 v58, v59  }
0xe4: {  	v29 =	vld [tilespmem:s19+$0x700];
	[tilespmem:s19+$0x690] =	vst v19;
	v19 =	vmul.f32 v60, v59  }
0xe5: {  	v30 =	vld [tilespmem:s19+$0x710];
	[tilespmem:s19+$0x6A0] =	vst v18;
	v18 =	vmul.f32 v61, v59  }
0xe6: {  	v31 =	vld [tilespmem:s19+$0x720];
	[tilespmem:s19+$0x6B0] =	vst v19;
	v19 =	vmul.f32 v62, v59  }
0xe7: {  	v33 =	vld [tilespmem:s19+$0x730];
	v32 =	vperm.xlane v17, v9;
	[tilespmem:s19+$0x6C0] =	vst v18;
	v18 =	vmul.f32 v63, v59  }
0xe8: {  	v34 =	vld [tilespmem:s19+$0x740];
	[tilespmem:s19+$0x6D0] =	vst v19;
	v19 =	vmul.f32 v28, v59  }
0xe9: {  	v35 =	vld [tilespmem:s19+$0x750];
	[tilespmem:s19+$0x6E0] =	vst v18;
	v18 =	vmul.f32 v29, v32  }
0xea: {  	v36 =	vld [tilespmem:s19+$0x760];
	[tilespmem:s19+$0x6F0] =	vst v19;
	v19 =	vmul.f32 v30, v32  }
0xeb: {  	v37 =	vld [tilespmem:s19+$0x770];
	[tilespmem:s19+$0x700] =	vst v18;
	v18 =	vmul.f32 v31, v32  }
0xec: {  	v38 =	vld [tilespmem:s19+$0x780];
	[tilespmem:s19+$0x710] =	vst v19;
	v19 =	vmul.f32 v33, v32  }
0xed: {  	v39 =	vld [tilespmem:s19+$0x790];
	[tilespmem:s19+$0x720] =	vst v18;
	v18 =	vmul.f32 v34, v32  }
0xee: {  	v40 =	vld [tilespmem:s19+$0x7A0];
	[tilespmem:s19+$0x730] =	vst v19;
	v19 =	vmul.f32 v35, v32  }
0xef: {  	v42 =	vld [tilespmem:s19+$0x7B0];
	v41 =	vperm.xlane v17, v10;
	[tilespmem:s19+$0x740] =	vst v18;
	v18 =	vmul.f32 v36, v32  }
0xf0: {  	v43 =	vld [tilespmem:s19+$0x7C0];
	[tilespmem:s19+$0x750] =	vst v19;
	v19 =	vmul.f32 v37, v32  }
0xf1: {  	v44 =	vld [tilespmem:s19+$0x7D0];
	[tilespmem:s19+$0x760] =	vst v18;
	v18 =	vmul.f32 v38, v41  }
0xf2: {  	v45 =	vld [tilespmem:s19+$0x7E0];
	[tilespmem:s19+$0x770] =	vst v19;
	v19 =	vmul.f32 v39, v41  }
0xf3: {  	v46 =	vld [tilespmem:s19+$0x7F0];
	[tilespmem:s19+$0x780] =	vst v18;
	v18 =	vmul.f32 v40, v41  }
0xf4: {  	v47 =	vld [tilespmem:s19+$0x800];
	[tilespmem:s19+$0x790] =	vst v19;
	v19 =	vmul.f32 v42, v41  }
0xf5: {  	v48 =	vld [tilespmem:s19+$0x810];
	[tilespmem:s19+$0x7A0] =	vst v18;
	v18 =	vmul.f32 v43, v41  }
0xf6: {  	v49 =	vld [tilespmem:s19+$0x820];
	[tilespmem:s19+$0x7B0] =	vst v19;
	v19 =	vmul.f32 v44, v41  }
0xf7: {  	v51 =	vld [tilespmem:s19+$0x830];
	v50 =	vperm.xlane v17, v11;
	[tilespmem:s19+$0x7C0] =	vst v18;
	v18 =	vmul.f32 v45, v41  }
0xf8: {  	v52 =	vld [tilespmem:s19+$0x840];
	[tilespmem:s19+$0x7D0] =	vst v19;
	v19 =	vmul.f32 v46, v41  }
0xf9: {  	v53 =	vld [tilespmem:s19+$0x850];
	[tilespmem:s19+$0x7E0] =	vst v18;
	v18 =	vmul.f32 v47, v50  }
0xfa: {  	v54 =	vld [tilespmem:s19+$0x860];
	[tilespmem:s19+$0x7F0] =	vst v19;
	v19 =	vmul.f32 v48, v50  }
0xfb: {  	v55 =	vld [tilespmem:s19+$0x870];
	[tilespmem:s19+$0x800] =	vst v18;
	v18 =	vmul.f32 v49, v50  }
0xfc: {  	v56 =	vld [tilespmem:s19+$0x880];
	[tilespmem:s19+$0x810] =	vst v19;
	v19 =	vmul.f32 v51, v50  }
0xfd: {  	v57 =	vld [tilespmem:s19+$0x890];
	[tilespmem:s19+$0x820] =	vst v18;
	v18 =	vmul.f32 v52, v50  }
0xfe: {  	v58 =	vld [tilespmem:s19+$0x8A0];
	[tilespmem:s19+$0x830] =	vst v19;
	v19 =	vmul.f32 v53, v50  }
0xff: {  	v60 =	vld [tilespmem:s19+$0x8B0];
	v59 =	vperm.xlane v17, v12;
	[tilespmem:s19+$0x840] =	vst v18;
	v18 =	vmul.f32 v54, v50  }
0x100: {  	v61 =	vld [tilespmem:s19+$0x8C0];
	[tilespmem:s19+$0x850] =	vst v19;
	v19 =	vmul.f32 v55, v50  }
0x101: {  	v62 =	vld [tilespmem:s19+$0x8D0];
	[tilespmem:s19+$0x860] =	vst v18;
	v18 =	vmul.f32 v56, v59  }
0x102: {  	v63 =	vld [tilespmem:s19+$0x8E0];
	[tilespmem:s19+$0x870] =	vst v19;
	v19 =	vmul.f32 v57, v59  }
0x103: {  	v28 =	vld [tilespmem:s19+$0x8F0];
	[tilespmem:s19+$0x880] =	vst v18;
	v18 =	vmul.f32 v58, v59  }
0x104: {  	v29 =	vld [tilespmem:s19+$0x900];
	[tilespmem:s19+$0x890] =	vst v19;
	v19 =	vmul.f32 v60, v59  }
0x105: {  	v30 =	vld [tilespmem:s19+$0x910];
	[tilespmem:s19+$0x8A0] =	vst v18;
	v18 =	vmul.f32 v61, v59  }
0x106: {  	v31 =	vld [tilespmem:s19+$0x920];
	[tilespmem:s19+$0x8B0] =	vst v19;
	v19 =	vmul.f32 v62, v59  }
0x107: {  	v33 =	vld [tilespmem:s19+$0x930];
	v32 =	vperm.xlane v17, v13;
	[tilespmem:s19+$0x8C0] =	vst v18;
	v18 =	vmul.f32 v63, v59  }
0x108: {  	v34 =	vld [tilespmem:s19+$0x940];
	[tilespmem:s19+$0x8D0] =	vst v19;
	v19 =	vmul.f32 v28, v59  }
0x109: {  	v35 =	vld [tilespmem:s19+$0x950];
	[tilespmem:s19+$0x8E0] =	vst v18;
	v18 =	vmul.f32 v29, v32  }
0x10a: {  	v36 =	vld [tilespmem:s19+$0x960];
	[tilespmem:s19+$0x8F0] =	vst v19;
	v19 =	vmul.f32 v30, v32  }
0x10b: {  	v37 =	vld [tilespmem:s19+$0x970];
	[tilespmem:s19+$0x900] =	vst v18;
	v18 =	vmul.f32 v31, v32  }
0x10c: {  	v38 =	vld [tilespmem:s19+$0x980];
	[tilespmem:s19+$0x910] =	vst v19;
	v19 =	vmul.f32 v33, v32  }
0x10d: {  	v39 =	vld [tilespmem:s19+$0x990];
	[tilespmem:s19+$0x920] =	vst v18;
	v18 =	vmul.f32 v34, v32  }
0x10e: {  	v40 =	vld [tilespmem:s19+$0x9A0];
	[tilespmem:s19+$0x930] =	vst v19;
	v19 =	vmul.f32 v35, v32  }
0x10f: {  	v42 =	vld [tilespmem:s19+$0x9B0];
	v41 =	vperm.xlane v17, v14;
	[tilespmem:s19+$0x940] =	vst v18;
	v18 =	vmul.f32 v36, v32  }
0x110: {  	v43 =	vld [tilespmem:s19+$0x9C0];
	[tilespmem:s19+$0x950] =	vst v19;
	v19 =	vmul.f32 v37, v32  }
0x111: {  	v44 =	vld [tilespmem:s19+$0x9D0];
	[tilespmem:s19+$0x960] =	vst v18;
	v18 =	vmul.f32 v38, v41  }
0x112: {  	v45 =	vld [tilespmem:s19+$0x9E0];
	[tilespmem:s19+$0x970] =	vst v19;
	v19 =	vmul.f32 v39, v41  }
0x113: {  	v46 =	vld [tilespmem:s19+$0x9F0];
	[tilespmem:s19+$0x980] =	vst v18;
	v18 =	vmul.f32 v40, v41  }
0x114: {  	v47 =	vld [tilespmem:s19+$0xA00];
	[tilespmem:s19+$0x990] =	vst v19;
	v19 =	vmul.f32 v42, v41  }
0x115: {  	v48 =	vld [tilespmem:s19+$0xA10];
	[tilespmem:s19+$0x9A0] =	vst v18;
	v18 =	vmul.f32 v43, v41  }
0x116: {  	v49 =	vld [tilespmem:s19+$0xA20];
	[tilespmem:s19+$0x9B0] =	vst v19;
	v19 =	vmul.f32 v44, v41  }
0x117: {  	v51 =	vld [tilespmem:s19+$0xA30];
	v50 =	vperm.xlane v17, v15;
	[tilespmem:s19+$0x9C0] =	vst v18;
	v18 =	vmul.f32 v45, v41  }
0x118: {  	v52 =	vld [tilespmem:s19+$0xA40];
	[tilespmem:s19+$0x9D0] =	vst v19;
	v19 =	vmul.f32 v46, v41  }
0x119: {  	v53 =	vld [tilespmem:s19+$0xA50];
	[tilespmem:s19+$0x9E0] =	vst v18;
	v18 =	vmul.f32 v47, v50  }
0x11a: {  	v54 =	vld [tilespmem:s19+$0xA60];
	[tilespmem:s19+$0x9F0] =	vst v19;
	v19 =	vmul.f32 v48, v50  }
0x11b: {  	v55 =	vld [tilespmem:s19+$0xA70];
	[tilespmem:s19+$0xA00] =	vst v18;
	v18 =	vmul.f32 v49, v50  }
0x11c: {  	v56 =	vld [tilespmem:s19+$0xA80];
	[tilespmem:s19+$0xA10] =	vst v19;
	v19 =	vmul.f32 v51, v50  }
0x11d: {  	v57 =	vld [tilespmem:s19+$0xA90];
	[tilespmem:s19+$0xA20] =	vst v18;
	v18 =	vmul.f32 v52, v50  }
0x11e: {  	v58 =	vld [tilespmem:s19+$0xAA0];
	[tilespmem:s19+$0xA30] =	vst v19;
	v19 =	vmul.f32 v53, v50  }
0x11f: {  	v17 =	vperm.xlane v17, v16;
	v59 =	vld [tilespmem:s19+$0xAB0];
	[tilespmem:s19+$0xA40] =	vst v18;
	v18 =	vmul.f32 v54, v50  }
0x120: {  	v60 =	vld [tilespmem:s19+$0xAC0];
	[tilespmem:s19+$0xA50] =	vst v19;
	v19 =	vmul.f32 v55, v50  }
0x121: {  	v61 =	vld [tilespmem:s19+$0xAD0];
	[tilespmem:s19+$0xA60] =	vst v18;
	v18 =	vmul.f32 v56, v17  }
0x122: {  	v62 =	vld [tilespmem:s19+$0xAE0];
	[tilespmem:s19+$0xA70] =	vst v19;
	v19 =	vmul.f32 v57, v17  }
0x123: {  	v63 =	vld [tilespmem:s19+$0xAF0];
	[tilespmem:s19+$0xA80] =	vst v18;
	v18 =	vmul.f32 v58, v17  }
0x124: {  	[tilespmem:s19+$0xA90] =	vst v19;
	v19 =	vmul.f32 v59, v17  }
0x125: {  	p0 =	sne.s32 s18, $0x7;
	[tilespmem:s19+$0xAA0] =	vst v18;
	v18 =	vmul.f32 v60, v17  }
.Ltmp1:
0x126: {  	[tilespmem:s19+$0xAB0] =	vst v19;
	v19 =	vmul.f32 v61, v17;
	(pc) =	sbr.rel @p0 .LBB2_5-.Ltmp1, $4  }
0x127: {  	[tilespmem:s19+$0xAC0] =	vst v18;
	v18 =	vmul.f32 v62, v17  }
0x128: {  	[tilespmem:s19+$0xAD0] =	vst v19;
	v17 =	vmul.f32 v63, v17  }
0x129: {  	[tilespmem:s19+$0xAE0] =	vst v18  }
0x12a: {  	s18 =	sadd.s32 $0x1, s18;
	[tilespmem:s19+$0xAF0] =	vst v17  }
0x12b: {  	s17 =	sadd.s32 $0x1, s17  }
0x12c: {  	p0 =	sne.s32 s17, s8  }
.Ltmp2:
0x12d: {  	_ = 	snop;
	(pc) =	sbr.rel @p0 .LBB2_4-.Ltmp2, $4  }
0x12e: {  	[spmem:s2] =	stream.indirect.scatter.add.f32 [tilespmem:s13], [sflag:$0x2], $0x80, s15, s11, $0xb8;
	[tilespmem:$0x19300] =	vst v63  }
0x12f: {  	_ =	swait.ge [sflag:s3], $0x4000  }
0x130: {  	[sflag:s3] =	ssyncset.done $0x0  }
0x131: {  	[sflag:s3] =	ssyncadd.s32 $0xFFFFC000  }
0x132: {  	s16 =	stileid.u32;
	s4 =	sadd.s32 $0x1, s4  }
0x133: {  	[bflag:$0x0] =	sbarrier.arrive $0xFFFF;
	s16 =	sshll.u32 s16, $0x6;
	p0 =	sne.s32 s4, s25  }
.Ltmp3:
0x134: {  	s17 =	sshrl.u32 s9, $0x3;
	s16 =	sor.u32 $0x1C02, s16;
	(pc) =	sbr.rel @p0 .LBB2_1-.Ltmp3, $4  }
0x135: {  	[hbm:s24], [sflag:s16] =	dma.local [spmem:s17], $0x2800  }
0x136: {  	_ =	swait.ge [sflag:s3], $0x2800  }
0x137: {  	[sflag:s3] =	ssyncset.done $0x0  }
0x138: {  	[sflag:s3] =	ssyncadd.s32 $0xFFFFD800  }
0x139: {  	_ =	sfence.sel $0x180000  }
0x13a: {  	[bflag:$0x0] =	sbarrier.arrive $0xFFFF  }
0x13b: {  	_ =	strace $0x90000047  }
0x13c: {  	s0 =	stileid.u32;
	[bflag:$0x2] =	sbarrier.arrive $0xFFFF  }
0x13d: {  	p0 =	sne.s32 s0, $0x0;
	s0 =	rddreg [dreg:$0x3]  }
0x13e: {  	s0 =	sadd.s32 @!p0 $0x100000, s0  }
0x13f: {  	[sflag:s0] =	ssyncadd.tile.s32 @!p0 $0x1;
	_ =	shalt  }
.Lfunc_end2:
_tile_overlayer_lowered:
.L_overlay_start_2:
0x140: {  	(tag) =	ssettag $0x2  }
0x141: {  	s0 =	rddreg [dreg:$0x0];
	s2 =	stileid.u32  }
0x142: {  	s1 =	rddreg [dreg:$0x1];
	p0 =	sne.s32 s2, $0x0  }
0x143: {  	s3 =	rddreg [dreg:$0x2];
	[bflag:$0x3] =	sbarrier.arrive $0xFFFF;
	s2 =	simm.s32 @!p0 $0x1C02  }
0x144: {  	[timem:s3], [sflag:s2] =	dma.local @!p0 [hbm:s0], s1  }
0x145: {  	s0 =	simm.s32 @!p0 $0x2  }
0x146: {  	_ =	swait.ge @!p0 [sflag:s0], s1  }
0x147: {  	s1 =	ssub.s32 @!p0 $0x0, s1;
	[sflag:s0] =	ssyncset.done @!p0 $0x0  }
0x148: {  	[sflag:s0] =	ssyncadd.s32 @!p0 s1  }
0x149: {  	[bflag:$0x3] =	sbarrier.arrive $0xFFFF  }
0x14a: {  	_ =	shalt  }

</sc_bundles>
